<compile_context>
chip_gen: v7x
topology: tpu7x:2x2x1
jax: 0.10.2.dev20260603
libtpu: 0.0.44.dev20260713+nightly
codegen_flags: <defaults>
</compile_context>

<pallas_src>
import functools

import jax
import jax.numpy as jnp
from jax import lax
from jax.experimental import pallas as pl
from jax.experimental.pallas import tpu as pltpu
from jax.experimental.pallas import tpu_sc as plsc

ALPHA = 0.1
K_STEPS = 10

NUM_CORES = 2
NUM_SUBCORES = 16
NW = NUM_CORES * NUM_SUBCORES
CH = 128


def _cdiv(a, b):
    return (a + b - 1) // b


def _make_edge_kernel(n_pad, c, nchunk):
    rows_per_tile = n_pad // NUM_SUBCORES
    mesh = plsc.VectorSubcoreMesh(core_axis_name="c", subcore_axis_name="s")

    @functools.partial(
        pl.kernel,
        out_type=jax.ShapeDtypeStruct((NUM_CORES, n_pad, c), jnp.float32),
        mesh=mesh,
        scratch_types=[
            pltpu.VMEM_SHARED((n_pad, c), jnp.float32),
            pltpu.VMEM_SHARED((n_pad, c), jnp.float32),
            pltpu.VMEM((nchunk, CH), jnp.int32),
            pltpu.VMEM((nchunk, CH), jnp.int32),
            pltpu.VMEM((CH, c), jnp.float32),
            pltpu.SemaphoreType.DMA,
            pltpu.SemaphoreType.DMA,
            pltpu.SemaphoreType.DMA,
        ],
        compiler_params=pltpu.CompilerParams(use_tc_tiling_on_sc=False),
    )
    def edge_kernel(g_hbm, src_hbm, dst_hbm, p_hbm,
                    acc, g_sp, src_vm, dst_vm, rows_vm, sem, sem_i, sem_g):
        cid = lax.axis_index("c")
        sid = lax.axis_index("s")
        w = cid * NUM_SUBCORES + sid
        r0 = sid * rows_per_tile
        pltpu.async_copy(g_hbm.at[pl.ds(r0, rows_per_tile)],
                         acc.at[pl.ds(r0, rows_per_tile)], sem_i)
        pltpu.async_copy(g_hbm.at[pl.ds(r0, rows_per_tile)],
                         g_sp.at[pl.ds(r0, rows_per_tile)], sem_g)
        pltpu.sync_copy(src_hbm.at[w], src_vm)
        pltpu.sync_copy(dst_hbm.at[w], dst_vm)
        pltpu.make_async_copy(g_hbm.at[pl.ds(r0, rows_per_tile)],
                              acc.at[pl.ds(r0, rows_per_tile)], sem_i).wait()
        pltpu.make_async_copy(g_hbm.at[pl.ds(r0, rows_per_tile)],
                              g_sp.at[pl.ds(r0, rows_per_tile)], sem_g).wait()
        plsc.subcore_barrier()

        def step(j, carry):
            pltpu.async_copy(g_sp.at[src_vm.at[j]], rows_vm, sem).wait()
            pltpu.sync_copy(rows_vm, acc.at[dst_vm.at[j]], add=True)
            return carry

        lax.fori_loop(0, nchunk, step, 0)
        plsc.subcore_barrier()
        pltpu.sync_copy(acc.at[pl.ds(r0, rows_per_tile)],
                        p_hbm.at[cid, pl.ds(r0, rows_per_tile)])

    return edge_kernel


def _make_deg_kernel(n_pad, c, nchunk):
    rows_per_tile = n_pad // NUM_SUBCORES
    mesh = plsc.VectorSubcoreMesh(core_axis_name="c", subcore_axis_name="s")

    @functools.partial(
        pl.kernel,
        out_type=jax.ShapeDtypeStruct((NUM_CORES, n_pad, c), jnp.float32),
        mesh=mesh,
        scratch_types=[
            pltpu.VMEM_SHARED((n_pad, c), jnp.float32),
            pltpu.VMEM((nchunk, CH), jnp.int32),
            pltpu.VMEM((CH, c), jnp.float32),
        ],
        compiler_params=pltpu.CompilerParams(use_tc_tiling_on_sc=False),
    )
    def deg_kernel(ones_hbm, dst_hbm, z_hbm, p_hbm, acc, dst_vm, rows_vm):
        cid = lax.axis_index("c")
        sid = lax.axis_index("s")
        w = cid * NUM_SUBCORES + sid
        r0 = sid * rows_per_tile
        pltpu.sync_copy(z_hbm.at[pl.ds(r0, rows_per_tile)],
                        acc.at[pl.ds(r0, rows_per_tile)])
        pltpu.sync_copy(ones_hbm.at[pl.ds(0, CH)], rows_vm)
        pltpu.sync_copy(dst_hbm.at[w], dst_vm)
        plsc.subcore_barrier()

        def step(j, carry):
            pltpu.sync_copy(rows_vm, acc.at[dst_vm.at[j]], add=True)
            return carry

        lax.fori_loop(0, nchunk, step, 0)
        plsc.subcore_barrier()
        pltpu.sync_copy(acc.at[pl.ds(r0, rows_per_tile)],
                        p_hbm.at[cid, pl.ds(r0, rows_per_tile)])

    return deg_kernel


def _mlp_call(x_pad, W1, b1, W2, b2, n_pad, f_in, hid, c, block_rows):
    grid = n_pad // block_rows

    def body(xb, w1, b1r, w2, b2r, ob):
        h1 = jnp.maximum(
            jnp.dot(xb[...], w1[...], preferred_element_type=jnp.float32)
            + b1r[...], 0.0)
        ob[...] = jnp.dot(h1, w2[...],
                          preferred_element_type=jnp.float32) + b2r[...]

    return pl.pallas_call(
        body,
        grid=(grid,),
        in_specs=[
            pl.BlockSpec((block_rows, f_in), lambda i: (i, 0)),
            pl.BlockSpec((f_in, hid), lambda i: (0, 0)),
            pl.BlockSpec((1, hid), lambda i: (0, 0)),
            pl.BlockSpec((hid, c), lambda i: (0, 0)),
            pl.BlockSpec((1, c), lambda i: (0, 0)),
        ],
        out_specs=pl.BlockSpec((block_rows, c), lambda i: (i, 0)),
        out_shape=jax.ShapeDtypeStruct((n_pad, c), jnp.float32),
    )(x_pad, W1, b1.reshape(1, hid), W2, b2.reshape(1, c))


def _prep_call(p0, p1, h, n_pad, c, block_rows):
    grid = n_pad // block_rows

    def body(p0b, p1b, hb, dinvb, gb):
        deg = p0b[:, 0:1] + p1b[:, 0:1] + 1.0
        dinv = lax.rsqrt(deg)
        dinvb[...] = dinv
        gb[...] = dinv * hb[...]

    return pl.pallas_call(
        body,
        grid=(grid,),
        in_specs=[
            pl.BlockSpec((block_rows, c), lambda i: (i, 0)),
            pl.BlockSpec((block_rows, c), lambda i: (i, 0)),
            pl.BlockSpec((block_rows, c), lambda i: (i, 0)),
        ],
        out_specs=[
            pl.BlockSpec((block_rows, 1), lambda i: (i, 0)),
            pl.BlockSpec((block_rows, c), lambda i: (i, 0)),
        ],
        out_shape=[
            jax.ShapeDtypeStruct((n_pad, 1), jnp.float32),
            jax.ShapeDtypeStruct((n_pad, c), jnp.float32),
        ],
    )(p0, p1, h)


def _combine_call(p0, p1, g, h, dinv, n_pad, c, block_rows):
    grid = n_pad // block_rows

    def body(p0b, p1b, gb, hb, dinvb, outb, gnb):
        agg = dinvb[...] * (p0b[...] + p1b[...] - gb[...])
        o = (1.0 - ALPHA) * agg + ALPHA * hb[...]
        outb[...] = o
        gnb[...] = dinvb[...] * o

    return pl.pallas_call(
        body,
        grid=(grid,),
        in_specs=[
            pl.BlockSpec((block_rows, c), lambda i: (i, 0)),
            pl.BlockSpec((block_rows, c), lambda i: (i, 0)),
            pl.BlockSpec((block_rows, c), lambda i: (i, 0)),
            pl.BlockSpec((block_rows, c), lambda i: (i, 0)),
            pl.BlockSpec((block_rows, 1), lambda i: (i, 0)),
        ],
        out_specs=[
            pl.BlockSpec((block_rows, c), lambda i: (i, 0)),
            pl.BlockSpec((block_rows, c), lambda i: (i, 0)),
        ],
        out_shape=[
            jax.ShapeDtypeStruct((n_pad, c), jnp.float32),
            jax.ShapeDtypeStruct((n_pad, c), jnp.float32),
        ],
    )(p0, p1, g, h, dinv)


def kernel(x, edge_index, W1, b1, W2, b2):
    n, f_in = x.shape
    hid = W1.shape[1]
    c = W2.shape[1]
    e = edge_index.shape[1]

    cw = 40

    n_pad = _cdiv(n + 2, 128) * 128
    nchunk = _cdiv(e, NW * CH)
    e_pad = NW * nchunk * CH
    block_rows = n_pad // 16

    x_pad = jnp.zeros((n_pad, f_in), jnp.float32).at[:n].set(x)
    W2p = jnp.zeros((hid, cw), jnp.float32).at[:, :c].set(W2)
    b2p = jnp.zeros((cw,), jnp.float32).at[:c].set(b2)
    src = edge_index[0]
    dst = edge_index[1]
    src3 = jnp.concatenate(
        [src, jnp.full((e_pad - e,), n + 1, jnp.int32)]).reshape(NW, nchunk, CH)
    dst3 = jnp.concatenate(
        [dst, jnp.full((e_pad - e,), n, jnp.int32)]).reshape(NW, nchunk, CH)
    zeros_feat = jnp.zeros((n_pad, cw), jnp.float32)
    ones_feat = jnp.ones((n_pad, cw), jnp.float32)

    edge_call = _make_edge_kernel(n_pad, cw, nchunk)
    deg_call = _make_deg_kernel(n_pad, cw, nchunk)

    h = _mlp_call(x_pad, W1, b1, W2p, b2p, n_pad, f_in, hid, cw, block_rows)

    pdeg = deg_call(ones_feat, dst3, zeros_feat)
    dinv, g = _prep_call(pdeg[0], pdeg[1], h, n_pad, cw, block_rows)

    out = h
    for _ in range(K_STEPS):
        p = edge_call(g, src3, dst3)
        out, g = _combine_call(p[0], p[1], g, h, dinv, n_pad, cw, block_rows)
    return out[:n, :c]

# --- scband reference (transcript-rebuilt; emitter-appended) ---
"""Pipeline reference for scband-appnp-net-68341519613984 (READ-ONLY COPY).

The authoritative reference and input builder live on the scoring server;
editing this copy changes nothing except your own understanding.
"""

import jax, jax.numpy as jnp
import numpy as np

N = 10000
E = 320000
F_IN = 128
HID = 64
C = 40
K = 10
ALPHA = 0.1


def setup_inputs(seed: int = 0) -> dict:
    key = jax.random.key(seed)
    k1, k2, k3, k4, k5, k6 = jax.random.split(key, 6)
    x = jax.random.normal(k1, (N, F_IN), dtype=jnp.float32)
    edge_index = jax.random.randint(k2, (2, E), 0, N, dtype=jnp.int32)
    W1 = jax.random.normal(k3, (F_IN, HID), dtype=jnp.float32) * (1.0 / np.sqrt(F_IN))
    b1 = jnp.zeros((HID,), dtype=jnp.float32)
    W2 = jax.random.normal(k4, (HID, C), dtype=jnp.float32) * (1.0 / np.sqrt(HID))
    b2 = jnp.zeros((C,), dtype=jnp.float32)
    return {"x": x, "edge_index": edge_index, "W1": W1, "b1": b1, "W2": W2, "b2": b2}


def reference(x, edge_index, W1, b1, W2, b2):
    # eval mode: dropout is identity
    h = jnp.maximum(x @ W1 + b1, 0.0)  # lin1 + relu
    h = h @ W2 + b2                    # lin2

    # APPNP propagation with GCN symmetric normalization + self loops
    src = edge_index[0]
    dst = edge_index[1]
    loop = jnp.arange(N, dtype=src.dtype)
    src = jnp.concatenate([src, loop])
    dst = jnp.concatenate([dst, loop])
    ew = jnp.ones(src.shape[0], dtype=jnp.float32)
    deg = jax.ops.segment_sum(ew, dst, num_segments=N)
    dinv = jnp.where(deg > 0, 1.0 / jnp.sqrt(deg), 0.0)
    norm = dinv[src] * ew * dinv[dst]

    out = h
    for _ in range(K):
        msg = out[src] * norm[:, None]
        agg = jax.ops.segment_sum(msg, dst, num_segments=N)
        out = (1.0 - ALPHA) * agg + ALPHA * h
    return out

if __name__ == "__main__":
    import jax
    _d = setup_inputs()
    print(jax.jit(kernel)(*tuple(_d.values())))

</pallas_src>

<mosaic_0001>
#map = affine_map<(d0, d1) -> (0, 0)>
#map1 = affine_map<(d0, d1) -> (0, 0, 0)>
module attributes {stable_mosaic.version = 14 : i64} {
  func.func @deg_kernel(%arg0: i32, %arg1: i32, %arg2: memref<10112x40xf32, #tpu.memory_space<hbm>>, %arg3: memref<32x79x128xi32, #tpu.memory_space<hbm>>, %arg4: memref<10112x40xf32, #tpu.memory_space<hbm>>, %arg5: memref<2x10112x40xf32, #tpu.memory_space<hbm>>, %arg6: memref<10112x40xf32, #tpu.memory_space<vmem_shared>>, %arg7: memref<79x128xi32, #tpu.memory_space<vmem>>, %arg8: memref<128x40xf32, #tpu.memory_space<vmem>>) attributes {dimension_semantics = [#tpu.dimension_semantics<core_parallel>, #tpu.dimension_semantics<subcore_parallel>], iteration_bounds = array<i64: 2, 16>, scalar_prefetch = 0 : i64, scratch_operands = 3 : i64, tpu.core_type = #tpu.core_type<sc_vector_subcore>, window_params = [{transform_indices = #map}, {transform_indices = #map1}, {transform_indices = #map}, {transform_indices = #map1}]} {
    %mul3A = arith.constant 16 : i32
    %mul3A_0 = arith.muli %arg0, %mul3A : i32
    %add3A = arith.addi %mul3A_0, %arg1 : i32
    %mul3A_1 = arith.constant 632 : i32
    %mul3A_2 = arith.muli %arg1, %mul3A_1 : i32
    "tpu.region"() ({
      %run_scoped3A = tpu.sem_alloc : memref<!tpu.dma_semaphore, #tpu.memory_space<semaphore_mem>>
      %dma_start3A = arith.constant 0 : i32
      %dma_start3A_9 = tpu.memref_slice %arg6[%mul3A_2, %dma_start3A] : memref<10112x40xf32, #tpu.memory_space<vmem_shared>> -> memref<632x40xf32, #tpu.memory_space<vmem_shared>>
      %dma_start3A_10 = arith.constant 0 : i32
      %dma_start3A_11 = tpu.memref_slice %arg4[%mul3A_2, %dma_start3A_10] : memref<10112x40xf32, #tpu.memory_space<hbm>> -> memref<632x40xf32, #tpu.memory_space<hbm>>
      tpu.enqueue_dma source(%dma_start3A_11 : memref<632x40xf32, #tpu.memory_space<hbm>>) target(%dma_start3A_9 : memref<632x40xf32, #tpu.memory_space<vmem_shared>>) target_semaphore(%run_scoped3A : memref<!tpu.dma_semaphore, #tpu.memory_space<semaphore_mem>>)
      %dma_wait3A = arith.constant 0 : i32
      %dma_wait3A_12 = tpu.memref_slice %arg6[%mul3A_2, %dma_wait3A] : memref<10112x40xf32, #tpu.memory_space<vmem_shared>> -> memref<632x40xf32, #tpu.memory_space<vmem_shared>>
      %dma_wait3A_13 = arith.constant 0 : i32
      %dma_wait3A_14 = tpu.memref_slice %arg4[%mul3A_2, %dma_wait3A_13] : memref<10112x40xf32, #tpu.memory_space<hbm>> -> memref<632x40xf32, #tpu.memory_space<hbm>>
      tpu.wait_dma2 semaphore(%run_scoped3A : memref<!tpu.dma_semaphore, #tpu.memory_space<semaphore_mem>>) src(%dma_wait3A_14 : memref<632x40xf32, #tpu.memory_space<hbm>>) dst(%dma_wait3A_12 : memref<632x40xf32, #tpu.memory_space<vmem_shared>>)
      tpu.yield
    }) : () -> ()
    "tpu.region"() ({
      %run_scoped3A = tpu.sem_alloc : memref<!tpu.dma_semaphore, #tpu.memory_space<semaphore_mem>>
      %dma_start3A = arith.constant 0 : i32
      %dma_start3A_9 = arith.constant 0 : i32
      %dma_start3A_10 = tpu.memref_slice %arg2[%dma_start3A, %dma_start3A_9] : memref<10112x40xf32, #tpu.memory_space<hbm>> -> memref<128x40xf32, #tpu.memory_space<hbm>>
      %dma_start3A_11 = arith.constant 0 : i32
      %dma_start3A_12 = arith.constant 0 : i32
      %dma_start3A_13 = tpu.memref_slice %arg2[%dma_start3A_11, %dma_start3A_12] : memref<10112x40xf32, #tpu.memory_space<hbm>> -> memref<128x40xf32, #tpu.memory_space<hbm>>
      tpu.enqueue_dma source(%dma_start3A_13 : memref<128x40xf32, #tpu.memory_space<hbm>>) target(%arg8 : memref<128x40xf32, #tpu.memory_space<vmem>>) target_semaphore(%run_scoped3A : memref<!tpu.dma_semaphore, #tpu.memory_space<semaphore_mem>>)
      %dma_wait3A = arith.constant 0 : i32
      %dma_wait3A_14 = arith.constant 0 : i32
      %dma_wait3A_15 = tpu.memref_slice %arg2[%dma_wait3A, %dma_wait3A_14] : memref<10112x40xf32, #tpu.memory_space<hbm>> -> memref<128x40xf32, #tpu.memory_space<hbm>>
      %dma_wait3A_16 = arith.constant 0 : i32
      %dma_wait3A_17 = arith.constant 0 : i32
      %dma_wait3A_18 = tpu.memref_slice %arg2[%dma_wait3A_16, %dma_wait3A_17] : memref<10112x40xf32, #tpu.memory_space<hbm>> -> memref<128x40xf32, #tpu.memory_space<hbm>>
      tpu.wait_dma2 semaphore(%run_scoped3A : memref<!tpu.dma_semaphore, #tpu.memory_space<semaphore_mem>>) src(%dma_wait3A_18 : memref<128x40xf32, #tpu.memory_space<hbm>>) dst(%arg8 : memref<128x40xf32, #tpu.memory_space<vmem>>)
      tpu.yield
    }) : () -> ()
    "tpu.region"() ({
      %run_scoped3A = tpu.sem_alloc : memref<!tpu.dma_semaphore, #tpu.memory_space<semaphore_mem>>
      %dma_start3A = arith.constant 0 : i32
      %dma_start3A_9 = arith.constant 0 : i32
      %dma_start3A_10 = tpu.memref_slice %arg3[%add3A, %dma_start3A, %dma_start3A_9] : memref<32x79x128xi32, #tpu.memory_space<hbm>> -> memref<1x79x128xi32, #tpu.memory_space<hbm>>
      %dma_start3A_11 = tpu.memref_squeeze %dma_start3A_10 : memref<1x79x128xi32, #tpu.memory_space<hbm>> -> memref<79x128xi32, #tpu.memory_space<hbm>>
      %dma_start3A_12 = arith.constant 0 : i32
      %dma_start3A_13 = arith.constant 0 : i32
      %dma_start3A_14 = tpu.memref_slice %arg3[%add3A, %dma_start3A_12, %dma_start3A_13] : memref<32x79x128xi32, #tpu.memory_space<hbm>> -> memref<1x79x128xi32, #tpu.memory_space<hbm>>
      %dma_start3A_15 = tpu.memref_squeeze %dma_start3A_14 : memref<1x79x128xi32, #tpu.memory_space<hbm>> -> memref<79x128xi32, #tpu.memory_space<hbm>>
      tpu.enqueue_dma source(%dma_start3A_15 : memref<79x128xi32, #tpu.memory_space<hbm>>) target(%arg7 : memref<79x128xi32, #tpu.memory_space<vmem>>) target_semaphore(%run_scoped3A : memref<!tpu.dma_semaphore, #tpu.memory_space<semaphore_mem>>)
      %dma_wait3A = arith.constant 0 : i32
      %dma_wait3A_16 = arith.constant 0 : i32
      %dma_wait3A_17 = tpu.memref_slice %arg3[%add3A, %dma_wait3A, %dma_wait3A_16] : memref<32x79x128xi32, #tpu.memory_space<hbm>> -> memref<1x79x128xi32, #tpu.memory_space<hbm>>
      %dma_wait3A_18 = tpu.memref_squeeze %dma_wait3A_17 : memref<1x79x128xi32, #tpu.memory_space<hbm>> -> memref<79x128xi32, #tpu.memory_space<hbm>>
      %dma_wait3A_19 = arith.constant 0 : i32
      %dma_wait3A_20 = arith.constant 0 : i32
      %dma_wait3A_21 = tpu.memref_slice %arg3[%add3A, %dma_wait3A_19, %dma_wait3A_20] : memref<32x79x128xi32, #tpu.memory_space<hbm>> -> memref<1x79x128xi32, #tpu.memory_space<hbm>>
      %dma_wait3A_22 = tpu.memref_squeeze %dma_wait3A_21 : memref<1x79x128xi32, #tpu.memory_space<hbm>> -> memref<79x128xi32, #tpu.memory_space<hbm>>
      tpu.wait_dma2 semaphore(%run_scoped3A : memref<!tpu.dma_semaphore, #tpu.memory_space<semaphore_mem>>) src(%dma_wait3A_22 : memref<79x128xi32, #tpu.memory_space<hbm>>) dst(%arg7 : memref<79x128xi32, #tpu.memory_space<vmem>>)
      tpu.yield
    }) : () -> ()
    %barrier3A = arith.constant 0 : index
    tpu.barrier barrier_id(%barrier3A)
    %scan3A = arith.constant 0 : i32
    %scan3A_3 = arith.constant 0 : i32
    %scan3A_4 = arith.constant 79 : i32
    %scan3A_5 = arith.addi %scan3A_3, %scan3A_4 : i32
    %scan3A_6 = arith.constant 1 : i32
    scf.for %scan3A_9 = %scan3A_3 to %scan3A_5 step %scan3A_6  : i32 {
      "tpu.region"() ({
        %run_scoped3A = tpu.sem_alloc : memref<!tpu.dma_semaphore, #tpu.memory_space<semaphore_mem>>
        %dma_start3A = arith.constant 0 : i32
        %dma_start3A_10 = tpu.memref_slice %arg7[%scan3A_9, %dma_start3A] : memref<79x128xi32, #tpu.memory_space<vmem>> -> memref<1x128xi32, #tpu.memory_space<vmem>>
        %dma_start3A_11 = tpu.memref_squeeze %dma_start3A_10 : memref<1x128xi32, #tpu.memory_space<vmem>> -> memref<128xi32, #tpu.memory_space<vmem>>
        %dma_start3A_12 = arith.constant 0 : i32
        %dma_start3A_13 = arith.constant 0 : i32
        %dma_start3A_14 = tpu.memref_slice %arg6[%dma_start3A_12, %dma_start3A_13] : memref<10112x40xf32, #tpu.memory_space<vmem_shared>> -> memref<10112x40xf32, #tpu.memory_space<vmem_shared>>
        tpu.enqueue_indirect_dma source(%arg8 : memref<128x40xf32, #tpu.memory_space<vmem>>) target(%dma_start3A_14 : memref<10112x40xf32, #tpu.memory_space<vmem_shared>>) offsets(%dma_start3A_11 : memref<128xi32, #tpu.memory_space<vmem>>) semaphore(%run_scoped3A : memref<!tpu.dma_semaphore, #tpu.memory_space<semaphore_mem>>) {add = true}
        %dma_wait3A = arith.constant 0 : i32
        %dma_wait3A_15 = tpu.memref_slice %arg7[%scan3A_9, %dma_wait3A] : memref<79x128xi32, #tpu.memory_space<vmem>> -> memref<1x128xi32, #tpu.memory_space<vmem>>
        %dma_wait3A_16 = tpu.memref_squeeze %dma_wait3A_15 : memref<1x128xi32, #tpu.memory_space<vmem>> -> memref<128xi32, #tpu.memory_space<vmem>>
        %dma_wait3A_17 = arith.constant 0 : i32
        %dma_wait3A_18 = arith.constant 0 : i32
        %dma_wait3A_19 = tpu.memref_slice %arg6[%dma_wait3A_17, %dma_wait3A_18] : memref<10112x40xf32, #tpu.memory_space<vmem_shared>> -> memref<10112x40xf32, #tpu.memory_space<vmem_shared>>
        tpu.wait_indirect_dma semaphore(%run_scoped3A : memref<!tpu.dma_semaphore, #tpu.memory_space<semaphore_mem>>) src(%arg8 : memref<128x40xf32, #tpu.memory_space<vmem>>) dst(%dma_wait3A_19 : memref<10112x40xf32, #tpu.memory_space<vmem_shared>>)
        tpu.yield
      }) : () -> ()
    }
    %scan3A_7 = arith.constant 79 : i32
    %barrier3A_8 = arith.constant 0 : index
    tpu.barrier barrier_id(%barrier3A_8)
    "tpu.region"() ({
      %run_scoped3A = tpu.sem_alloc : memref<!tpu.dma_semaphore, #tpu.memory_space<semaphore_mem>>
      %dma_start3A = arith.constant 0 : i32
      %dma_start3A_9 = tpu.memref_slice %arg5[%arg0, %mul3A_2, %dma_start3A] : memref<2x10112x40xf32, #tpu.memory_space<hbm>> -> memref<1x632x40xf32, #tpu.memory_space<hbm>>
      %dma_start3A_10 = tpu.memref_squeeze %dma_start3A_9 : memref<1x632x40xf32, #tpu.memory_space<hbm>> -> memref<632x40xf32, #tpu.memory_space<hbm>>
      %dma_start3A_11 = arith.constant 0 : i32
      %dma_start3A_12 = tpu.memref_slice %arg6[%mul3A_2, %dma_start3A_11] : memref<10112x40xf32, #tpu.memory_space<vmem_shared>> -> memref<632x40xf32, #tpu.memory_space<vmem_shared>>
      tpu.enqueue_dma source(%dma_start3A_12 : memref<632x40xf32, #tpu.memory_space<vmem_shared>>) target(%dma_start3A_10 : memref<632x40xf32, #tpu.memory_space<hbm>>) target_semaphore(%run_scoped3A : memref<!tpu.dma_semaphore, #tpu.memory_space<semaphore_mem>>)
      %dma_wait3A = arith.constant 0 : i32
      %dma_wait3A_13 = tpu.memref_slice %arg5[%arg0, %mul3A_2, %dma_wait3A] : memref<2x10112x40xf32, #tpu.memory_space<hbm>> -> memref<1x632x40xf32, #tpu.memory_space<hbm>>
      %dma_wait3A_14 = tpu.memref_squeeze %dma_wait3A_13 : memref<1x632x40xf32, #tpu.memory_space<hbm>> -> memref<632x40xf32, #tpu.memory_space<hbm>>
      %dma_wait3A_15 = arith.constant 0 : i32
      %dma_wait3A_16 = tpu.memref_slice %arg6[%mul3A_2, %dma_wait3A_15] : memref<10112x40xf32, #tpu.memory_space<vmem_shared>> -> memref<632x40xf32, #tpu.memory_space<vmem_shared>>
      tpu.wait_dma2 semaphore(%run_scoped3A : memref<!tpu.dma_semaphore, #tpu.memory_space<semaphore_mem>>) src(%dma_wait3A_16 : memref<632x40xf32, #tpu.memory_space<vmem_shared>>) dst(%dma_wait3A_14 : memref<632x40xf32, #tpu.memory_space<hbm>>)
      tpu.yield
    }) : () -> ()
    return
  }
}

#map = affine_map<(d0, d1) -> (0, 0)>
#map1 = affine_map<(d0, d1) -> (0, 0, 0)>
module attributes {stable_mosaic.version = 14 : i64} {
  func.func @edge_kernel(%arg0: i32, %arg1: i32, %arg2: memref<10112x40xf32, #tpu.memory_space<hbm>>, %arg3: memref<32x79x128xi32, #tpu.memory_space<hbm>>, %arg4: memref<32x79x128xi32, #tpu.memory_space<hbm>>, %arg5: memref<2x10112x40xf32, #tpu.memory_space<hbm>>, %arg6: memref<10112x40xf32, #tpu.memory_space<vmem_shared>>, %arg7: memref<10112x40xf32, #tpu.memory_space<vmem_shared>>, %arg8: memref<79x128xi32, #tpu.memory_space<vmem>>, %arg9: memref<79x128xi32, #tpu.memory_space<vmem>>, %arg10: memref<128x40xf32, #tpu.memory_space<vmem>>, %arg11: memref<!tpu.dma_semaphore, #tpu.memory_space<semaphore_mem>>, %arg12: memref<!tpu.dma_semaphore, #tpu.memory_space<semaphore_mem>>, %arg13: memref<!tpu.dma_semaphore, #tpu.memory_space<semaphore_mem>>) attributes {dimension_semantics = [#tpu.dimension_semantics<core_parallel>, #tpu.dimension_semantics<subcore_parallel>], iteration_bounds = array<i64: 2, 16>, scalar_prefetch = 0 : i64, scratch_operands = 8 : i64, tpu.core_type = #tpu.core_type<sc_vector_subcore>, window_params = [{transform_indices = #map}, {transform_indices = #map1}, {transform_indices = #map1}, {transform_indices = #map1}]} {
    %mul3A = arith.constant 16 : i32
    %mul3A_0 = arith.muli %arg0, %mul3A : i32
    %add3A = arith.addi %mul3A_0, %arg1 : i32
    %mul3A_1 = arith.constant 632 : i32
    %mul3A_2 = arith.muli %arg1, %mul3A_1 : i32
    %dma_start3A = arith.constant 0 : i32
    %dma_start3A_3 = tpu.memref_slice %arg6[%mul3A_2, %dma_start3A] : memref<10112x40xf32, #tpu.memory_space<vmem_shared>> -> memref<632x40xf32, #tpu.memory_space<vmem_shared>>
    %dma_start3A_4 = arith.constant 0 : i32
    %dma_start3A_5 = tpu.memref_slice %arg2[%mul3A_2, %dma_start3A_4] : memref<10112x40xf32, #tpu.memory_space<hbm>> -> memref<632x40xf32, #tpu.memory_space<hbm>>
    tpu.enqueue_dma source(%dma_start3A_5 : memref<632x40xf32, #tpu.memory_space<hbm>>) target(%dma_start3A_3 : memref<632x40xf32, #tpu.memory_space<vmem_shared>>) target_semaphore(%arg12 : memref<!tpu.dma_semaphore, #tpu.memory_space<semaphore_mem>>)
    %dma_start3A_6 = arith.constant 0 : i32
    %dma_start3A_7 = tpu.memref_slice %arg7[%mul3A_2, %dma_start3A_6] : memref<10112x40xf32, #tpu.memory_space<vmem_shared>> -> memref<632x40xf32, #tpu.memory_space<vmem_shared>>
    %dma_start3A_8 = arith.constant 0 : i32
    %dma_start3A_9 = tpu.memref_slice %arg2[%mul3A_2, %dma_start3A_8] : memref<10112x40xf32, #tpu.memory_space<hbm>> -> memref<632x40xf32, #tpu.memory_space<hbm>>
    tpu.enqueue_dma source(%dma_start3A_9 : memref<632x40xf32, #tpu.memory_space<hbm>>) target(%dma_start3A_7 : memref<632x40xf32, #tpu.memory_space<vmem_shared>>) target_semaphore(%arg13 : memref<!tpu.dma_semaphore, #tpu.memory_space<semaphore_mem>>)
    "tpu.region"() ({
      %run_scoped3A = tpu.sem_alloc : memref<!tpu.dma_semaphore, #tpu.memory_space<semaphore_mem>>
      %dma_start3A_23 = arith.constant 0 : i32
      %dma_start3A_24 = arith.constant 0 : i32
      %dma_start3A_25 = tpu.memref_slice %arg3[%add3A, %dma_start3A_23, %dma_start3A_24] : memref<32x79x128xi32, #tpu.memory_space<hbm>> -> memref<1x79x128xi32, #tpu.memory_space<hbm>>
      %dma_start3A_26 = tpu.memref_squeeze %dma_start3A_25 : memref<1x79x128xi32, #tpu.memory_space<hbm>> -> memref<79x128xi32, #tpu.memory_space<hbm>>
      %dma_start3A_27 = arith.constant 0 : i32
      %dma_start3A_28 = arith.constant 0 : i32
      %dma_start3A_29 = tpu.memref_slice %arg3[%add3A, %dma_start3A_27, %dma_start3A_28] : memref<32x79x128xi32, #tpu.memory_space<hbm>> -> memref<1x79x128xi32, #tpu.memory_space<hbm>>
      %dma_start3A_30 = tpu.memref_squeeze %dma_start3A_29 : memref<1x79x128xi32, #tpu.memory_space<hbm>> -> memref<79x128xi32, #tpu.memory_space<hbm>>
      tpu.enqueue_dma source(%dma_start3A_30 : memref<79x128xi32, #tpu.memory_space<hbm>>) target(%arg8 : memref<79x128xi32, #tpu.memory_space<vmem>>) target_semaphore(%run_scoped3A : memref<!tpu.dma_semaphore, #tpu.memory_space<semaphore_mem>>)
      %dma_wait3A_31 = arith.constant 0 : i32
      %dma_wait3A_32 = arith.constant 0 : i32
      %dma_wait3A_33 = tpu.memref_slice %arg3[%add3A, %dma_wait3A_31, %dma_wait3A_32] : memref<32x79x128xi32, #tpu.memory_space<hbm>> -> memref<1x79x128xi32, #tpu.memory_space<hbm>>
      %dma_wait3A_34 = tpu.memref_squeeze %dma_wait3A_33 : memref<1x79x128xi32, #tpu.memory_space<hbm>> -> memref<79x128xi32, #tpu.memory_space<hbm>>
      %dma_wait3A_35 = arith.constant 0 : i32
      %dma_wait3A_36 = arith.constant 0 : i32
      %dma_wait3A_37 = tpu.memref_slice %arg3[%add3A, %dma_wait3A_35, %dma_wait3A_36] : memref<32x79x128xi32, #tpu.memory_space<hbm>> -> memref<1x79x128xi32, #tpu.memory_space<hbm>>
      %dma_wait3A_38 = tpu.memref_squeeze %dma_wait3A_37 : memref<1x79x128xi32, #tpu.memory_space<hbm>> -> memref<79x128xi32, #tpu.memory_space<hbm>>
      tpu.wait_dma2 semaphore(%run_scoped3A : memref<!tpu.dma_semaphore, #tpu.memory_space<semaphore_mem>>) src(%dma_wait3A_38 : memref<79x128xi32, #tpu.memory_space<hbm>>) dst(%arg8 : memref<79x128xi32, #tpu.memory_space<vmem>>)
      tpu.yield
    }) : () -> ()
    "tpu.region"() ({
      %run_scoped3A = tpu.sem_alloc : memref<!tpu.dma_semaphore, #tpu.memory_space<semaphore_mem>>
      %dma_start3A_23 = arith.constant 0 : i32
      %dma_start3A_24 = arith.constant 0 : i32
      %dma_start3A_25 = tpu.memref_slice %arg4[%add3A, %dma_start3A_23, %dma_start3A_24] : memref<32x79x128xi32, #tpu.memory_space<hbm>> -> memref<1x79x128xi32, #tpu.memory_space<hbm>>
      %dma_start3A_26 = tpu.memref_squeeze %dma_start3A_25 : memref<1x79x128xi32, #tpu.memory_space<hbm>> -> memref<79x128xi32, #tpu.memory_space<hbm>>
      %dma_start3A_27 = arith.constant 0 : i32
      %dma_start3A_28 = arith.constant 0 : i32
      %dma_start3A_29 = tpu.memref_slice %arg4[%add3A, %dma_start3A_27, %dma_start3A_28] : memref<32x79x128xi32, #tpu.memory_space<hbm>> -> memref<1x79x128xi32, #tpu.memory_space<hbm>>
      %dma_start3A_30 = tpu.memref_squeeze %dma_start3A_29 : memref<1x79x128xi32, #tpu.memory_space<hbm>> -> memref<79x128xi32, #tpu.memory_space<hbm>>
      tpu.enqueue_dma source(%dma_start3A_30 : memref<79x128xi32, #tpu.memory_space<hbm>>) target(%arg9 : memref<79x128xi32, #tpu.memory_space<vmem>>) target_semaphore(%run_scoped3A : memref<!tpu.dma_semaphore, #tpu.memory_space<semaphore_mem>>)
      %dma_wait3A_31 = arith.constant 0 : i32
      %dma_wait3A_32 = arith.constant 0 : i32
      %dma_wait3A_33 = tpu.memref_slice %arg4[%add3A, %dma_wait3A_31, %dma_wait3A_32] : memref<32x79x128xi32, #tpu.memory_space<hbm>> -> memref<1x79x128xi32, #tpu.memory_space<hbm>>
      %dma_wait3A_34 = tpu.memref_squeeze %dma_wait3A_33 : memref<1x79x128xi32, #tpu.memory_space<hbm>> -> memref<79x128xi32, #tpu.memory_space<hbm>>
      %dma_wait3A_35 = arith.constant 0 : i32
      %dma_wait3A_36 = arith.constant 0 : i32
      %dma_wait3A_37 = tpu.memref_slice %arg4[%add3A, %dma_wait3A_35, %dma_wait3A_36] : memref<32x79x128xi32, #tpu.memory_space<hbm>> -> memref<1x79x128xi32, #tpu.memory_space<hbm>>
      %dma_wait3A_38 = tpu.memref_squeeze %dma_wait3A_37 : memref<1x79x128xi32, #tpu.memory_space<hbm>> -> memref<79x128xi32, #tpu.memory_space<hbm>>
      tpu.wait_dma2 semaphore(%run_scoped3A : memref<!tpu.dma_semaphore, #tpu.memory_space<semaphore_mem>>) src(%dma_wait3A_38 : memref<79x128xi32, #tpu.memory_space<hbm>>) dst(%arg9 : memref<79x128xi32, #tpu.memory_space<vmem>>)
      tpu.yield
    }) : () -> ()
    %dma_wait3A = arith.constant 0 : i32
    %dma_wait3A_10 = tpu.memref_slice %arg6[%mul3A_2, %dma_wait3A] : memref<10112x40xf32, #tpu.memory_space<vmem_shared>> -> memref<632x40xf32, #tpu.memory_space<vmem_shared>>
    %dma_wait3A_11 = arith.constant 0 : i32
    %dma_wait3A_12 = tpu.memref_slice %arg2[%mul3A_2, %dma_wait3A_11] : memref<10112x40xf32, #tpu.memory_space<hbm>> -> memref<632x40xf32, #tpu.memory_space<hbm>>
    tpu.wait_dma2 semaphore(%arg12 : memref<!tpu.dma_semaphore, #tpu.memory_space<semaphore_mem>>) src(%dma_wait3A_12 : memref<632x40xf32, #tpu.memory_space<hbm>>) dst(%dma_wait3A_10 : memref<632x40xf32, #tpu.memory_space<vmem_shared>>)
    %dma_wait3A_13 = arith.constant 0 : i32
    %dma_wait3A_14 = tpu.memref_slice %arg7[%mul3A_2, %dma_wait3A_13] : memref<10112x40xf32, #tpu.memory_space<vmem_shared>> -> memref<632x40xf32, #tpu.memory_space<vmem_shared>>
    %dma_wait3A_15 = arith.constant 0 : i32
    %dma_wait3A_16 = tpu.memref_slice %arg2[%mul3A_2, %dma_wait3A_15] : memref<10112x40xf32, #tpu.memory_space<hbm>> -> memref<632x40xf32, #tpu.memory_space<hbm>>
    tpu.wait_dma2 semaphore(%arg13 : memref<!tpu.dma_semaphore, #tpu.memory_space<semaphore_mem>>) src(%dma_wait3A_16 : memref<632x40xf32, #tpu.memory_space<hbm>>) dst(%dma_wait3A_14 : memref<632x40xf32, #tpu.memory_space<vmem_shared>>)
    %barrier3A = arith.constant 0 : index
    tpu.barrier barrier_id(%barrier3A)
    %scan3A = arith.constant 0 : i32
    %scan3A_17 = arith.constant 0 : i32
    %scan3A_18 = arith.constant 79 : i32
    %scan3A_19 = arith.addi %scan3A_17, %scan3A_18 : i32
    %scan3A_20 = arith.constant 1 : i32
    scf.for %scan3A_23 = %scan3A_17 to %scan3A_19 step %scan3A_20  : i32 {
      %dma_start3A_24 = arith.constant 0 : i32
      %dma_start3A_25 = tpu.memref_slice %arg8[%scan3A_23, %dma_start3A_24] : memref<79x128xi32, #tpu.memory_space<vmem>> -> memref<1x128xi32, #tpu.memory_space<vmem>>
      %dma_start3A_26 = tpu.memref_squeeze %dma_start3A_25 : memref<1x128xi32, #tpu.memory_space<vmem>> -> memref<128xi32, #tpu.memory_space<vmem>>
      %dma_start3A_27 = arith.constant 0 : i32
      %dma_start3A_28 = arith.constant 0 : i32
      %dma_start3A_29 = tpu.memref_slice %arg7[%dma_start3A_27, %dma_start3A_28] : memref<10112x40xf32, #tpu.memory_space<vmem_shared>> -> memref<10112x40xf32, #tpu.memory_space<vmem_shared>>
      tpu.enqueue_indirect_dma source(%dma_start3A_29 : memref<10112x40xf32, #tpu.memory_space<vmem_shared>>) target(%arg10 : memref<128x40xf32, #tpu.memory_space<vmem>>) offsets(%dma_start3A_26 : memref<128xi32, #tpu.memory_space<vmem>>) semaphore(%arg11 : memref<!tpu.dma_semaphore, #tpu.memory_space<semaphore_mem>>)
      %dma_wait3A_30 = arith.constant 0 : i32
      %dma_wait3A_31 = tpu.memref_slice %arg8[%scan3A_23, %dma_wait3A_30] : memref<79x128xi32, #tpu.memory_space<vmem>> -> memref<1x128xi32, #tpu.memory_space<vmem>>
      %dma_wait3A_32 = tpu.memref_squeeze %dma_wait3A_31 : memref<1x128xi32, #tpu.memory_space<vmem>> -> memref<128xi32, #tpu.memory_space<vmem>>
      %dma_wait3A_33 = arith.constant 0 : i32
      %dma_wait3A_34 = arith.constant 0 : i32
      %dma_wait3A_35 = tpu.memref_slice %arg7[%dma_wait3A_33, %dma_wait3A_34] : memref<10112x40xf32, #tpu.memory_space<vmem_shared>> -> memref<10112x40xf32, #tpu.memory_space<vmem_shared>>
      tpu.wait_indirect_dma semaphore(%arg11 : memref<!tpu.dma_semaphore, #tpu.memory_space<semaphore_mem>>) src(%dma_wait3A_35 : memref<10112x40xf32, #tpu.memory_space<vmem_shared>>) dst(%arg10 : memref<128x40xf32, #tpu.memory_space<vmem>>)
      "tpu.region"() ({
        %run_scoped3A = tpu.sem_alloc : memref<!tpu.dma_semaphore, #tpu.memory_space<semaphore_mem>>
        %dma_start3A_36 = arith.constant 0 : i32
        %dma_start3A_37 = tpu.memref_slice %arg9[%scan3A_23, %dma_start3A_36] : memref<79x128xi32, #tpu.memory_space<vmem>> -> memref<1x128xi32, #tpu.memory_space<vmem>>
        %dma_start3A_38 = tpu.memref_squeeze %dma_start3A_37 : memref<1x128xi32, #tpu.memory_space<vmem>> -> memref<128xi32, #tpu.memory_space<vmem>>
        %dma_start3A_39 = arith.constant 0 : i32
        %dma_start3A_40 = arith.constant 0 : i32
        %dma_start3A_41 = tpu.memref_slice %arg6[%dma_start3A_39, %dma_start3A_40] : memref<10112x40xf32, #tpu.memory_space<vmem_shared>> -> memref<10112x40xf32, #tpu.memory_space<vmem_shared>>
        tpu.enqueue_indirect_dma source(%arg10 : memref<128x40xf32, #tpu.memory_space<vmem>>) target(%dma_start3A_41 : memref<10112x40xf32, #tpu.memory_space<vmem_shared>>) offsets(%dma_start3A_38 : memref<128xi32, #tpu.memory_space<vmem>>) semaphore(%run_scoped3A : memref<!tpu.dma_semaphore, #tpu.memory_space<semaphore_mem>>) {add = true}
        %dma_wait3A_42 = arith.constant 0 : i32
        %dma_wait3A_43 = tpu.memref_slice %arg9[%scan3A_23, %dma_wait3A_42] : memref<79x128xi32, #tpu.memory_space<vmem>> -> memref<1x128xi32, #tpu.memory_space<vmem>>
        %dma_wait3A_44 = tpu.memref_squeeze %dma_wait3A_43 : memref<1x128xi32, #tpu.memory_space<vmem>> -> memref<128xi32, #tpu.memory_space<vmem>>
        %dma_wait3A_45 = arith.constant 0 : i32
        %dma_wait3A_46 = arith.constant 0 : i32
        %dma_wait3A_47 = tpu.memref_slice %arg6[%dma_wait3A_45, %dma_wait3A_46] : memref<10112x40xf32, #tpu.memory_space<vmem_shared>> -> memref<10112x40xf32, #tpu.memory_space<vmem_shared>>
        tpu.wait_indirect_dma semaphore(%run_scoped3A : memref<!tpu.dma_semaphore, #tpu.memory_space<semaphore_mem>>) src(%arg10 : memref<128x40xf32, #tpu.memory_space<vmem>>) dst(%dma_wait3A_47 : memref<10112x40xf32, #tpu.memory_space<vmem_shared>>)
        tpu.yield
      }) : () -> ()
    }
    %scan3A_21 = arith.constant 79 : i32
    %barrier3A_22 = arith.constant 0 : index
    tpu.barrier barrier_id(%barrier3A_22)
    "tpu.region"() ({
      %run_scoped3A = tpu.sem_alloc : memref<!tpu.dma_semaphore, #tpu.memory_space<semaphore_mem>>
      %dma_start3A_23 = arith.constant 0 : i32
      %dma_start3A_24 = tpu.memref_slice %arg5[%arg0, %mul3A_2, %dma_start3A_23] : memref<2x10112x40xf32, #tpu.memory_space<hbm>> -> memref<1x632x40xf32, #tpu.memory_space<hbm>>
      %dma_start3A_25 = tpu.memref_squeeze %dma_start3A_24 : memref<1x632x40xf32, #tpu.memory_space<hbm>> -> memref<632x40xf32, #tpu.memory_space<hbm>>
      %dma_start3A_26 = arith.constant 0 : i32
      %dma_start3A_27 = tpu.memref_slice %arg6[%mul3A_2, %dma_start3A_26] : memref<10112x40xf32, #tpu.memory_space<vmem_shared>> -> memref<632x40xf32, #tpu.memory_space<vmem_shared>>
      tpu.enqueue_dma source(%dma_start3A_27 : memref<632x40xf32, #tpu.memory_space<vmem_shared>>) target(%dma_start3A_25 : memref<632x40xf32, #tpu.memory_space<hbm>>) target_semaphore(%run_scoped3A : memref<!tpu.dma_semaphore, #tpu.memory_space<semaphore_mem>>)
      %dma_wait3A_28 = arith.constant 0 : i32
      %dma_wait3A_29 = tpu.memref_slice %arg5[%arg0, %mul3A_2, %dma_wait3A_28] : memref<2x10112x40xf32, #tpu.memory_space<hbm>> -> memref<1x632x40xf32, #tpu.memory_space<hbm>>
      %dma_wait3A_30 = tpu.memref_squeeze %dma_wait3A_29 : memref<1x632x40xf32, #tpu.memory_space<hbm>> -> memref<632x40xf32, #tpu.memory_space<hbm>>
      %dma_wait3A_31 = arith.constant 0 : i32
      %dma_wait3A_32 = tpu.memref_slice %arg6[%mul3A_2, %dma_wait3A_31] : memref<10112x40xf32, #tpu.memory_space<vmem_shared>> -> memref<632x40xf32, #tpu.memory_space<vmem_shared>>
      tpu.wait_dma2 semaphore(%run_scoped3A : memref<!tpu.dma_semaphore, #tpu.memory_space<semaphore_mem>>) src(%dma_wait3A_32 : memref<632x40xf32, #tpu.memory_space<vmem_shared>>) dst(%dma_wait3A_30 : memref<632x40xf32, #tpu.memory_space<hbm>>)
      tpu.yield
    }) : () -> ()
    return
  }
}

#map = affine_map<(d0, d1) -> (0, 0)>
#map1 = affine_map<(d0, d1) -> (0, 0, 0)>
module attributes {stable_mosaic.version = 14 : i64} {
  func.func @edge_kernel(%arg0: i32, %arg1: i32, %arg2: memref<10112x40xf32, #tpu.memory_space<hbm>>, %arg3: memref<32x79x128xi32, #tpu.memory_space<hbm>>, %arg4: memref<32x79x128xi32, #tpu.memory_space<hbm>>, %arg5: memref<2x10112x40xf32, #tpu.memory_space<hbm>>, %arg6: memref<10112x40xf32, #tpu.memory_space<vmem_shared>>, %arg7: memref<10112x40xf32, #tpu.memory_space<vmem_shared>>, %arg8: memref<79x128xi32, #tpu.memory_space<vmem>>, %arg9: memref<79x128xi32, #tpu.memory_space<vmem>>, %arg10: memref<128x40xf32, #tpu.memory_space<vmem>>, %arg11: memref<!tpu.dma_semaphore, #tpu.memory_space<semaphore_mem>>, %arg12: memref<!tpu.dma_semaphore, #tpu.memory_space<semaphore_mem>>, %arg13: memref<!tpu.dma_semaphore, #tpu.memory_space<semaphore_mem>>) attributes {dimension_semantics = [#tpu.dimension_semantics<core_parallel>, #tpu.dimension_semantics<subcore_parallel>], iteration_bounds = array<i64: 2, 16>, scalar_prefetch = 0 : i64, scratch_operands = 8 : i64, tpu.core_type = #tpu.core_type<sc_vector_subcore>, window_params = [{transform_indices = #map}, {transform_indices = #map1}, {transform_indices = #map1}, {transform_indices = #map1}]} {
    %mul3A = arith.constant 16 : i32
    %mul3A_0 = arith.muli %arg0, %mul3A : i32
    %add3A = arith.addi %mul3A_0, %arg1 : i32
    %mul3A_1 = arith.constant 632 : i32
    %mul3A_2 = arith.muli %arg1, %mul3A_1 : i32
    %dma_start3A = arith.constant 0 : i32
    %dma_start3A_3 = tpu.memref_slice %arg6[%mul3A_2, %dma_start3A] : memref<10112x40xf32, #tpu.memory_space<vmem_shared>> -> memref<632x40xf32, #tpu.memory_space<vmem_shared>>
    %dma_start3A_4 = arith.constant 0 : i32
    %dma_start3A_5 = tpu.memref_slice %arg2[%mul3A_2, %dma_start3A_4] : memref<10112x40xf32, #tpu.memory_space<hbm>> -> memref<632x40xf32, #tpu.memory_space<hbm>>
    tpu.enqueue_dma source(%dma_start3A_5 : memref<632x40xf32, #tpu.memory_space<hbm>>) target(%dma_start3A_3 : memref<632x40xf32, #tpu.memory_space<vmem_shared>>) target_semaphore(%arg12 : memref<!tpu.dma_semaphore, #tpu.memory_space<semaphore_mem>>)
    %dma_start3A_6 = arith.constant 0 : i32
    %dma_start3A_7 = tpu.memref_slice %arg7[%mul3A_2, %dma_start3A_6] : memref<10112x40xf32, #tpu.memory_space<vmem_shared>> -> memref<632x40xf32, #tpu.memory_space<vmem_shared>>
    %dma_start3A_8 = arith.constant 0 : i32
    %dma_start3A_9 = tpu.memref_slice %arg2[%mul3A_2, %dma_start3A_8] : memref<10112x40xf32, #tpu.memory_space<hbm>> -> memref<632x40xf32, #tpu.memory_space<hbm>>
    tpu.enqueue_dma source(%dma_start3A_9 : memref<632x40xf32, #tpu.memory_space<hbm>>) target(%dma_start3A_7 : memref<632x40xf32, #tpu.memory_space<vmem_shared>>) target_semaphore(%arg13 : memref<!tpu.dma_semaphore, #tpu.memory_space<semaphore_mem>>)
    "tpu.region"() ({
      %run_scoped3A = tpu.sem_alloc : memref<!tpu.dma_semaphore, #tpu.memory_space<semaphore_mem>>
      %dma_start3A_23 = arith.constant 0 : i32
      %dma_start3A_24 = arith.constant 0 : i32
      %dma_start3A_25 = tpu.memref_slice %arg3[%add3A, %dma_start3A_23, %dma_start3A_24] : memref<32x79x128xi32, #tpu.memory_space<hbm>> -> memref<1x79x128xi32, #tpu.memory_space<hbm>>
      %dma_start3A_26 = tpu.memref_squeeze %dma_start3A_25 : memref<1x79x128xi32, #tpu.memory_space<hbm>> -> memref<79x128xi32, #tpu.memory_space<hbm>>
      %dma_start3A_27 = arith.constant 0 : i32
      %dma_start3A_28 = arith.constant 0 : i32
      %dma_start3A_29 = tpu.memref_slice %arg3[%add3A, %dma_start3A_27, %dma_start3A_28] : memref<32x79x128xi32, #tpu.memory_space<hbm>> -> memref<1x79x128xi32, #tpu.memory_space<hbm>>
      %dma_start3A_30 = tpu.memref_squeeze %dma_start3A_29 : memref<1x79x128xi32, #tpu.memory_space<hbm>> -> memref<79x128xi32, #tpu.memory_space<hbm>>
      tpu.enqueue_dma source(%dma_start3A_30 : memref<79x128xi32, #tpu.memory_space<hbm>>) target(%arg8 : memref<79x128xi32, #tpu.memory_space<vmem>>) target_semaphore(%run_scoped3A : memref<!tpu.dma_semaphore, #tpu.memory_space<semaphore_mem>>)
      %dma_wait3A_31 = arith.constant 0 : i32
      %dma_wait3A_32 = arith.constant 0 : i32
      %dma_wait3A_33 = tpu.memref_slice %arg3[%add3A, %dma_wait3A_31, %dma_wait3A_32] : memref<32x79x128xi32, #tpu.memory_space<hbm>> -> memref<1x79x128xi32, #tpu.memory_space<hbm>>
      %dma_wait3A_34 = tpu.memref_squeeze %dma_wait3A_33 : memref<1x79x128xi32, #tpu.memory_space<hbm>> -> memref<79x128xi32, #tpu.memory_space<hbm>>
      %dma_wait3A_35 = arith.constant 0 : i32
      %dma_wait3A_36 = arith.constant 0 : i32
      %dma_wait3A_37 = tpu.memref_slice %arg3[%add3A, %dma_wait3A_35, %dma_wait3A_36] : memref<32x79x128xi32, #tpu.memory_space<hbm>> -> memref<1x79x128xi32, #tpu.memory_space<hbm>>
      %dma_wait3A_38 = tpu.memref_squeeze %dma_wait3A_37 : memref<1x79x128xi32, #tpu.memory_space<hbm>> -> memref<79x128xi32, #tpu.memory_space<hbm>>
      tpu.wait_dma2 semaphore(%run_scoped3A : memref<!tpu.dma_semaphore, #tpu.memory_space<semaphore_mem>>) src(%dma_wait3A_38 : memref<79x128xi32, #tpu.memory_space<hbm>>) dst(%arg8 : memref<79x128xi32, #tpu.memory_space<vmem>>)
      tpu.yield
    }) : () -> ()
    "tpu.region"() ({
      %run_scoped3A = tpu.sem_alloc : memref<!tpu.dma_semaphore, #tpu.memory_space<semaphore_mem>>
      %dma_start3A_23 = arith.constant 0 : i32
      %dma_start3A_24 = arith.constant 0 : i32
      %dma_start3A_25 = tpu.memref_slice %arg4[%add3A, %dma_start3A_23, %dma_start3A_24] : memref<32x79x128xi32, #tpu.memory_space<hbm>> -> memref<1x79x128xi32, #tpu.memory_space<hbm>>
      %dma_start3A_26 = tpu.memref_squeeze %dma_start3A_25 : memref<1x79x128xi32, #tpu.memory_space<hbm>> -> memref<79x128xi32, #tpu.memory_space<hbm>>
      %dma_start3A_27 = arith.constant 0 : i32
      %dma_start3A_28 = arith.constant 0 : i32
      %dma_start3A_29 = tpu.memref_slice %arg4[%add3A, %dma_start3A_27, %dma_start3A_28] : memref<32x79x128xi32, #tpu.memory_space<hbm>> -> memref<1x79x128xi32, #tpu.memory_space<hbm>>
      %dma_start3A_30 = tpu.memref_squeeze %dma_start3A_29 : memref<1x79x128xi32, #tpu.memory_space<hbm>> -> memref<79x128xi32, #tpu.memory_space<hbm>>
      tpu.enqueue_dma source(%dma_start3A_30 : memref<79x128xi32, #tpu.memory_space<hbm>>) target(%arg9 : memref<79x128xi32, #tpu.memory_space<vmem>>) target_semaphore(%run_scoped3A : memref<!tpu.dma_semaphore, #tpu.memory_space<semaphore_mem>>)
      %dma_wait3A_31 = arith.constant 0 : i32
      %dma_wait3A_32 = arith.constant 0 : i32
      %dma_wait3A_33 = tpu.memref_slice %arg4[%add3A, %dma_wait3A_31, %dma_wait3A_32] : memref<32x79x128xi32, #tpu.memory_space<hbm>> -> memref<1x79x128xi32, #tpu.memory_space<hbm>>
      %dma_wait3A_34 = tpu.memref_squeeze %dma_wait3A_33 : memref<1x79x128xi32, #tpu.memory_space<hbm>> -> memref<79x128xi32, #tpu.memory_space<hbm>>
      %dma_wait3A_35 = arith.constant 0 : i32
      %dma_wait3A_36 = arith.constant 0 : i32
      %dma_wait3A_37 = tpu.memref_slice %arg4[%add3A, %dma_wait3A_35, %dma_wait3A_36] : memref<32x79x128xi32, #tpu.memory_space<hbm>> -> memref<1x79x128xi32, #tpu.memory_space<hbm>>
      %dma_wait3A_38 = tpu.memref_squeeze %dma_wait3A_37 : memref<1x79x128xi32, #tpu.memory_space<hbm>> -> memref<79x128xi32, #tpu.memory_space<hbm>>
      tpu.wait_dma2 semaphore(%run_scoped3A : memref<!tpu.dma_semaphore, #tpu.memory_space<semaphore_mem>>) src(%dma_wait3A_38 : memref<79x128xi32, #tpu.memory_space<hbm>>) dst(%arg9 : memref<79x128xi32, #tpu.memory_space<vmem>>)
      tpu.yield
    }) : () -> ()
    %dma_wait3A = arith.constant 0 : i32
    %dma_wait3A_10 = tpu.memref_slice %arg6[%mul3A_2, %dma_wait3A] : memref<10112x40xf32, #tpu.memory_space<vmem_shared>> -> memref<632x40xf32, #tpu.memory_space<vmem_shared>>
    %dma_wait3A_11 = arith.constant 0 : i32
    %dma_wait3A_12 = tpu.memref_slice %arg2[%mul3A_2, %dma_wait3A_11] : memref<10112x40xf32, #tpu.memory_space<hbm>> -> memref<632x40xf32, #tpu.memory_space<hbm>>
    tpu.wait_dma2 semaphore(%arg12 : memref<!tpu.dma_semaphore, #tpu.memory_space<semaphore_mem>>) src(%dma_wait3A_12 : memref<632x40xf32, #tpu.memory_space<hbm>>) dst(%dma_wait3A_10 : memref<632x40xf32, #tpu.memory_space<vmem_shared>>)
    %dma_wait3A_13 = arith.constant 0 : i32
    %dma_wait3A_14 = tpu.memref_slice %arg7[%mul3A_2, %dma_wait3A_13] : memref<10112x40xf32, #tpu.memory_space<vmem_shared>> -> memref<632x40xf32, #tpu.memory_space<vmem_shared>>
    %dma_wait3A_15 = arith.constant 0 : i32
    %dma_wait3A_16 = tpu.memref_slice %arg2[%mul3A_2, %dma_wait3A_15] : memref<10112x40xf32, #tpu.memory_space<hbm>> -> memref<632x40xf32, #tpu.memory_space<hbm>>
    tpu.wait_dma2 semaphore(%arg13 : memref<!tpu.dma_semaphore, #tpu.memory_space<semaphore_mem>>) src(%dma_wait3A_16 : memref<632x40xf32, #tpu.memory_space<hbm>>) dst(%dma_wait3A_14 : memref<632x40xf32, #tpu.memory_space<vmem_shared>>)
    %barrier3A = arith.constant 0 : index
    tpu.barrier barrier_id(%barrier3A)
    %scan3A = arith.constant 0 : i32
    %scan3A_17 = arith.constant 0 : i32
    %scan3A_18 = arith.constant 79 : i32
    %scan3A_19 = arith.addi %scan3A_17, %scan3A_18 : i32
    %scan3A_20 = arith.constant 1 : i32
    scf.for %scan3A_23 = %scan3A_17 to %scan3A_19 step %scan3A_20  : i32 {
      %dma_start3A_24 = arith.constant 0 : i32
      %dma_start3A_25 = tpu.memref_slice %arg8[%scan3A_23, %dma_start3A_24] : memref<79x128xi32, #tpu.memory_space<vmem>> -> memref<1x128xi32, #tpu.memory_space<vmem>>
      %dma_start3A_26 = tpu.memref_squeeze %dma_start3A_25 : memref<1x128xi32, #tpu.memory_space<vmem>> -> memref<128xi32, #tpu.memory_space<vmem>>
      %dma_start3A_27 = arith.constant 0 : i32
      %dma_start3A_28 = arith.constant 0 : i32
      %dma_start3A_29 = tpu.memref_slice %arg7[%dma_start3A_27, %dma_start3A_28] : memref<10112x40xf32, #tpu.memory_space<vmem_shared>> -> memref<10112x40xf32, #tpu.memory_space<vmem_shared>>
      tpu.enqueue_indirect_dma source(%dma_start3A_29 : memref<10112x40xf32, #tpu.memory_space<vmem_shared>>) target(%arg10 : memref<128x40xf32, #tpu.memory_space<vmem>>) offsets(%dma_start3A_26 : memref<128xi32, #tpu.memory_space<vmem>>) semaphore(%arg11 : memref<!tpu.dma_semaphore, #tpu.memory_space<semaphore_mem>>)
      %dma_wait3A_30 = arith.constant 0 : i32
      %dma_wait3A_31 = tpu.memref_slice %arg8[%scan3A_23, %dma_wait3A_30] : memref<79x128xi32, #tpu.memory_space<vmem>> -> memref<1x128xi32, #tpu.memory_space<vmem>>
      %dma_wait3A_32 = tpu.memref_squeeze %dma_wait3A_31 : memref<1x128xi32, #tpu.memory_space<vmem>> -> memref<128xi32, #tpu.memory_space<vmem>>
      %dma_wait3A_33 = arith.constant 0 : i32
      %dma_wait3A_34 = arith.constant 0 : i32
      %dma_wait3A_35 = tpu.memref_slice %arg7[%dma_wait3A_33, %dma_wait3A_34] : memref<10112x40xf32, #tpu.memory_space<vmem_shared>> -> memref<10112x40xf32, #tpu.memory_space<vmem_shared>>
      tpu.wait_indirect_dma semaphore(%arg11 : memref<!tpu.dma_semaphore, #tpu.memory_space<semaphore_mem>>) src(%dma_wait3A_35 : memref<10112x40xf32, #tpu.memory_space<vmem_shared>>) dst(%arg10 : memref<128x40xf32, #tpu.memory_space<vmem>>)
      "tpu.region"() ({
        %run_scoped3A = tpu.sem_alloc : memref<!tpu.dma_semaphore, #tpu.memory_space<semaphore_mem>>
        %dma_start3A_36 = arith.constant 0 : i32
        %dma_start3A_37 = tpu.memref_slice %arg9[%scan3A_23, %dma_start3A_36] : memref<79x128xi32, #tpu.memory_space<vmem>> -> memref<1x128xi32, #tpu.memory_space<vmem>>
        %dma_start3A_38 = tpu.memref_squeeze %dma_start3A_37 : memref<1x128xi32, #tpu.memory_space<vmem>> -> memref<128xi32, #tpu.memory_space<vmem>>
        %dma_start3A_39 = arith.constant 0 : i32
        %dma_start3A_40 = arith.constant 0 : i32
        %dma_start3A_41 = tpu.memref_slice %arg6[%dma_start3A_39, %dma_start3A_40] : memref<10112x40xf32, #tpu.memory_space<vmem_shared>> -> memref<10112x40xf32, #tpu.memory_space<vmem_shared>>
        tpu.enqueue_indirect_dma source(%arg10 : memref<128x40xf32, #tpu.memory_space<vmem>>) target(%dma_start3A_41 : memref<10112x40xf32, #tpu.memory_space<vmem_shared>>) offsets(%dma_start3A_38 : memref<128xi32, #tpu.memory_space<vmem>>) semaphore(%run_scoped3A : memref<!tpu.dma_semaphore, #tpu.memory_space<semaphore_mem>>) {add = true}
        %dma_wait3A_42 = arith.constant 0 : i32
        %dma_wait3A_43 = tpu.memref_slice %arg9[%scan3A_23, %dma_wait3A_42] : memref<79x128xi32, #tpu.memory_space<vmem>> -> memref<1x128xi32, #tpu.memory_space<vmem>>
        %dma_wait3A_44 = tpu.memref_squeeze %dma_wait3A_43 : memref<1x128xi32, #tpu.memory_space<vmem>> -> memref<128xi32, #tpu.memory_space<vmem>>
        %dma_wait3A_45 = arith.constant 0 : i32
        %dma_wait3A_46 = arith.constant 0 : i32
        %dma_wait3A_47 = tpu.memref_slice %arg6[%dma_wait3A_45, %dma_wait3A_46] : memref<10112x40xf32, #tpu.memory_space<vmem_shared>> -> memref<10112x40xf32, #tpu.memory_space<vmem_shared>>
        tpu.wait_indirect_dma semaphore(%run_scoped3A : memref<!tpu.dma_semaphore, #tpu.memory_space<semaphore_mem>>) src(%arg10 : memref<128x40xf32, #tpu.memory_space<vmem>>) dst(%dma_wait3A_47 : memref<10112x40xf32, #tpu.memory_space<vmem_shared>>)
        tpu.yield
      }) : () -> ()
    }
    %scan3A_21 = arith.constant 79 : i32
    %barrier3A_22 = arith.constant 0 : index
    tpu.barrier barrier_id(%barrier3A_22)
    "tpu.region"() ({
      %run_scoped3A = tpu.sem_alloc : memref<!tpu.dma_semaphore, #tpu.memory_space<semaphore_mem>>
      %dma_start3A_23 = arith.constant 0 : i32
      %dma_start3A_24 = tpu.memref_slice %arg5[%arg0, %mul3A_2, %dma_start3A_23] : memref<2x10112x40xf32, #tpu.memory_space<hbm>> -> memref<1x632x40xf32, #tpu.memory_space<hbm>>
      %dma_start3A_25 = tpu.memref_squeeze %dma_start3A_24 : memref<1x632x40xf32, #tpu.memory_space<hbm>> -> memref<632x40xf32, #tpu.memory_space<hbm>>
      %dma_start3A_26 = arith.constant 0 : i32
      %dma_start3A_27 = tpu.memref_slice %arg6[%mul3A_2, %dma_start3A_26] : memref<10112x40xf32, #tpu.memory_space<vmem_shared>> -> memref<632x40xf32, #tpu.memory_space<vmem_shared>>
      tpu.enqueue_dma source(%dma_start3A_27 : memref<632x40xf32, #tpu.memory_space<vmem_shared>>) target(%dma_start3A_25 : memref<632x40xf32, #tpu.memory_space<hbm>>) target_semaphore(%run_scoped3A : memref<!tpu.dma_semaphore, #tpu.memory_space<semaphore_mem>>)
      %dma_wait3A_28 = arith.constant 0 : i32
      %dma_wait3A_29 = tpu.memref_slice %arg5[%arg0, %mul3A_2, %dma_wait3A_28] : memref<2x10112x40xf32, #tpu.memory_space<hbm>> -> memref<1x632x40xf32, #tpu.memory_space<hbm>>
      %dma_wait3A_30 = tpu.memref_squeeze %dma_wait3A_29 : memref<1x632x40xf32, #tpu.memory_space<hbm>> -> memref<632x40xf32, #tpu.memory_space<hbm>>
      %dma_wait3A_31 = arith.constant 0 : i32
      %dma_wait3A_32 = tpu.memref_slice %arg6[%mul3A_2, %dma_wait3A_31] : memref<10112x40xf32, #tpu.memory_space<vmem_shared>> -> memref<632x40xf32, #tpu.memory_space<vmem_shared>>
      tpu.wait_dma2 semaphore(%run_scoped3A : memref<!tpu.dma_semaphore, #tpu.memory_space<semaphore_mem>>) src(%dma_wait3A_32 : memref<632x40xf32, #tpu.memory_space<vmem_shared>>) dst(%dma_wait3A_30 : memref<632x40xf32, #tpu.memory_space<hbm>>)
      tpu.yield
    }) : () -> ()
    return
  }
}

#map = affine_map<(d0, d1) -> (0, 0)>
#map1 = affine_map<(d0, d1) -> (0, 0, 0)>
module attributes {stable_mosaic.version = 14 : i64} {
  func.func @edge_kernel(%arg0: i32, %arg1: i32, %arg2: memref<10112x40xf32, #tpu.memory_space<hbm>>, %arg3: memref<32x79x128xi32, #tpu.memory_space<hbm>>, %arg4: memref<32x79x128xi32, #tpu.memory_space<hbm>>, %arg5: memref<2x10112x40xf32, #tpu.memory_space<hbm>>, %arg6: memref<10112x40xf32, #tpu.memory_space<vmem_shared>>, %arg7: memref<10112x40xf32, #tpu.memory_space<vmem_shared>>, %arg8: memref<79x128xi32, #tpu.memory_space<vmem>>, %arg9: memref<79x128xi32, #tpu.memory_space<vmem>>, %arg10: memref<128x40xf32, #tpu.memory_space<vmem>>, %arg11: memref<!tpu.dma_semaphore, #tpu.memory_space<semaphore_mem>>, %arg12: memref<!tpu.dma_semaphore, #tpu.memory_space<semaphore_mem>>, %arg13: memref<!tpu.dma_semaphore, #tpu.memory_space<semaphore_mem>>) attributes {dimension_semantics = [#tpu.dimension_semantics<core_parallel>, #tpu.dimension_semantics<subcore_parallel>], iteration_bounds = array<i64: 2, 16>, scalar_prefetch = 0 : i64, scratch_operands = 8 : i64, tpu.core_type = #tpu.core_type<sc_vector_subcore>, window_params = [{transform_indices = #map}, {transform_indices = #map1}, {transform_indices = #map1}, {transform_indices = #map1}]} {
    %mul3A = arith.constant 16 : i32
    %mul3A_0 = arith.muli %arg0, %mul3A : i32
    %add3A = arith.addi %mul3A_0, %arg1 : i32
    %mul3A_1 = arith.constant 632 : i32
    %mul3A_2 = arith.muli %arg1, %mul3A_1 : i32
    %dma_start3A = arith.constant 0 : i32
    %dma_start3A_3 = tpu.memref_slice %arg6[%mul3A_2, %dma_start3A] : memref<10112x40xf32, #tpu.memory_space<vmem_shared>> -> memref<632x40xf32, #tpu.memory_space<vmem_shared>>
    %dma_start3A_4 = arith.constant 0 : i32
    %dma_start3A_5 = tpu.memref_slice %arg2[%mul3A_2, %dma_start3A_4] : memref<10112x40xf32, #tpu.memory_space<hbm>> -> memref<632x40xf32, #tpu.memory_space<hbm>>
    tpu.enqueue_dma source(%dma_start3A_5 : memref<632x40xf32, #tpu.memory_space<hbm>>) target(%dma_start3A_3 : memref<632x40xf32, #tpu.memory_space<vmem_shared>>) target_semaphore(%arg12 : memref<!tpu.dma_semaphore, #tpu.memory_space<semaphore_mem>>)
    %dma_start3A_6 = arith.constant 0 : i32
    %dma_start3A_7 = tpu.memref_slice %arg7[%mul3A_2, %dma_start3A_6] : memref<10112x40xf32, #tpu.memory_space<vmem_shared>> -> memref<632x40xf32, #tpu.memory_space<vmem_shared>>
    %dma_start3A_8 = arith.constant 0 : i32
    %dma_start3A_9 = tpu.memref_slice %arg2[%mul3A_2, %dma_start3A_8] : memref<10112x40xf32, #tpu.memory_space<hbm>> -> memref<632x40xf32, #tpu.memory_space<hbm>>
    tpu.enqueue_dma source(%dma_start3A_9 : memref<632x40xf32, #tpu.memory_space<hbm>>) target(%dma_start3A_7 : memref<632x40xf32, #tpu.memory_space<vmem_shared>>) target_semaphore(%arg13 : memref<!tpu.dma_semaphore, #tpu.memory_space<semaphore_mem>>)
    "tpu.region"() ({
      %run_scoped3A = tpu.sem_alloc : memref<!tpu.dma_semaphore, #tpu.memory_space<semaphore_mem>>
      %dma_start3A_23 = arith.constant 0 : i32
      %dma_start3A_24 = arith.constant 0 : i32
      %dma_start3A_25 = tpu.memref_slice %arg3[%add3A, %dma_start3A_23, %dma_start3A_24] : memref<32x79x128xi32, #tpu.memory_space<hbm>> -> memref<1x79x128xi32, #tpu.memory_space<hbm>>
      %dma_start3A_26 = tpu.memref_squeeze %dma_start3A_25 : memref<1x79x128xi32, #tpu.memory_space<hbm>> -> memref<79x128xi32, #tpu.memory_space<hbm>>
      %dma_start3A_27 = arith.constant 0 : i32
      %dma_start3A_28 = arith.constant 0 : i32
      %dma_start3A_29 = tpu.memref_slice %arg3[%add3A, %dma_start3A_27, %dma_start3A_28] : memref<32x79x128xi32, #tpu.memory_space<hbm>> -> memref<1x79x128xi32, #tpu.memory_space<hbm>>
      %dma_start3A_30 = tpu.memref_squeeze %dma_start3A_29 : memref<1x79x128xi32, #tpu.memory_space<hbm>> -> memref<79x128xi32, #tpu.memory_space<hbm>>
      tpu.enqueue_dma source(%dma_start3A_30 : memref<79x128xi32, #tpu.memory_space<hbm>>) target(%arg8 : memref<79x128xi32, #tpu.memory_space<vmem>>) target_semaphore(%run_scoped3A : memref<!tpu.dma_semaphore, #tpu.memory_space<semaphore_mem>>)
      %dma_wait3A_31 = arith.constant 0 : i32
      %dma_wait3A_32 = arith.constant 0 : i32
      %dma_wait3A_33 = tpu.memref_slice %arg3[%add3A, %dma_wait3A_31, %dma_wait3A_32] : memref<32x79x128xi32, #tpu.memory_space<hbm>> -> memref<1x79x128xi32, #tpu.memory_space<hbm>>
      %dma_wait3A_34 = tpu.memref_squeeze %dma_wait3A_33 : memref<1x79x128xi32, #tpu.memory_space<hbm>> -> memref<79x128xi32, #tpu.memory_space<hbm>>
      %dma_wait3A_35 = arith.constant 0 : i32
      %dma_wait3A_36 = arith.constant 0 : i32
      %dma_wait3A_37 = tpu.memref_slice %arg3[%add3A, %dma_wait3A_35, %dma_wait3A_36] : memref<32x79x128xi32, #tpu.memory_space<hbm>> -> memref<1x79x128xi32, #tpu.memory_space<hbm>>
      %dma_wait3A_38 = tpu.memref_squeeze %dma_wait3A_37 : memref<1x79x128xi32, #tpu.memory_space<hbm>> -> memref<79x128xi32, #tpu.memory_space<hbm>>
      tpu.wait_dma2 semaphore(%run_scoped3A : memref<!tpu.dma_semaphore, #tpu.memory_space<semaphore_mem>>) src(%dma_wait3A_38 : memref<79x128xi32, #tpu.memory_space<hbm>>) dst(%arg8 : memref<79x128xi32, #tpu.memory_space<vmem>>)
      tpu.yield
    }) : () -> ()
    "tpu.region"() ({
      %run_scoped3A = tpu.sem_alloc : memref<!tpu.dma_semaphore, #tpu.memory_space<semaphore_mem>>
      %dma_start3A_23 = arith.constant 0 : i32
      %dma_start3A_24 = arith.constant 0 : i32
      %dma_start3A_25 = tpu.memref_slice %arg4[%add3A, %dma_start3A_23, %dma_start3A_24] : memref<32x79x128xi32, #tpu.memory_space<hbm>> -> memref<1x79x128xi32, #tpu.memory_space<hbm>>
      %dma_start3A_26 = tpu.memref_squeeze %dma_start3A_25 : memref<1x79x128xi32, #tpu.memory_space<hbm>> -> memref<79x128xi32, #tpu.memory_space<hbm>>
      %dma_start3A_27 = arith.constant 0 : i32
      %dma_start3A_28 = arith.constant 0 : i32
      %dma_start3A_29 = tpu.memref_slice %arg4[%add3A, %dma_start3A_27, %dma_start3A_28] : memref<32x79x128xi32, #tpu.memory_space<hbm>> -> memref<1x79x128xi32, #tpu.memory_space<hbm>>
      %dma_start3A_30 = tpu.memref_squeeze %dma_start3A_29 : memref<1x79x128xi32, #tpu.memory_space<hbm>> -> memref<79x128xi32, #tpu.memory_space<hbm>>
      tpu.enqueue_dma source(%dma_start3A_30 : memref<79x128xi32, #tpu.memory_space<hbm>>) target(%arg9 : memref<79x128xi32, #tpu.memory_space<vmem>>) target_semaphore(%run_scoped3A : memref<!tpu.dma_semaphore, #tpu.memory_space<semaphore_mem>>)
      %dma_wait3A_31 = arith.constant 0 : i32
      %dma_wait3A_32 = arith.constant 0 : i32
      %dma_wait3A_33 = tpu.memref_slice %arg4[%add3A, %dma_wait3A_31, %dma_wait3A_32] : memref<32x79x128xi32, #tpu.memory_space<hbm>> -> memref<1x79x128xi32, #tpu.memory_space<hbm>>
      %dma_wait3A_34 = tpu.memref_squeeze %dma_wait3A_33 : memref<1x79x128xi32, #tpu.memory_space<hbm>> -> memref<79x128xi32, #tpu.memory_space<hbm>>
      %dma_wait3A_35 = arith.constant 0 : i32
      %dma_wait3A_36 = arith.constant 0 : i32
      %dma_wait3A_37 = tpu.memref_slice %arg4[%add3A, %dma_wait3A_35, %dma_wait3A_36] : memref<32x79x128xi32, #tpu.memory_space<hbm>> -> memref<1x79x128xi32, #tpu.memory_space<hbm>>
      %dma_wait3A_38 = tpu.memref_squeeze %dma_wait3A_37 : memref<1x79x128xi32, #tpu.memory_space<hbm>> -> memref<79x128xi32, #tpu.memory_space<hbm>>
      tpu.wait_dma2 semaphore(%run_scoped3A : memref<!tpu.dma_semaphore, #tpu.memory_space<semaphore_mem>>) src(%dma_wait3A_38 : memref<79x128xi32, #tpu.memory_space<hbm>>) dst(%arg9 : memref<79x128xi32, #tpu.memory_space<vmem>>)
      tpu.yield
    }) : () -> ()
    %dma_wait3A = arith.constant 0 : i32
    %dma_wait3A_10 = tpu.memref_slice %arg6[%mul3A_2, %dma_wait3A] : memref<10112x40xf32, #tpu.memory_space<vmem_shared>> -> memref<632x40xf32, #tpu.memory_space<vmem_shared>>
    %dma_wait3A_11 = arith.constant 0 : i32
    %dma_wait3A_12 = tpu.memref_slice %arg2[%mul3A_2, %dma_wait3A_11] : memref<10112x40xf32, #tpu.memory_space<hbm>> -> memref<632x40xf32, #tpu.memory_space<hbm>>
    tpu.wait_dma2 semaphore(%arg12 : memref<!tpu.dma_semaphore, #tpu.memory_space<semaphore_mem>>) src(%dma_wait3A_12 : memref<632x40xf32, #tpu.memory_space<hbm>>) dst(%dma_wait3A_10 : memref<632x40xf32, #tpu.memory_space<vmem_shared>>)
    %dma_wait3A_13 = arith.constant 0 : i32
    %dma_wait3A_14 = tpu.memref_slice %arg7[%mul3A_2, %dma_wait3A_13] : memref<10112x40xf32, #tpu.memory_space<vmem_shared>> -> memref<632x40xf32, #tpu.memory_space<vmem_shared>>
    %dma_wait3A_15 = arith.constant 0 : i32
    %dma_wait3A_16 = tpu.memref_slice %arg2[%mul3A_2, %dma_wait3A_15] : memref<10112x40xf32, #tpu.memory_space<hbm>> -> memref<632x40xf32, #tpu.memory_space<hbm>>
    tpu.wait_dma2 semaphore(%arg13 : memref<!tpu.dma_semaphore, #tpu.memory_space<semaphore_mem>>) src(%dma_wait3A_16 : memref<632x40xf32, #tpu.memory_space<hbm>>) dst(%dma_wait3A_14 : memref<632x40xf32, #tpu.memory_space<vmem_shared>>)
    %barrier3A = arith.constant 0 : index
    tpu.barrier barrier_id(%barrier3A)
    %scan3A = arith.constant 0 : i32
    %scan3A_17 = arith.constant 0 : i32
    %scan3A_18 = arith.constant 79 : i32
    %scan3A_19 = arith.addi %scan3A_17, %scan3A_18 : i32
    %scan3A_20 = arith.constant 1 : i32
    scf.for %scan3A_23 = %scan3A_17 to %scan3A_19 step %scan3A_20  : i32 {
      %dma_start3A_24 = arith.constant 0 : i32
      %dma_start3A_25 = tpu.memref_slice %arg8[%scan3A_23, %dma_start3A_24] : memref<79x128xi32, #tpu.memory_space<vmem>> -> memref<1x128xi32, #tpu.memory_space<vmem>>
      %dma_start3A_26 = tpu.memref_squeeze %dma_start3A_25 : memref<1x128xi32, #tpu.memory_space<vmem>> -> memref<128xi32, #tpu.memory_space<vmem>>
      %dma_start3A_27 = arith.constant 0 : i32
      %dma_start3A_28 = arith.constant 0 : i32
      %dma_start3A_29 = tpu.memref_slice %arg7[%dma_start3A_27, %dma_start3A_28] : memref<10112x40xf32, #tpu.memory_space<vmem_shared>> -> memref<10112x40xf32, #tpu.memory_space<vmem_shared>>
      tpu.enqueue_indirect_dma source(%dma_start3A_29 : memref<10112x40xf32, #tpu.memory_space<vmem_shared>>) target(%arg10 : memref<128x40xf32, #tpu.memory_space<vmem>>) offsets(%dma_start3A_26 : memref<128xi32, #tpu.memory_space<vmem>>) semaphore(%arg11 : memref<!tpu.dma_semaphore, #tpu.memory_space<semaphore_mem>>)
      %dma_wait3A_30 = arith.constant 0 : i32
      %dma_wait3A_31 = tpu.memref_slice %arg8[%scan3A_23, %dma_wait3A_30] : memref<79x128xi32, #tpu.memory_space<vmem>> -> memref<1x128xi32, #tpu.memory_space<vmem>>
      %dma_wait3A_32 = tpu.memref_squeeze %dma_wait3A_31 : memref<1x128xi32, #tpu.memory_space<vmem>> -> memref<128xi32, #tpu.memory_space<vmem>>
      %dma_wait3A_33 = arith.constant 0 : i32
      %dma_wait3A_34 = arith.constant 0 : i32
      %dma_wait3A_35 = tpu.memref_slice %arg7[%dma_wait3A_33, %dma_wait3A_34] : memref<10112x40xf32, #tpu.memory_space<vmem_shared>> -> memref<10112x40xf32, #tpu.memory_space<vmem_shared>>
      tpu.wait_indirect_dma semaphore(%arg11 : memref<!tpu.dma_semaphore, #tpu.memory_space<semaphore_mem>>) src(%dma_wait3A_35 : memref<10112x40xf32, #tpu.memory_space<vmem_shared>>) dst(%arg10 : memref<128x40xf32, #tpu.memory_space<vmem>>)
      "tpu.region"() ({
        %run_scoped3A = tpu.sem_alloc : memref<!tpu.dma_semaphore, #tpu.memory_space<semaphore_mem>>
        %dma_start3A_36 = arith.constant 0 : i32
        %dma_start3A_37 = tpu.memref_slice %arg9[%scan3A_23, %dma_start3A_36] : memref<79x128xi32, #tpu.memory_space<vmem>> -> memref<1x128xi32, #tpu.memory_space<vmem>>
        %dma_start3A_38 = tpu.memref_squeeze %dma_start3A_37 : memref<1x128xi32, #tpu.memory_space<vmem>> -> memref<128xi32, #tpu.memory_space<vmem>>
        %dma_start3A_39 = arith.constant 0 : i32
        %dma_start3A_40 = arith.constant 0 : i32
        %dma_start3A_41 = tpu.memref_slice %arg6[%dma_start3A_39, %dma_start3A_40] : memref<10112x40xf32, #tpu.memory_space<vmem_shared>> -> memref<10112x40xf32, #tpu.memory_space<vmem_shared>>
        tpu.enqueue_indirect_dma source(%arg10 : memref<128x40xf32, #tpu.memory_space<vmem>>) target(%dma_start3A_41 : memref<10112x40xf32, #tpu.memory_space<vmem_shared>>) offsets(%dma_start3A_38 : memref<128xi32, #tpu.memory_space<vmem>>) semaphore(%run_scoped3A : memref<!tpu.dma_semaphore, #tpu.memory_space<semaphore_mem>>) {add = true}
        %dma_wait3A_42 = arith.constant 0 : i32
        %dma_wait3A_43 = tpu.memref_slice %arg9[%scan3A_23, %dma_wait3A_42] : memref<79x128xi32, #tpu.memory_space<vmem>> -> memref<1x128xi32, #tpu.memory_space<vmem>>
        %dma_wait3A_44 = tpu.memref_squeeze %dma_wait3A_43 : memref<1x128xi32, #tpu.memory_space<vmem>> -> memref<128xi32, #tpu.memory_space<vmem>>
        %dma_wait3A_45 = arith.constant 0 : i32
        %dma_wait3A_46 = arith.constant 0 : i32
        %dma_wait3A_47 = tpu.memref_slice %arg6[%dma_wait3A_45, %dma_wait3A_46] : memref<10112x40xf32, #tpu.memory_space<vmem_shared>> -> memref<10112x40xf32, #tpu.memory_space<vmem_shared>>
        tpu.wait_indirect_dma semaphore(%run_scoped3A : memref<!tpu.dma_semaphore, #tpu.memory_space<semaphore_mem>>) src(%arg10 : memref<128x40xf32, #tpu.memory_space<vmem>>) dst(%dma_wait3A_47 : memref<10112x40xf32, #tpu.memory_space<vmem_shared>>)
        tpu.yield
      }) : () -> ()
    }
    %scan3A_21 = arith.constant 79 : i32
    %barrier3A_22 = arith.constant 0 : index
    tpu.barrier barrier_id(%barrier3A_22)
    "tpu.region"() ({
      %run_scoped3A = tpu.sem_alloc : memref<!tpu.dma_semaphore, #tpu.memory_space<semaphore_mem>>
      %dma_start3A_23 = arith.constant 0 : i32
      %dma_start3A_24 = tpu.memref_slice %arg5[%arg0, %mul3A_2, %dma_start3A_23] : memref<2x10112x40xf32, #tpu.memory_space<hbm>> -> memref<1x632x40xf32, #tpu.memory_space<hbm>>
      %dma_start3A_25 = tpu.memref_squeeze %dma_start3A_24 : memref<1x632x40xf32, #tpu.memory_space<hbm>> -> memref<632x40xf32, #tpu.memory_space<hbm>>
      %dma_start3A_26 = arith.constant 0 : i32
      %dma_start3A_27 = tpu.memref_slice %arg6[%mul3A_2, %dma_start3A_26] : memref<10112x40xf32, #tpu.memory_space<vmem_shared>> -> memref<632x40xf32, #tpu.memory_space<vmem_shared>>
      tpu.enqueue_dma source(%dma_start3A_27 : memref<632x40xf32, #tpu.memory_space<vmem_shared>>) target(%dma_start3A_25 : memref<632x40xf32, #tpu.memory_space<hbm>>) target_semaphore(%run_scoped3A : memref<!tpu.dma_semaphore, #tpu.memory_space<semaphore_mem>>)
      %dma_wait3A_28 = arith.constant 0 : i32
      %dma_wait3A_29 = tpu.memref_slice %arg5[%arg0, %mul3A_2, %dma_wait3A_28] : memref<2x10112x40xf32, #tpu.memory_space<hbm>> -> memref<1x632x40xf32, #tpu.memory_space<hbm>>
      %dma_wait3A_30 = tpu.memref_squeeze %dma_wait3A_29 : memref<1x632x40xf32, #tpu.memory_space<hbm>> -> memref<632x40xf32, #tpu.memory_space<hbm>>
      %dma_wait3A_31 = arith.constant 0 : i32
      %dma_wait3A_32 = tpu.memref_slice %arg6[%mul3A_2, %dma_wait3A_31] : memref<10112x40xf32, #tpu.memory_space<vmem_shared>> -> memref<632x40xf32, #tpu.memory_space<vmem_shared>>
      tpu.wait_dma2 semaphore(%run_scoped3A : memref<!tpu.dma_semaphore, #tpu.memory_space<semaphore_mem>>) src(%dma_wait3A_32 : memref<632x40xf32, #tpu.memory_space<vmem_shared>>) dst(%dma_wait3A_30 : memref<632x40xf32, #tpu.memory_space<hbm>>)
      tpu.yield
    }) : () -> ()
    return
  }
}

#map = affine_map<(d0, d1) -> (0, 0)>
#map1 = affine_map<(d0, d1) -> (0, 0, 0)>
module attributes {stable_mosaic.version = 14 : i64} {
  func.func @edge_kernel(%arg0: i32, %arg1: i32, %arg2: memref<10112x40xf32, #tpu.memory_space<hbm>>, %arg3: memref<32x79x128xi32, #tpu.memory_space<hbm>>, %arg4: memref<32x79x128xi32, #tpu.memory_space<hbm>>, %arg5: memref<2x10112x40xf32, #tpu.memory_space<hbm>>, %arg6: memref<10112x40xf32, #tpu.memory_space<vmem_shared>>, %arg7: memref<10112x40xf32, #tpu.memory_space<vmem_shared>>, %arg8: memref<79x128xi32, #tpu.memory_space<vmem>>, %arg9: memref<79x128xi32, #tpu.memory_space<vmem>>, %arg10: memref<128x40xf32, #tpu.memory_space<vmem>>, %arg11: memref<!tpu.dma_semaphore, #tpu.memory_space<semaphore_mem>>, %arg12: memref<!tpu.dma_semaphore, #tpu.memory_space<semaphore_mem>>, %arg13: memref<!tpu.dma_semaphore, #tpu.memory_space<semaphore_mem>>) attributes {dimension_semantics = [#tpu.dimension_semantics<core_parallel>, #tpu.dimension_semantics<subcore_parallel>], iteration_bounds = array<i64: 2, 16>, scalar_prefetch = 0 : i64, scratch_operands = 8 : i64, tpu.core_type = #tpu.core_type<sc_vector_subcore>, window_params = [{transform_indices = #map}, {transform_indices = #map1}, {transform_indices = #map1}, {transform_indices = #map1}]} {
    %mul3A = arith.constant 16 : i32
    %mul3A_0 = arith.muli %arg0, %mul3A : i32
    %add3A = arith.addi %mul3A_0, %arg1 : i32
    %mul3A_1 = arith.constant 632 : i32
    %mul3A_2 = arith.muli %arg1, %mul3A_1 : i32
    %dma_start3A = arith.constant 0 : i32
    %dma_start3A_3 = tpu.memref_slice %arg6[%mul3A_2, %dma_start3A] : memref<10112x40xf32, #tpu.memory_space<vmem_shared>> -> memref<632x40xf32, #tpu.memory_space<vmem_shared>>
    %dma_start3A_4 = arith.constant 0 : i32
    %dma_start3A_5 = tpu.memref_slice %arg2[%mul3A_2, %dma_start3A_4] : memref<10112x40xf32, #tpu.memory_space<hbm>> -> memref<632x40xf32, #tpu.memory_space<hbm>>
    tpu.enqueue_dma source(%dma_start3A_5 : memref<632x40xf32, #tpu.memory_space<hbm>>) target(%dma_start3A_3 : memref<632x40xf32, #tpu.memory_space<vmem_shared>>) target_semaphore(%arg12 : memref<!tpu.dma_semaphore, #tpu.memory_space<semaphore_mem>>)
    %dma_start3A_6 = arith.constant 0 : i32
    %dma_start3A_7 = tpu.memref_slice %arg7[%mul3A_2, %dma_start3A_6] : memref<10112x40xf32, #tpu.memory_space<vmem_shared>> -> memref<632x40xf32, #tpu.memory_space<vmem_shared>>
    %dma_start3A_8 = arith.constant 0 : i32
    %dma_start3A_9 = tpu.memref_slice %arg2[%mul3A_2, %dma_start3A_8] : memref<10112x40xf32, #tpu.memory_space<hbm>> -> memref<632x40xf32, #tpu.memory_space<hbm>>
    tpu.enqueue_dma source(%dma_start3A_9 : memref<632x40xf32, #tpu.memory_space<hbm>>) target(%dma_start3A_7 : memref<632x40xf32, #tpu.memory_space<vmem_shared>>) target_semaphore(%arg13 : memref<!tpu.dma_semaphore, #tpu.memory_space<semaphore_mem>>)
    "tpu.region"() ({
      %run_scoped3A = tpu.sem_alloc : memref<!tpu.dma_semaphore, #tpu.memory_space<semaphore_mem>>
      %dma_start3A_23 = arith.constant 0 : i32
      %dma_start3A_24 = arith.constant 0 : i32
      %dma_start3A_25 = tpu.memref_slice %arg3[%add3A, %dma_start3A_23, %dma_start3A_24] : memref<32x79x128xi32, #tpu.memory_space<hbm>> -> memref<1x79x128xi32, #tpu.memory_space<hbm>>
      %dma_start3A_26 = tpu.memref_squeeze %dma_start3A_25 : memref<1x79x128xi32, #tpu.memory_space<hbm>> -> memref<79x128xi32, #tpu.memory_space<hbm>>
      %dma_start3A_27 = arith.constant 0 : i32
      %dma_start3A_28 = arith.constant 0 : i32
      %dma_start3A_29 = tpu.memref_slice %arg3[%add3A, %dma_start3A_27, %dma_start3A_28] : memref<32x79x128xi32, #tpu.memory_space<hbm>> -> memref<1x79x128xi32, #tpu.memory_space<hbm>>
      %dma_start3A_30 = tpu.memref_squeeze %dma_start3A_29 : memref<1x79x128xi32, #tpu.memory_space<hbm>> -> memref<79x128xi32, #tpu.memory_space<hbm>>
      tpu.enqueue_dma source(%dma_start3A_30 : memref<79x128xi32, #tpu.memory_space<hbm>>) target(%arg8 : memref<79x128xi32, #tpu.memory_space<vmem>>) target_semaphore(%run_scoped3A : memref<!tpu.dma_semaphore, #tpu.memory_space<semaphore_mem>>)
      %dma_wait3A_31 = arith.constant 0 : i32
      %dma_wait3A_32 = arith.constant 0 : i32
      %dma_wait3A_33 = tpu.memref_slice %arg3[%add3A, %dma_wait3A_31, %dma_wait3A_32] : memref<32x79x128xi32, #tpu.memory_space<hbm>> -> memref<1x79x128xi32, #tpu.memory_space<hbm>>
      %dma_wait3A_34 = tpu.memref_squeeze %dma_wait3A_33 : memref<1x79x128xi32, #tpu.memory_space<hbm>> -> memref<79x128xi32, #tpu.memory_space<hbm>>
      %dma_wait3A_35 = arith.constant 0 : i32
      %dma_wait3A_36 = arith.constant 0 : i32
      %dma_wait3A_37 = tpu.memref_slice %arg3[%add3A, %dma_wait3A_35, %dma_wait3A_36] : memref<32x79x128xi32, #tpu.memory_space<hbm>> -> memref<1x79x128xi32, #tpu.memory_space<hbm>>
      %dma_wait3A_38 = tpu.memref_squeeze %dma_wait3A_37 : memref<1x79x128xi32, #tpu.memory_space<hbm>> -> memref<79x128xi32, #tpu.memory_space<hbm>>
      tpu.wait_dma2 semaphore(%run_scoped3A : memref<!tpu.dma_semaphore, #tpu.memory_space<semaphore_mem>>) src(%dma_wait3A_38 : memref<79x128xi32, #tpu.memory_space<hbm>>) dst(%arg8 : memref<79x128xi32, #tpu.memory_space<vmem>>)
      tpu.yield
    }) : () -> ()
    "tpu.region"() ({
      %run_scoped3A = tpu.sem_alloc : memref<!tpu.dma_semaphore, #tpu.memory_space<semaphore_mem>>
      %dma_start3A_23 = arith.constant 0 : i32
      %dma_start3A_24 = arith.constant 0 : i32
      %dma_start3A_25 = tpu.memref_slice %arg4[%add3A, %dma_start3A_23, %dma_start3A_24] : memref<32x79x128xi32, #tpu.memory_space<hbm>> -> memref<1x79x128xi32, #tpu.memory_space<hbm>>
      %dma_start3A_26 = tpu.memref_squeeze %dma_start3A_25 : memref<1x79x128xi32, #tpu.memory_space<hbm>> -> memref<79x128xi32, #tpu.memory_space<hbm>>
      %dma_start3A_27 = arith.constant 0 : i32
      %dma_start3A_28 = arith.constant 0 : i32
      %dma_start3A_29 = tpu.memref_slice %arg4[%add3A, %dma_start3A_27, %dma_start3A_28] : memref<32x79x128xi32, #tpu.memory_space<hbm>> -> memref<1x79x128xi32, #tpu.memory_space<hbm>>
      %dma_start3A_30 = tpu.memref_squeeze %dma_start3A_29 : memref<1x79x128xi32, #tpu.memory_space<hbm>> -> memref<79x128xi32, #tpu.memory_space<hbm>>
      tpu.enqueue_dma source(%dma_start3A_30 : memref<79x128xi32, #tpu.memory_space<hbm>>) target(%arg9 : memref<79x128xi32, #tpu.memory_space<vmem>>) target_semaphore(%run_scoped3A : memref<!tpu.dma_semaphore, #tpu.memory_space<semaphore_mem>>)
      %dma_wait3A_31 = arith.constant 0 : i32
      %dma_wait3A_32 = arith.constant 0 : i32
      %dma_wait3A_33 = tpu.memref_slice %arg4[%add3A, %dma_wait3A_31, %dma_wait3A_32] : memref<32x79x128xi32, #tpu.memory_space<hbm>> -> memref<1x79x128xi32, #tpu.memory_space<hbm>>
      %dma_wait3A_34 = tpu.memref_squeeze %dma_wait3A_33 : memref<1x79x128xi32, #tpu.memory_space<hbm>> -> memref<79x128xi32, #tpu.memory_space<hbm>>
      %dma_wait3A_35 = arith.constant 0 : i32
      %dma_wait3A_36 = arith.constant 0 : i32
      %dma_wait3A_37 = tpu.memref_slice %arg4[%add3A, %dma_wait3A_35, %dma_wait3A_36] : memref<32x79x128xi32, #tpu.memory_space<hbm>> -> memref<1x79x128xi32, #tpu.memory_space<hbm>>
      %dma_wait3A_38 = tpu.memref_squeeze %dma_wait3A_37 : memref<1x79x128xi32, #tpu.memory_space<hbm>> -> memref<79x128xi32, #tpu.memory_space<hbm>>
      tpu.wait_dma2 semaphore(%run_scoped3A : memref<!tpu.dma_semaphore, #tpu.memory_space<semaphore_mem>>) src(%dma_wait3A_38 : memref<79x128xi32, #tpu.memory_space<hbm>>) dst(%arg9 : memref<79x128xi32, #tpu.memory_space<vmem>>)
      tpu.yield
    }) : () -> ()
    %dma_wait3A = arith.constant 0 : i32
    %dma_wait3A_10 = tpu.memref_slice %arg6[%mul3A_2, %dma_wait3A] : memref<10112x40xf32, #tpu.memory_space<vmem_shared>> -> memref<632x40xf32, #tpu.memory_space<vmem_shared>>
    %dma_wait3A_11 = arith.constant 0 : i32
    %dma_wait3A_12 = tpu.memref_slice %arg2[%mul3A_2, %dma_wait3A_11] : memref<10112x40xf32, #tpu.memory_space<hbm>> -> memref<632x40xf32, #tpu.memory_space<hbm>>
    tpu.wait_dma2 semaphore(%arg12 : memref<!tpu.dma_semaphore, #tpu.memory_space<semaphore_mem>>) src(%dma_wait3A_12 : memref<632x40xf32, #tpu.memory_space<hbm>>) dst(%dma_wait3A_10 : memref<632x40xf32, #tpu.memory_space<vmem_shared>>)
    %dma_wait3A_13 = arith.constant 0 : i32
    %dma_wait3A_14 = tpu.memref_slice %arg7[%mul3A_2, %dma_wait3A_13] : memref<10112x40xf32, #tpu.memory_space<vmem_shared>> -> memref<632x40xf32, #tpu.memory_space<vmem_shared>>
    %dma_wait3A_15 = arith.constant 0 : i32
    %dma_wait3A_16 = tpu.memref_slice %arg2[%mul3A_2, %dma_wait3A_15] : memref<10112x40xf32, #tpu.memory_space<hbm>> -> memref<632x40xf32, #tpu.memory_space<hbm>>
    tpu.wait_dma2 semaphore(%arg13 : memref<!tpu.dma_semaphore, #tpu.memory_space<semaphore_mem>>) src(%dma_wait3A_16 : memref<632x40xf32, #tpu.memory_space<hbm>>) dst(%dma_wait3A_14 : memref<632x40xf32, #tpu.memory_space<vmem_shared>>)
    %barrier3A = arith.constant 0 : index
    tpu.barrier barrier_id(%barrier3A)
    %scan3A = arith.constant 0 : i32
    %scan3A_17 = arith.constant 0 : i32
    %scan3A_18 = arith.constant 79 : i32
    %scan3A_19 = arith.addi %scan3A_17, %scan3A_18 : i32
    %scan3A_20 = arith.constant 1 : i32
    scf.for %scan3A_23 = %scan3A_17 to %scan3A_19 step %scan3A_20  : i32 {
      %dma_start3A_24 = arith.constant 0 : i32
      %dma_start3A_25 = tpu.memref_slice %arg8[%scan3A_23, %dma_start3A_24] : memref<79x128xi32, #tpu.memory_space<vmem>> -> memref<1x128xi32, #tpu.memory_space<vmem>>
      %dma_start3A_26 = tpu.memref_squeeze %dma_start3A_25 : memref<1x128xi32, #tpu.memory_space<vmem>> -> memref<128xi32, #tpu.memory_space<vmem>>
      %dma_start3A_27 = arith.constant 0 : i32
      %dma_start3A_28 = arith.constant 0 : i32
      %dma_start3A_29 = tpu.memref_slice %arg7[%dma_start3A_27, %dma_start3A_28] : memref<10112x40xf32, #tpu.memory_space<vmem_shared>> -> memref<10112x40xf32, #tpu.memory_space<vmem_shared>>
      tpu.enqueue_indirect_dma source(%dma_start3A_29 : memref<10112x40xf32, #tpu.memory_space<vmem_shared>>) target(%arg10 : memref<128x40xf32, #tpu.memory_space<vmem>>) offsets(%dma_start3A_26 : memref<128xi32, #tpu.memory_space<vmem>>) semaphore(%arg11 : memref<!tpu.dma_semaphore, #tpu.memory_space<semaphore_mem>>)
      %dma_wait3A_30 = arith.constant 0 : i32
      %dma_wait3A_31 = tpu.memref_slice %arg8[%scan3A_23, %dma_wait3A_30] : memref<79x128xi32, #tpu.memory_space<vmem>> -> memref<1x128xi32, #tpu.memory_space<vmem>>
      %dma_wait3A_32 = tpu.memref_squeeze %dma_wait3A_31 : memref<1x128xi32, #tpu.memory_space<vmem>> -> memref<128xi32, #tpu.memory_space<vmem>>
      %dma_wait3A_33 = arith.constant 0 : i32
      %dma_wait3A_34 = arith.constant 0 : i32
      %dma_wait3A_35 = tpu.memref_slice %arg7[%dma_wait3A_33, %dma_wait3A_34] : memref<10112x40xf32, #tpu.memory_space<vmem_shared>> -> memref<10112x40xf32, #tpu.memory_space<vmem_shared>>
      tpu.wait_indirect_dma semaphore(%arg11 : memref<!tpu.dma_semaphore, #tpu.memory_space<semaphore_mem>>) src(%dma_wait3A_35 : memref<10112x40xf32, #tpu.memory_space<vmem_shared>>) dst(%arg10 : memref<128x40xf32, #tpu.memory_space<vmem>>)
      "tpu.region"() ({
        %run_scoped3A = tpu.sem_alloc : memref<!tpu.dma_semaphore, #tpu.memory_space<semaphore_mem>>
        %dma_start3A_36 = arith.constant 0 : i32
        %dma_start3A_37 = tpu.memref_slice %arg9[%scan3A_23, %dma_start3A_36] : memref<79x128xi32, #tpu.memory_space<vmem>> -> memref<1x128xi32, #tpu.memory_space<vmem>>
        %dma_start3A_38 = tpu.memref_squeeze %dma_start3A_37 : memref<1x128xi32, #tpu.memory_space<vmem>> -> memref<128xi32, #tpu.memory_space<vmem>>
        %dma_start3A_39 = arith.constant 0 : i32
        %dma_start3A_40 = arith.constant 0 : i32
        %dma_start3A_41 = tpu.memref_slice %arg6[%dma_start3A_39, %dma_start3A_40] : memref<10112x40xf32, #tpu.memory_space<vmem_shared>> -> memref<10112x40xf32, #tpu.memory_space<vmem_shared>>
        tpu.enqueue_indirect_dma source(%arg10 : memref<128x40xf32, #tpu.memory_space<vmem>>) target(%dma_start3A_41 : memref<10112x40xf32, #tpu.memory_space<vmem_shared>>) offsets(%dma_start3A_38 : memref<128xi32, #tpu.memory_space<vmem>>) semaphore(%run_scoped3A : memref<!tpu.dma_semaphore, #tpu.memory_space<semaphore_mem>>) {add = true}
        %dma_wait3A_42 = arith.constant 0 : i32
        %dma_wait3A_43 = tpu.memref_slice %arg9[%scan3A_23, %dma_wait3A_42] : memref<79x128xi32, #tpu.memory_space<vmem>> -> memref<1x128xi32, #tpu.memory_space<vmem>>
        %dma_wait3A_44 = tpu.memref_squeeze %dma_wait3A_43 : memref<1x128xi32, #tpu.memory_space<vmem>> -> memref<128xi32, #tpu.memory_space<vmem>>
        %dma_wait3A_45 = arith.constant 0 : i32
        %dma_wait3A_46 = arith.constant 0 : i32
        %dma_wait3A_47 = tpu.memref_slice %arg6[%dma_wait3A_45, %dma_wait3A_46] : memref<10112x40xf32, #tpu.memory_space<vmem_shared>> -> memref<10112x40xf32, #tpu.memory_space<vmem_shared>>
        tpu.wait_indirect_dma semaphore(%run_scoped3A : memref<!tpu.dma_semaphore, #tpu.memory_space<semaphore_mem>>) src(%arg10 : memref<128x40xf32, #tpu.memory_space<vmem>>) dst(%dma_wait3A_47 : memref<10112x40xf32, #tpu.memory_space<vmem_shared>>)
        tpu.yield
      }) : () -> ()
    }
    %scan3A_21 = arith.constant 79 : i32
    %barrier3A_22 = arith.constant 0 : index
    tpu.barrier barrier_id(%barrier3A_22)
    "tpu.region"() ({
      %run_scoped3A = tpu.sem_alloc : memref<!tpu.dma_semaphore, #tpu.memory_space<semaphore_mem>>
      %dma_start3A_23 = arith.constant 0 : i32
      %dma_start3A_24 = tpu.memref_slice %arg5[%arg0, %mul3A_2, %dma_start3A_23] : memref<2x10112x40xf32, #tpu.memory_space<hbm>> -> memref<1x632x40xf32, #tpu.memory_space<hbm>>
      %dma_start3A_25 = tpu.memref_squeeze %dma_start3A_24 : memref<1x632x40xf32, #tpu.memory_space<hbm>> -> memref<632x40xf32, #tpu.memory_space<hbm>>
      %dma_start3A_26 = arith.constant 0 : i32
      %dma_start3A_27 = tpu.memref_slice %arg6[%mul3A_2, %dma_start3A_26] : memref<10112x40xf32, #tpu.memory_space<vmem_shared>> -> memref<632x40xf32, #tpu.memory_space<vmem_shared>>
      tpu.enqueue_dma source(%dma_start3A_27 : memref<632x40xf32, #tpu.memory_space<vmem_shared>>) target(%dma_start3A_25 : memref<632x40xf32, #tpu.memory_space<hbm>>) target_semaphore(%run_scoped3A : memref<!tpu.dma_semaphore, #tpu.memory_space<semaphore_mem>>)
      %dma_wait3A_28 = arith.constant 0 : i32
      %dma_wait3A_29 = tpu.memref_slice %arg5[%arg0, %mul3A_2, %dma_wait3A_28] : memref<2x10112x40xf32, #tpu.memory_space<hbm>> -> memref<1x632x40xf32, #tpu.memory_space<hbm>>
      %dma_wait3A_30 = tpu.memref_squeeze %dma_wait3A_29 : memref<1x632x40xf32, #tpu.memory_space<hbm>> -> memref<632x40xf32, #tpu.memory_space<hbm>>
      %dma_wait3A_31 = arith.constant 0 : i32
      %dma_wait3A_32 = tpu.memref_slice %arg6[%mul3A_2, %dma_wait3A_31] : memref<10112x40xf32, #tpu.memory_space<vmem_shared>> -> memref<632x40xf32, #tpu.memory_space<vmem_shared>>
      tpu.wait_dma2 semaphore(%run_scoped3A : memref<!tpu.dma_semaphore, #tpu.memory_space<semaphore_mem>>) src(%dma_wait3A_32 : memref<632x40xf32, #tpu.memory_space<vmem_shared>>) dst(%dma_wait3A_30 : memref<632x40xf32, #tpu.memory_space<hbm>>)
      tpu.yield
    }) : () -> ()
    return
  }
}

#map = affine_map<(d0, d1) -> (0, 0)>
#map1 = affine_map<(d0, d1) -> (0, 0, 0)>
module attributes {stable_mosaic.version = 14 : i64} {
  func.func @edge_kernel(%arg0: i32, %arg1: i32, %arg2: memref<10112x40xf32, #tpu.memory_space<hbm>>, %arg3: memref<32x79x128xi32, #tpu.memory_space<hbm>>, %arg4: memref<32x79x128xi32, #tpu.memory_space<hbm>>, %arg5: memref<2x10112x40xf32, #tpu.memory_space<hbm>>, %arg6: memref<10112x40xf32, #tpu.memory_space<vmem_shared>>, %arg7: memref<10112x40xf32, #tpu.memory_space<vmem_shared>>, %arg8: memref<79x128xi32, #tpu.memory_space<vmem>>, %arg9: memref<79x128xi32, #tpu.memory_space<vmem>>, %arg10: memref<128x40xf32, #tpu.memory_space<vmem>>, %arg11: memref<!tpu.dma_semaphore, #tpu.memory_space<semaphore_mem>>, %arg12: memref<!tpu.dma_semaphore, #tpu.memory_space<semaphore_mem>>, %arg13: memref<!tpu.dma_semaphore, #tpu.memory_space<semaphore_mem>>) attributes {dimension_semantics = [#tpu.dimension_semantics<core_parallel>, #tpu.dimension_semantics<subcore_parallel>], iteration_bounds = array<i64: 2, 16>, scalar_prefetch = 0 : i64, scratch_operands = 8 : i64, tpu.core_type = #tpu.core_type<sc_vector_subcore>, window_params = [{transform_indices = #map}, {transform_indices = #map1}, {transform_indices = #map1}, {transform_indices = #map1}]} {
    %mul3A = arith.constant 16 : i32
    %mul3A_0 = arith.muli %arg0, %mul3A : i32
    %add3A = arith.addi %mul3A_0, %arg1 : i32
    %mul3A_1 = arith.constant 632 : i32
    %mul3A_2 = arith.muli %arg1, %mul3A_1 : i32
    %dma_start3A = arith.constant 0 : i32
    %dma_start3A_3 = tpu.memref_slice %arg6[%mul3A_2, %dma_start3A] : memref<10112x40xf32, #tpu.memory_space<vmem_shared>> -> memref<632x40xf32, #tpu.memory_space<vmem_shared>>
    %dma_start3A_4 = arith.constant 0 : i32
    %dma_start3A_5 = tpu.memref_slice %arg2[%mul3A_2, %dma_start3A_4] : memref<10112x40xf32, #tpu.memory_space<hbm>> -> memref<632x40xf32, #tpu.memory_space<hbm>>
    tpu.enqueue_dma source(%dma_start3A_5 : memref<632x40xf32, #tpu.memory_space<hbm>>) target(%dma_start3A_3 : memref<632x40xf32, #tpu.memory_space<vmem_shared>>) target_semaphore(%arg12 : memref<!tpu.dma_semaphore, #tpu.memory_space<semaphore_mem>>)
    %dma_start3A_6 = arith.constant 0 : i32
    %dma_start3A_7 = tpu.memref_slice %arg7[%mul3A_2, %dma_start3A_6] : memref<10112x40xf32, #tpu.memory_space<vmem_shared>> -> memref<632x40xf32, #tpu.memory_space<vmem_shared>>
    %dma_start3A_8 = arith.constant 0 : i32
    %dma_start3A_9 = tpu.memref_slice %arg2[%mul3A_2, %dma_start3A_8] : memref<10112x40xf32, #tpu.memory_space<hbm>> -> memref<632x40xf32, #tpu.memory_space<hbm>>
    tpu.enqueue_dma source(%dma_start3A_9 : memref<632x40xf32, #tpu.memory_space<hbm>>) target(%dma_start3A_7 : memref<632x40xf32, #tpu.memory_space<vmem_shared>>) target_semaphore(%arg13 : memref<!tpu.dma_semaphore, #tpu.memory_space<semaphore_mem>>)
    "tpu.region"() ({
      %run_scoped3A = tpu.sem_alloc : memref<!tpu.dma_semaphore, #tpu.memory_space<semaphore_mem>>
      %dma_start3A_23 = arith.constant 0 : i32
      %dma_start3A_24 = arith.constant 0 : i32
      %dma_start3A_25 = tpu.memref_slice %arg3[%add3A, %dma_start3A_23, %dma_start3A_24] : memref<32x79x128xi32, #tpu.memory_space<hbm>> -> memref<1x79x128xi32, #tpu.memory_space<hbm>>
      %dma_start3A_26 = tpu.memref_squeeze %dma_start3A_25 : memref<1x79x128xi32, #tpu.memory_space<hbm>> -> memref<79x128xi32, #tpu.memory_space<hbm>>
      %dma_start3A_27 = arith.constant 0 : i32
      %dma_start3A_28 = arith.constant 0 : i32
      %dma_start3A_29 = tpu.memref_slice %arg3[%add3A, %dma_start3A_27, %dma_start3A_28] : memref<32x79x128xi32, #tpu.memory_space<hbm>> -> memref<1x79x128xi32, #tpu.memory_space<hbm>>
      %dma_start3A_30 = tpu.memref_squeeze %dma_start3A_29 : memref<1x79x128xi32, #tpu.memory_space<hbm>> -> memref<79x128xi32, #tpu.memory_space<hbm>>
      tpu.enqueue_dma source(%dma_start3A_30 : memref<79x128xi32, #tpu.memory_space<hbm>>) target(%arg8 : memref<79x128xi32, #tpu.memory_space<vmem>>) target_semaphore(%run_scoped3A : memref<!tpu.dma_semaphore, #tpu.memory_space<semaphore_mem>>)
      %dma_wait3A_31 = arith.constant 0 : i32
      %dma_wait3A_32 = arith.constant 0 : i32
      %dma_wait3A_33 = tpu.memref_slice %arg3[%add3A, %dma_wait3A_31, %dma_wait3A_32] : memref<32x79x128xi32, #tpu.memory_space<hbm>> -> memref<1x79x128xi32, #tpu.memory_space<hbm>>
      %dma_wait3A_34 = tpu.memref_squeeze %dma_wait3A_33 : memref<1x79x128xi32, #tpu.memory_space<hbm>> -> memref<79x128xi32, #tpu.memory_space<hbm>>
      %dma_wait3A_35 = arith.constant 0 : i32
      %dma_wait3A_36 = arith.constant 0 : i32
      %dma_wait3A_37 = tpu.memref_slice %arg3[%add3A, %dma_wait3A_35, %dma_wait3A_36] : memref<32x79x128xi32, #tpu.memory_space<hbm>> -> memref<1x79x128xi32, #tpu.memory_space<hbm>>
      %dma_wait3A_38 = tpu.memref_squeeze %dma_wait3A_37 : memref<1x79x128xi32, #tpu.memory_space<hbm>> -> memref<79x128xi32, #tpu.memory_space<hbm>>
      tpu.wait_dma2 semaphore(%run_scoped3A : memref<!tpu.dma_semaphore, #tpu.memory_space<semaphore_mem>>) src(%dma_wait3A_38 : memref<79x128xi32, #tpu.memory_space<hbm>>) dst(%arg8 : memref<79x128xi32, #tpu.memory_space<vmem>>)
      tpu.yield
    }) : () -> ()
    "tpu.region"() ({
      %run_scoped3A = tpu.sem_alloc : memref<!tpu.dma_semaphore, #tpu.memory_space<semaphore_mem>>
      %dma_start3A_23 = arith.constant 0 : i32
      %dma_start3A_24 = arith.constant 0 : i32
      %dma_start3A_25 = tpu.memref_slice %arg4[%add3A, %dma_start3A_23, %dma_start3A_24] : memref<32x79x128xi32, #tpu.memory_space<hbm>> -> memref<1x79x128xi32, #tpu.memory_space<hbm>>
      %dma_start3A_26 = tpu.memref_squeeze %dma_start3A_25 : memref<1x79x128xi32, #tpu.memory_space<hbm>> -> memref<79x128xi32, #tpu.memory_space<hbm>>
      %dma_start3A_27 = arith.constant 0 : i32
      %dma_start3A_28 = arith.constant 0 : i32
      %dma_start3A_29 = tpu.memref_slice %arg4[%add3A, %dma_start3A_27, %dma_start3A_28] : memref<32x79x128xi32, #tpu.memory_space<hbm>> -> memref<1x79x128xi32, #tpu.memory_space<hbm>>
      %dma_start3A_30 = tpu.memref_squeeze %dma_start3A_29 : memref<1x79x128xi32, #tpu.memory_space<hbm>> -> memref<79x128xi32, #tpu.memory_space<hbm>>
      tpu.enqueue_dma source(%dma_start3A_30 : memref<79x128xi32, #tpu.memory_space<hbm>>) target(%arg9 : memref<79x128xi32, #tpu.memory_space<vmem>>) target_semaphore(%run_scoped3A : memref<!tpu.dma_semaphore, #tpu.memory_space<semaphore_mem>>)
      %dma_wait3A_31 = arith.constant 0 : i32
      %dma_wait3A_32 = arith.constant 0 : i32
      %dma_wait3A_33 = tpu.memref_slice %arg4[%add3A, %dma_wait3A_31, %dma_wait3A_32] : memref<32x79x128xi32, #tpu.memory_space<hbm>> -> memref<1x79x128xi32, #tpu.memory_space<hbm>>
      %dma_wait3A_34 = tpu.memref_squeeze %dma_wait3A_33 : memref<1x79x128xi32, #tpu.memory_space<hbm>> -> memref<79x128xi32, #tpu.memory_space<hbm>>
      %dma_wait3A_35 = arith.constant 0 : i32
      %dma_wait3A_36 = arith.constant 0 : i32
      %dma_wait3A_37 = tpu.memref_slice %arg4[%add3A, %dma_wait3A_35, %dma_wait3A_36] : memref<32x79x128xi32, #tpu.memory_space<hbm>> -> memref<1x79x128xi32, #tpu.memory_space<hbm>>
      %dma_wait3A_38 = tpu.memref_squeeze %dma_wait3A_37 : memref<1x79x128xi32, #tpu.memory_space<hbm>> -> memref<79x128xi32, #tpu.memory_space<hbm>>
      tpu.wait_dma2 semaphore(%run_scoped3A : memref<!tpu.dma_semaphore, #tpu.memory_space<semaphore_mem>>) src(%dma_wait3A_38 : memref<79x128xi32, #tpu.memory_space<hbm>>) dst(%arg9 : memref<79x128xi32, #tpu.memory_space<vmem>>)
      tpu.yield
    }) : () -> ()
    %dma_wait3A = arith.constant 0 : i32
    %dma_wait3A_10 = tpu.memref_slice %arg6[%mul3A_2, %dma_wait3A] : memref<10112x40xf32, #tpu.memory_space<vmem_shared>> -> memref<632x40xf32, #tpu.memory_space<vmem_shared>>
    %dma_wait3A_11 = arith.constant 0 : i32
    %dma_wait3A_12 = tpu.memref_slice %arg2[%mul3A_2, %dma_wait3A_11] : memref<10112x40xf32, #tpu.memory_space<hbm>> -> memref<632x40xf32, #tpu.memory_space<hbm>>
    tpu.wait_dma2 semaphore(%arg12 : memref<!tpu.dma_semaphore, #tpu.memory_space<semaphore_mem>>) src(%dma_wait3A_12 : memref<632x40xf32, #tpu.memory_space<hbm>>) dst(%dma_wait3A_10 : memref<632x40xf32, #tpu.memory_space<vmem_shared>>)
    %dma_wait3A_13 = arith.constant 0 : i32
    %dma_wait3A_14 = tpu.memref_slice %arg7[%mul3A_2, %dma_wait3A_13] : memref<10112x40xf32, #tpu.memory_space<vmem_shared>> -> memref<632x40xf32, #tpu.memory_space<vmem_shared>>
    %dma_wait3A_15 = arith.constant 0 : i32
    %dma_wait3A_16 = tpu.memref_slice %arg2[%mul3A_2, %dma_wait3A_15] : memref<10112x40xf32, #tpu.memory_space<hbm>> -> memref<632x40xf32, #tpu.memory_space<hbm>>
    tpu.wait_dma2 semaphore(%arg13 : memref<!tpu.dma_semaphore, #tpu.memory_space<semaphore_mem>>) src(%dma_wait3A_16 : memref<632x40xf32, #tpu.memory_space<hbm>>) dst(%dma_wait3A_14 : memref<632x40xf32, #tpu.memory_space<vmem_shared>>)
    %barrier3A = arith.constant 0 : index
    tpu.barrier barrier_id(%barrier3A)
    %scan3A = arith.constant 0 : i32
    %scan3A_17 = arith.constant 0 : i32
    %scan3A_18 = arith.constant 79 : i32
    %scan3A_19 = arith.addi %scan3A_17, %scan3A_18 : i32
    %scan3A_20 = arith.constant 1 : i32
    scf.for %scan3A_23 = %scan3A_17 to %scan3A_19 step %scan3A_20  : i32 {
      %dma_start3A_24 = arith.constant 0 : i32
      %dma_start3A_25 = tpu.memref_slice %arg8[%scan3A_23, %dma_start3A_24] : memref<79x128xi32, #tpu.memory_space<vmem>> -> memref<1x128xi32, #tpu.memory_space<vmem>>
      %dma_start3A_26 = tpu.memref_squeeze %dma_start3A_25 : memref<1x128xi32, #tpu.memory_space<vmem>> -> memref<128xi32, #tpu.memory_space<vmem>>
      %dma_start3A_27 = arith.constant 0 : i32
      %dma_start3A_28 = arith.constant 0 : i32
      %dma_start3A_29 = tpu.memref_slice %arg7[%dma_start3A_27, %dma_start3A_28] : memref<10112x40xf32, #tpu.memory_space<vmem_shared>> -> memref<10112x40xf32, #tpu.memory_space<vmem_shared>>
      tpu.enqueue_indirect_dma source(%dma_start3A_29 : memref<10112x40xf32, #tpu.memory_space<vmem_shared>>) target(%arg10 : memref<128x40xf32, #tpu.memory_space<vmem>>) offsets(%dma_start3A_26 : memref<128xi32, #tpu.memory_space<vmem>>) semaphore(%arg11 : memref<!tpu.dma_semaphore, #tpu.memory_space<semaphore_mem>>)
      %dma_wait3A_30 = arith.constant 0 : i32
      %dma_wait3A_31 = tpu.memref_slice %arg8[%scan3A_23, %dma_wait3A_30] : memref<79x128xi32, #tpu.memory_space<vmem>> -> memref<1x128xi32, #tpu.memory_space<vmem>>
      %dma_wait3A_32 = tpu.memref_squeeze %dma_wait3A_31 : memref<1x128xi32, #tpu.memory_space<vmem>> -> memref<128xi32, #tpu.memory_space<vmem>>
      %dma_wait3A_33 = arith.constant 0 : i32
      %dma_wait3A_34 = arith.constant 0 : i32
      %dma_wait3A_35 = tpu.memref_slice %arg7[%dma_wait3A_33, %dma_wait3A_34] : memref<10112x40xf32, #tpu.memory_space<vmem_shared>> -> memref<10112x40xf32, #tpu.memory_space<vmem_shared>>
      tpu.wait_indirect_dma semaphore(%arg11 : memref<!tpu.dma_semaphore, #tpu.memory_space<semaphore_mem>>) src(%dma_wait3A_35 : memref<10112x40xf32, #tpu.memory_space<vmem_shared>>) dst(%arg10 : memref<128x40xf32, #tpu.memory_space<vmem>>)
      "tpu.region"() ({
        %run_scoped3A = tpu.sem_alloc : memref<!tpu.dma_semaphore, #tpu.memory_space<semaphore_mem>>
        %dma_start3A_36 = arith.constant 0 : i32
        %dma_start3A_37 = tpu.memref_slice %arg9[%scan3A_23, %dma_start3A_36] : memref<79x128xi32, #tpu.memory_space<vmem>> -> memref<1x128xi32, #tpu.memory_space<vmem>>
        %dma_start3A_38 = tpu.memref_squeeze %dma_start3A_37 : memref<1x128xi32, #tpu.memory_space<vmem>> -> memref<128xi32, #tpu.memory_space<vmem>>
        %dma_start3A_39 = arith.constant 0 : i32
        %dma_start3A_40 = arith.constant 0 : i32
        %dma_start3A_41 = tpu.memref_slice %arg6[%dma_start3A_39, %dma_start3A_40] : memref<10112x40xf32, #tpu.memory_space<vmem_shared>> -> memref<10112x40xf32, #tpu.memory_space<vmem_shared>>
        tpu.enqueue_indirect_dma source(%arg10 : memref<128x40xf32, #tpu.memory_space<vmem>>) target(%dma_start3A_41 : memref<10112x40xf32, #tpu.memory_space<vmem_shared>>) offsets(%dma_start3A_38 : memref<128xi32, #tpu.memory_space<vmem>>) semaphore(%run_scoped3A : memref<!tpu.dma_semaphore, #tpu.memory_space<semaphore_mem>>) {add = true}
        %dma_wait3A_42 = arith.constant 0 : i32
        %dma_wait3A_43 = tpu.memref_slice %arg9[%scan3A_23, %dma_wait3A_42] : memref<79x128xi32, #tpu.memory_space<vmem>> -> memref<1x128xi32, #tpu.memory_space<vmem>>
        %dma_wait3A_44 = tpu.memref_squeeze %dma_wait3A_43 : memref<1x128xi32, #tpu.memory_space<vmem>> -> memref<128xi32, #tpu.memory_space<vmem>>
        %dma_wait3A_45 = arith.constant 0 : i32
        %dma_wait3A_46 = arith.constant 0 : i32
        %dma_wait3A_47 = tpu.memref_slice %arg6[%dma_wait3A_45, %dma_wait3A_46] : memref<10112x40xf32, #tpu.memory_space<vmem_shared>> -> memref<10112x40xf32, #tpu.memory_space<vmem_shared>>
        tpu.wait_indirect_dma semaphore(%run_scoped3A : memref<!tpu.dma_semaphore, #tpu.memory_space<semaphore_mem>>) src(%arg10 : memref<128x40xf32, #tpu.memory_space<vmem>>) dst(%dma_wait3A_47 : memref<10112x40xf32, #tpu.memory_space<vmem_shared>>)
        tpu.yield
      }) : () -> ()
    }
    %scan3A_21 = arith.constant 79 : i32
    %barrier3A_22 = arith.constant 0 : index
    tpu.barrier barrier_id(%barrier3A_22)
    "tpu.region"() ({
      %run_scoped3A = tpu.sem_alloc : memref<!tpu.dma_semaphore, #tpu.memory_space<semaphore_mem>>
      %dma_start3A_23 = arith.constant 0 : i32
      %dma_start3A_24 = tpu.memref_slice %arg5[%arg0, %mul3A_2, %dma_start3A_23] : memref<2x10112x40xf32, #tpu.memory_space<hbm>> -> memref<1x632x40xf32, #tpu.memory_space<hbm>>
      %dma_start3A_25 = tpu.memref_squeeze %dma_start3A_24 : memref<1x632x40xf32, #tpu.memory_space<hbm>> -> memref<632x40xf32, #tpu.memory_space<hbm>>
      %dma_start3A_26 = arith.constant 0 : i32
      %dma_start3A_27 = tpu.memref_slice %arg6[%mul3A_2, %dma_start3A_26] : memref<10112x40xf32, #tpu.memory_space<vmem_shared>> -> memref<632x40xf32, #tpu.memory_space<vmem_shared>>
      tpu.enqueue_dma source(%dma_start3A_27 : memref<632x40xf32, #tpu.memory_space<vmem_shared>>) target(%dma_start3A_25 : memref<632x40xf32, #tpu.memory_space<hbm>>) target_semaphore(%run_scoped3A : memref<!tpu.dma_semaphore, #tpu.memory_space<semaphore_mem>>)
      %dma_wait3A_28 = arith.constant 0 : i32
      %dma_wait3A_29 = tpu.memref_slice %arg5[%arg0, %mul3A_2, %dma_wait3A_28] : memref<2x10112x40xf32, #tpu.memory_space<hbm>> -> memref<1x632x40xf32, #tpu.memory_space<hbm>>
      %dma_wait3A_30 = tpu.memref_squeeze %dma_wait3A_29 : memref<1x632x40xf32, #tpu.memory_space<hbm>> -> memref<632x40xf32, #tpu.memory_space<hbm>>
      %dma_wait3A_31 = arith.constant 0 : i32
      %dma_wait3A_32 = tpu.memref_slice %arg6[%mul3A_2, %dma_wait3A_31] : memref<10112x40xf32, #tpu.memory_space<vmem_shared>> -> memref<632x40xf32, #tpu.memory_space<vmem_shared>>
      tpu.wait_dma2 semaphore(%run_scoped3A : memref<!tpu.dma_semaphore, #tpu.memory_space<semaphore_mem>>) src(%dma_wait3A_32 : memref<632x40xf32, #tpu.memory_space<vmem_shared>>) dst(%dma_wait3A_30 : memref<632x40xf32, #tpu.memory_space<hbm>>)
      tpu.yield
    }) : () -> ()
    return
  }
}

#map = affine_map<(d0, d1) -> (0, 0)>
#map1 = affine_map<(d0, d1) -> (0, 0, 0)>
module attributes {stable_mosaic.version = 14 : i64} {
  func.func @edge_kernel(%arg0: i32, %arg1: i32, %arg2: memref<10112x40xf32, #tpu.memory_space<hbm>>, %arg3: memref<32x79x128xi32, #tpu.memory_space<hbm>>, %arg4: memref<32x79x128xi32, #tpu.memory_space<hbm>>, %arg5: memref<2x10112x40xf32, #tpu.memory_space<hbm>>, %arg6: memref<10112x40xf32, #tpu.memory_space<vmem_shared>>, %arg7: memref<10112x40xf32, #tpu.memory_space<vmem_shared>>, %arg8: memref<79x128xi32, #tpu.memory_space<vmem>>, %arg9: memref<79x128xi32, #tpu.memory_space<vmem>>, %arg10: memref<128x40xf32, #tpu.memory_space<vmem>>, %arg11: memref<!tpu.dma_semaphore, #tpu.memory_space<semaphore_mem>>, %arg12: memref<!tpu.dma_semaphore, #tpu.memory_space<semaphore_mem>>, %arg13: memref<!tpu.dma_semaphore, #tpu.memory_space<semaphore_mem>>) attributes {dimension_semantics = [#tpu.dimension_semantics<core_parallel>, #tpu.dimension_semantics<subcore_parallel>], iteration_bounds = array<i64: 2, 16>, scalar_prefetch = 0 : i64, scratch_operands = 8 : i64, tpu.core_type = #tpu.core_type<sc_vector_subcore>, window_params = [{transform_indices = #map}, {transform_indices = #map1}, {transform_indices = #map1}, {transform_indices = #map1}]} {
    %mul3A = arith.constant 16 : i32
    %mul3A_0 = arith.muli %arg0, %mul3A : i32
    %add3A = arith.addi %mul3A_0, %arg1 : i32
    %mul3A_1 = arith.constant 632 : i32
    %mul3A_2 = arith.muli %arg1, %mul3A_1 : i32
    %dma_start3A = arith.constant 0 : i32
    %dma_start3A_3 = tpu.memref_slice %arg6[%mul3A_2, %dma_start3A] : memref<10112x40xf32, #tpu.memory_space<vmem_shared>> -> memref<632x40xf32, #tpu.memory_space<vmem_shared>>
    %dma_start3A_4 = arith.constant 0 : i32
    %dma_start3A_5 = tpu.memref_slice %arg2[%mul3A_2, %dma_start3A_4] : memref<10112x40xf32, #tpu.memory_space<hbm>> -> memref<632x40xf32, #tpu.memory_space<hbm>>
    tpu.enqueue_dma source(%dma_start3A_5 : memref<632x40xf32, #tpu.memory_space<hbm>>) target(%dma_start3A_3 : memref<632x40xf32, #tpu.memory_space<vmem_shared>>) target_semaphore(%arg12 : memref<!tpu.dma_semaphore, #tpu.memory_space<semaphore_mem>>)
    %dma_start3A_6 = arith.constant 0 : i32
    %dma_start3A_7 = tpu.memref_slice %arg7[%mul3A_2, %dma_start3A_6] : memref<10112x40xf32, #tpu.memory_space<vmem_shared>> -> memref<632x40xf32, #tpu.memory_space<vmem_shared>>
    %dma_start3A_8 = arith.constant 0 : i32
    %dma_start3A_9 = tpu.memref_slice %arg2[%mul3A_2, %dma_start3A_8] : memref<10112x40xf32, #tpu.memory_space<hbm>> -> memref<632x40xf32, #tpu.memory_space<hbm>>
    tpu.enqueue_dma source(%dma_start3A_9 : memref<632x40xf32, #tpu.memory_space<hbm>>) target(%dma_start3A_7 : memref<632x40xf32, #tpu.memory_space<vmem_shared>>) target_semaphore(%arg13 : memref<!tpu.dma_semaphore, #tpu.memory_space<semaphore_mem>>)
    "tpu.region"() ({
      %run_scoped3A = tpu.sem_alloc : memref<!tpu.dma_semaphore, #tpu.memory_space<semaphore_mem>>
      %dma_start3A_23 = arith.constant 0 : i32
      %dma_start3A_24 = arith.constant 0 : i32
      %dma_start3A_25 = tpu.memref_slice %arg3[%add3A, %dma_start3A_23, %dma_start3A_24] : memref<32x79x128xi32, #tpu.memory_space<hbm>> -> memref<1x79x128xi32, #tpu.memory_space<hbm>>
      %dma_start3A_26 = tpu.memref_squeeze %dma_start3A_25 : memref<1x79x128xi32, #tpu.memory_space<hbm>> -> memref<79x128xi32, #tpu.memory_space<hbm>>
      %dma_start3A_27 = arith.constant 0 : i32
      %dma_start3A_28 = arith.constant 0 : i32
      %dma_start3A_29 = tpu.memref_slice %arg3[%add3A, %dma_start3A_27, %dma_start3A_28] : memref<32x79x128xi32, #tpu.memory_space<hbm>> -> memref<1x79x128xi32, #tpu.memory_space<hbm>>
      %dma_start3A_30 = tpu.memref_squeeze %dma_start3A_29 : memref<1x79x128xi32, #tpu.memory_space<hbm>> -> memref<79x128xi32, #tpu.memory_space<hbm>>
      tpu.enqueue_dma source(%dma_start3A_30 : memref<79x128xi32, #tpu.memory_space<hbm>>) target(%arg8 : memref<79x128xi32, #tpu.memory_space<vmem>>) target_semaphore(%run_scoped3A : memref<!tpu.dma_semaphore, #tpu.memory_space<semaphore_mem>>)
      %dma_wait3A_31 = arith.constant 0 : i32
      %dma_wait3A_32 = arith.constant 0 : i32
      %dma_wait3A_33 = tpu.memref_slice %arg3[%add3A, %dma_wait3A_31, %dma_wait3A_32] : memref<32x79x128xi32, #tpu.memory_space<hbm>> -> memref<1x79x128xi32, #tpu.memory_space<hbm>>
      %dma_wait3A_34 = tpu.memref_squeeze %dma_wait3A_33 : memref<1x79x128xi32, #tpu.memory_space<hbm>> -> memref<79x128xi32, #tpu.memory_space<hbm>>
      %dma_wait3A_35 = arith.constant 0 : i32
      %dma_wait3A_36 = arith.constant 0 : i32
      %dma_wait3A_37 = tpu.memref_slice %arg3[%add3A, %dma_wait3A_35, %dma_wait3A_36] : memref<32x79x128xi32, #tpu.memory_space<hbm>> -> memref<1x79x128xi32, #tpu.memory_space<hbm>>
      %dma_wait3A_38 = tpu.memref_squeeze %dma_wait3A_37 : memref<1x79x128xi32, #tpu.memory_space<hbm>> -> memref<79x128xi32, #tpu.memory_space<hbm>>
      tpu.wait_dma2 semaphore(%run_scoped3A : memref<!tpu.dma_semaphore, #tpu.memory_space<semaphore_mem>>) src(%dma_wait3A_38 : memref<79x128xi32, #tpu.memory_space<hbm>>) dst(%arg8 : memref<79x128xi32, #tpu.memory_space<vmem>>)
      tpu.yield
    }) : () -> ()
    "tpu.region"() ({
      %run_scoped3A = tpu.sem_alloc : memref<!tpu.dma_semaphore, #tpu.memory_space<semaphore_mem>>
      %dma_start3A_23 = arith.constant 0 : i32
      %dma_start3A_24 = arith.constant 0 : i32
      %dma_start3A_25 = tpu.memref_slice %arg4[%add3A, %dma_start3A_23, %dma_start3A_24] : memref<32x79x128xi32, #tpu.memory_space<hbm>> -> memref<1x79x128xi32, #tpu.memory_space<hbm>>
      %dma_start3A_26 = tpu.memref_squeeze %dma_start3A_25 : memref<1x79x128xi32, #tpu.memory_space<hbm>> -> memref<79x128xi32, #tpu.memory_space<hbm>>
      %dma_start3A_27 = arith.constant 0 : i32
      %dma_start3A_28 = arith.constant 0 : i32
      %dma_start3A_29 = tpu.memref_slice %arg4[%add3A, %dma_start3A_27, %dma_start3A_28] : memref<32x79x128xi32, #tpu.memory_space<hbm>> -> memref<1x79x128xi32, #tpu.memory_space<hbm>>
      %dma_start3A_30 = tpu.memref_squeeze %dma_start3A_29 : memref<1x79x128xi32, #tpu.memory_space<hbm>> -> memref<79x128xi32, #tpu.memory_space<hbm>>
      tpu.enqueue_dma source(%dma_start3A_30 : memref<79x128xi32, #tpu.memory_space<hbm>>) target(%arg9 : memref<79x128xi32, #tpu.memory_space<vmem>>) target_semaphore(%run_scoped3A : memref<!tpu.dma_semaphore, #tpu.memory_space<semaphore_mem>>)
      %dma_wait3A_31 = arith.constant 0 : i32
      %dma_wait3A_32 = arith.constant 0 : i32
      %dma_wait3A_33 = tpu.memref_slice %arg4[%add3A, %dma_wait3A_31, %dma_wait3A_32] : memref<32x79x128xi32, #tpu.memory_space<hbm>> -> memref<1x79x128xi32, #tpu.memory_space<hbm>>
      %dma_wait3A_34 = tpu.memref_squeeze %dma_wait3A_33 : memref<1x79x128xi32, #tpu.memory_space<hbm>> -> memref<79x128xi32, #tpu.memory_space<hbm>>
      %dma_wait3A_35 = arith.constant 0 : i32
      %dma_wait3A_36 = arith.constant 0 : i32
      %dma_wait3A_37 = tpu.memref_slice %arg4[%add3A, %dma_wait3A_35, %dma_wait3A_36] : memref<32x79x128xi32, #tpu.memory_space<hbm>> -> memref<1x79x128xi32, #tpu.memory_space<hbm>>
      %dma_wait3A_38 = tpu.memref_squeeze %dma_wait3A_37 : memref<1x79x128xi32, #tpu.memory_space<hbm>> -> memref<79x128xi32, #tpu.memory_space<hbm>>
      tpu.wait_dma2 semaphore(%run_scoped3A : memref<!tpu.dma_semaphore, #tpu.memory_space<semaphore_mem>>) src(%dma_wait3A_38 : memref<79x128xi32, #tpu.memory_space<hbm>>) dst(%arg9 : memref<79x128xi32, #tpu.memory_space<vmem>>)
      tpu.yield
    }) : () -> ()
    %dma_wait3A = arith.constant 0 : i32
    %dma_wait3A_10 = tpu.memref_slice %arg6[%mul3A_2, %dma_wait3A] : memref<10112x40xf32, #tpu.memory_space<vmem_shared>> -> memref<632x40xf32, #tpu.memory_space<vmem_shared>>
    %dma_wait3A_11 = arith.constant 0 : i32
    %dma_wait3A_12 = tpu.memref_slice %arg2[%mul3A_2, %dma_wait3A_11] : memref<10112x40xf32, #tpu.memory_space<hbm>> -> memref<632x40xf32, #tpu.memory_space<hbm>>
    tpu.wait_dma2 semaphore(%arg12 : memref<!tpu.dma_semaphore, #tpu.memory_space<semaphore_mem>>) src(%dma_wait3A_12 : memref<632x40xf32, #tpu.memory_space<hbm>>) dst(%dma_wait3A_10 : memref<632x40xf32, #tpu.memory_space<vmem_shared>>)
    %dma_wait3A_13 = arith.constant 0 : i32
    %dma_wait3A_14 = tpu.memref_slice %arg7[%mul3A_2, %dma_wait3A_13] : memref<10112x40xf32, #tpu.memory_space<vmem_shared>> -> memref<632x40xf32, #tpu.memory_space<vmem_shared>>
    %dma_wait3A_15 = arith.constant 0 : i32
    %dma_wait3A_16 = tpu.memref_slice %arg2[%mul3A_2, %dma_wait3A_15] : memref<10112x40xf32, #tpu.memory_space<hbm>> -> memref<632x40xf32, #tpu.memory_space<hbm>>
    tpu.wait_dma2 semaphore(%arg13 : memref<!tpu.dma_semaphore, #tpu.memory_space<semaphore_mem>>) src(%dma_wait3A_16 : memref<632x40xf32, #tpu.memory_space<hbm>>) dst(%dma_wait3A_14 : memref<632x40xf32, #tpu.memory_space<vmem_shared>>)
    %barrier3A = arith.constant 0 : index
    tpu.barrier barrier_id(%barrier3A)
    %scan3A = arith.constant 0 : i32
    %scan3A_17 = arith.constant 0 : i32
    %scan3A_18 = arith.constant 79 : i32
    %scan3A_19 = arith.addi %scan3A_17, %scan3A_18 : i32
    %scan3A_20 = arith.constant 1 : i32
    scf.for %scan3A_23 = %scan3A_17 to %scan3A_19 step %scan3A_20  : i32 {
      %dma_start3A_24 = arith.constant 0 : i32
      %dma_start3A_25 = tpu.memref_slice %arg8[%scan3A_23, %dma_start3A_24] : memref<79x128xi32, #tpu.memory_space<vmem>> -> memref<1x128xi32, #tpu.memory_space<vmem>>
      %dma_start3A_26 = tpu.memref_squeeze %dma_start3A_25 : memref<1x128xi32, #tpu.memory_space<vmem>> -> memref<128xi32, #tpu.memory_space<vmem>>
      %dma_start3A_27 = arith.constant 0 : i32
      %dma_start3A_28 = arith.constant 0 : i32
      %dma_start3A_29 = tpu.memref_slice %arg7[%dma_start3A_27, %dma_start3A_28] : memref<10112x40xf32, #tpu.memory_space<vmem_shared>> -> memref<10112x40xf32, #tpu.memory_space<vmem_shared>>
      tpu.enqueue_indirect_dma source(%dma_start3A_29 : memref<10112x40xf32, #tpu.memory_space<vmem_shared>>) target(%arg10 : memref<128x40xf32, #tpu.memory_space<vmem>>) offsets(%dma_start3A_26 : memref<128xi32, #tpu.memory_space<vmem>>) semaphore(%arg11 : memref<!tpu.dma_semaphore, #tpu.memory_space<semaphore_mem>>)
      %dma_wait3A_30 = arith.constant 0 : i32
      %dma_wait3A_31 = tpu.memref_slice %arg8[%scan3A_23, %dma_wait3A_30] : memref<79x128xi32, #tpu.memory_space<vmem>> -> memref<1x128xi32, #tpu.memory_space<vmem>>
      %dma_wait3A_32 = tpu.memref_squeeze %dma_wait3A_31 : memref<1x128xi32, #tpu.memory_space<vmem>> -> memref<128xi32, #tpu.memory_space<vmem>>
      %dma_wait3A_33 = arith.constant 0 : i32
      %dma_wait3A_34 = arith.constant 0 : i32
      %dma_wait3A_35 = tpu.memref_slice %arg7[%dma_wait3A_33, %dma_wait3A_34] : memref<10112x40xf32, #tpu.memory_space<vmem_shared>> -> memref<10112x40xf32, #tpu.memory_space<vmem_shared>>
      tpu.wait_indirect_dma semaphore(%arg11 : memref<!tpu.dma_semaphore, #tpu.memory_space<semaphore_mem>>) src(%dma_wait3A_35 : memref<10112x40xf32, #tpu.memory_space<vmem_shared>>) dst(%arg10 : memref<128x40xf32, #tpu.memory_space<vmem>>)
      "tpu.region"() ({
        %run_scoped3A = tpu.sem_alloc : memref<!tpu.dma_semaphore, #tpu.memory_space<semaphore_mem>>
        %dma_start3A_36 = arith.constant 0 : i32
        %dma_start3A_37 = tpu.memref_slice %arg9[%scan3A_23, %dma_start3A_36] : memref<79x128xi32, #tpu.memory_space<vmem>> -> memref<1x128xi32, #tpu.memory_space<vmem>>
        %dma_start3A_38 = tpu.memref_squeeze %dma_start3A_37 : memref<1x128xi32, #tpu.memory_space<vmem>> -> memref<128xi32, #tpu.memory_space<vmem>>
        %dma_start3A_39 = arith.constant 0 : i32
        %dma_start3A_40 = arith.constant 0 : i32
        %dma_start3A_41 = tpu.memref_slice %arg6[%dma_start3A_39, %dma_start3A_40] : memref<10112x40xf32, #tpu.memory_space<vmem_shared>> -> memref<10112x40xf32, #tpu.memory_space<vmem_shared>>
        tpu.enqueue_indirect_dma source(%arg10 : memref<128x40xf32, #tpu.memory_space<vmem>>) target(%dma_start3A_41 : memref<10112x40xf32, #tpu.memory_space<vmem_shared>>) offsets(%dma_start3A_38 : memref<128xi32, #tpu.memory_space<vmem>>) semaphore(%run_scoped3A : memref<!tpu.dma_semaphore, #tpu.memory_space<semaphore_mem>>) {add = true}
        %dma_wait3A_42 = arith.constant 0 : i32
        %dma_wait3A_43 = tpu.memref_slice %arg9[%scan3A_23, %dma_wait3A_42] : memref<79x128xi32, #tpu.memory_space<vmem>> -> memref<1x128xi32, #tpu.memory_space<vmem>>
        %dma_wait3A_44 = tpu.memref_squeeze %dma_wait3A_43 : memref<1x128xi32, #tpu.memory_space<vmem>> -> memref<128xi32, #tpu.memory_space<vmem>>
        %dma_wait3A_45 = arith.constant 0 : i32
        %dma_wait3A_46 = arith.constant 0 : i32
        %dma_wait3A_47 = tpu.memref_slice %arg6[%dma_wait3A_45, %dma_wait3A_46] : memref<10112x40xf32, #tpu.memory_space<vmem_shared>> -> memref<10112x40xf32, #tpu.memory_space<vmem_shared>>
        tpu.wait_indirect_dma semaphore(%run_scoped3A : memref<!tpu.dma_semaphore, #tpu.memory_space<semaphore_mem>>) src(%arg10 : memref<128x40xf32, #tpu.memory_space<vmem>>) dst(%dma_wait3A_47 : memref<10112x40xf32, #tpu.memory_space<vmem_shared>>)
        tpu.yield
      }) : () -> ()
    }
    %scan3A_21 = arith.constant 79 : i32
    %barrier3A_22 = arith.constant 0 : index
    tpu.barrier barrier_id(%barrier3A_22)
    "tpu.region"() ({
      %run_scoped3A = tpu.sem_alloc : memref<!tpu.dma_semaphore, #tpu.memory_space<semaphore_mem>>
      %dma_start3A_23 = arith.constant 0 : i32
      %dma_start3A_24 = tpu.memref_slice %arg5[%arg0, %mul3A_2, %dma_start3A_23] : memref<2x10112x40xf32, #tpu.memory_space<hbm>> -> memref<1x632x40xf32, #tpu.memory_space<hbm>>
      %dma_start3A_25 = tpu.memref_squeeze %dma_start3A_24 : memref<1x632x40xf32, #tpu.memory_space<hbm>> -> memref<632x40xf32, #tpu.memory_space<hbm>>
      %dma_start3A_26 = arith.constant 0 : i32
      %dma_start3A_27 = tpu.memref_slice %arg6[%mul3A_2, %dma_start3A_26] : memref<10112x40xf32, #tpu.memory_space<vmem_shared>> -> memref<632x40xf32, #tpu.memory_space<vmem_shared>>
      tpu.enqueue_dma source(%dma_start3A_27 : memref<632x40xf32, #tpu.memory_space<vmem_shared>>) target(%dma_start3A_25 : memref<632x40xf32, #tpu.memory_space<hbm>>) target_semaphore(%run_scoped3A : memref<!tpu.dma_semaphore, #tpu.memory_space<semaphore_mem>>)
      %dma_wait3A_28 = arith.constant 0 : i32
      %dma_wait3A_29 = tpu.memref_slice %arg5[%arg0, %mul3A_2, %dma_wait3A_28] : memref<2x10112x40xf32, #tpu.memory_space<hbm>> -> memref<1x632x40xf32, #tpu.memory_space<hbm>>
      %dma_wait3A_30 = tpu.memref_squeeze %dma_wait3A_29 : memref<1x632x40xf32, #tpu.memory_space<hbm>> -> memref<632x40xf32, #tpu.memory_space<hbm>>
      %dma_wait3A_31 = arith.constant 0 : i32
      %dma_wait3A_32 = tpu.memref_slice %arg6[%mul3A_2, %dma_wait3A_31] : memref<10112x40xf32, #tpu.memory_space<vmem_shared>> -> memref<632x40xf32, #tpu.memory_space<vmem_shared>>
      tpu.wait_dma2 semaphore(%run_scoped3A : memref<!tpu.dma_semaphore, #tpu.memory_space<semaphore_mem>>) src(%dma_wait3A_32 : memref<632x40xf32, #tpu.memory_space<vmem_shared>>) dst(%dma_wait3A_30 : memref<632x40xf32, #tpu.memory_space<hbm>>)
      tpu.yield
    }) : () -> ()
    return
  }
}

#map = affine_map<(d0, d1) -> (0, 0)>
#map1 = affine_map<(d0, d1) -> (0, 0, 0)>
module attributes {stable_mosaic.version = 14 : i64} {
  func.func @edge_kernel(%arg0: i32, %arg1: i32, %arg2: memref<10112x40xf32, #tpu.memory_space<hbm>>, %arg3: memref<32x79x128xi32, #tpu.memory_space<hbm>>, %arg4: memref<32x79x128xi32, #tpu.memory_space<hbm>>, %arg5: memref<2x10112x40xf32, #tpu.memory_space<hbm>>, %arg6: memref<10112x40xf32, #tpu.memory_space<vmem_shared>>, %arg7: memref<10112x40xf32, #tpu.memory_space<vmem_shared>>, %arg8: memref<79x128xi32, #tpu.memory_space<vmem>>, %arg9: memref<79x128xi32, #tpu.memory_space<vmem>>, %arg10: memref<128x40xf32, #tpu.memory_space<vmem>>, %arg11: memref<!tpu.dma_semaphore, #tpu.memory_space<semaphore_mem>>, %arg12: memref<!tpu.dma_semaphore, #tpu.memory_space<semaphore_mem>>, %arg13: memref<!tpu.dma_semaphore, #tpu.memory_space<semaphore_mem>>) attributes {dimension_semantics = [#tpu.dimension_semantics<core_parallel>, #tpu.dimension_semantics<subcore_parallel>], iteration_bounds = array<i64: 2, 16>, scalar_prefetch = 0 : i64, scratch_operands = 8 : i64, tpu.core_type = #tpu.core_type<sc_vector_subcore>, window_params = [{transform_indices = #map}, {transform_indices = #map1}, {transform_indices = #map1}, {transform_indices = #map1}]} {
    %mul3A = arith.constant 16 : i32
    %mul3A_0 = arith.muli %arg0, %mul3A : i32
    %add3A = arith.addi %mul3A_0, %arg1 : i32
    %mul3A_1 = arith.constant 632 : i32
    %mul3A_2 = arith.muli %arg1, %mul3A_1 : i32
    %dma_start3A = arith.constant 0 : i32
    %dma_start3A_3 = tpu.memref_slice %arg6[%mul3A_2, %dma_start3A] : memref<10112x40xf32, #tpu.memory_space<vmem_shared>> -> memref<632x40xf32, #tpu.memory_space<vmem_shared>>
    %dma_start3A_4 = arith.constant 0 : i32
    %dma_start3A_5 = tpu.memref_slice %arg2[%mul3A_2, %dma_start3A_4] : memref<10112x40xf32, #tpu.memory_space<hbm>> -> memref<632x40xf32, #tpu.memory_space<hbm>>
    tpu.enqueue_dma source(%dma_start3A_5 : memref<632x40xf32, #tpu.memory_space<hbm>>) target(%dma_start3A_3 : memref<632x40xf32, #tpu.memory_space<vmem_shared>>) target_semaphore(%arg12 : memref<!tpu.dma_semaphore, #tpu.memory_space<semaphore_mem>>)
    %dma_start3A_6 = arith.constant 0 : i32
    %dma_start3A_7 = tpu.memref_slice %arg7[%mul3A_2, %dma_start3A_6] : memref<10112x40xf32, #tpu.memory_space<vmem_shared>> -> memref<632x40xf32, #tpu.memory_space<vmem_shared>>
    %dma_start3A_8 = arith.constant 0 : i32
    %dma_start3A_9 = tpu.memref_slice %arg2[%mul3A_2, %dma_start3A_8] : memref<10112x40xf32, #tpu.memory_space<hbm>> -> memref<632x40xf32, #tpu.memory_space<hbm>>
    tpu.enqueue_dma source(%dma_start3A_9 : memref<632x40xf32, #tpu.memory_space<hbm>>) target(%dma_start3A_7 : memref<632x40xf32, #tpu.memory_space<vmem_shared>>) target_semaphore(%arg13 : memref<!tpu.dma_semaphore, #tpu.memory_space<semaphore_mem>>)
    "tpu.region"() ({
      %run_scoped3A = tpu.sem_alloc : memref<!tpu.dma_semaphore, #tpu.memory_space<semaphore_mem>>
      %dma_start3A_23 = arith.constant 0 : i32
      %dma_start3A_24 = arith.constant 0 : i32
      %dma_start3A_25 = tpu.memref_slice %arg3[%add3A, %dma_start3A_23, %dma_start3A_24] : memref<32x79x128xi32, #tpu.memory_space<hbm>> -> memref<1x79x128xi32, #tpu.memory_space<hbm>>
      %dma_start3A_26 = tpu.memref_squeeze %dma_start3A_25 : memref<1x79x128xi32, #tpu.memory_space<hbm>> -> memref<79x128xi32, #tpu.memory_space<hbm>>
      %dma_start3A_27 = arith.constant 0 : i32
      %dma_start3A_28 = arith.constant 0 : i32
      %dma_start3A_29 = tpu.memref_slice %arg3[%add3A, %dma_start3A_27, %dma_start3A_28] : memref<32x79x128xi32, #tpu.memory_space<hbm>> -> memref<1x79x128xi32, #tpu.memory_space<hbm>>
      %dma_start3A_30 = tpu.memref_squeeze %dma_start3A_29 : memref<1x79x128xi32, #tpu.memory_space<hbm>> -> memref<79x128xi32, #tpu.memory_space<hbm>>
      tpu.enqueue_dma source(%dma_start3A_30 : memref<79x128xi32, #tpu.memory_space<hbm>>) target(%arg8 : memref<79x128xi32, #tpu.memory_space<vmem>>) target_semaphore(%run_scoped3A : memref<!tpu.dma_semaphore, #tpu.memory_space<semaphore_mem>>)
      %dma_wait3A_31 = arith.constant 0 : i32
      %dma_wait3A_32 = arith.constant 0 : i32
      %dma_wait3A_33 = tpu.memref_slice %arg3[%add3A, %dma_wait3A_31, %dma_wait3A_32] : memref<32x79x128xi32, #tpu.memory_space<hbm>> -> memref<1x79x128xi32, #tpu.memory_space<hbm>>
      %dma_wait3A_34 = tpu.memref_squeeze %dma_wait3A_33 : memref<1x79x128xi32, #tpu.memory_space<hbm>> -> memref<79x128xi32, #tpu.memory_space<hbm>>
      %dma_wait3A_35 = arith.constant 0 : i32
      %dma_wait3A_36 = arith.constant 0 : i32
      %dma_wait3A_37 = tpu.memref_slice %arg3[%add3A, %dma_wait3A_35, %dma_wait3A_36] : memref<32x79x128xi32, #tpu.memory_space<hbm>> -> memref<1x79x128xi32, #tpu.memory_space<hbm>>
      %dma_wait3A_38 = tpu.memref_squeeze %dma_wait3A_37 : memref<1x79x128xi32, #tpu.memory_space<hbm>> -> memref<79x128xi32, #tpu.memory_space<hbm>>
      tpu.wait_dma2 semaphore(%run_scoped3A : memref<!tpu.dma_semaphore, #tpu.memory_space<semaphore_mem>>) src(%dma_wait3A_38 : memref<79x128xi32, #tpu.memory_space<hbm>>) dst(%arg8 : memref<79x128xi32, #tpu.memory_space<vmem>>)
      tpu.yield
    }) : () -> ()
    "tpu.region"() ({
      %run_scoped3A = tpu.sem_alloc : memref<!tpu.dma_semaphore, #tpu.memory_space<semaphore_mem>>
      %dma_start3A_23 = arith.constant 0 : i32
      %dma_start3A_24 = arith.constant 0 : i32
      %dma_start3A_25 = tpu.memref_slice %arg4[%add3A, %dma_start3A_23, %dma_start3A_24] : memref<32x79x128xi32, #tpu.memory_space<hbm>> -> memref<1x79x128xi32, #tpu.memory_space<hbm>>
      %dma_start3A_26 = tpu.memref_squeeze %dma_start3A_25 : memref<1x79x128xi32, #tpu.memory_space<hbm>> -> memref<79x128xi32, #tpu.memory_space<hbm>>
      %dma_start3A_27 = arith.constant 0 : i32
      %dma_start3A_28 = arith.constant 0 : i32
      %dma_start3A_29 = tpu.memref_slice %arg4[%add3A, %dma_start3A_27, %dma_start3A_28] : memref<32x79x128xi32, #tpu.memory_space<hbm>> -> memref<1x79x128xi32, #tpu.memory_space<hbm>>
      %dma_start3A_30 = tpu.memref_squeeze %dma_start3A_29 : memref<1x79x128xi32, #tpu.memory_space<hbm>> -> memref<79x128xi32, #tpu.memory_space<hbm>>
      tpu.enqueue_dma source(%dma_start3A_30 : memref<79x128xi32, #tpu.memory_space<hbm>>) target(%arg9 : memref<79x128xi32, #tpu.memory_space<vmem>>) target_semaphore(%run_scoped3A : memref<!tpu.dma_semaphore, #tpu.memory_space<semaphore_mem>>)
      %dma_wait3A_31 = arith.constant 0 : i32
      %dma_wait3A_32 = arith.constant 0 : i32
      %dma_wait3A_33 = tpu.memref_slice %arg4[%add3A, %dma_wait3A_31, %dma_wait3A_32] : memref<32x79x128xi32, #tpu.memory_space<hbm>> -> memref<1x79x128xi32, #tpu.memory_space<hbm>>
      %dma_wait3A_34 = tpu.memref_squeeze %dma_wait3A_33 : memref<1x79x128xi32, #tpu.memory_space<hbm>> -> memref<79x128xi32, #tpu.memory_space<hbm>>
      %dma_wait3A_35 = arith.constant 0 : i32
      %dma_wait3A_36 = arith.constant 0 : i32
      %dma_wait3A_37 = tpu.memref_slice %arg4[%add3A, %dma_wait3A_35, %dma_wait3A_36] : memref<32x79x128xi32, #tpu.memory_space<hbm>> -> memref<1x79x128xi32, #tpu.memory_space<hbm>>
      %dma_wait3A_38 = tpu.memref_squeeze %dma_wait3A_37 : memref<1x79x128xi32, #tpu.memory_space<hbm>> -> memref<79x128xi32, #tpu.memory_space<hbm>>
      tpu.wait_dma2 semaphore(%run_scoped3A : memref<!tpu.dma_semaphore, #tpu.memory_space<semaphore_mem>>) src(%dma_wait3A_38 : memref<79x128xi32, #tpu.memory_space<hbm>>) dst(%arg9 : memref<79x128xi32, #tpu.memory_space<vmem>>)
      tpu.yield
    }) : () -> ()
    %dma_wait3A = arith.constant 0 : i32
    %dma_wait3A_10 = tpu.memref_slice %arg6[%mul3A_2, %dma_wait3A] : memref<10112x40xf32, #tpu.memory_space<vmem_shared>> -> memref<632x40xf32, #tpu.memory_space<vmem_shared>>
    %dma_wait3A_11 = arith.constant 0 : i32
    %dma_wait3A_12 = tpu.memref_slice %arg2[%mul3A_2, %dma_wait3A_11] : memref<10112x40xf32, #tpu.memory_space<hbm>> -> memref<632x40xf32, #tpu.memory_space<hbm>>
    tpu.wait_dma2 semaphore(%arg12 : memref<!tpu.dma_semaphore, #tpu.memory_space<semaphore_mem>>) src(%dma_wait3A_12 : memref<632x40xf32, #tpu.memory_space<hbm>>) dst(%dma_wait3A_10 : memref<632x40xf32, #tpu.memory_space<vmem_shared>>)
    %dma_wait3A_13 = arith.constant 0 : i32
    %dma_wait3A_14 = tpu.memref_slice %arg7[%mul3A_2, %dma_wait3A_13] : memref<10112x40xf32, #tpu.memory_space<vmem_shared>> -> memref<632x40xf32, #tpu.memory_space<vmem_shared>>
    %dma_wait3A_15 = arith.constant 0 : i32
    %dma_wait3A_16 = tpu.memref_slice %arg2[%mul3A_2, %dma_wait3A_15] : memref<10112x40xf32, #tpu.memory_space<hbm>> -> memref<632x40xf32, #tpu.memory_space<hbm>>
    tpu.wait_dma2 semaphore(%arg13 : memref<!tpu.dma_semaphore, #tpu.memory_space<semaphore_mem>>) src(%dma_wait3A_16 : memref<632x40xf32, #tpu.memory_space<hbm>>) dst(%dma_wait3A_14 : memref<632x40xf32, #tpu.memory_space<vmem_shared>>)
    %barrier3A = arith.constant 0 : index
    tpu.barrier barrier_id(%barrier3A)
    %scan3A = arith.constant 0 : i32
    %scan3A_17 = arith.constant 0 : i32
    %scan3A_18 = arith.constant 79 : i32
    %scan3A_19 = arith.addi %scan3A_17, %scan3A_18 : i32
    %scan3A_20 = arith.constant 1 : i32
    scf.for %scan3A_23 = %scan3A_17 to %scan3A_19 step %scan3A_20  : i32 {
      %dma_start3A_24 = arith.constant 0 : i32
      %dma_start3A_25 = tpu.memref_slice %arg8[%scan3A_23, %dma_start3A_24] : memref<79x128xi32, #tpu.memory_space<vmem>> -> memref<1x128xi32, #tpu.memory_space<vmem>>
      %dma_start3A_26 = tpu.memref_squeeze %dma_start3A_25 : memref<1x128xi32, #tpu.memory_space<vmem>> -> memref<128xi32, #tpu.memory_space<vmem>>
      %dma_start3A_27 = arith.constant 0 : i32
      %dma_start3A_28 = arith.constant 0 : i32
      %dma_start3A_29 = tpu.memref_slice %arg7[%dma_start3A_27, %dma_start3A_28] : memref<10112x40xf32, #tpu.memory_space<vmem_shared>> -> memref<10112x40xf32, #tpu.memory_space<vmem_shared>>
      tpu.enqueue_indirect_dma source(%dma_start3A_29 : memref<10112x40xf32, #tpu.memory_space<vmem_shared>>) target(%arg10 : memref<128x40xf32, #tpu.memory_space<vmem>>) offsets(%dma_start3A_26 : memref<128xi32, #tpu.memory_space<vmem>>) semaphore(%arg11 : memref<!tpu.dma_semaphore, #tpu.memory_space<semaphore_mem>>)
      %dma_wait3A_30 = arith.constant 0 : i32
      %dma_wait3A_31 = tpu.memref_slice %arg8[%scan3A_23, %dma_wait3A_30] : memref<79x128xi32, #tpu.memory_space<vmem>> -> memref<1x128xi32, #tpu.memory_space<vmem>>
      %dma_wait3A_32 = tpu.memref_squeeze %dma_wait3A_31 : memref<1x128xi32, #tpu.memory_space<vmem>> -> memref<128xi32, #tpu.memory_space<vmem>>
      %dma_wait3A_33 = arith.constant 0 : i32
      %dma_wait3A_34 = arith.constant 0 : i32
      %dma_wait3A_35 = tpu.memref_slice %arg7[%dma_wait3A_33, %dma_wait3A_34] : memref<10112x40xf32, #tpu.memory_space<vmem_shared>> -> memref<10112x40xf32, #tpu.memory_space<vmem_shared>>
      tpu.wait_indirect_dma semaphore(%arg11 : memref<!tpu.dma_semaphore, #tpu.memory_space<semaphore_mem>>) src(%dma_wait3A_35 : memref<10112x40xf32, #tpu.memory_space<vmem_shared>>) dst(%arg10 : memref<128x40xf32, #tpu.memory_space<vmem>>)
      "tpu.region"() ({
        %run_scoped3A = tpu.sem_alloc : memref<!tpu.dma_semaphore, #tpu.memory_space<semaphore_mem>>
        %dma_start3A_36 = arith.constant 0 : i32
        %dma_start3A_37 = tpu.memref_slice %arg9[%scan3A_23, %dma_start3A_36] : memref<79x128xi32, #tpu.memory_space<vmem>> -> memref<1x128xi32, #tpu.memory_space<vmem>>
        %dma_start3A_38 = tpu.memref_squeeze %dma_start3A_37 : memref<1x128xi32, #tpu.memory_space<vmem>> -> memref<128xi32, #tpu.memory_space<vmem>>
        %dma_start3A_39 = arith.constant 0 : i32
        %dma_start3A_40 = arith.constant 0 : i32
        %dma_start3A_41 = tpu.memref_slice %arg6[%dma_start3A_39, %dma_start3A_40] : memref<10112x40xf32, #tpu.memory_space<vmem_shared>> -> memref<10112x40xf32, #tpu.memory_space<vmem_shared>>
        tpu.enqueue_indirect_dma source(%arg10 : memref<128x40xf32, #tpu.memory_space<vmem>>) target(%dma_start3A_41 : memref<10112x40xf32, #tpu.memory_space<vmem_shared>>) offsets(%dma_start3A_38 : memref<128xi32, #tpu.memory_space<vmem>>) semaphore(%run_scoped3A : memref<!tpu.dma_semaphore, #tpu.memory_space<semaphore_mem>>) {add = true}
        %dma_wait3A_42 = arith.constant 0 : i32
        %dma_wait3A_43 = tpu.memref_slice %arg9[%scan3A_23, %dma_wait3A_42] : memref<79x128xi32, #tpu.memory_space<vmem>> -> memref<1x128xi32, #tpu.memory_space<vmem>>
        %dma_wait3A_44 = tpu.memref_squeeze %dma_wait3A_43 : memref<1x128xi32, #tpu.memory_space<vmem>> -> memref<128xi32, #tpu.memory_space<vmem>>
        %dma_wait3A_45 = arith.constant 0 : i32
        %dma_wait3A_46 = arith.constant 0 : i32
        %dma_wait3A_47 = tpu.memref_slice %arg6[%dma_wait3A_45, %dma_wait3A_46] : memref<10112x40xf32, #tpu.memory_space<vmem_shared>> -> memref<10112x40xf32, #tpu.memory_space<vmem_shared>>
        tpu.wait_indirect_dma semaphore(%run_scoped3A : memref<!tpu.dma_semaphore, #tpu.memory_space<semaphore_mem>>) src(%arg10 : memref<128x40xf32, #tpu.memory_space<vmem>>) dst(%dma_wait3A_47 : memref<10112x40xf32, #tpu.memory_space<vmem_shared>>)
        tpu.yield
      }) : () -> ()
    }
    %scan3A_21 = arith.constant 79 : i32
    %barrier3A_22 = arith.constant 0 : index
    tpu.barrier barrier_id(%barrier3A_22)
    "tpu.region"() ({
      %run_scoped3A = tpu.sem_alloc : memref<!tpu.dma_semaphore, #tpu.memory_space<semaphore_mem>>
      %dma_start3A_23 = arith.constant 0 : i32
      %dma_start3A_24 = tpu.memref_slice %arg5[%arg0, %mul3A_2, %dma_start3A_23] : memref<2x10112x40xf32, #tpu.memory_space<hbm>> -> memref<1x632x40xf32, #tpu.memory_space<hbm>>
      %dma_start3A_25 = tpu.memref_squeeze %dma_start3A_24 : memref<1x632x40xf32, #tpu.memory_space<hbm>> -> memref<632x40xf32, #tpu.memory_space<hbm>>
      %dma_start3A_26 = arith.constant 0 : i32
      %dma_start3A_27 = tpu.memref_slice %arg6[%mul3A_2, %dma_start3A_26] : memref<10112x40xf32, #tpu.memory_space<vmem_shared>> -> memref<632x40xf32, #tpu.memory_space<vmem_shared>>
      tpu.enqueue_dma source(%dma_start3A_27 : memref<632x40xf32, #tpu.memory_space<vmem_shared>>) target(%dma_start3A_25 : memref<632x40xf32, #tpu.memory_space<hbm>>) target_semaphore(%run_scoped3A : memref<!tpu.dma_semaphore, #tpu.memory_space<semaphore_mem>>)
      %dma_wait3A_28 = arith.constant 0 : i32
      %dma_wait3A_29 = tpu.memref_slice %arg5[%arg0, %mul3A_2, %dma_wait3A_28] : memref<2x10112x40xf32, #tpu.memory_space<hbm>> -> memref<1x632x40xf32, #tpu.memory_space<hbm>>
      %dma_wait3A_30 = tpu.memref_squeeze %dma_wait3A_29 : memref<1x632x40xf32, #tpu.memory_space<hbm>> -> memref<632x40xf32, #tpu.memory_space<hbm>>
      %dma_wait3A_31 = arith.constant 0 : i32
      %dma_wait3A_32 = tpu.memref_slice %arg6[%mul3A_2, %dma_wait3A_31] : memref<10112x40xf32, #tpu.memory_space<vmem_shared>> -> memref<632x40xf32, #tpu.memory_space<vmem_shared>>
      tpu.wait_dma2 semaphore(%run_scoped3A : memref<!tpu.dma_semaphore, #tpu.memory_space<semaphore_mem>>) src(%dma_wait3A_32 : memref<632x40xf32, #tpu.memory_space<vmem_shared>>) dst(%dma_wait3A_30 : memref<632x40xf32, #tpu.memory_space<hbm>>)
      tpu.yield
    }) : () -> ()
    return
  }
}

#map = affine_map<(d0, d1) -> (0, 0)>
#map1 = affine_map<(d0, d1) -> (0, 0, 0)>
module attributes {stable_mosaic.version = 14 : i64} {
  func.func @edge_kernel(%arg0: i32, %arg1: i32, %arg2: memref<10112x40xf32, #tpu.memory_space<hbm>>, %arg3: memref<32x79x128xi32, #tpu.memory_space<hbm>>, %arg4: memref<32x79x128xi32, #tpu.memory_space<hbm>>, %arg5: memref<2x10112x40xf32, #tpu.memory_space<hbm>>, %arg6: memref<10112x40xf32, #tpu.memory_space<vmem_shared>>, %arg7: memref<10112x40xf32, #tpu.memory_space<vmem_shared>>, %arg8: memref<79x128xi32, #tpu.memory_space<vmem>>, %arg9: memref<79x128xi32, #tpu.memory_space<vmem>>, %arg10: memref<128x40xf32, #tpu.memory_space<vmem>>, %arg11: memref<!tpu.dma_semaphore, #tpu.memory_space<semaphore_mem>>, %arg12: memref<!tpu.dma_semaphore, #tpu.memory_space<semaphore_mem>>, %arg13: memref<!tpu.dma_semaphore, #tpu.memory_space<semaphore_mem>>) attributes {dimension_semantics = [#tpu.dimension_semantics<core_parallel>, #tpu.dimension_semantics<subcore_parallel>], iteration_bounds = array<i64: 2, 16>, scalar_prefetch = 0 : i64, scratch_operands = 8 : i64, tpu.core_type = #tpu.core_type<sc_vector_subcore>, window_params = [{transform_indices = #map}, {transform_indices = #map1}, {transform_indices = #map1}, {transform_indices = #map1}]} {
    %mul3A = arith.constant 16 : i32
    %mul3A_0 = arith.muli %arg0, %mul3A : i32
    %add3A = arith.addi %mul3A_0, %arg1 : i32
    %mul3A_1 = arith.constant 632 : i32
    %mul3A_2 = arith.muli %arg1, %mul3A_1 : i32
    %dma_start3A = arith.constant 0 : i32
    %dma_start3A_3 = tpu.memref_slice %arg6[%mul3A_2, %dma_start3A] : memref<10112x40xf32, #tpu.memory_space<vmem_shared>> -> memref<632x40xf32, #tpu.memory_space<vmem_shared>>
    %dma_start3A_4 = arith.constant 0 : i32
    %dma_start3A_5 = tpu.memref_slice %arg2[%mul3A_2, %dma_start3A_4] : memref<10112x40xf32, #tpu.memory_space<hbm>> -> memref<632x40xf32, #tpu.memory_space<hbm>>
    tpu.enqueue_dma source(%dma_start3A_5 : memref<632x40xf32, #tpu.memory_space<hbm>>) target(%dma_start3A_3 : memref<632x40xf32, #tpu.memory_space<vmem_shared>>) target_semaphore(%arg12 : memref<!tpu.dma_semaphore, #tpu.memory_space<semaphore_mem>>)
    %dma_start3A_6 = arith.constant 0 : i32
    %dma_start3A_7 = tpu.memref_slice %arg7[%mul3A_2, %dma_start3A_6] : memref<10112x40xf32, #tpu.memory_space<vmem_shared>> -> memref<632x40xf32, #tpu.memory_space<vmem_shared>>
    %dma_start3A_8 = arith.constant 0 : i32
    %dma_start3A_9 = tpu.memref_slice %arg2[%mul3A_2, %dma_start3A_8] : memref<10112x40xf32, #tpu.memory_space<hbm>> -> memref<632x40xf32, #tpu.memory_space<hbm>>
    tpu.enqueue_dma source(%dma_start3A_9 : memref<632x40xf32, #tpu.memory_space<hbm>>) target(%dma_start3A_7 : memref<632x40xf32, #tpu.memory_space<vmem_shared>>) target_semaphore(%arg13 : memref<!tpu.dma_semaphore, #tpu.memory_space<semaphore_mem>>)
    "tpu.region"() ({
      %run_scoped3A = tpu.sem_alloc : memref<!tpu.dma_semaphore, #tpu.memory_space<semaphore_mem>>
      %dma_start3A_23 = arith.constant 0 : i32
      %dma_start3A_24 = arith.constant 0 : i32
      %dma_start3A_25 = tpu.memref_slice %arg3[%add3A, %dma_start3A_23, %dma_start3A_24] : memref<32x79x128xi32, #tpu.memory_space<hbm>> -> memref<1x79x128xi32, #tpu.memory_space<hbm>>
      %dma_start3A_26 = tpu.memref_squeeze %dma_start3A_25 : memref<1x79x128xi32, #tpu.memory_space<hbm>> -> memref<79x128xi32, #tpu.memory_space<hbm>>
      %dma_start3A_27 = arith.constant 0 : i32
      %dma_start3A_28 = arith.constant 0 : i32
      %dma_start3A_29 = tpu.memref_slice %arg3[%add3A, %dma_start3A_27, %dma_start3A_28] : memref<32x79x128xi32, #tpu.memory_space<hbm>> -> memref<1x79x128xi32, #tpu.memory_space<hbm>>
      %dma_start3A_30 = tpu.memref_squeeze %dma_start3A_29 : memref<1x79x128xi32, #tpu.memory_space<hbm>> -> memref<79x128xi32, #tpu.memory_space<hbm>>
      tpu.enqueue_dma source(%dma_start3A_30 : memref<79x128xi32, #tpu.memory_space<hbm>>) target(%arg8 : memref<79x128xi32, #tpu.memory_space<vmem>>) target_semaphore(%run_scoped3A : memref<!tpu.dma_semaphore, #tpu.memory_space<semaphore_mem>>)
      %dma_wait3A_31 = arith.constant 0 : i32
      %dma_wait3A_32 = arith.constant 0 : i32
      %dma_wait3A_33 = tpu.memref_slice %arg3[%add3A, %dma_wait3A_31, %dma_wait3A_32] : memref<32x79x128xi32, #tpu.memory_space<hbm>> -> memref<1x79x128xi32, #tpu.memory_space<hbm>>
      %dma_wait3A_34 = tpu.memref_squeeze %dma_wait3A_33 : memref<1x79x128xi32, #tpu.memory_space<hbm>> -> memref<79x128xi32, #tpu.memory_space<hbm>>
      %dma_wait3A_35 = arith.constant 0 : i32
      %dma_wait3A_36 = arith.constant 0 : i32
      %dma_wait3A_37 = tpu.memref_slice %arg3[%add3A, %dma_wait3A_35, %dma_wait3A_36] : memref<32x79x128xi32, #tpu.memory_space<hbm>> -> memref<1x79x128xi32, #tpu.memory_space<hbm>>
      %dma_wait3A_38 = tpu.memref_squeeze %dma_wait3A_37 : memref<1x79x128xi32, #tpu.memory_space<hbm>> -> memref<79x128xi32, #tpu.memory_space<hbm>>
      tpu.wait_dma2 semaphore(%run_scoped3A : memref<!tpu.dma_semaphore, #tpu.memory_space<semaphore_mem>>) src(%dma_wait3A_38 : memref<79x128xi32, #tpu.memory_space<hbm>>) dst(%arg8 : memref<79x128xi32, #tpu.memory_space<vmem>>)
      tpu.yield
    }) : () -> ()
    "tpu.region"() ({
      %run_scoped3A = tpu.sem_alloc : memref<!tpu.dma_semaphore, #tpu.memory_space<semaphore_mem>>
      %dma_start3A_23 = arith.constant 0 : i32
      %dma_start3A_24 = arith.constant 0 : i32
      %dma_start3A_25 = tpu.memref_slice %arg4[%add3A, %dma_start3A_23, %dma_start3A_24] : memref<32x79x128xi32, #tpu.memory_space<hbm>> -> memref<1x79x128xi32, #tpu.memory_space<hbm>>
      %dma_start3A_26 = tpu.memref_squeeze %dma_start3A_25 : memref<1x79x128xi32, #tpu.memory_space<hbm>> -> memref<79x128xi32, #tpu.memory_space<hbm>>
      %dma_start3A_27 = arith.constant 0 : i32
      %dma_start3A_28 = arith.constant 0 : i32
      %dma_start3A_29 = tpu.memref_slice %arg4[%add3A, %dma_start3A_27, %dma_start3A_28] : memref<32x79x128xi32, #tpu.memory_space<hbm>> -> memref<1x79x128xi32, #tpu.memory_space<hbm>>
      %dma_start3A_30 = tpu.memref_squeeze %dma_start3A_29 : memref<1x79x128xi32, #tpu.memory_space<hbm>> -> memref<79x128xi32, #tpu.memory_space<hbm>>
      tpu.enqueue_dma source(%dma_start3A_30 : memref<79x128xi32, #tpu.memory_space<hbm>>) target(%arg9 : memref<79x128xi32, #tpu.memory_space<vmem>>) target_semaphore(%run_scoped3A : memref<!tpu.dma_semaphore, #tpu.memory_space<semaphore_mem>>)
      %dma_wait3A_31 = arith.constant 0 : i32
      %dma_wait3A_32 = arith.constant 0 : i32
      %dma_wait3A_33 = tpu.memref_slice %arg4[%add3A, %dma_wait3A_31, %dma_wait3A_32] : memref<32x79x128xi32, #tpu.memory_space<hbm>> -> memref<1x79x128xi32, #tpu.memory_space<hbm>>
      %dma_wait3A_34 = tpu.memref_squeeze %dma_wait3A_33 : memref<1x79x128xi32, #tpu.memory_space<hbm>> -> memref<79x128xi32, #tpu.memory_space<hbm>>
      %dma_wait3A_35 = arith.constant 0 : i32
      %dma_wait3A_36 = arith.constant 0 : i32
      %dma_wait3A_37 = tpu.memref_slice %arg4[%add3A, %dma_wait3A_35, %dma_wait3A_36] : memref<32x79x128xi32, #tpu.memory_space<hbm>> -> memref<1x79x128xi32, #tpu.memory_space<hbm>>
      %dma_wait3A_38 = tpu.memref_squeeze %dma_wait3A_37 : memref<1x79x128xi32, #tpu.memory_space<hbm>> -> memref<79x128xi32, #tpu.memory_space<hbm>>
      tpu.wait_dma2 semaphore(%run_scoped3A : memref<!tpu.dma_semaphore, #tpu.memory_space<semaphore_mem>>) src(%dma_wait3A_38 : memref<79x128xi32, #tpu.memory_space<hbm>>) dst(%arg9 : memref<79x128xi32, #tpu.memory_space<vmem>>)
      tpu.yield
    }) : () -> ()
    %dma_wait3A = arith.constant 0 : i32
    %dma_wait3A_10 = tpu.memref_slice %arg6[%mul3A_2, %dma_wait3A] : memref<10112x40xf32, #tpu.memory_space<vmem_shared>> -> memref<632x40xf32, #tpu.memory_space<vmem_shared>>
    %dma_wait3A_11 = arith.constant 0 : i32
    %dma_wait3A_12 = tpu.memref_slice %arg2[%mul3A_2, %dma_wait3A_11] : memref<10112x40xf32, #tpu.memory_space<hbm>> -> memref<632x40xf32, #tpu.memory_space<hbm>>
    tpu.wait_dma2 semaphore(%arg12 : memref<!tpu.dma_semaphore, #tpu.memory_space<semaphore_mem>>) src(%dma_wait3A_12 : memref<632x40xf32, #tpu.memory_space<hbm>>) dst(%dma_wait3A_10 : memref<632x40xf32, #tpu.memory_space<vmem_shared>>)
    %dma_wait3A_13 = arith.constant 0 : i32
    %dma_wait3A_14 = tpu.memref_slice %arg7[%mul3A_2, %dma_wait3A_13] : memref<10112x40xf32, #tpu.memory_space<vmem_shared>> -> memref<632x40xf32, #tpu.memory_space<vmem_shared>>
    %dma_wait3A_15 = arith.constant 0 : i32
    %dma_wait3A_16 = tpu.memref_slice %arg2[%mul3A_2, %dma_wait3A_15] : memref<10112x40xf32, #tpu.memory_space<hbm>> -> memref<632x40xf32, #tpu.memory_space<hbm>>
    tpu.wait_dma2 semaphore(%arg13 : memref<!tpu.dma_semaphore, #tpu.memory_space<semaphore_mem>>) src(%dma_wait3A_16 : memref<632x40xf32, #tpu.memory_space<hbm>>) dst(%dma_wait3A_14 : memref<632x40xf32, #tpu.memory_space<vmem_shared>>)
    %barrier3A = arith.constant 0 : index
    tpu.barrier barrier_id(%barrier3A)
    %scan3A = arith.constant 0 : i32
    %scan3A_17 = arith.constant 0 : i32
    %scan3A_18 = arith.constant 79 : i32
    %scan3A_19 = arith.addi %scan3A_17, %scan3A_18 : i32
    %scan3A_20 = arith.constant 1 : i32
    scf.for %scan3A_23 = %scan3A_17 to %scan3A_19 step %scan3A_20  : i32 {
      %dma_start3A_24 = arith.constant 0 : i32
      %dma_start3A_25 = tpu.memref_slice %arg8[%scan3A_23, %dma_start3A_24] : memref<79x128xi32, #tpu.memory_space<vmem>> -> memref<1x128xi32, #tpu.memory_space<vmem>>
      %dma_start3A_26 = tpu.memref_squeeze %dma_start3A_25 : memref<1x128xi32, #tpu.memory_space<vmem>> -> memref<128xi32, #tpu.memory_space<vmem>>
      %dma_start3A_27 = arith.constant 0 : i32
      %dma_start3A_28 = arith.constant 0 : i32
      %dma_start3A_29 = tpu.memref_slice %arg7[%dma_start3A_27, %dma_start3A_28] : memref<10112x40xf32, #tpu.memory_space<vmem_shared>> -> memref<10112x40xf32, #tpu.memory_space<vmem_shared>>
      tpu.enqueue_indirect_dma source(%dma_start3A_29 : memref<10112x40xf32, #tpu.memory_space<vmem_shared>>) target(%arg10 : memref<128x40xf32, #tpu.memory_space<vmem>>) offsets(%dma_start3A_26 : memref<128xi32, #tpu.memory_space<vmem>>) semaphore(%arg11 : memref<!tpu.dma_semaphore, #tpu.memory_space<semaphore_mem>>)
      %dma_wait3A_30 = arith.constant 0 : i32
      %dma_wait3A_31 = tpu.memref_slice %arg8[%scan3A_23, %dma_wait3A_30] : memref<79x128xi32, #tpu.memory_space<vmem>> -> memref<1x128xi32, #tpu.memory_space<vmem>>
      %dma_wait3A_32 = tpu.memref_squeeze %dma_wait3A_31 : memref<1x128xi32, #tpu.memory_space<vmem>> -> memref<128xi32, #tpu.memory_space<vmem>>
      %dma_wait3A_33 = arith.constant 0 : i32
      %dma_wait3A_34 = arith.constant 0 : i32
      %dma_wait3A_35 = tpu.memref_slice %arg7[%dma_wait3A_33, %dma_wait3A_34] : memref<10112x40xf32, #tpu.memory_space<vmem_shared>> -> memref<10112x40xf32, #tpu.memory_space<vmem_shared>>
      tpu.wait_indirect_dma semaphore(%arg11 : memref<!tpu.dma_semaphore, #tpu.memory_space<semaphore_mem>>) src(%dma_wait3A_35 : memref<10112x40xf32, #tpu.memory_space<vmem_shared>>) dst(%arg10 : memref<128x40xf32, #tpu.memory_space<vmem>>)
      "tpu.region"() ({
        %run_scoped3A = tpu.sem_alloc : memref<!tpu.dma_semaphore, #tpu.memory_space<semaphore_mem>>
        %dma_start3A_36 = arith.constant 0 : i32
        %dma_start3A_37 = tpu.memref_slice %arg9[%scan3A_23, %dma_start3A_36] : memref<79x128xi32, #tpu.memory_space<vmem>> -> memref<1x128xi32, #tpu.memory_space<vmem>>
        %dma_start3A_38 = tpu.memref_squeeze %dma_start3A_37 : memref<1x128xi32, #tpu.memory_space<vmem>> -> memref<128xi32, #tpu.memory_space<vmem>>
        %dma_start3A_39 = arith.constant 0 : i32
        %dma_start3A_40 = arith.constant 0 : i32
        %dma_start3A_41 = tpu.memref_slice %arg6[%dma_start3A_39, %dma_start3A_40] : memref<10112x40xf32, #tpu.memory_space<vmem_shared>> -> memref<10112x40xf32, #tpu.memory_space<vmem_shared>>
        tpu.enqueue_indirect_dma source(%arg10 : memref<128x40xf32, #tpu.memory_space<vmem>>) target(%dma_start3A_41 : memref<10112x40xf32, #tpu.memory_space<vmem_shared>>) offsets(%dma_start3A_38 : memref<128xi32, #tpu.memory_space<vmem>>) semaphore(%run_scoped3A : memref<!tpu.dma_semaphore, #tpu.memory_space<semaphore_mem>>) {add = true}
        %dma_wait3A_42 = arith.constant 0 : i32
        %dma_wait3A_43 = tpu.memref_slice %arg9[%scan3A_23, %dma_wait3A_42] : memref<79x128xi32, #tpu.memory_space<vmem>> -> memref<1x128xi32, #tpu.memory_space<vmem>>
        %dma_wait3A_44 = tpu.memref_squeeze %dma_wait3A_43 : memref<1x128xi32, #tpu.memory_space<vmem>> -> memref<128xi32, #tpu.memory_space<vmem>>
        %dma_wait3A_45 = arith.constant 0 : i32
        %dma_wait3A_46 = arith.constant 0 : i32
        %dma_wait3A_47 = tpu.memref_slice %arg6[%dma_wait3A_45, %dma_wait3A_46] : memref<10112x40xf32, #tpu.memory_space<vmem_shared>> -> memref<10112x40xf32, #tpu.memory_space<vmem_shared>>
        tpu.wait_indirect_dma semaphore(%run_scoped3A : memref<!tpu.dma_semaphore, #tpu.memory_space<semaphore_mem>>) src(%arg10 : memref<128x40xf32, #tpu.memory_space<vmem>>) dst(%dma_wait3A_47 : memref<10112x40xf32, #tpu.memory_space<vmem_shared>>)
        tpu.yield
      }) : () -> ()
    }
    %scan3A_21 = arith.constant 79 : i32
    %barrier3A_22 = arith.constant 0 : index
    tpu.barrier barrier_id(%barrier3A_22)
    "tpu.region"() ({
      %run_scoped3A = tpu.sem_alloc : memref<!tpu.dma_semaphore, #tpu.memory_space<semaphore_mem>>
      %dma_start3A_23 = arith.constant 0 : i32
      %dma_start3A_24 = tpu.memref_slice %arg5[%arg0, %mul3A_2, %dma_start3A_23] : memref<2x10112x40xf32, #tpu.memory_space<hbm>> -> memref<1x632x40xf32, #tpu.memory_space<hbm>>
      %dma_start3A_25 = tpu.memref_squeeze %dma_start3A_24 : memref<1x632x40xf32, #tpu.memory_space<hbm>> -> memref<632x40xf32, #tpu.memory_space<hbm>>
      %dma_start3A_26 = arith.constant 0 : i32
      %dma_start3A_27 = tpu.memref_slice %arg6[%mul3A_2, %dma_start3A_26] : memref<10112x40xf32, #tpu.memory_space<vmem_shared>> -> memref<632x40xf32, #tpu.memory_space<vmem_shared>>
      tpu.enqueue_dma source(%dma_start3A_27 : memref<632x40xf32, #tpu.memory_space<vmem_shared>>) target(%dma_start3A_25 : memref<632x40xf32, #tpu.memory_space<hbm>>) target_semaphore(%run_scoped3A : memref<!tpu.dma_semaphore, #tpu.memory_space<semaphore_mem>>)
      %dma_wait3A_28 = arith.constant 0 : i32
      %dma_wait3A_29 = tpu.memref_slice %arg5[%arg0, %mul3A_2, %dma_wait3A_28] : memref<2x10112x40xf32, #tpu.memory_space<hbm>> -> memref<1x632x40xf32, #tpu.memory_space<hbm>>
      %dma_wait3A_30 = tpu.memref_squeeze %dma_wait3A_29 : memref<1x632x40xf32, #tpu.memory_space<hbm>> -> memref<632x40xf32, #tpu.memory_space<hbm>>
      %dma_wait3A_31 = arith.constant 0 : i32
      %dma_wait3A_32 = tpu.memref_slice %arg6[%mul3A_2, %dma_wait3A_31] : memref<10112x40xf32, #tpu.memory_space<vmem_shared>> -> memref<632x40xf32, #tpu.memory_space<vmem_shared>>
      tpu.wait_dma2 semaphore(%run_scoped3A : memref<!tpu.dma_semaphore, #tpu.memory_space<semaphore_mem>>) src(%dma_wait3A_32 : memref<632x40xf32, #tpu.memory_space<vmem_shared>>) dst(%dma_wait3A_30 : memref<632x40xf32, #tpu.memory_space<hbm>>)
      tpu.yield
    }) : () -> ()
    return
  }
}

#map = affine_map<(d0, d1) -> (0, 0)>
#map1 = affine_map<(d0, d1) -> (0, 0, 0)>
module attributes {stable_mosaic.version = 14 : i64} {
  func.func @edge_kernel(%arg0: i32, %arg1: i32, %arg2: memref<10112x40xf32, #tpu.memory_space<hbm>>, %arg3: memref<32x79x128xi32, #tpu.memory_space<hbm>>, %arg4: memref<32x79x128xi32, #tpu.memory_space<hbm>>, %arg5: memref<2x10112x40xf32, #tpu.memory_space<hbm>>, %arg6: memref<10112x40xf32, #tpu.memory_space<vmem_shared>>, %arg7: memref<10112x40xf32, #tpu.memory_space<vmem_shared>>, %arg8: memref<79x128xi32, #tpu.memory_space<vmem>>, %arg9: memref<79x128xi32, #tpu.memory_space<vmem>>, %arg10: memref<128x40xf32, #tpu.memory_space<vmem>>, %arg11: memref<!tpu.dma_semaphore, #tpu.memory_space<semaphore_mem>>, %arg12: memref<!tpu.dma_semaphore, #tpu.memory_space<semaphore_mem>>, %arg13: memref<!tpu.dma_semaphore, #tpu.memory_space<semaphore_mem>>) attributes {dimension_semantics = [#tpu.dimension_semantics<core_parallel>, #tpu.dimension_semantics<subcore_parallel>], iteration_bounds = array<i64: 2, 16>, scalar_prefetch = 0 : i64, scratch_operands = 8 : i64, tpu.core_type = #tpu.core_type<sc_vector_subcore>, window_params = [{transform_indices = #map}, {transform_indices = #map1}, {transform_indices = #map1}, {transform_indices = #map1}]} {
    %mul3A = arith.constant 16 : i32
    %mul3A_0 = arith.muli %arg0, %mul3A : i32
    %add3A = arith.addi %mul3A_0, %arg1 : i32
    %mul3A_1 = arith.constant 632 : i32
    %mul3A_2 = arith.muli %arg1, %mul3A_1 : i32
    %dma_start3A = arith.constant 0 : i32
    %dma_start3A_3 = tpu.memref_slice %arg6[%mul3A_2, %dma_start3A] : memref<10112x40xf32, #tpu.memory_space<vmem_shared>> -> memref<632x40xf32, #tpu.memory_space<vmem_shared>>
    %dma_start3A_4 = arith.constant 0 : i32
    %dma_start3A_5 = tpu.memref_slice %arg2[%mul3A_2, %dma_start3A_4] : memref<10112x40xf32, #tpu.memory_space<hbm>> -> memref<632x40xf32, #tpu.memory_space<hbm>>
    tpu.enqueue_dma source(%dma_start3A_5 : memref<632x40xf32, #tpu.memory_space<hbm>>) target(%dma_start3A_3 : memref<632x40xf32, #tpu.memory_space<vmem_shared>>) target_semaphore(%arg12 : memref<!tpu.dma_semaphore, #tpu.memory_space<semaphore_mem>>)
    %dma_start3A_6 = arith.constant 0 : i32
    %dma_start3A_7 = tpu.memref_slice %arg7[%mul3A_2, %dma_start3A_6] : memref<10112x40xf32, #tpu.memory_space<vmem_shared>> -> memref<632x40xf32, #tpu.memory_space<vmem_shared>>
    %dma_start3A_8 = arith.constant 0 : i32
    %dma_start3A_9 = tpu.memref_slice %arg2[%mul3A_2, %dma_start3A_8] : memref<10112x40xf32, #tpu.memory_space<hbm>> -> memref<632x40xf32, #tpu.memory_space<hbm>>
    tpu.enqueue_dma source(%dma_start3A_9 : memref<632x40xf32, #tpu.memory_space<hbm>>) target(%dma_start3A_7 : memref<632x40xf32, #tpu.memory_space<vmem_shared>>) target_semaphore(%arg13 : memref<!tpu.dma_semaphore, #tpu.memory_space<semaphore_mem>>)
    "tpu.region"() ({
      %run_scoped3A = tpu.sem_alloc : memref<!tpu.dma_semaphore, #tpu.memory_space<semaphore_mem>>
      %dma_start3A_23 = arith.constant 0 : i32
      %dma_start3A_24 = arith.constant 0 : i32
      %dma_start3A_25 = tpu.memref_slice %arg3[%add3A, %dma_start3A_23, %dma_start3A_24] : memref<32x79x128xi32, #tpu.memory_space<hbm>> -> memref<1x79x128xi32, #tpu.memory_space<hbm>>
      %dma_start3A_26 = tpu.memref_squeeze %dma_start3A_25 : memref<1x79x128xi32, #tpu.memory_space<hbm>> -> memref<79x128xi32, #tpu.memory_space<hbm>>
      %dma_start3A_27 = arith.constant 0 : i32
      %dma_start3A_28 = arith.constant 0 : i32
      %dma_start3A_29 = tpu.memref_slice %arg3[%add3A, %dma_start3A_27, %dma_start3A_28] : memref<32x79x128xi32, #tpu.memory_space<hbm>> -> memref<1x79x128xi32, #tpu.memory_space<hbm>>
      %dma_start3A_30 = tpu.memref_squeeze %dma_start3A_29 : memref<1x79x128xi32, #tpu.memory_space<hbm>> -> memref<79x128xi32, #tpu.memory_space<hbm>>
      tpu.enqueue_dma source(%dma_start3A_30 : memref<79x128xi32, #tpu.memory_space<hbm>>) target(%arg8 : memref<79x128xi32, #tpu.memory_space<vmem>>) target_semaphore(%run_scoped3A : memref<!tpu.dma_semaphore, #tpu.memory_space<semaphore_mem>>)
      %dma_wait3A_31 = arith.constant 0 : i32
      %dma_wait3A_32 = arith.constant 0 : i32
      %dma_wait3A_33 = tpu.memref_slice %arg3[%add3A, %dma_wait3A_31, %dma_wait3A_32] : memref<32x79x128xi32, #tpu.memory_space<hbm>> -> memref<1x79x128xi32, #tpu.memory_space<hbm>>
      %dma_wait3A_34 = tpu.memref_squeeze %dma_wait3A_33 : memref<1x79x128xi32, #tpu.memory_space<hbm>> -> memref<79x128xi32, #tpu.memory_space<hbm>>
      %dma_wait3A_35 = arith.constant 0 : i32
      %dma_wait3A_36 = arith.constant 0 : i32
      %dma_wait3A_37 = tpu.memref_slice %arg3[%add3A, %dma_wait3A_35, %dma_wait3A_36] : memref<32x79x128xi32, #tpu.memory_space<hbm>> -> memref<1x79x128xi32, #tpu.memory_space<hbm>>
      %dma_wait3A_38 = tpu.memref_squeeze %dma_wait3A_37 : memref<1x79x128xi32, #tpu.memory_space<hbm>> -> memref<79x128xi32, #tpu.memory_space<hbm>>
      tpu.wait_dma2 semaphore(%run_scoped3A : memref<!tpu.dma_semaphore, #tpu.memory_space<semaphore_mem>>) src(%dma_wait3A_38 : memref<79x128xi32, #tpu.memory_space<hbm>>) dst(%arg8 : memref<79x128xi32, #tpu.memory_space<vmem>>)
      tpu.yield
    }) : () -> ()
    "tpu.region"() ({
      %run_scoped3A = tpu.sem_alloc : memref<!tpu.dma_semaphore, #tpu.memory_space<semaphore_mem>>
      %dma_start3A_23 = arith.constant 0 : i32
      %dma_start3A_24 = arith.constant 0 : i32
      %dma_start3A_25 = tpu.memref_slice %arg4[%add3A, %dma_start3A_23, %dma_start3A_24] : memref<32x79x128xi32, #tpu.memory_space<hbm>> -> memref<1x79x128xi32, #tpu.memory_space<hbm>>
      %dma_start3A_26 = tpu.memref_squeeze %dma_start3A_25 : memref<1x79x128xi32, #tpu.memory_space<hbm>> -> memref<79x128xi32, #tpu.memory_space<hbm>>
      %dma_start3A_27 = arith.constant 0 : i32
      %dma_start3A_28 = arith.constant 0 : i32
      %dma_start3A_29 = tpu.memref_slice %arg4[%add3A, %dma_start3A_27, %dma_start3A_28] : memref<32x79x128xi32, #tpu.memory_space<hbm>> -> memref<1x79x128xi32, #tpu.memory_space<hbm>>
      %dma_start3A_30 = tpu.memref_squeeze %dma_start3A_29 : memref<1x79x128xi32, #tpu.memory_space<hbm>> -> memref<79x128xi32, #tpu.memory_space<hbm>>
      tpu.enqueue_dma source(%dma_start3A_30 : memref<79x128xi32, #tpu.memory_space<hbm>>) target(%arg9 : memref<79x128xi32, #tpu.memory_space<vmem>>) target_semaphore(%run_scoped3A : memref<!tpu.dma_semaphore, #tpu.memory_space<semaphore_mem>>)
      %dma_wait3A_31 = arith.constant 0 : i32
      %dma_wait3A_32 = arith.constant 0 : i32
      %dma_wait3A_33 = tpu.memref_slice %arg4[%add3A, %dma_wait3A_31, %dma_wait3A_32] : memref<32x79x128xi32, #tpu.memory_space<hbm>> -> memref<1x79x128xi32, #tpu.memory_space<hbm>>
      %dma_wait3A_34 = tpu.memref_squeeze %dma_wait3A_33 : memref<1x79x128xi32, #tpu.memory_space<hbm>> -> memref<79x128xi32, #tpu.memory_space<hbm>>
      %dma_wait3A_35 = arith.constant 0 : i32
      %dma_wait3A_36 = arith.constant 0 : i32
      %dma_wait3A_37 = tpu.memref_slice %arg4[%add3A, %dma_wait3A_35, %dma_wait3A_36] : memref<32x79x128xi32, #tpu.memory_space<hbm>> -> memref<1x79x128xi32, #tpu.memory_space<hbm>>
      %dma_wait3A_38 = tpu.memref_squeeze %dma_wait3A_37 : memref<1x79x128xi32, #tpu.memory_space<hbm>> -> memref<79x128xi32, #tpu.memory_space<hbm>>
      tpu.wait_dma2 semaphore(%run_scoped3A : memref<!tpu.dma_semaphore, #tpu.memory_space<semaphore_mem>>) src(%dma_wait3A_38 : memref<79x128xi32, #tpu.memory_space<hbm>>) dst(%arg9 : memref<79x128xi32, #tpu.memory_space<vmem>>)
      tpu.yield
    }) : () -> ()
    %dma_wait3A = arith.constant 0 : i32
    %dma_wait3A_10 = tpu.memref_slice %arg6[%mul3A_2, %dma_wait3A] : memref<10112x40xf32, #tpu.memory_space<vmem_shared>> -> memref<632x40xf32, #tpu.memory_space<vmem_shared>>
    %dma_wait3A_11 = arith.constant 0 : i32
    %dma_wait3A_12 = tpu.memref_slice %arg2[%mul3A_2, %dma_wait3A_11] : memref<10112x40xf32, #tpu.memory_space<hbm>> -> memref<632x40xf32, #tpu.memory_space<hbm>>
    tpu.wait_dma2 semaphore(%arg12 : memref<!tpu.dma_semaphore, #tpu.memory_space<semaphore_mem>>) src(%dma_wait3A_12 : memref<632x40xf32, #tpu.memory_space<hbm>>) dst(%dma_wait3A_10 : memref<632x40xf32, #tpu.memory_space<vmem_shared>>)
    %dma_wait3A_13 = arith.constant 0 : i32
    %dma_wait3A_14 = tpu.memref_slice %arg7[%mul3A_2, %dma_wait3A_13] : memref<10112x40xf32, #tpu.memory_space<vmem_shared>> -> memref<632x40xf32, #tpu.memory_space<vmem_shared>>
    %dma_wait3A_15 = arith.constant 0 : i32
    %dma_wait3A_16 = tpu.memref_slice %arg2[%mul3A_2, %dma_wait3A_15] : memref<10112x40xf32, #tpu.memory_space<hbm>> -> memref<632x40xf32, #tpu.memory_space<hbm>>
    tpu.wait_dma2 semaphore(%arg13 : memref<!tpu.dma_semaphore, #tpu.memory_space<semaphore_mem>>) src(%dma_wait3A_16 : memref<632x40xf32, #tpu.memory_space<hbm>>) dst(%dma_wait3A_14 : memref<632x40xf32, #tpu.memory_space<vmem_shared>>)
    %barrier3A = arith.constant 0 : index
    tpu.barrier barrier_id(%barrier3A)
    %scan3A = arith.constant 0 : i32
    %scan3A_17 = arith.constant 0 : i32
    %scan3A_18 = arith.constant 79 : i32
    %scan3A_19 = arith.addi %scan3A_17, %scan3A_18 : i32
    %scan3A_20 = arith.constant 1 : i32
    scf.for %scan3A_23 = %scan3A_17 to %scan3A_19 step %scan3A_20  : i32 {
      %dma_start3A_24 = arith.constant 0 : i32
      %dma_start3A_25 = tpu.memref_slice %arg8[%scan3A_23, %dma_start3A_24] : memref<79x128xi32, #tpu.memory_space<vmem>> -> memref<1x128xi32, #tpu.memory_space<vmem>>
      %dma_start3A_26 = tpu.memref_squeeze %dma_start3A_25 : memref<1x128xi32, #tpu.memory_space<vmem>> -> memref<128xi32, #tpu.memory_space<vmem>>
      %dma_start3A_27 = arith.constant 0 : i32
      %dma_start3A_28 = arith.constant 0 : i32
      %dma_start3A_29 = tpu.memref_slice %arg7[%dma_start3A_27, %dma_start3A_28] : memref<10112x40xf32, #tpu.memory_space<vmem_shared>> -> memref<10112x40xf32, #tpu.memory_space<vmem_shared>>
      tpu.enqueue_indirect_dma source(%dma_start3A_29 : memref<10112x40xf32, #tpu.memory_space<vmem_shared>>) target(%arg10 : memref<128x40xf32, #tpu.memory_space<vmem>>) offsets(%dma_start3A_26 : memref<128xi32, #tpu.memory_space<vmem>>) semaphore(%arg11 : memref<!tpu.dma_semaphore, #tpu.memory_space<semaphore_mem>>)
      %dma_wait3A_30 = arith.constant 0 : i32
      %dma_wait3A_31 = tpu.memref_slice %arg8[%scan3A_23, %dma_wait3A_30] : memref<79x128xi32, #tpu.memory_space<vmem>> -> memref<1x128xi32, #tpu.memory_space<vmem>>
      %dma_wait3A_32 = tpu.memref_squeeze %dma_wait3A_31 : memref<1x128xi32, #tpu.memory_space<vmem>> -> memref<128xi32, #tpu.memory_space<vmem>>
      %dma_wait3A_33 = arith.constant 0 : i32
      %dma_wait3A_34 = arith.constant 0 : i32
      %dma_wait3A_35 = tpu.memref_slice %arg7[%dma_wait3A_33, %dma_wait3A_34] : memref<10112x40xf32, #tpu.memory_space<vmem_shared>> -> memref<10112x40xf32, #tpu.memory_space<vmem_shared>>
      tpu.wait_indirect_dma semaphore(%arg11 : memref<!tpu.dma_semaphore, #tpu.memory_space<semaphore_mem>>) src(%dma_wait3A_35 : memref<10112x40xf32, #tpu.memory_space<vmem_shared>>) dst(%arg10 : memref<128x40xf32, #tpu.memory_space<vmem>>)
      "tpu.region"() ({
        %run_scoped3A = tpu.sem_alloc : memref<!tpu.dma_semaphore, #tpu.memory_space<semaphore_mem>>
        %dma_start3A_36 = arith.constant 0 : i32
        %dma_start3A_37 = tpu.memref_slice %arg9[%scan3A_23, %dma_start3A_36] : memref<79x128xi32, #tpu.memory_space<vmem>> -> memref<1x128xi32, #tpu.memory_space<vmem>>
        %dma_start3A_38 = tpu.memref_squeeze %dma_start3A_37 : memref<1x128xi32, #tpu.memory_space<vmem>> -> memref<128xi32, #tpu.memory_space<vmem>>
        %dma_start3A_39 = arith.constant 0 : i32
        %dma_start3A_40 = arith.constant 0 : i32
        %dma_start3A_41 = tpu.memref_slice %arg6[%dma_start3A_39, %dma_start3A_40] : memref<10112x40xf32, #tpu.memory_space<vmem_shared>> -> memref<10112x40xf32, #tpu.memory_space<vmem_shared>>
        tpu.enqueue_indirect_dma source(%arg10 : memref<128x40xf32, #tpu.memory_space<vmem>>) target(%dma_start3A_41 : memref<10112x40xf32, #tpu.memory_space<vmem_shared>>) offsets(%dma_start3A_38 : memref<128xi32, #tpu.memory_space<vmem>>) semaphore(%run_scoped3A : memref<!tpu.dma_semaphore, #tpu.memory_space<semaphore_mem>>) {add = true}
        %dma_wait3A_42 = arith.constant 0 : i32
        %dma_wait3A_43 = tpu.memref_slice %arg9[%scan3A_23, %dma_wait3A_42] : memref<79x128xi32, #tpu.memory_space<vmem>> -> memref<1x128xi32, #tpu.memory_space<vmem>>
        %dma_wait3A_44 = tpu.memref_squeeze %dma_wait3A_43 : memref<1x128xi32, #tpu.memory_space<vmem>> -> memref<128xi32, #tpu.memory_space<vmem>>
        %dma_wait3A_45 = arith.constant 0 : i32
        %dma_wait3A_46 = arith.constant 0 : i32
        %dma_wait3A_47 = tpu.memref_slice %arg6[%dma_wait3A_45, %dma_wait3A_46] : memref<10112x40xf32, #tpu.memory_space<vmem_shared>> -> memref<10112x40xf32, #tpu.memory_space<vmem_shared>>
        tpu.wait_indirect_dma semaphore(%run_scoped3A : memref<!tpu.dma_semaphore, #tpu.memory_space<semaphore_mem>>) src(%arg10 : memref<128x40xf32, #tpu.memory_space<vmem>>) dst(%dma_wait3A_47 : memref<10112x40xf32, #tpu.memory_space<vmem_shared>>)
        tpu.yield
      }) : () -> ()
    }
    %scan3A_21 = arith.constant 79 : i32
    %barrier3A_22 = arith.constant 0 : index
    tpu.barrier barrier_id(%barrier3A_22)
    "tpu.region"() ({
      %run_scoped3A = tpu.sem_alloc : memref<!tpu.dma_semaphore, #tpu.memory_space<semaphore_mem>>
      %dma_start3A_23 = arith.constant 0 : i32
      %dma_start3A_24 = tpu.memref_slice %arg5[%arg0, %mul3A_2, %dma_start3A_23] : memref<2x10112x40xf32, #tpu.memory_space<hbm>> -> memref<1x632x40xf32, #tpu.memory_space<hbm>>
      %dma_start3A_25 = tpu.memref_squeeze %dma_start3A_24 : memref<1x632x40xf32, #tpu.memory_space<hbm>> -> memref<632x40xf32, #tpu.memory_space<hbm>>
      %dma_start3A_26 = arith.constant 0 : i32
      %dma_start3A_27 = tpu.memref_slice %arg6[%mul3A_2, %dma_start3A_26] : memref<10112x40xf32, #tpu.memory_space<vmem_shared>> -> memref<632x40xf32, #tpu.memory_space<vmem_shared>>
      tpu.enqueue_dma source(%dma_start3A_27 : memref<632x40xf32, #tpu.memory_space<vmem_shared>>) target(%dma_start3A_25 : memref<632x40xf32, #tpu.memory_space<hbm>>) target_semaphore(%run_scoped3A : memref<!tpu.dma_semaphore, #tpu.memory_space<semaphore_mem>>)
      %dma_wait3A_28 = arith.constant 0 : i32
      %dma_wait3A_29 = tpu.memref_slice %arg5[%arg0, %mul3A_2, %dma_wait3A_28] : memref<2x10112x40xf32, #tpu.memory_space<hbm>> -> memref<1x632x40xf32, #tpu.memory_space<hbm>>
      %dma_wait3A_30 = tpu.memref_squeeze %dma_wait3A_29 : memref<1x632x40xf32, #tpu.memory_space<hbm>> -> memref<632x40xf32, #tpu.memory_space<hbm>>
      %dma_wait3A_31 = arith.constant 0 : i32
      %dma_wait3A_32 = tpu.memref_slice %arg6[%mul3A_2, %dma_wait3A_31] : memref<10112x40xf32, #tpu.memory_space<vmem_shared>> -> memref<632x40xf32, #tpu.memory_space<vmem_shared>>
      tpu.wait_dma2 semaphore(%run_scoped3A : memref<!tpu.dma_semaphore, #tpu.memory_space<semaphore_mem>>) src(%dma_wait3A_32 : memref<632x40xf32, #tpu.memory_space<vmem_shared>>) dst(%dma_wait3A_30 : memref<632x40xf32, #tpu.memory_space<hbm>>)
      tpu.yield
    }) : () -> ()
    return
  }
}

#map = affine_map<(d0, d1) -> (0, 0)>
#map1 = affine_map<(d0, d1) -> (0, 0, 0)>
module attributes {stable_mosaic.version = 14 : i64} {
  func.func @edge_kernel(%arg0: i32, %arg1: i32, %arg2: memref<10112x40xf32, #tpu.memory_space<hbm>>, %arg3: memref<32x79x128xi32, #tpu.memory_space<hbm>>, %arg4: memref<32x79x128xi32, #tpu.memory_space<hbm>>, %arg5: memref<2x10112x40xf32, #tpu.memory_space<hbm>>, %arg6: memref<10112x40xf32, #tpu.memory_space<vmem_shared>>, %arg7: memref<10112x40xf32, #tpu.memory_space<vmem_shared>>, %arg8: memref<79x128xi32, #tpu.memory_space<vmem>>, %arg9: memref<79x128xi32, #tpu.memory_space<vmem>>, %arg10: memref<128x40xf32, #tpu.memory_space<vmem>>, %arg11: memref<!tpu.dma_semaphore, #tpu.memory_space<semaphore_mem>>, %arg12: memref<!tpu.dma_semaphore, #tpu.memory_space<semaphore_mem>>, %arg13: memref<!tpu.dma_semaphore, #tpu.memory_space<semaphore_mem>>) attributes {dimension_semantics = [#tpu.dimension_semantics<core_parallel>, #tpu.dimension_semantics<subcore_parallel>], iteration_bounds = array<i64: 2, 16>, scalar_prefetch = 0 : i64, scratch_operands = 8 : i64, tpu.core_type = #tpu.core_type<sc_vector_subcore>, window_params = [{transform_indices = #map}, {transform_indices = #map1}, {transform_indices = #map1}, {transform_indices = #map1}]} {
    %mul3A = arith.constant 16 : i32
    %mul3A_0 = arith.muli %arg0, %mul3A : i32
    %add3A = arith.addi %mul3A_0, %arg1 : i32
    %mul3A_1 = arith.constant 632 : i32
    %mul3A_2 = arith.muli %arg1, %mul3A_1 : i32
    %dma_start3A = arith.constant 0 : i32
    %dma_start3A_3 = tpu.memref_slice %arg6[%mul3A_2, %dma_start3A] : memref<10112x40xf32, #tpu.memory_space<vmem_shared>> -> memref<632x40xf32, #tpu.memory_space<vmem_shared>>
    %dma_start3A_4 = arith.constant 0 : i32
    %dma_start3A_5 = tpu.memref_slice %arg2[%mul3A_2, %dma_start3A_4] : memref<10112x40xf32, #tpu.memory_space<hbm>> -> memref<632x40xf32, #tpu.memory_space<hbm>>
    tpu.enqueue_dma source(%dma_start3A_5 : memref<632x40xf32, #tpu.memory_space<hbm>>) target(%dma_start3A_3 : memref<632x40xf32, #tpu.memory_space<vmem_shared>>) target_semaphore(%arg12 : memref<!tpu.dma_semaphore, #tpu.memory_space<semaphore_mem>>)
    %dma_start3A_6 = arith.constant 0 : i32
    %dma_start3A_7 = tpu.memref_slice %arg7[%mul3A_2, %dma_start3A_6] : memref<10112x40xf32, #tpu.memory_space<vmem_shared>> -> memref<632x40xf32, #tpu.memory_space<vmem_shared>>
    %dma_start3A_8 = arith.constant 0 : i32
    %dma_start3A_9 = tpu.memref_slice %arg2[%mul3A_2, %dma_start3A_8] : memref<10112x40xf32, #tpu.memory_space<hbm>> -> memref<632x40xf32, #tpu.memory_space<hbm>>
    tpu.enqueue_dma source(%dma_start3A_9 : memref<632x40xf32, #tpu.memory_space<hbm>>) target(%dma_start3A_7 : memref<632x40xf32, #tpu.memory_space<vmem_shared>>) target_semaphore(%arg13 : memref<!tpu.dma_semaphore, #tpu.memory_space<semaphore_mem>>)
    "tpu.region"() ({
      %run_scoped3A = tpu.sem_alloc : memref<!tpu.dma_semaphore, #tpu.memory_space<semaphore_mem>>
      %dma_start3A_23 = arith.constant 0 : i32
      %dma_start3A_24 = arith.constant 0 : i32
      %dma_start3A_25 = tpu.memref_slice %arg3[%add3A, %dma_start3A_23, %dma_start3A_24] : memref<32x79x128xi32, #tpu.memory_space<hbm>> -> memref<1x79x128xi32, #tpu.memory_space<hbm>>
      %dma_start3A_26 = tpu.memref_squeeze %dma_start3A_25 : memref<1x79x128xi32, #tpu.memory_space<hbm>> -> memref<79x128xi32, #tpu.memory_space<hbm>>
      %dma_start3A_27 = arith.constant 0 : i32
      %dma_start3A_28 = arith.constant 0 : i32
      %dma_start3A_29 = tpu.memref_slice %arg3[%add3A, %dma_start3A_27, %dma_start3A_28] : memref<32x79x128xi32, #tpu.memory_space<hbm>> -> memref<1x79x128xi32, #tpu.memory_space<hbm>>
      %dma_start3A_30 = tpu.memref_squeeze %dma_start3A_29 : memref<1x79x128xi32, #tpu.memory_space<hbm>> -> memref<79x128xi32, #tpu.memory_space<hbm>>
      tpu.enqueue_dma source(%dma_start3A_30 : memref<79x128xi32, #tpu.memory_space<hbm>>) target(%arg8 : memref<79x128xi32, #tpu.memory_space<vmem>>) target_semaphore(%run_scoped3A : memref<!tpu.dma_semaphore, #tpu.memory_space<semaphore_mem>>)
      %dma_wait3A_31 = arith.constant 0 : i32
      %dma_wait3A_32 = arith.constant 0 : i32
      %dma_wait3A_33 = tpu.memref_slice %arg3[%add3A, %dma_wait3A_31, %dma_wait3A_32] : memref<32x79x128xi32, #tpu.memory_space<hbm>> -> memref<1x79x128xi32, #tpu.memory_space<hbm>>
      %dma_wait3A_34 = tpu.memref_squeeze %dma_wait3A_33 : memref<1x79x128xi32, #tpu.memory_space<hbm>> -> memref<79x128xi32, #tpu.memory_space<hbm>>
      %dma_wait3A_35 = arith.constant 0 : i32
      %dma_wait3A_36 = arith.constant 0 : i32
      %dma_wait3A_37 = tpu.memref_slice %arg3[%add3A, %dma_wait3A_35, %dma_wait3A_36] : memref<32x79x128xi32, #tpu.memory_space<hbm>> -> memref<1x79x128xi32, #tpu.memory_space<hbm>>
      %dma_wait3A_38 = tpu.memref_squeeze %dma_wait3A_37 : memref<1x79x128xi32, #tpu.memory_space<hbm>> -> memref<79x128xi32, #tpu.memory_space<hbm>>
      tpu.wait_dma2 semaphore(%run_scoped3A : memref<!tpu.dma_semaphore, #tpu.memory_space<semaphore_mem>>) src(%dma_wait3A_38 : memref<79x128xi32, #tpu.memory_space<hbm>>) dst(%arg8 : memref<79x128xi32, #tpu.memory_space<vmem>>)
      tpu.yield
    }) : () -> ()
    "tpu.region"() ({
      %run_scoped3A = tpu.sem_alloc : memref<!tpu.dma_semaphore, #tpu.memory_space<semaphore_mem>>
      %dma_start3A_23 = arith.constant 0 : i32
      %dma_start3A_24 = arith.constant 0 : i32
      %dma_start3A_25 = tpu.memref_slice %arg4[%add3A, %dma_start3A_23, %dma_start3A_24] : memref<32x79x128xi32, #tpu.memory_space<hbm>> -> memref<1x79x128xi32, #tpu.memory_space<hbm>>
      %dma_start3A_26 = tpu.memref_squeeze %dma_start3A_25 : memref<1x79x128xi32, #tpu.memory_space<hbm>> -> memref<79x128xi32, #tpu.memory_space<hbm>>
      %dma_start3A_27 = arith.constant 0 : i32
      %dma_start3A_28 = arith.constant 0 : i32
      %dma_start3A_29 = tpu.memref_slice %arg4[%add3A, %dma_start3A_27, %dma_start3A_28] : memref<32x79x128xi32, #tpu.memory_space<hbm>> -> memref<1x79x128xi32, #tpu.memory_space<hbm>>
      %dma_start3A_30 = tpu.memref_squeeze %dma_start3A_29 : memref<1x79x128xi32, #tpu.memory_space<hbm>> -> memref<79x128xi32, #tpu.memory_space<hbm>>
      tpu.enqueue_dma source(%dma_start3A_30 : memref<79x128xi32, #tpu.memory_space<hbm>>) target(%arg9 : memref<79x128xi32, #tpu.memory_space<vmem>>) target_semaphore(%run_scoped3A : memref<!tpu.dma_semaphore, #tpu.memory_space<semaphore_mem>>)
      %dma_wait3A_31 = arith.constant 0 : i32
      %dma_wait3A_32 = arith.constant 0 : i32
      %dma_wait3A_33 = tpu.memref_slice %arg4[%add3A, %dma_wait3A_31, %dma_wait3A_32] : memref<32x79x128xi32, #tpu.memory_space<hbm>> -> memref<1x79x128xi32, #tpu.memory_space<hbm>>
      %dma_wait3A_34 = tpu.memref_squeeze %dma_wait3A_33 : memref<1x79x128xi32, #tpu.memory_space<hbm>> -> memref<79x128xi32, #tpu.memory_space<hbm>>
      %dma_wait3A_35 = arith.constant 0 : i32
      %dma_wait3A_36 = arith.constant 0 : i32
      %dma_wait3A_37 = tpu.memref_slice %arg4[%add3A, %dma_wait3A_35, %dma_wait3A_36] : memref<32x79x128xi32, #tpu.memory_space<hbm>> -> memref<1x79x128xi32, #tpu.memory_space<hbm>>
      %dma_wait3A_38 = tpu.memref_squeeze %dma_wait3A_37 : memref<1x79x128xi32, #tpu.memory_space<hbm>> -> memref<79x128xi32, #tpu.memory_space<hbm>>
      tpu.wait_dma2 semaphore(%run_scoped3A : memref<!tpu.dma_semaphore, #tpu.memory_space<semaphore_mem>>) src(%dma_wait3A_38 : memref<79x128xi32, #tpu.memory_space<hbm>>) dst(%arg9 : memref<79x128xi32, #tpu.memory_space<vmem>>)
      tpu.yield
    }) : () -> ()
    %dma_wait3A = arith.constant 0 : i32
    %dma_wait3A_10 = tpu.memref_slice %arg6[%mul3A_2, %dma_wait3A] : memref<10112x40xf32, #tpu.memory_space<vmem_shared>> -> memref<632x40xf32, #tpu.memory_space<vmem_shared>>
    %dma_wait3A_11 = arith.constant 0 : i32
    %dma_wait3A_12 = tpu.memref_slice %arg2[%mul3A_2, %dma_wait3A_11] : memref<10112x40xf32, #tpu.memory_space<hbm>> -> memref<632x40xf32, #tpu.memory_space<hbm>>
    tpu.wait_dma2 semaphore(%arg12 : memref<!tpu.dma_semaphore, #tpu.memory_space<semaphore_mem>>) src(%dma_wait3A_12 : memref<632x40xf32, #tpu.memory_space<hbm>>) dst(%dma_wait3A_10 : memref<632x40xf32, #tpu.memory_space<vmem_shared>>)
    %dma_wait3A_13 = arith.constant 0 : i32
    %dma_wait3A_14 = tpu.memref_slice %arg7[%mul3A_2, %dma_wait3A_13] : memref<10112x40xf32, #tpu.memory_space<vmem_shared>> -> memref<632x40xf32, #tpu.memory_space<vmem_shared>>
    %dma_wait3A_15 = arith.constant 0 : i32
    %dma_wait3A_16 = tpu.memref_slice %arg2[%mul3A_2, %dma_wait3A_15] : memref<10112x40xf32, #tpu.memory_space<hbm>> -> memref<632x40xf32, #tpu.memory_space<hbm>>
    tpu.wait_dma2 semaphore(%arg13 : memref<!tpu.dma_semaphore, #tpu.memory_space<semaphore_mem>>) src(%dma_wait3A_16 : memref<632x40xf32, #tpu.memory_space<hbm>>) dst(%dma_wait3A_14 : memref<632x40xf32, #tpu.memory_space<vmem_shared>>)
    %barrier3A = arith.constant 0 : index
    tpu.barrier barrier_id(%barrier3A)
    %scan3A = arith.constant 0 : i32
    %scan3A_17 = arith.constant 0 : i32
    %scan3A_18 = arith.constant 79 : i32
    %scan3A_19 = arith.addi %scan3A_17, %scan3A_18 : i32
    %scan3A_20 = arith.constant 1 : i32
    scf.for %scan3A_23 = %scan3A_17 to %scan3A_19 step %scan3A_20  : i32 {
      %dma_start3A_24 = arith.constant 0 : i32
      %dma_start3A_25 = tpu.memref_slice %arg8[%scan3A_23, %dma_start3A_24] : memref<79x128xi32, #tpu.memory_space<vmem>> -> memref<1x128xi32, #tpu.memory_space<vmem>>
      %dma_start3A_26 = tpu.memref_squeeze %dma_start3A_25 : memref<1x128xi32, #tpu.memory_space<vmem>> -> memref<128xi32, #tpu.memory_space<vmem>>
      %dma_start3A_27 = arith.constant 0 : i32
      %dma_start3A_28 = arith.constant 0 : i32
      %dma_start3A_29 = tpu.memref_slice %arg7[%dma_start3A_27, %dma_start3A_28] : memref<10112x40xf32, #tpu.memory_space<vmem_shared>> -> memref<10112x40xf32, #tpu.memory_space<vmem_shared>>
      tpu.enqueue_indirect_dma source(%dma_start3A_29 : memref<10112x40xf32, #tpu.memory_space<vmem_shared>>) target(%arg10 : memref<128x40xf32, #tpu.memory_space<vmem>>) offsets(%dma_start3A_26 : memref<128xi32, #tpu.memory_space<vmem>>) semaphore(%arg11 : memref<!tpu.dma_semaphore, #tpu.memory_space<semaphore_mem>>)
      %dma_wait3A_30 = arith.constant 0 : i32
      %dma_wait3A_31 = tpu.memref_slice %arg8[%scan3A_23, %dma_wait3A_30] : memref<79x128xi32, #tpu.memory_space<vmem>> -> memref<1x128xi32, #tpu.memory_space<vmem>>
      %dma_wait3A_32 = tpu.memref_squeeze %dma_wait3A_31 : memref<1x128xi32, #tpu.memory_space<vmem>> -> memref<128xi32, #tpu.memory_space<vmem>>
      %dma_wait3A_33 = arith.constant 0 : i32
      %dma_wait3A_34 = arith.constant 0 : i32
      %dma_wait3A_35 = tpu.memref_slice %arg7[%dma_wait3A_33, %dma_wait3A_34] : memref<10112x40xf32, #tpu.memory_space<vmem_shared>> -> memref<10112x40xf32, #tpu.memory_space<vmem_shared>>
      tpu.wait_indirect_dma semaphore(%arg11 : memref<!tpu.dma_semaphore, #tpu.memory_space<semaphore_mem>>) src(%dma_wait3A_35 : memref<10112x40xf32, #tpu.memory_space<vmem_shared>>) dst(%arg10 : memref<128x40xf32, #tpu.memory_space<vmem>>)
      "tpu.region"() ({
        %run_scoped3A = tpu.sem_alloc : memref<!tpu.dma_semaphore, #tpu.memory_space<semaphore_mem>>
        %dma_start3A_36 = arith.constant 0 : i32
        %dma_start3A_37 = tpu.memref_slice %arg9[%scan3A_23, %dma_start3A_36] : memref<79x128xi32, #tpu.memory_space<vmem>> -> memref<1x128xi32, #tpu.memory_space<vmem>>
        %dma_start3A_38 = tpu.memref_squeeze %dma_start3A_37 : memref<1x128xi32, #tpu.memory_space<vmem>> -> memref<128xi32, #tpu.memory_space<vmem>>
        %dma_start3A_39 = arith.constant 0 : i32
        %dma_start3A_40 = arith.constant 0 : i32
        %dma_start3A_41 = tpu.memref_slice %arg6[%dma_start3A_39, %dma_start3A_40] : memref<10112x40xf32, #tpu.memory_space<vmem_shared>> -> memref<10112x40xf32, #tpu.memory_space<vmem_shared>>
        tpu.enqueue_indirect_dma source(%arg10 : memref<128x40xf32, #tpu.memory_space<vmem>>) target(%dma_start3A_41 : memref<10112x40xf32, #tpu.memory_space<vmem_shared>>) offsets(%dma_start3A_38 : memref<128xi32, #tpu.memory_space<vmem>>) semaphore(%run_scoped3A : memref<!tpu.dma_semaphore, #tpu.memory_space<semaphore_mem>>) {add = true}
        %dma_wait3A_42 = arith.constant 0 : i32
        %dma_wait3A_43 = tpu.memref_slice %arg9[%scan3A_23, %dma_wait3A_42] : memref<79x128xi32, #tpu.memory_space<vmem>> -> memref<1x128xi32, #tpu.memory_space<vmem>>
        %dma_wait3A_44 = tpu.memref_squeeze %dma_wait3A_43 : memref<1x128xi32, #tpu.memory_space<vmem>> -> memref<128xi32, #tpu.memory_space<vmem>>
        %dma_wait3A_45 = arith.constant 0 : i32
        %dma_wait3A_46 = arith.constant 0 : i32
        %dma_wait3A_47 = tpu.memref_slice %arg6[%dma_wait3A_45, %dma_wait3A_46] : memref<10112x40xf32, #tpu.memory_space<vmem_shared>> -> memref<10112x40xf32, #tpu.memory_space<vmem_shared>>
        tpu.wait_indirect_dma semaphore(%run_scoped3A : memref<!tpu.dma_semaphore, #tpu.memory_space<semaphore_mem>>) src(%arg10 : memref<128x40xf32, #tpu.memory_space<vmem>>) dst(%dma_wait3A_47 : memref<10112x40xf32, #tpu.memory_space<vmem_shared>>)
        tpu.yield
      }) : () -> ()
    }
    %scan3A_21 = arith.constant 79 : i32
    %barrier3A_22 = arith.constant 0 : index
    tpu.barrier barrier_id(%barrier3A_22)
    "tpu.region"() ({
      %run_scoped3A = tpu.sem_alloc : memref<!tpu.dma_semaphore, #tpu.memory_space<semaphore_mem>>
      %dma_start3A_23 = arith.constant 0 : i32
      %dma_start3A_24 = tpu.memref_slice %arg5[%arg0, %mul3A_2, %dma_start3A_23] : memref<2x10112x40xf32, #tpu.memory_space<hbm>> -> memref<1x632x40xf32, #tpu.memory_space<hbm>>
      %dma_start3A_25 = tpu.memref_squeeze %dma_start3A_24 : memref<1x632x40xf32, #tpu.memory_space<hbm>> -> memref<632x40xf32, #tpu.memory_space<hbm>>
      %dma_start3A_26 = arith.constant 0 : i32
      %dma_start3A_27 = tpu.memref_slice %arg6[%mul3A_2, %dma_start3A_26] : memref<10112x40xf32, #tpu.memory_space<vmem_shared>> -> memref<632x40xf32, #tpu.memory_space<vmem_shared>>
      tpu.enqueue_dma source(%dma_start3A_27 : memref<632x40xf32, #tpu.memory_space<vmem_shared>>) target(%dma_start3A_25 : memref<632x40xf32, #tpu.memory_space<hbm>>) target_semaphore(%run_scoped3A : memref<!tpu.dma_semaphore, #tpu.memory_space<semaphore_mem>>)
      %dma_wait3A_28 = arith.constant 0 : i32
      %dma_wait3A_29 = tpu.memref_slice %arg5[%arg0, %mul3A_2, %dma_wait3A_28] : memref<2x10112x40xf32, #tpu.memory_space<hbm>> -> memref<1x632x40xf32, #tpu.memory_space<hbm>>
      %dma_wait3A_30 = tpu.memref_squeeze %dma_wait3A_29 : memref<1x632x40xf32, #tpu.memory_space<hbm>> -> memref<632x40xf32, #tpu.memory_space<hbm>>
      %dma_wait3A_31 = arith.constant 0 : i32
      %dma_wait3A_32 = tpu.memref_slice %arg6[%mul3A_2, %dma_wait3A_31] : memref<10112x40xf32, #tpu.memory_space<vmem_shared>> -> memref<632x40xf32, #tpu.memory_space<vmem_shared>>
      tpu.wait_dma2 semaphore(%run_scoped3A : memref<!tpu.dma_semaphore, #tpu.memory_space<semaphore_mem>>) src(%dma_wait3A_32 : memref<632x40xf32, #tpu.memory_space<vmem_shared>>) dst(%dma_wait3A_30 : memref<632x40xf32, #tpu.memory_space<hbm>>)
      tpu.yield
    }) : () -> ()
    return
  }
}

module attributes {stable_mosaic.version = 14 : i64} {
  func.func @body(%arg0: i32, %arg1: memref<632x128xf32, #tpu.memory_space<vmem>>, %arg2: memref<128x64xf32, #tpu.memory_space<vmem>>, %arg3: memref<1x64xf32, #tpu.memory_space<vmem>>, %arg4: memref<64x40xf32, #tpu.memory_space<vmem>>, %arg5: memref<1x40xf32, #tpu.memory_space<vmem>>, %arg6: memref<632x40xf32, #tpu.memory_space<vmem>>) attributes {dimension_semantics = [#tpu.dimension_semantics<arbitrary>], iteration_bounds = array<i64: 16>, scalar_prefetch = 0 : i64, scratch_operands = 0 : i64, tpu.core_type = #tpu.core_type<tc>, window_params = [{transform_indices = @transform_0, window_bounds = array<i64: 632, 128>}, {pipeline_mode = #tpu.pipeline_mode<synchronous>, transform_indices = @transform_1, window_bounds = array<i64: 128, 64>}, {pipeline_mode = #tpu.pipeline_mode<synchronous>, transform_indices = @transform_2, window_bounds = array<i64: 1, 64>}, {pipeline_mode = #tpu.pipeline_mode<synchronous>, transform_indices = @transform_3, window_bounds = array<i64: 64, 40>}, {pipeline_mode = #tpu.pipeline_mode<synchronous>, transform_indices = @transform_4, window_bounds = array<i64: 1, 40>}, {transform_indices = @transform_5, window_bounds = array<i64: 632, 40>}]} {
    %get3A = arith.constant 0 : index
    %get3A_0 = arith.constant 0 : index
    %get3A_1 = vector.load %arg1[%get3A, %get3A_0] : memref<632x128xf32, #tpu.memory_space<vmem>>, vector<632x128xf32>
    %get3A_2 = arith.constant 0 : index
    %get3A_3 = arith.constant 0 : index
    %get3A_4 = vector.load %arg2[%get3A_2, %get3A_3] : memref<128x64xf32, #tpu.memory_space<vmem>>, vector<128x64xf32>
    %dot_general3A = arith.constant dense<0.000000e+00> : vector<632x64xf32>
    %dot_general3A_5 = tpu.matmul %get3A_1, %get3A_4, %dot_general3A {dimension_numbers = #tpu.dot_dimension_numbers<[1], [0], [0], [1], [0, 0, 1, 1], [], []>, transpose_lhs_hint = false} : vector<632x128xf32>, vector<128x64xf32>, vector<632x64xf32> -> vector<632x64xf32>
    %get3A_6 = arith.constant 0 : index
    %get3A_7 = arith.constant 0 : index
    %get3A_8 = vector.load %arg3[%get3A_6, %get3A_7] : memref<1x64xf32, #tpu.memory_space<vmem>>, vector<1x64xf32>
    %add3A = vector.broadcast %get3A_8 : vector<1x64xf32> to vector<632x64xf32>
    %add3A_9 = arith.addf %dot_general3A_5, %add3A : vector<632x64xf32>
    %max3A = arith.constant 0.000000e+00 : f32
    %max3A_10 = vector.broadcast %max3A : f32 to vector<632x64xf32>
    %max3A_11 = arith.maximumf %add3A_9, %max3A_10 : vector<632x64xf32>
    %get3A_12 = arith.constant 0 : index
    %get3A_13 = arith.constant 0 : index
    %get3A_14 = vector.load %arg4[%get3A_12, %get3A_13] : memref<64x40xf32, #tpu.memory_space<vmem>>, vector<64x40xf32>
    %dot_general3A_15 = arith.constant dense<0.000000e+00> : vector<632x40xf32>
    %dot_general3A_16 = tpu.matmul %max3A_11, %get3A_14, %dot_general3A_15 {dimension_numbers = #tpu.dot_dimension_numbers<[1], [0], [0], [1], [0, 0, 1, 1], [], []>, transpose_lhs_hint = false} : vector<632x64xf32>, vector<64x40xf32>, vector<632x40xf32> -> vector<632x40xf32>
    %get3A_17 = arith.constant 0 : index
    %get3A_18 = arith.constant 0 : index
    %get3A_19 = vector.load %arg5[%get3A_17, %get3A_18] : memref<1x40xf32, #tpu.memory_space<vmem>>, vector<1x40xf32>
    %add3A_20 = vector.broadcast %get3A_19 : vector<1x40xf32> to vector<632x40xf32>
    %add3A_21 = arith.addf %dot_general3A_16, %add3A_20 : vector<632x40xf32>
    %swap3A = arith.constant 0 : index
    %swap3A_22 = arith.constant 0 : index
    %swap3A_23 = vector.load %arg6[%swap3A, %swap3A_22] : memref<632x40xf32, #tpu.memory_space<vmem>>, vector<632x40xf32>
    tpu.vector_store %arg6[%swap3A, %swap3A_22], %add3A_21 {strides = array<i32>} : memref<632x40xf32, #tpu.memory_space<vmem>>, vector<632x40xf32>,
    return
  }
  func.func @transform_0(%arg0: i32) -> (i32, i32) {
    %c0_i32 = arith.constant 0 : i32
    %c0_i32_0 = arith.constant 0 : i32
    return %arg0, %c0_i32 : i32, i32
  }
  func.func @transform_1(%arg0: i32) -> (i32, i32) {
    %c0_i32 = arith.constant 0 : i32
    %c0_i32_0 = arith.constant 0 : i32
    %c0_i32_1 = arith.constant 0 : i32
    return %c0_i32, %c0_i32_0 : i32, i32
  }
  func.func @transform_2(%arg0: i32) -> (i32, i32) {
    %c0_i32 = arith.constant 0 : i32
    %c0_i32_0 = arith.constant 0 : i32
    %c0_i32_1 = arith.constant 0 : i32
    return %c0_i32, %c0_i32_0 : i32, i32
  }
  func.func @transform_3(%arg0: i32) -> (i32, i32) {
    %c0_i32 = arith.constant 0 : i32
    %c0_i32_0 = arith.constant 0 : i32
    %c0_i32_1 = arith.constant 0 : i32
    return %c0_i32, %c0_i32_0 : i32, i32
  }
  func.func @transform_4(%arg0: i32) -> (i32, i32) {
    %c0_i32 = arith.constant 0 : i32
    %c0_i32_0 = arith.constant 0 : i32
    %c0_i32_1 = arith.constant 0 : i32
    return %c0_i32, %c0_i32_0 : i32, i32
  }
  func.func @transform_5(%arg0: i32) -> (i32, i32) {
    %c0_i32 = arith.constant 0 : i32
    %c0_i32_0 = arith.constant 0 : i32
    return %arg0, %c0_i32 : i32, i32
  }
}

module attributes {stable_mosaic.version = 14 : i64} {
  func.func @body(%arg0: i32, %arg1: memref<632x40xf32, #tpu.memory_space<vmem>>, %arg2: memref<632x40xf32, #tpu.memory_space<vmem>>, %arg3: memref<632x40xf32, #tpu.memory_space<vmem>>, %arg4: memref<632x1xf32, #tpu.memory_space<vmem>>, %arg5: memref<632x40xf32, #tpu.memory_space<vmem>>) attributes {dimension_semantics = [#tpu.dimension_semantics<arbitrary>], iteration_bounds = array<i64: 16>, scalar_prefetch = 0 : i64, scratch_operands = 0 : i64, tpu.core_type = #tpu.core_type<tc>, window_params = [{transform_indices = @transform_0, window_bounds = array<i64: 632, 40>}, {transform_indices = @transform_1, window_bounds = array<i64: 632, 40>}, {transform_indices = @transform_2, window_bounds = array<i64: 632, 40>}, {transform_indices = @transform_3, window_bounds = array<i64: 632, 1>}, {transform_indices = @transform_4, window_bounds = array<i64: 632, 40>}]} {
    %get3A = arith.constant 0 : index
    %get3A_0 = arith.constant 0 : index
    %get3A_1 = vector.load %arg1[%get3A, %get3A_0] : memref<632x40xf32, #tpu.memory_space<vmem>>, vector<632x1xf32>
    %get3A_2 = arith.constant 0 : index
    %get3A_3 = arith.constant 0 : index
    %get3A_4 = vector.load %arg2[%get3A_2, %get3A_3] : memref<632x40xf32, #tpu.memory_space<vmem>>, vector<632x1xf32>
    %add3A = arith.addf %get3A_1, %get3A_4 : vector<632x1xf32>
    %add3A_5 = arith.constant 1.000000e+00 : f32
    %add3A_6 = vector.broadcast %add3A_5 : f32 to vector<632x1xf32>
    %add3A_7 = arith.addf %add3A, %add3A_6 : vector<632x1xf32>
    %rsqrt3A = math.rsqrt %add3A_7 : vector<632x1xf32>
    %swap3A = arith.constant 0 : index
    %swap3A_8 = arith.constant 0 : index
    %swap3A_9 = vector.load %arg4[%swap3A, %swap3A_8] : memref<632x1xf32, #tpu.memory_space<vmem>>, vector<632x1xf32>
    tpu.vector_store %arg4[%swap3A, %swap3A_8], %rsqrt3A {strides = array<i32>} : memref<632x1xf32, #tpu.memory_space<vmem>>, vector<632x1xf32>,
    %get3A_10 = arith.constant 0 : index
    %get3A_11 = arith.constant 0 : index
    %get3A_12 = vector.load %arg3[%get3A_10, %get3A_11] : memref<632x40xf32, #tpu.memory_space<vmem>>, vector<632x40xf32>
    %mul3A = vector.broadcast %rsqrt3A : vector<632x1xf32> to vector<632x40xf32>
    %mul3A_13 = arith.mulf %mul3A, %get3A_12 : vector<632x40xf32>
    %swap3A_14 = arith.constant 0 : index
    %swap3A_15 = arith.constant 0 : index
    %swap3A_16 = vector.load %arg5[%swap3A_14, %swap3A_15] : memref<632x40xf32, #tpu.memory_space<vmem>>, vector<632x40xf32>
    tpu.vector_store %arg5[%swap3A_14, %swap3A_15], %mul3A_13 {strides = array<i32>} : memref<632x40xf32, #tpu.memory_space<vmem>>, vector<632x40xf32>,
    return
  }
  func.func @transform_0(%arg0: i32) -> (i32, i32) {
    %c0_i32 = arith.constant 0 : i32
    %c0_i32_0 = arith.constant 0 : i32
    return %arg0, %c0_i32 : i32, i32
  }
  func.func @transform_1(%arg0: i32) -> (i32, i32) {
    %c0_i32 = arith.constant 0 : i32
    %c0_i32_0 = arith.constant 0 : i32
    return %arg0, %c0_i32 : i32, i32
  }
  func.func @transform_2(%arg0: i32) -> (i32, i32) {
    %c0_i32 = arith.constant 0 : i32
    %c0_i32_0 = arith.constant 0 : i32
    return %arg0, %c0_i32 : i32, i32
  }
  func.func @transform_3(%arg0: i32) -> (i32, i32) {
    %c0_i32 = arith.constant 0 : i32
    %c0_i32_0 = arith.constant 0 : i32
    return %arg0, %c0_i32 : i32, i32
  }
  func.func @transform_4(%arg0: i32) -> (i32, i32) {
    %c0_i32 = arith.constant 0 : i32
    %c0_i32_0 = arith.constant 0 : i32
    return %arg0, %c0_i32 : i32, i32
  }
}

module attributes {stable_mosaic.version = 14 : i64} {
  func.func @body(%arg0: i32, %arg1: memref<632x40xf32, #tpu.memory_space<vmem>>, %arg2: memref<632x40xf32, #tpu.memory_space<vmem>>, %arg3: memref<632x40xf32, #tpu.memory_space<vmem>>, %arg4: memref<632x40xf32, #tpu.memory_space<vmem>>, %arg5: memref<632x1xf32, #tpu.memory_space<vmem>>, %arg6: memref<632x40xf32, #tpu.memory_space<vmem>>, %arg7: memref<632x40xf32, #tpu.memory_space<vmem>>) attributes {dimension_semantics = [#tpu.dimension_semantics<arbitrary>], iteration_bounds = array<i64: 16>, scalar_prefetch = 0 : i64, scratch_operands = 0 : i64, tpu.core_type = #tpu.core_type<tc>, window_params = [{transform_indices = @transform_0, window_bounds = array<i64: 632, 40>}, {transform_indices = @transform_1, window_bounds = array<i64: 632, 40>}, {transform_indices = @transform_2, window_bounds = array<i64: 632, 40>}, {transform_indices = @transform_3, window_bounds = array<i64: 632, 40>}, {transform_indices = @transform_4, window_bounds = array<i64: 632, 1>}, {transform_indices = @transform_5, window_bounds = array<i64: 632, 40>}, {transform_indices = @transform_6, window_bounds = array<i64: 632, 40>}]} {
    %get3A = arith.constant 0 : index
    %get3A_0 = arith.constant 0 : index
    %get3A_1 = vector.load %arg5[%get3A, %get3A_0] : memref<632x1xf32, #tpu.memory_space<vmem>>, vector<632x1xf32>
    %get3A_2 = arith.constant 0 : index
    %get3A_3 = arith.constant 0 : index
    %get3A_4 = vector.load %arg1[%get3A_2, %get3A_3] : memref<632x40xf32, #tpu.memory_space<vmem>>, vector<632x40xf32>
    %get3A_5 = arith.constant 0 : index
    %get3A_6 = arith.constant 0 : index
    %get3A_7 = vector.load %arg2[%get3A_5, %get3A_6] : memref<632x40xf32, #tpu.memory_space<vmem>>, vector<632x40xf32>
    %add3A = arith.addf %get3A_4, %get3A_7 : vector<632x40xf32>
    %get3A_8 = arith.constant 0 : index
    %get3A_9 = arith.constant 0 : index
    %get3A_10 = vector.load %arg3[%get3A_8, %get3A_9] : memref<632x40xf32, #tpu.memory_space<vmem>>, vector<632x40xf32>
    %sub3A = arith.subf %add3A, %get3A_10 : vector<632x40xf32>
    %mul3A = vector.broadcast %get3A_1 : vector<632x1xf32> to vector<632x40xf32>
    %mul3A_11 = arith.mulf %mul3A, %sub3A : vector<632x40xf32>
    %mul3A_12 = arith.constant 0.899999976 : f32
    %mul3A_13 = vector.broadcast %mul3A_12 : f32 to vector<632x40xf32>
    %mul3A_14 = arith.mulf %mul3A_13, %mul3A_11 : vector<632x40xf32>
    %get3A_15 = arith.constant 0 : index
    %get3A_16 = arith.constant 0 : index
    %get3A_17 = vector.load %arg4[%get3A_15, %get3A_16] : memref<632x40xf32, #tpu.memory_space<vmem>>, vector<632x40xf32>
    %mul3A_18 = arith.constant 1.000000e-01 : f32
    %mul3A_19 = vector.broadcast %mul3A_18 : f32 to vector<632x40xf32>
    %mul3A_20 = arith.mulf %mul3A_19, %get3A_17 : vector<632x40xf32>
    %add3A_21 = arith.addf %mul3A_14, %mul3A_20 : vector<632x40xf32>
    %swap3A = arith.constant 0 : index
    %swap3A_22 = arith.constant 0 : index
    %swap3A_23 = vector.load %arg6[%swap3A, %swap3A_22] : memref<632x40xf32, #tpu.memory_space<vmem>>, vector<632x40xf32>
    tpu.vector_store %arg6[%swap3A, %swap3A_22], %add3A_21 {strides = array<i32>} : memref<632x40xf32, #tpu.memory_space<vmem>>, vector<632x40xf32>,
    %get3A_24 = arith.constant 0 : index
    %get3A_25 = arith.constant 0 : index
    %get3A_26 = vector.load %arg5[%get3A_24, %get3A_25] : memref<632x1xf32, #tpu.memory_space<vmem>>, vector<632x1xf32>
    %mul3A_27 = vector.broadcast %get3A_26 : vector<632x1xf32> to vector<632x40xf32>
    %mul3A_28 = arith.mulf %mul3A_27, %add3A_21 : vector<632x40xf32>
    %swap3A_29 = arith.constant 0 : index
    %swap3A_30 = arith.constant 0 : index
    %swap3A_31 = vector.load %arg7[%swap3A_29, %swap3A_30] : memref<632x40xf32, #tpu.memory_space<vmem>>, vector<632x40xf32>
    tpu.vector_store %arg7[%swap3A_29, %swap3A_30], %mul3A_28 {strides = array<i32>} : memref<632x40xf32, #tpu.memory_space<vmem>>, vector<632x40xf32>,
    return
  }
  func.func @transform_0(%arg0: i32) -> (i32, i32) {
    %c0_i32 = arith.constant 0 : i32
    %c0_i32_0 = arith.constant 0 : i32
    return %arg0, %c0_i32 : i32, i32
  }
  func.func @transform_1(%arg0: i32) -> (i32, i32) {
    %c0_i32 = arith.constant 0 : i32
    %c0_i32_0 = arith.constant 0 : i32
    return %arg0, %c0_i32 : i32, i32
  }
  func.func @transform_2(%arg0: i32) -> (i32, i32) {
    %c0_i32 = arith.constant 0 : i32
    %c0_i32_0 = arith.constant 0 : i32
    return %arg0, %c0_i32 : i32, i32
  }
  func.func @transform_3(%arg0: i32) -> (i32, i32) {
    %c0_i32 = arith.constant 0 : i32
    %c0_i32_0 = arith.constant 0 : i32
    return %arg0, %c0_i32 : i32, i32
  }
  func.func @transform_4(%arg0: i32) -> (i32, i32) {
    %c0_i32 = arith.constant 0 : i32
    %c0_i32_0 = arith.constant 0 : i32
    return %arg0, %c0_i32 : i32, i32
  }
  func.func @transform_5(%arg0: i32) -> (i32, i32) {
    %c0_i32 = arith.constant 0 : i32
    %c0_i32_0 = arith.constant 0 : i32
    return %arg0, %c0_i32 : i32, i32
  }
  func.func @transform_6(%arg0: i32) -> (i32, i32) {
    %c0_i32 = arith.constant 0 : i32
    %c0_i32_0 = arith.constant 0 : i32
    return %arg0, %c0_i32 : i32, i32
  }
}

module attributes {stable_mosaic.version = 14 : i64} {
  func.func @body(%arg0: i32, %arg1: memref<632x40xf32, #tpu.memory_space<vmem>>, %arg2: memref<632x40xf32, #tpu.memory_space<vmem>>, %arg3: memref<632x40xf32, #tpu.memory_space<vmem>>, %arg4: memref<632x40xf32, #tpu.memory_space<vmem>>, %arg5: memref<632x1xf32, #tpu.memory_space<vmem>>, %arg6: memref<632x40xf32, #tpu.memory_space<vmem>>, %arg7: memref<632x40xf32, #tpu.memory_space<vmem>>) attributes {dimension_semantics = [#tpu.dimension_semantics<arbitrary>], iteration_bounds = array<i64: 16>, scalar_prefetch = 0 : i64, scratch_operands = 0 : i64, tpu.core_type = #tpu.core_type<tc>, window_params = [{transform_indices = @transform_0, window_bounds = array<i64: 632, 40>}, {transform_indices = @transform_1, window_bounds = array<i64: 632, 40>}, {transform_indices = @transform_2, window_bounds = array<i64: 632, 40>}, {transform_indices = @transform_3, window_bounds = array<i64: 632, 40>}, {transform_indices = @transform_4, window_bounds = array<i64: 632, 1>}, {transform_indices = @transform_5, window_bounds = array<i64: 632, 40>}, {transform_indices = @transform_6, window_bounds = array<i64: 632, 40>}]} {
    %get3A = arith.constant 0 : index
    %get3A_0 = arith.constant 0 : index
    %get3A_1 = vector.load %arg5[%get3A, %get3A_0] : memref<632x1xf32, #tpu.memory_space<vmem>>, vector<632x1xf32>
    %get3A_2 = arith.constant 0 : index
    %get3A_3 = arith.constant 0 : index
    %get3A_4 = vector.load %arg1[%get3A_2, %get3A_3] : memref<632x40xf32, #tpu.memory_space<vmem>>, vector<632x40xf32>
    %get3A_5 = arith.constant 0 : index
    %get3A_6 = arith.constant 0 : index
    %get3A_7 = vector.load %arg2[%get3A_5, %get3A_6] : memref<632x40xf32, #tpu.memory_space<vmem>>, vector<632x40xf32>
    %add3A = arith.addf %get3A_4, %get3A_7 : vector<632x40xf32>
    %get3A_8 = arith.constant 0 : index
    %get3A_9 = arith.constant 0 : index
    %get3A_10 = vector.load %arg3[%get3A_8, %get3A_9] : memref<632x40xf32, #tpu.memory_space<vmem>>, vector<632x40xf32>
    %sub3A = arith.subf %add3A, %get3A_10 : vector<632x40xf32>
    %mul3A = vector.broadcast %get3A_1 : vector<632x1xf32> to vector<632x40xf32>
    %mul3A_11 = arith.mulf %mul3A, %sub3A : vector<632x40xf32>
    %mul3A_12 = arith.constant 0.899999976 : f32
    %mul3A_13 = vector.broadcast %mul3A_12 : f32 to vector<632x40xf32>
    %mul3A_14 = arith.mulf %mul3A_13, %mul3A_11 : vector<632x40xf32>
    %get3A_15 = arith.constant 0 : index
    %get3A_16 = arith.constant 0 : index
    %get3A_17 = vector.load %arg4[%get3A_15, %get3A_16] : memref<632x40xf32, #tpu.memory_space<vmem>>, vector<632x40xf32>
    %mul3A_18 = arith.constant 1.000000e-01 : f32
    %mul3A_19 = vector.broadcast %mul3A_18 : f32 to vector<632x40xf32>
    %mul3A_20 = arith.mulf %mul3A_19, %get3A_17 : vector<632x40xf32>
    %add3A_21 = arith.addf %mul3A_14, %mul3A_20 : vector<632x40xf32>
    %swap3A = arith.constant 0 : index
    %swap3A_22 = arith.constant 0 : index
    %swap3A_23 = vector.load %arg6[%swap3A, %swap3A_22] : memref<632x40xf32, #tpu.memory_space<vmem>>, vector<632x40xf32>
    tpu.vector_store %arg6[%swap3A, %swap3A_22], %add3A_21 {strides = array<i32>} : memref<632x40xf32, #tpu.memory_space<vmem>>, vector<632x40xf32>,
    %get3A_24 = arith.constant 0 : index
    %get3A_25 = arith.constant 0 : index
    %get3A_26 = vector.load %arg5[%get3A_24, %get3A_25] : memref<632x1xf32, #tpu.memory_space<vmem>>, vector<632x1xf32>
    %mul3A_27 = vector.broadcast %get3A_26 : vector<632x1xf32> to vector<632x40xf32>
    %mul3A_28 = arith.mulf %mul3A_27, %add3A_21 : vector<632x40xf32>
    %swap3A_29 = arith.constant 0 : index
    %swap3A_30 = arith.constant 0 : index
    %swap3A_31 = vector.load %arg7[%swap3A_29, %swap3A_30] : memref<632x40xf32, #tpu.memory_space<vmem>>, vector<632x40xf32>
    tpu.vector_store %arg7[%swap3A_29, %swap3A_30], %mul3A_28 {strides = array<i32>} : memref<632x40xf32, #tpu.memory_space<vmem>>, vector<632x40xf32>,
    return
  }
  func.func @transform_0(%arg0: i32) -> (i32, i32) {
    %c0_i32 = arith.constant 0 : i32
    %c0_i32_0 = arith.constant 0 : i32
    return %arg0, %c0_i32 : i32, i32
  }
  func.func @transform_1(%arg0: i32) -> (i32, i32) {
    %c0_i32 = arith.constant 0 : i32
    %c0_i32_0 = arith.constant 0 : i32
    return %arg0, %c0_i32 : i32, i32
  }
  func.func @transform_2(%arg0: i32) -> (i32, i32) {
    %c0_i32 = arith.constant 0 : i32
    %c0_i32_0 = arith.constant 0 : i32
    return %arg0, %c0_i32 : i32, i32
  }
  func.func @transform_3(%arg0: i32) -> (i32, i32) {
    %c0_i32 = arith.constant 0 : i32
    %c0_i32_0 = arith.constant 0 : i32
    return %arg0, %c0_i32 : i32, i32
  }
  func.func @transform_4(%arg0: i32) -> (i32, i32) {
    %c0_i32 = arith.constant 0 : i32
    %c0_i32_0 = arith.constant 0 : i32
    return %arg0, %c0_i32 : i32, i32
  }
  func.func @transform_5(%arg0: i32) -> (i32, i32) {
    %c0_i32 = arith.constant 0 : i32
    %c0_i32_0 = arith.constant 0 : i32
    return %arg0, %c0_i32 : i32, i32
  }
  func.func @transform_6(%arg0: i32) -> (i32, i32) {
    %c0_i32 = arith.constant 0 : i32
    %c0_i32_0 = arith.constant 0 : i32
    return %arg0, %c0_i32 : i32, i32
  }
}

</mosaic_0001>

<sc_bundles>
// kernel: kernel.25.cloned.1.call-start
scs
__scs_entry_jumppad:
0x0: {  	(pc) =	sbr.rel $0x88, $3  }
0x1: {  	(tag) =	ssettag $0x0;
	lr =	simm.s32 $0x1  }
0x2: {  	[smem:$0x3F9B] =	sst lr;
	_ =	strace $0xD0000000  }
0x3: {  	_ = 	snop  }
0x4: {  	_ = 	snop  }
0x5: {  	_ = 	snop  }
0x6: {  	_ = 	snop  }
0x7: {  	_ = 	snop  }
__scs_overlays_trampoline_lowered:
0x8: {  	[smem:$0x3FAA] =	sst s0  }
0x9: {  	[smem:$0x3FAB] =	sst s1  }
0xa: {  	[smem:$0x3FAC] =	sst s2  }
0xb: {  	[smem:$0x3FAD] =	sst s3  }
0xc: {  	[smem:$0x3FAE] =	sst s4  }
0xd: {  	[smem:$0x3FAF] =	sst s5  }
0xe: {  	[smem:$0x3FB0] =	sst s6  }
0xf: {  	[smem:$0x3FB1] =	sst s7  }
0x10: {  	[smem:$0x3FB2] =	sst s8  }
0x11: {  	[smem:$0x3FB3] =	sst s9;
	s0 =	simm.s32 @!p0 $0x0  }
0x12: {  	s1 =	sld [smem:$0x3F99];
	s0 =	simm.s32 @p0 $0x1  }
0x13: {  	[smem:$0x3FB4] =	sst s0;
	s0 =	simm.s32 @!p1 $0x0  }
0x14: {  	s2 =	sld [smem:$0x3F98];
	s0 =	simm.s32 @p1 $0x1  }
0x15: {  	[smem:$0x3FB5] =	sst s0;
	s0 =	simm.s32 @!p2 $0x0  }
0x16: {  	s3 =	sld [smem:$0x3FDB];
	s0 =	simm.s32 @p2 $0x1  }
0x17: {  	s4 =	simm.s32 $0x1BF5;
	[smem:$0x3FB7] =	sst s0  }
0x18: {  	s0 =	sld [smem:$0x3F9A];
	_ =	swait.ge [sflag:s4], $0x0  }
0x19: {  	s7 =	sld [smem:$0x3F9B]  }
0x1a: {  	s8 =	sadd.s32 $0xFFFFE003, lr  }
0x1b: {  	s9 =	sadd.s32 $0xFFFFFEF7, lr;
	s5 =	simm.s32 $0xFFFFFFFF;
	p2 =	slt.u32 s8, $0xFFFFF086  }
0x1c: {  	p1 =	slt.u32 s9, $0xF7A;
	s5 =	simm.s32 @!p2 $0x0  }
0x1d: {  	s5 =	simm.s32 @p1 $0x1;
	p0 =	seq.s32 s7, s2  }
0x1e: {  	s7 =	smul.u32 @!p0 $0xF7A, s2;
	p2 =	seq.s32 @!p0 s5, $0x0  }
0x1f: {  	s9 =	smul.u32 $0xF7A, s1;
	s8 =	simm.s32 @!p0 $0x1BF5;
	p2 =	por !p2, p0  }
0x20: {  	[sflag:s8] =	ssyncset.s32 @!p0 $0xFFFFF086;
	s6 =	sadd.s32 @!p0 s3, s7;
	s7 =	simm.s32 @!p0 $0x108  }
0x21: {  	s3 =	sadd.s32 s3, s9;
	s6 =	sadd.s32 @!p0 $0x88, s6;
	s7 =	simm.s32 @p2 $0x1082  }
0x22: {  	[simem:s7], [sflag:s8] =	dma.local @!p0 [hbm:s6], $0xF7A  }
0x23: {  	s9 =	sor.u32 $0xD0000000, s2;
	s6 =	simm.s32 $0x108;
	_ =	swait.ge @!p0 [sflag:s8], $0x0  }
0x24: {  	s3 =	sadd.s32 $0x88, s3;
	s6 =	simm.s32 @!p1 $0x1082;
	[sflag:s4] =	ssyncset.s32 $0xFFFFF086  }
0x25: {  	[simem:s6], [sflag:s4] =	dma.local [hbm:s3], $0xF7A  }
0x26: {  	[smem:$0x3F9B] =	sst s1;
	(tag) =	ssettag s2;
	_ =	strace s9  }
0x27: {  	s1 =	sld [smem:$0x3FAB]  }
0x28: {  	s2 =	sld [smem:$0x3FAC]  }
0x29: {  	s4 =	sld [smem:$0x3FAE]  }
0x2a: {  	p0 =	seq.s32 s5, $0x0;
	s5 =	sld [smem:$0x3FAF]  }
0x2b: {  	s6 =	sld [smem:$0x3FB0]  }
0x2c: {  	s7 =	sld [smem:$0x3FB1]  }
0x2d: {  	s3 =	simm.s32 $0x108;
	s8 =	sld [smem:$0x3FB2]  }
0x2e: {  	s3 =	simm.s32 @!p0 $0x1082;
	s9 =	sld [smem:$0x3FB3]  }
0x2f: {  	lr =	sadd.s32 s0, s3;
	s0 =	sld [smem:$0x3FAA]  }
0x30: {  	s3 =	sld [smem:$0x3FAD]  }
0x31: {  	[smem:$0x3FB6] =	sst s10  }
0x32: {  	s10 =	sld [smem:$0x3FB4];
	_ =	sdelay $0x3  }
0x33: {  	p0 =	seq.s32 s10, $0x1;
	s10 =	sld [smem:$0x3FB6];
	_ =	sdelay $0x3  }
0x34: {  	[smem:$0x3FB6] =	sst s10  }
0x35: {  	s10 =	sld [smem:$0x3FB5];
	_ =	sdelay $0x3  }
0x36: {  	p1 =	seq.s32 s10, $0x1;
	s10 =	sld [smem:$0x3FB6];
	_ =	sdelay $0x3  }
0x37: {  	[smem:$0x3FB6] =	sst s10  }
0x38: {  	s10 =	sld [smem:$0x3FB7]  }
0x39: {  	_ = 	snop;
	(pc) =	sbr.ind lr, $3  }
0x3a: {  	_ = 	snop  }
0x3b: {  	_ = 	snop  }
0x3c: {  	p2 =	seq.s32 s10, $0x1;
	s10 =	sld [smem:$0x3FB6]  }
0x3d: {  	_ =	shalt  }
0x3e: {  	_ =	shalt  }
0x3f: {  	_ =	shalt  }
0x40: {  	_ =	shalt  }
0x41: {  	_ =	shalt  }
0x42: {  	_ =	shalt  }
0x43: {  	_ =	shalt  }
0x44: {  	_ =	shalt  }
0x45: {  	_ =	shalt  }
0x46: {  	_ =	shalt  }
0x47: {  	_ =	shalt  }
0x48: {  	_ =	shalt  }
0x49: {  	_ =	shalt  }
0x4a: {  	_ =	shalt  }
0x4b: {  	_ =	shalt  }
0x4c: {  	_ =	shalt  }
0x4d: {  	_ =	shalt  }
0x4e: {  	_ =	shalt  }
0x4f: {  	_ =	shalt  }
0x50: {  	_ =	shalt  }
0x51: {  	_ =	shalt  }
0x52: {  	_ =	shalt  }
0x53: {  	_ =	shalt  }
0x54: {  	_ =	shalt  }
0x55: {  	_ =	shalt  }
0x56: {  	_ =	shalt  }
0x57: {  	_ =	shalt  }
0x58: {  	_ =	shalt  }
0x59: {  	_ =	shalt  }
0x5a: {  	_ =	shalt  }
0x5b: {  	_ =	shalt  }
0x5c: {  	_ =	shalt  }
0x5d: {  	_ =	shalt  }
0x5e: {  	_ =	shalt  }
0x5f: {  	_ =	shalt  }
0x60: {  	_ =	shalt  }
0x61: {  	_ =	shalt  }
0x62: {  	_ =	shalt  }
0x63: {  	_ =	shalt  }
0x64: {  	_ =	shalt  }
0x65: {  	_ =	shalt  }
0x66: {  	_ =	shalt  }
0x67: {  	_ =	shalt  }
0x68: {  	_ =	shalt  }
0x69: {  	_ =	shalt  }
0x6a: {  	_ =	shalt  }
0x6b: {  	_ =	shalt  }
0x6c: {  	_ =	shalt  }
0x6d: {  	_ =	shalt  }
0x6e: {  	_ =	shalt  }
0x6f: {  	_ =	shalt  }
0x70: {  	_ =	shalt  }
0x71: {  	_ =	shalt  }
0x72: {  	_ =	shalt  }
0x73: {  	_ =	shalt  }
0x74: {  	_ =	shalt  }
0x75: {  	_ =	shalt  }
0x76: {  	_ =	shalt  }
0x77: {  	_ =	shalt  }
0x78: {  	_ =	shalt  }
0x79: {  	_ =	shalt  }
0x7a: {  	_ =	shalt  }
0x7b: {  	_ =	shalt  }
0x7c: {  	_ =	shalt  }
0x7d: {  	_ =	shalt  }
0x7e: {  	_ =	shalt  }
0x7f: {  	_ =	shalt  }
0x80: {  	_ =	shalt  }
0x81: {  	_ =	shalt  }
0x82: {  	_ =	shalt  }
0x83: {  	_ =	shalt  }
0x84: {  	_ =	shalt  }
0x85: {  	_ =	shalt  }
0x86: {  	_ =	shalt  }
0x87: {  	_ =	shalt  }
.Lfunc_end0:
.L_simem_size_0:
called_computation_lowered:
.L_overlay_start_0:
0x88: {  	s2 =	sld [smem:$0x3FD9]  }
0x89: {  	s3 =	sld [smem:$0x3FFE];
	_ =	sdelay $0x1  }
0x8a: {  	s1 =	srdreg.scid  }
0x8b: {  	s0 =	sand.u32 $0x1, s1  }
0x8c: {  	s17 =	sshll.u32 s0, $0xA;
	s2 =	sadd.s32 s3, s2  }
0x8d: {  	s2 =	sadd.s32 s2, s17  }
0x8e: {  	[smem:$0x3FC2] =	sst s2  }
0x8f: {  	_ = 	snop  }
0x90: {  	s2 =	sld [smem:$0x3FD0];
	(tm) =	ssettm $0x1  }
0x91: {  	s18 =	sld [smem:$0x3FFB];
	_ =	sdelay $0x3  }
0x92: {  	_ =	strace s18  }
0x93: {  	s3 =	sld [smem:$0x3FFC];
	_ =	sdelay $0x3  }
0x94: {  	_ =	strace s3  }
0x95: {  	s3 =	sld [smem:$0x3FFD];
	_ =	sdelay $0x3  }
0x96: {  	_ =	strace s3  }
0x97: {  	_ =	strace $0x8FFFFFFF  }
0x98: {  	s19 =	sld [smem:$0x3FDB];
	_ =	sdelay $0x1  }
0x99: {  	s4 =	simm.s32 $_scs_section_size  }
0x9a: {  	s5 =	simm.s32 $_size__tile_overlayer_lowered;
	s6 =	simm.s32 $_tile_overlayer_lowered  }
0x9b: {  	s22 =	simm.s32 $0x1BFF;
	s21 =	sshll.u32 s6, $0x1;
	s3 =	sadd.s32 s4, s19  }
0x9c: {  	s7 =	simm.s32 $0x0;
	s20 =	sshll.u32 s5, $0x1;
	s5 =	sadd.s32 s21, s3  }
0x9d: {  	[timem:s7], [sflag:s22] =	dma.local [hbm:s5], s20  }
0x9e: {  	_ =	swait.ge [sflag:s22], s20  }
0x9f: {  	s4 =	ssub.s32 $0x0, s20;
	[sflag:s22] =	ssyncset.done $0x0  }
0xa0: {  	[sflag:s22] =	ssyncadd.s32 s4;
	_ =	sdelay $0x1  }
0xa1: {  	s23 =	simm.s32 $0x1B8B  }
0xa2: {  	_ =	swait.ge [sflag:s23], $0x1  }
0xa3: {  	[sflag:s23] =	ssyncset.done $0x0  }
0xa4: {  	s25 =	simm.s32 $0x1B8E;
	s24 =	sld [smem:$0x3FFE];
	[sflag:s23] =	ssyncadd.s32 $0xFFFFFFFF  }
0xa5: {  	s26 =	simm.s32 $execute0_lowered;
	[smem:$0x3FD2] =	sst s25  }
0xa6: {  	s5 =	sshll.u32 s26, $0x1;
	_ =	strace $0x80000046;
	[dreg:$0x1] =	wrdreg $0xFFFFFFFF  }
0xa7: {  	s28 =	simm.s32 $_size_execute0_lowered;
	s3 =	sadd.s32 s3, s5;
	[dreg:$0x0] =	wrdreg $0x0  }
0xa8: {  	s5 =	sshll.u32 s28, $0x1;
	[dreg:$0x2] =	wrdreg s3  }
0xa9: {  	[dreg:$0x3] =	wrdreg s5  }
0xaa: {  	[dreg:$0x4] =	wrdreg $0xC0  }
0xab: {  	_ =	task [dreg:s7], $0x5FFFF  }
0xac: {  	[dreg:$0x1] =	wrdreg $0xFFFFFFFF  }
0xad: {  	[dreg:$0x0] =	wrdreg $0x60  }
0xae: {  	[dreg:$0x2] =	wrdreg s2  }
0xaf: {  	[dreg:$0x3] =	wrdreg s24  }
0xb0: {  	[dreg:$0x4] =	wrdreg $0x0  }
0xb1: {  	[dreg:$0x5] =	wrdreg $0x9  }
0xb2: {  	_ =	task.clear_ibuf [dreg:s7], $0x6FFFF;
	_ =	strace $0x90000046  }
0xb3: {  	s29 =	simm.s32 $0x9;
	_ =	strace $0x80000048  }
0xb4: {  	_ =	swait.ge [sflag:s29], $0x1  }
0xb5: {  	[sflag:s29] =	ssyncadd.s32 $0xFFFFFFFF  }
0xb6: {  	_ =	strace $0x90000048  }
0xb7: {  	_ =	sfence  }
0xb8: {  	s30 =	sld [smem:$0x0];
	_ =	sdelay $0x2  }
0xb9: {  	s31 =	sshll.u32 s1, $0xD;
	s1 =	sshrl.u32 s1, $0x2  }
0xba: {  	s3 =	sand.u32 $0x4000, s31;
	s1 =	sadd.s32 s1, s30  }
0xbb: {  	s0 =	sor.u32 s3, s0;
	s1 =	sshll.u32 s1, $0x11  }
0xbc: {  	s0 =	sor.u32 s1, s0  }
0xbd: {  	s0 =	sadd.s32 $0x8F2B, s0  }
0xbe: {  	[sflag:s0] =	ssyncadd.remote.s32 $0x1  }
0xbf: {  	_ =	sfence.sel $0xFFFF  }
0xc0: {  	[dreg:$0x0] =	wrdreg $0xFFFFFFFF;
	(pc) =	sbr.abs _section_cstart, $3  }
0xc1: {  	[dreg:$0x1] =	wrdreg $0xFFFFFFFF  }
0xc2: {  	_ =	task.clear_ibuf [dreg:s7], $0x2FFFF;
	_ =	strace $0x9FFFFFFF  }
0xc3: {  	(tm) =	ssettm $0x7FFFFFFF  }
tec
execute0_lowered:
.L_overlay_start_1:
0x0: {  	(tag) =	ssettag $0x1  }
0x1: {  	s1 =	rddreg [dreg:$0x0]  }
0x2: {  	s6 =	rddreg [dreg:$0x1]  }
0x3: {  	s0 =	srdreg.scid;
	s3 =	rddreg [dreg:$0x2]  }
0x4: {  	s4 =	simm.s32 $0x0;
	s13 =	simm.s32 $0x62C0;
	s14 =	simm.s32 $0x80  }
0x5: {  	s15 =	simm.s32 $0x0;
	s5 =	sand.u32 $0x1, s0;
	s0 =	stileid.u32  }
0x6: {  	[smem:$0x7FF] =	sst s4;
	s2 =	sshll.u32 s5, $0x4;
	s8 =	smul.u32 $0x62C0, s0  }
0x7: {  	s9 =	smul.u32 $0x62C00, s5;
	s5 =	ssub.s32 $0x2, s5;
	s2 =	sor.u32 s0, s2  }
0x8: {  	s31 =	sshll.u32 s0, $0x6;
	s11 =	sshrl.u32 s5, $0x1;
	s7 =	smul.u32 $0x4F0, s2  }
0x9: {  	s2 =	rddreg [dreg:$0x3];
	_ =	strace $0x80000047;
	s10 =	sshrl.u32 s8, $0x3  }
0xa: {  	s9 =	sadd.s32 s8, s9;
	s11 =	ssub.s32 s5, s11;
	s12 =	sadd.s32 s8, s3  }
0xb: {  	s10 =	sadd.s32 s10, s6;
	s9 =	sshrl.u32 s9, $0x3;
	s7 =	sadd.s32 s7, s6  }
0xc: {  	s9 =	sadd.s32 s9, s6;
	s5 =	sadd.s32 $0x11600, s10;
	s6 =	sor.u32 $0x1C01, s31  }
0xd: {  	s10 =	sshrl.u32 s12, $0x3;
	s12 =	simm.s32 $0x8A40;
	s7 =	sadd.s32 $0x7800, s7  }
0xe: {  	s8 =	sadd.s32 $0x1DC00, s9;
	s9 =	smax.u32 s11, $0x1;
	s11 =	simm.s32 $0x1  }
.LBB2_1:
0xf: {  	[spmem:s10], [sflag:s6] =	dma.local [hbm:s5], $0xC58  }
0x10: {  	_ =	swait.ge [sflag:s11], $0xC58  }
0x11: {  	[sflag:s11] =	ssyncset.done $0x0  }
0x12: {  	[sflag:s11] =	ssyncadd.s32 $0xFFFFF3A8  }
0x13: {  	[tilespmem:s12], [sflag:$0x1] =	stream.linear.gather [hbm4b:s1+s4], $0x1400, $0x38;
	[tilespmem:$0x9E40] =	vst v63  }
0x14: {  	_ =	swait.ge [sflag:s11], $0x1400  }
0x15: {  	[sflag:s11] =	ssyncset.done $0x0  }
0x16: {  	[sflag:s11] =	ssyncadd.s32 $0xFFFFEC00  }
0x17: {  	[tilespmem:s13], [sflag:$0x1] =	stream.linear.gather [hbm4b:s7+s4], $0x2780, $0x38;
	[tilespmem:$0x9E40] =	vst v63  }
0x18: {  	_ =	swait.ge [sflag:s11], $0x2780  }
0x19: {  	[sflag:s11] =	ssyncset.done $0x0  }
0x1a: {  	[sflag:s11] =	ssyncadd.s32 $0xFFFFD880  }
0x1b: {  	s16 =	simm.s32 $0x62C0;
	[bflag:$0x0] =	sbarrier.arrive $0xFFFF  }
0x1c: {  	[spmem:s3] =	stream.indirect.scatter.add.f32 [tilespmem:s12], [sflag:$0x1], $0x28, s16, s14, $0xb8;
	[tilespmem:$0x9E40] =	vst v63  }
0x1d: {  	s16 =	simm.s32 $0x200;
	_ =	swait.ge [sflag:s11], $0x1400  }
.LBB2_2:
0x1e: {  	s17 =	sshra.s32 s16, $0x2;
	[sflag:s11] =	ssyncset.done $0x0;
	p0 =	sne.s32 s16, $0x9C00  }
.Ltmp0:
0x1f: {  	s17 =	sadd.s32 $0x62C0, s17;
	[sflag:s11] =	ssyncadd.s32 $0xFFFFEC00;
	(pc) =	sbr.rel @p0 .LBB2_2-.Ltmp0, $3  }
0x20: {  	[spmem:s3] =	stream.indirect.scatter.add.f32 [tilespmem:s12], [sflag:$0x1], $0x28, s17, s14, $0xb8;
	[tilespmem:$0x9E40] =	vst v63  }
0x21: {  	s16 =	sadd.s32 $0x200, s16;
	_ =	sdelay $0x1  }
0x22: {  	_ =	swait.ge [sflag:s11], $0x1400  }
0x23: {  	[sflag:s11] =	ssyncset.done $0x0;
	s15 =	sadd.s32 $0x1, s15  }
0x24: {  	[sflag:s11] =	ssyncadd.s32 $0xFFFFEC00;
	p0 =	sne.s32 s15, s9  }
.Ltmp1:
0x25: {  	[bflag:$0x0] =	sbarrier.arrive $0xFFFF;
	(pc) =	sbr.rel @p0 .LBB2_1-.Ltmp1, $4  }
0x26: {  	[hbm:s8], [sflag:s6] =	dma.local [spmem:s10], $0xC58  }
0x27: {  	_ =	swait.ge [sflag:s11], $0xC58  }
0x28: {  	[sflag:s11] =	ssyncset.done $0x0  }
0x29: {  	[sflag:s11] =	ssyncadd.s32 $0xFFFFF3A8  }
0x2a: {  	_ =	sfence.sel $0x180000  }
0x2b: {  	[bflag:$0x0] =	sbarrier.arrive $0xFFFF  }
0x2c: {  	p0 =	sne.s32 s0, $0x0;
	_ =	strace $0x90000047  }
0x2d: {  	s0 =	sadd.s32 @!p0 $0x100000, s2;
	[bflag:$0x2] =	sbarrier.arrive $0xFFFF  }
0x2e: {  	[sflag:s0] =	ssyncadd.tile.s32 @!p0 $0x1;
	_ =	shalt  }
.Lfunc_end2:
_tile_overlayer_lowered:
.L_overlay_start_2:
0x2f: {  	(tag) =	ssettag $0x2  }
0x30: {  	s0 =	rddreg [dreg:$0x0];
	s2 =	stileid.u32  }
0x31: {  	s1 =	rddreg [dreg:$0x1];
	p0 =	sne.s32 s2, $0x0  }
0x32: {  	s3 =	rddreg [dreg:$0x2];
	[bflag:$0x3] =	sbarrier.arrive $0xFFFF;
	s2 =	simm.s32 @!p0 $0x1C01  }
0x33: {  	[timem:s3], [sflag:s2] =	dma.local @!p0 [hbm:s0], s1  }
0x34: {  	s0 =	simm.s32 @!p0 $0x1  }
0x35: {  	_ =	swait.ge @!p0 [sflag:s0], s1  }
0x36: {  	s1 =	ssub.s32 @!p0 $0x0, s1;
	[sflag:s0] =	ssyncset.done @!p0 $0x0  }
0x37: {  	[sflag:s0] =	ssyncadd.s32 @!p0 s1  }
0x38: {  	[bflag:$0x3] =	sbarrier.arrive $0xFFFF  }
0x39: {  	_ =	shalt  }

// kernel: kernel.28.cloned.1.call-start
scs
__scs_entry_jumppad:
0x0: {  	(pc) =	sbr.rel $0x88, $3  }
0x1: {  	(tag) =	ssettag $0x0;
	lr =	simm.s32 $0x1  }
0x2: {  	[smem:$0x3F9B] =	sst lr;
	_ =	strace $0xD0000000  }
0x3: {  	_ = 	snop  }
0x4: {  	_ = 	snop  }
0x5: {  	_ = 	snop  }
0x6: {  	_ = 	snop  }
0x7: {  	_ = 	snop  }
__scs_overlays_trampoline_lowered:
0x8: {  	[smem:$0x3FAA] =	sst s0  }
0x9: {  	[smem:$0x3FAB] =	sst s1  }
0xa: {  	[smem:$0x3FAC] =	sst s2  }
0xb: {  	[smem:$0x3FAD] =	sst s3  }
0xc: {  	[smem:$0x3FAE] =	sst s4  }
0xd: {  	[smem:$0x3FAF] =	sst s5  }
0xe: {  	[smem:$0x3FB0] =	sst s6  }
0xf: {  	[smem:$0x3FB1] =	sst s7  }
0x10: {  	[smem:$0x3FB2] =	sst s8  }
0x11: {  	[smem:$0x3FB3] =	sst s9;
	s0 =	simm.s32 @!p0 $0x0  }
0x12: {  	s1 =	sld [smem:$0x3F99];
	s0 =	simm.s32 @p0 $0x1  }
0x13: {  	[smem:$0x3FB4] =	sst s0;
	s0 =	simm.s32 @!p1 $0x0  }
0x14: {  	s2 =	sld [smem:$0x3F98];
	s0 =	simm.s32 @p1 $0x1  }
0x15: {  	[smem:$0x3FB5] =	sst s0;
	s0 =	simm.s32 @!p2 $0x0  }
0x16: {  	s3 =	sld [smem:$0x3FDB];
	s0 =	simm.s32 @p2 $0x1  }
0x17: {  	s4 =	simm.s32 $0x1BF5;
	[smem:$0x3FB7] =	sst s0  }
0x18: {  	s0 =	sld [smem:$0x3F9A];
	_ =	swait.ge [sflag:s4], $0x0  }
0x19: {  	s7 =	sld [smem:$0x3F9B]  }
0x1a: {  	s8 =	sadd.s32 $0xFFFFE003, lr  }
0x1b: {  	s9 =	sadd.s32 $0xFFFFFEF7, lr;
	s5 =	simm.s32 $0xFFFFFFFF;
	p2 =	slt.u32 s8, $0xFFFFF086  }
0x1c: {  	p1 =	slt.u32 s9, $0xF7A;
	s5 =	simm.s32 @!p2 $0x0  }
0x1d: {  	s5 =	simm.s32 @p1 $0x1;
	p0 =	seq.s32 s7, s2  }
0x1e: {  	s7 =	smul.u32 @!p0 $0xF7A, s2;
	p2 =	seq.s32 @!p0 s5, $0x0  }
0x1f: {  	s9 =	smul.u32 $0xF7A, s1;
	s8 =	simm.s32 @!p0 $0x1BF5;
	p2 =	por !p2, p0  }
0x20: {  	[sflag:s8] =	ssyncset.s32 @!p0 $0xFFFFF086;
	s6 =	sadd.s32 @!p0 s3, s7;
	s7 =	simm.s32 @!p0 $0x108  }
0x21: {  	s3 =	sadd.s32 s3, s9;
	s6 =	sadd.s32 @!p0 $0x88, s6;
	s7 =	simm.s32 @p2 $0x1082  }
0x22: {  	[simem:s7], [sflag:s8] =	dma.local @!p0 [hbm:s6], $0xF7A  }
0x23: {  	s9 =	sor.u32 $0xD0000000, s2;
	s6 =	simm.s32 $0x108;
	_ =	swait.ge @!p0 [sflag:s8], $0x0  }
0x24: {  	s3 =	sadd.s32 $0x88, s3;
	s6 =	simm.s32 @!p1 $0x1082;
	[sflag:s4] =	ssyncset.s32 $0xFFFFF086  }
0x25: {  	[simem:s6], [sflag:s4] =	dma.local [hbm:s3], $0xF7A  }
0x26: {  	[smem:$0x3F9B] =	sst s1;
	(tag) =	ssettag s2;
	_ =	strace s9  }
0x27: {  	s1 =	sld [smem:$0x3FAB]  }
0x28: {  	s2 =	sld [smem:$0x3FAC]  }
0x29: {  	s4 =	sld [smem:$0x3FAE]  }
0x2a: {  	p0 =	seq.s32 s5, $0x0;
	s5 =	sld [smem:$0x3FAF]  }
0x2b: {  	s6 =	sld [smem:$0x3FB0]  }
0x2c: {  	s7 =	sld [smem:$0x3FB1]  }
0x2d: {  	s3 =	simm.s32 $0x108;
	s8 =	sld [smem:$0x3FB2]  }
0x2e: {  	s3 =	simm.s32 @!p0 $0x1082;
	s9 =	sld [smem:$0x3FB3]  }
0x2f: {  	lr =	sadd.s32 s0, s3;
	s0 =	sld [smem:$0x3FAA]  }
0x30: {  	s3 =	sld [smem:$0x3FAD]  }
0x31: {  	[smem:$0x3FB6] =	sst s10  }
0x32: {  	s10 =	sld [smem:$0x3FB4];
	_ =	sdelay $0x3  }
0x33: {  	p0 =	seq.s32 s10, $0x1;
	s10 =	sld [smem:$0x3FB6];
	_ =	sdelay $0x3  }
0x34: {  	[smem:$0x3FB6] =	sst s10  }
0x35: {  	s10 =	sld [smem:$0x3FB5];
	_ =	sdelay $0x3  }
0x36: {  	p1 =	seq.s32 s10, $0x1;
	s10 =	sld [smem:$0x3FB6];
	_ =	sdelay $0x3  }
0x37: {  	[smem:$0x3FB6] =	sst s10  }
0x38: {  	s10 =	sld [smem:$0x3FB7]  }
0x39: {  	_ = 	snop;
	(pc) =	sbr.ind lr, $3  }
0x3a: {  	_ = 	snop  }
0x3b: {  	_ = 	snop  }
0x3c: {  	p2 =	seq.s32 s10, $0x1;
	s10 =	sld [smem:$0x3FB6]  }
0x3d: {  	_ =	shalt  }
0x3e: {  	_ =	shalt  }
0x3f: {  	_ =	shalt  }
0x40: {  	_ =	shalt  }
0x41: {  	_ =	shalt  }
0x42: {  	_ =	shalt  }
0x43: {  	_ =	shalt  }
0x44: {  	_ =	shalt  }
0x45: {  	_ =	shalt  }
0x46: {  	_ =	shalt  }
0x47: {  	_ =	shalt  }
0x48: {  	_ =	shalt  }
0x49: {  	_ =	shalt  }
0x4a: {  	_ =	shalt  }
0x4b: {  	_ =	shalt  }
0x4c: {  	_ =	shalt  }
0x4d: {  	_ =	shalt  }
0x4e: {  	_ =	shalt  }
0x4f: {  	_ =	shalt  }
0x50: {  	_ =	shalt  }
0x51: {  	_ =	shalt  }
0x52: {  	_ =	shalt  }
0x53: {  	_ =	shalt  }
0x54: {  	_ =	shalt  }
0x55: {  	_ =	shalt  }
0x56: {  	_ =	shalt  }
0x57: {  	_ =	shalt  }
0x58: {  	_ =	shalt  }
0x59: {  	_ =	shalt  }
0x5a: {  	_ =	shalt  }
0x5b: {  	_ =	shalt  }
0x5c: {  	_ =	shalt  }
0x5d: {  	_ =	shalt  }
0x5e: {  	_ =	shalt  }
0x5f: {  	_ =	shalt  }
0x60: {  	_ =	shalt  }
0x61: {  	_ =	shalt  }
0x62: {  	_ =	shalt  }
0x63: {  	_ =	shalt  }
0x64: {  	_ =	shalt  }
0x65: {  	_ =	shalt  }
0x66: {  	_ =	shalt  }
0x67: {  	_ =	shalt  }
0x68: {  	_ =	shalt  }
0x69: {  	_ =	shalt  }
0x6a: {  	_ =	shalt  }
0x6b: {  	_ =	shalt  }
0x6c: {  	_ =	shalt  }
0x6d: {  	_ =	shalt  }
0x6e: {  	_ =	shalt  }
0x6f: {  	_ =	shalt  }
0x70: {  	_ =	shalt  }
0x71: {  	_ =	shalt  }
0x72: {  	_ =	shalt  }
0x73: {  	_ =	shalt  }
0x74: {  	_ =	shalt  }
0x75: {  	_ =	shalt  }
0x76: {  	_ =	shalt  }
0x77: {  	_ =	shalt  }
0x78: {  	_ =	shalt  }
0x79: {  	_ =	shalt  }
0x7a: {  	_ =	shalt  }
0x7b: {  	_ =	shalt  }
0x7c: {  	_ =	shalt  }
0x7d: {  	_ =	shalt  }
0x7e: {  	_ =	shalt  }
0x7f: {  	_ =	shalt  }
0x80: {  	_ =	shalt  }
0x81: {  	_ =	shalt  }
0x82: {  	_ =	shalt  }
0x83: {  	_ =	shalt  }
0x84: {  	_ =	shalt  }
0x85: {  	_ =	shalt  }
0x86: {  	_ =	shalt  }
0x87: {  	_ =	shalt  }
.Lfunc_end0:
.L_simem_size_0:
called_computation.1_lowered:
.L_overlay_start_0:
0x88: {  	s2 =	sld [smem:$0x3FD9]  }
0x89: {  	s3 =	sld [smem:$0x3FFE];
	_ =	sdelay $0x1  }
0x8a: {  	s1 =	srdreg.scid  }
0x8b: {  	s0 =	sand.u32 $0x1, s1  }
0x8c: {  	s17 =	sshll.u32 s0, $0xA;
	s2 =	sadd.s32 s3, s2  }
0x8d: {  	s2 =	sadd.s32 s2, s17  }
0x8e: {  	[smem:$0x3FC2] =	sst s2  }
0x8f: {  	_ = 	snop  }
0x90: {  	s2 =	sld [smem:$0x3FD0];
	(tm) =	ssettm $0x1  }
0x91: {  	s18 =	sld [smem:$0x3FFB];
	_ =	sdelay $0x3  }
0x92: {  	_ =	strace s18  }
0x93: {  	s3 =	sld [smem:$0x3FFC];
	_ =	sdelay $0x3  }
0x94: {  	_ =	strace s3  }
0x95: {  	s3 =	sld [smem:$0x3FFD];
	_ =	sdelay $0x3  }
0x96: {  	_ =	strace s3  }
0x97: {  	_ =	strace $0x8FFFFFFF  }
0x98: {  	s19 =	sld [smem:$0x3FDB];
	_ =	sdelay $0x1  }
0x99: {  	s4 =	simm.s32 $_scs_section_size  }
0x9a: {  	s5 =	simm.s32 $_size__tile_overlayer_lowered;
	s6 =	simm.s32 $_tile_overlayer_lowered  }
0x9b: {  	s22 =	simm.s32 $0x1BFF;
	s21 =	sshll.u32 s6, $0x1;
	s3 =	sadd.s32 s4, s19  }
0x9c: {  	s7 =	simm.s32 $0x0;
	s20 =	sshll.u32 s5, $0x1;
	s5 =	sadd.s32 s21, s3  }
0x9d: {  	[timem:s7], [sflag:s22] =	dma.local [hbm:s5], s20  }
0x9e: {  	_ =	swait.ge [sflag:s22], s20  }
0x9f: {  	s4 =	ssub.s32 $0x0, s20;
	[sflag:s22] =	ssyncset.done $0x0  }
0xa0: {  	[sflag:s22] =	ssyncadd.s32 s4;
	_ =	sdelay $0x1  }
0xa1: {  	s23 =	simm.s32 $0x1B8B  }
0xa2: {  	_ =	swait.ge [sflag:s23], $0x1  }
0xa3: {  	[sflag:s23] =	ssyncset.done $0x0  }
0xa4: {  	s25 =	simm.s32 $0x1B8E;
	s24 =	sld [smem:$0x3FFE];
	[sflag:s23] =	ssyncadd.s32 $0xFFFFFFFF  }
0xa5: {  	s26 =	simm.s32 $execute0_lowered;
	[smem:$0x3FD2] =	sst s25  }
0xa6: {  	s5 =	sshll.u32 s26, $0x1;
	_ =	strace $0x80000049;
	[dreg:$0x1] =	wrdreg $0xFFFFFFFF  }
0xa7: {  	s28 =	simm.s32 $_size_execute0_lowered;
	s3 =	sadd.s32 s3, s5;
	[dreg:$0x0] =	wrdreg $0x0  }
0xa8: {  	s5 =	sshll.u32 s28, $0x1;
	[dreg:$0x2] =	wrdreg s3  }
0xa9: {  	[dreg:$0x3] =	wrdreg s5  }
0xaa: {  	[dreg:$0x4] =	wrdreg $0xC0  }
0xab: {  	_ =	task [dreg:s7], $0x5FFFF  }
0xac: {  	[dreg:$0x1] =	wrdreg $0xFFFFFFFF  }
0xad: {  	[dreg:$0x0] =	wrdreg $0x60  }
0xae: {  	[dreg:$0x2] =	wrdreg s2  }
0xaf: {  	[dreg:$0x3] =	wrdreg s24  }
0xb0: {  	[dreg:$0x4] =	wrdreg $0x0  }
0xb1: {  	[dreg:$0x5] =	wrdreg $0x62C00  }
0xb2: {  	[dreg:$0x6] =	wrdreg $0x9  }
0xb3: {  	_ =	task.clear_ibuf [dreg:s7], $0x7FFFF;
	_ =	strace $0x90000049  }
0xb4: {  	s29 =	simm.s32 $0x9;
	_ =	strace $0x8000004B  }
0xb5: {  	_ =	swait.ge [sflag:s29], $0x1  }
0xb6: {  	[sflag:s29] =	ssyncadd.s32 $0xFFFFFFFF  }
0xb7: {  	_ =	strace $0x9000004B  }
0xb8: {  	_ =	sfence  }
0xb9: {  	s30 =	sld [smem:$0x0];
	_ =	sdelay $0x2  }
0xba: {  	s31 =	sshll.u32 s1, $0xD;
	s1 =	sshrl.u32 s1, $0x2  }
0xbb: {  	s3 =	sand.u32 $0x4000, s31;
	s1 =	sadd.s32 s1, s30  }
0xbc: {  	s0 =	sor.u32 s3, s0;
	s1 =	sshll.u32 s1, $0x11  }
0xbd: {  	s0 =	sor.u32 s1, s0  }
0xbe: {  	s0 =	sadd.s32 $0x8F2B, s0  }
0xbf: {  	[sflag:s0] =	ssyncadd.remote.s32 $0x1  }
0xc0: {  	_ =	sfence.sel $0xFFFF  }
0xc1: {  	[dreg:$0x0] =	wrdreg $0xFFFFFFFF;
	(pc) =	sbr.abs _section_cstart, $3  }
0xc2: {  	[dreg:$0x1] =	wrdreg $0xFFFFFFFF  }
0xc3: {  	_ =	task.clear_ibuf [dreg:s7], $0x2FFFF;
	_ =	strace $0x9FFFFFFF  }
0xc4: {  	(tm) =	ssettm $0x7FFFFFFF  }
0xc5: {  	_ =	shalt  }
tec
execute0_lowered:
.L_overlay_start_1:
0x0: {  	(tag) =	ssettag $0x1  }
0x1: {  	s5 =	rddreg [dreg:$0x0]  }
0x2: {  	s6 =	rddreg [dreg:$0x1]  }
0x3: {  	s1 =	srdreg.scid;
	s2 =	rddreg [dreg:$0x2]  }
0x4: {  	s0 =	stileid.u32;
	s3 =	rddreg [dreg:$0x3];
	s4 =	simm.s32 $0x0  }
0x5: {  	s14 =	simm.s32 $0xC580;
	s15 =	simm.s32 $0x4;
	s16 =	simm.s32 $0xED00  }
0x6: {  	s17 =	simm.s32 $0x2;
	s18 =	simm.s32 $0x3;
	s19 =	simm.s32 $0x80  }
0x7: {  	s20 =	simm.s32 $0x11480;
	s21 =	simm.s32 $0x1;
	s23 =	simm.s32 $0x0  }
0x8: {  	s7 =	sand.u32 $0x1, s1;
	s8 =	smul.u32 $0x62C0, s0;
	s1 =	rddreg [dreg:$0x4]  }
0x9: {  	[smem:$0x7FF] =	sst s4;
	s22 =	sshll.u32 s0, $0x6;
	s9 =	sshll.u32 s7, $0x4  }
0xa: {  	s10 =	smul.u32 $0x62C00, s7;
	_ =	strace $0x8000004A;
	s7 =	ssub.s32 $0x2, s7  }
0xb: {  	s9 =	sor.u32 s0, s9;
	s30 =	sshrl.u32 s7, $0x1;
	s31 =	sshrl.u32 s8, $0x3  }
0xc: {  	s12 =	sadd.s32 s8, s2;
	s13 =	sadd.s32 s8, s3;
	s9 =	smul.u32 $0x4F0, s9  }
0xd: {  	s10 =	sadd.s32 s8, s10;
	s11 =	ssub.s32 s7, s30;
	s5 =	sadd.s32 s5, s31  }
0xe: {  	s13 =	sshrl.u32 s13, $0x3;
	s10 =	sshrl.u32 s10, $0x3;
	s9 =	sadd.s32 s9, s6  }
0xf: {  	s10 =	sadd.s32 s10, s6;
	s6 =	sor.u32 $0x1C02, s22;
	s7 =	sadd.s32 $0x36800, s9  }
0x10: {  	s8 =	sadd.s32 $0x7800, s9;
	s9 =	sadd.s32 $0x11600, s10;
	s10 =	smax.u32 s11, $0x1  }
0x11: {  	s11 =	sshrl.u32 s12, $0x3;
	s12 =	sor.u32 $0x1C03, s22;
	s22 =	sor.u32 $0x1C04, s22  }
.LBB2_1:
0x12: {  	[spmem:s11], [sflag:s6] =	dma.local [hbm:s5], $0xC58  }
0x13: {  	[spmem:s13], [sflag:s12] =	dma.local [hbm:s5], $0xC58  }
0x14: {  	[tilespmem:s14], [sflag:$0x4] =	stream.linear.gather [hbm4b:s7+s4], $0x2780, $0x38;
	[tilespmem:$0x12880] =	vst v63  }
0x15: {  	_ =	swait.ge [sflag:s15], $0x2780  }
0x16: {  	[sflag:s15] =	ssyncset.done $0x0  }
0x17: {  	[sflag:s15] =	ssyncadd.s32 $0xFFFFD880  }
0x18: {  	[tilespmem:s16], [sflag:$0x4] =	stream.linear.gather [hbm4b:s8+s4], $0x2780, $0x38;
	[tilespmem:$0x12880] =	vst v63  }
0x19: {  	_ =	swait.ge [sflag:s15], $0x2780  }
0x1a: {  	[sflag:s15] =	ssyncset.done $0x0  }
0x1b: {  	[sflag:s15] =	ssyncadd.s32 $0xFFFFD880  }
0x1c: {  	_ =	swait.ge [sflag:s17], $0xC58  }
0x1d: {  	[sflag:s17] =	ssyncset.done $0x0  }
0x1e: {  	[sflag:s17] =	ssyncadd.s32 $0xFFFFF3A8  }
0x1f: {  	_ =	swait.ge [sflag:s18], $0xC58  }
0x20: {  	[sflag:s18] =	ssyncset.done $0x0  }
0x21: {  	[sflag:s18] =	ssyncadd.s32 $0xFFFFF3A8  }
0x22: {  	s24 =	simm.s32 $0xC580;
	[bflag:$0x0] =	sbarrier.arrive $0xFFFF  }
0x23: {  	[tilespmem:s20], [sflag:$0x1] =	stream.indirect.gather [spmem:s3], $0x28, s24, s19, $0xb8;
	[tilespmem:$0x12880] =	vst v63  }
0x24: {  	_ =	swait.ge [sflag:s21], $0x1400  }
0x25: {  	[sflag:s21] =	ssyncset.done $0x0  }
0x26: {  	s31 =	simm.s32 $0xED00;
	[sflag:s21] =	ssyncadd.s32 $0xFFFFEC00  }
0x27: {  	[spmem:s2] =	stream.indirect.scatter.add.f32 [tilespmem:s20], [sflag:$0x4], $0x28, s31, s19, $0xb8;
	[tilespmem:$0x12880] =	vst v63  }
0x28: {  	_ =	swait.ge [sflag:s15], $0x1400  }
0x29: {  	s25 =	simm.s32 $0x400;
	s24 =	simm.s32 $0x80;
	[sflag:s15] =	ssyncset.done $0x0  }
.LBB2_2:
0x2a: {  	s26 =	sadd.s32 $0xC580, s24  }
0x2b: {  	[sflag:s15] =	ssyncadd.s32 $0xFFFFEC00;
	s28 =	smov.u32 s25;
	s29 =	sadd.s32 $0x200, s25  }
0x2c: {  	[tilespmem:s20], [sflag:$0x1] =	stream.indirect.gather [spmem:s3], $0x28, s26, s19, $0xb8;
	[tilespmem:$0x12880] =	vst v63  }
0x2d: {  	p0 =	sne.s32 s25, $0x9C00;
	_ =	swait.ge [sflag:s21], $0x1400  }
.Ltmp0:
0x2e: {  	[sflag:s21] =	ssyncset.done $0x0;
	(pc) =	sbr.rel @p0 .LBB2_2-.Ltmp0, $4  }
0x2f: {  	s24 =	sadd.s32 $0xED00, s24;
	[sflag:s21] =	ssyncadd.s32 $0xFFFFEC00  }
0x30: {  	[spmem:s2] =	stream.indirect.scatter.add.f32 [tilespmem:s20], [sflag:$0x4], $0x28, s24, s19, $0xb8;
	[tilespmem:$0x12880] =	vst v63  }
0x31: {  	_ =	swait.ge [sflag:s15], $0x1400  }
0x32: {  	s25 =	smov.u32 s29;
	s24 =	sshra.s32 s28, $0x2;
	[sflag:s15] =	ssyncset.done $0x0  }
0x33: {  	s25 =	sadd.s32 $0xC580, s24;
	[sflag:s15] =	ssyncadd.s32 $0xFFFFEC00  }
0x34: {  	[tilespmem:s20], [sflag:$0x1] =	stream.indirect.gather [spmem:s3], $0x28, s25, s19, $0xb8;
	[tilespmem:$0x12880] =	vst v63  }
0x35: {  	_ =	swait.ge [sflag:s21], $0x1400  }
0x36: {  	[sflag:s21] =	ssyncset.done $0x0  }
0x37: {  	s31 =	sadd.s32 $0xED00, s24;
	[sflag:s21] =	ssyncadd.s32 $0xFFFFEC00  }
0x38: {  	[spmem:s2] =	stream.indirect.scatter.add.f32 [tilespmem:s20], [sflag:$0x4], $0x28, s31, s19, $0xb8;
	[tilespmem:$0x12880] =	vst v63  }
0x39: {  	_ =	swait.ge [sflag:s15], $0x1400  }
0x3a: {  	s23 =	sadd.s32 $0x1, s23;
	[sflag:s15] =	ssyncset.done $0x0  }
0x3b: {  	p0 =	sne.s32 s23, s10;
	[sflag:s15] =	ssyncadd.s32 $0xFFFFEC00  }
.Ltmp1:
0x3c: {  	[bflag:$0x0] =	sbarrier.arrive $0xFFFF;
	(pc) =	sbr.rel @p0 .LBB2_1-.Ltmp1, $4  }
0x3d: {  	[hbm:s9], [sflag:s22] =	dma.local [spmem:s11], $0xC58  }
0x3e: {  	_ =	swait.ge [sflag:s15], $0xC58  }
0x3f: {  	[sflag:s15] =	ssyncset.done $0x0  }
0x40: {  	[sflag:s15] =	ssyncadd.s32 $0xFFFFF3A8  }
0x41: {  	_ =	sfence.sel $0x180000  }
0x42: {  	[bflag:$0x0] =	sbarrier.arrive $0xFFFF  }
0x43: {  	p0 =	sne.s32 s0, $0x0;
	_ =	strace $0x9000004A  }
0x44: {  	s0 =	sadd.s32 @!p0 $0x100000, s1;
	[bflag:$0x2] =	sbarrier.arrive $0xFFFF  }
0x45: {  	[sflag:s0] =	ssyncadd.tile.s32 @!p0 $0x1;
	_ =	shalt  }
.Lfunc_end2:
_tile_overlayer_lowered:
.L_overlay_start_2:
0x46: {  	(tag) =	ssettag $0x2  }
0x47: {  	s0 =	rddreg [dreg:$0x0];
	s2 =	stileid.u32  }
0x48: {  	s1 =	rddreg [dreg:$0x1];
	p0 =	sne.s32 s2, $0x0  }
0x49: {  	s3 =	rddreg [dreg:$0x2];
	[bflag:$0x3] =	sbarrier.arrive $0xFFFF;
	s2 =	simm.s32 @!p0 $0x1C04  }
0x4a: {  	[timem:s3], [sflag:s2] =	dma.local @!p0 [hbm:s0], s1  }
0x4b: {  	s0 =	simm.s32 @!p0 $0x4  }
0x4c: {  	_ =	swait.ge @!p0 [sflag:s0], s1  }
0x4d: {  	s1 =	ssub.s32 @!p0 $0x0, s1;
	[sflag:s0] =	ssyncset.done @!p0 $0x0  }
0x4e: {  	[sflag:s0] =	ssyncadd.s32 @!p0 s1  }
0x4f: {  	[bflag:$0x3] =	sbarrier.arrive $0xFFFF  }
0x50: {  	_ =	shalt  }

// kernel: kernel.31.cloned.1.call-start
scs
__scs_entry_jumppad:
0x0: {  	(pc) =	sbr.rel $0x88, $3  }
0x1: {  	(tag) =	ssettag $0x0;
	lr =	simm.s32 $0x1  }
0x2: {  	[smem:$0x3F9B] =	sst lr;
	_ =	strace $0xD0000000  }
0x3: {  	_ = 	snop  }
0x4: {  	_ = 	snop  }
0x5: {  	_ = 	snop  }
0x6: {  	_ = 	snop  }
0x7: {  	_ = 	snop  }
__scs_overlays_trampoline_lowered:
0x8: {  	[smem:$0x3FAA] =	sst s0  }
0x9: {  	[smem:$0x3FAB] =	sst s1  }
0xa: {  	[smem:$0x3FAC] =	sst s2  }
0xb: {  	[smem:$0x3FAD] =	sst s3  }
0xc: {  	[smem:$0x3FAE] =	sst s4  }
0xd: {  	[smem:$0x3FAF] =	sst s5  }
0xe: {  	[smem:$0x3FB0] =	sst s6  }
0xf: {  	[smem:$0x3FB1] =	sst s7  }
0x10: {  	[smem:$0x3FB2] =	sst s8  }
0x11: {  	[smem:$0x3FB3] =	sst s9;
	s0 =	simm.s32 @!p0 $0x0  }
0x12: {  	s1 =	sld [smem:$0x3F99];
	s0 =	simm.s32 @p0 $0x1  }
0x13: {  	[smem:$0x3FB4] =	sst s0;
	s0 =	simm.s32 @!p1 $0x0  }
0x14: {  	s2 =	sld [smem:$0x3F98];
	s0 =	simm.s32 @p1 $0x1  }
0x15: {  	[smem:$0x3FB5] =	sst s0;
	s0 =	simm.s32 @!p2 $0x0  }
0x16: {  	s3 =	sld [smem:$0x3FDB];
	s0 =	simm.s32 @p2 $0x1  }
0x17: {  	s4 =	simm.s32 $0x1BF5;
	[smem:$0x3FB7] =	sst s0  }
0x18: {  	s0 =	sld [smem:$0x3F9A];
	_ =	swait.ge [sflag:s4], $0x0  }
0x19: {  	s7 =	sld [smem:$0x3F9B]  }
0x1a: {  	s8 =	sadd.s32 $0xFFFFE003, lr  }
0x1b: {  	s9 =	sadd.s32 $0xFFFFFEF7, lr;
	s5 =	simm.s32 $0xFFFFFFFF;
	p2 =	slt.u32 s8, $0xFFFFF086  }
0x1c: {  	p1 =	slt.u32 s9, $0xF7A;
	s5 =	simm.s32 @!p2 $0x0  }
0x1d: {  	s5 =	simm.s32 @p1 $0x1;
	p0 =	seq.s32 s7, s2  }
0x1e: {  	s7 =	smul.u32 @!p0 $0xF7A, s2;
	p2 =	seq.s32 @!p0 s5, $0x0  }
0x1f: {  	s9 =	smul.u32 $0xF7A, s1;
	s8 =	simm.s32 @!p0 $0x1BF5;
	p2 =	por !p2, p0  }
0x20: {  	[sflag:s8] =	ssyncset.s32 @!p0 $0xFFFFF086;
	s6 =	sadd.s32 @!p0 s3, s7;
	s7 =	simm.s32 @!p0 $0x108  }
0x21: {  	s3 =	sadd.s32 s3, s9;
	s6 =	sadd.s32 @!p0 $0x88, s6;
	s7 =	simm.s32 @p2 $0x1082  }
0x22: {  	[simem:s7], [sflag:s8] =	dma.local @!p0 [hbm:s6], $0xF7A  }
0x23: {  	s9 =	sor.u32 $0xD0000000, s2;
	s6 =	simm.s32 $0x108;
	_ =	swait.ge @!p0 [sflag:s8], $0x0  }
0x24: {  	s3 =	sadd.s32 $0x88, s3;
	s6 =	simm.s32 @!p1 $0x1082;
	[sflag:s4] =	ssyncset.s32 $0xFFFFF086  }
0x25: {  	[simem:s6], [sflag:s4] =	dma.local [hbm:s3], $0xF7A  }
0x26: {  	[smem:$0x3F9B] =	sst s1;
	(tag) =	ssettag s2;
	_ =	strace s9  }
0x27: {  	s1 =	sld [smem:$0x3FAB]  }
0x28: {  	s2 =	sld [smem:$0x3FAC]  }
0x29: {  	s4 =	sld [smem:$0x3FAE]  }
0x2a: {  	p0 =	seq.s32 s5, $0x0;
	s5 =	sld [smem:$0x3FAF]  }
0x2b: {  	s6 =	sld [smem:$0x3FB0]  }
0x2c: {  	s7 =	sld [smem:$0x3FB1]  }
0x2d: {  	s3 =	simm.s32 $0x108;
	s8 =	sld [smem:$0x3FB2]  }
0x2e: {  	s3 =	simm.s32 @!p0 $0x1082;
	s9 =	sld [smem:$0x3FB3]  }
0x2f: {  	lr =	sadd.s32 s0, s3;
	s0 =	sld [smem:$0x3FAA]  }
0x30: {  	s3 =	sld [smem:$0x3FAD]  }
0x31: {  	[smem:$0x3FB6] =	sst s10  }
0x32: {  	s10 =	sld [smem:$0x3FB4];
	_ =	sdelay $0x3  }
0x33: {  	p0 =	seq.s32 s10, $0x1;
	s10 =	sld [smem:$0x3FB6];
	_ =	sdelay $0x3  }
0x34: {  	[smem:$0x3FB6] =	sst s10  }
0x35: {  	s10 =	sld [smem:$0x3FB5];
	_ =	sdelay $0x3  }
0x36: {  	p1 =	seq.s32 s10, $0x1;
	s10 =	sld [smem:$0x3FB6];
	_ =	sdelay $0x3  }
0x37: {  	[smem:$0x3FB6] =	sst s10  }
0x38: {  	s10 =	sld [smem:$0x3FB7]  }
0x39: {  	_ = 	snop;
	(pc) =	sbr.ind lr, $3  }
0x3a: {  	_ = 	snop  }
0x3b: {  	_ = 	snop  }
0x3c: {  	p2 =	seq.s32 s10, $0x1;
	s10 =	sld [smem:$0x3FB6]  }
0x3d: {  	_ =	shalt  }
0x3e: {  	_ =	shalt  }
0x3f: {  	_ =	shalt  }
0x40: {  	_ =	shalt  }
0x41: {  	_ =	shalt  }
0x42: {  	_ =	shalt  }
0x43: {  	_ =	shalt  }
0x44: {  	_ =	shalt  }
0x45: {  	_ =	shalt  }
0x46: {  	_ =	shalt  }
0x47: {  	_ =	shalt  }
0x48: {  	_ =	shalt  }
0x49: {  	_ =	shalt  }
0x4a: {  	_ =	shalt  }
0x4b: {  	_ =	shalt  }
0x4c: {  	_ =	shalt  }
0x4d: {  	_ =	shalt  }
0x4e: {  	_ =	shalt  }
0x4f: {  	_ =	shalt  }
0x50: {  	_ =	shalt  }
0x51: {  	_ =	shalt  }
0x52: {  	_ =	shalt  }
0x53: {  	_ =	shalt  }
0x54: {  	_ =	shalt  }
0x55: {  	_ =	shalt  }
0x56: {  	_ =	shalt  }
0x57: {  	_ =	shalt  }
0x58: {  	_ =	shalt  }
0x59: {  	_ =	shalt  }
0x5a: {  	_ =	shalt  }
0x5b: {  	_ =	shalt  }
0x5c: {  	_ =	shalt  }
0x5d: {  	_ =	shalt  }
0x5e: {  	_ =	shalt  }
0x5f: {  	_ =	shalt  }
0x60: {  	_ =	shalt  }
0x61: {  	_ =	shalt  }
0x62: {  	_ =	shalt  }
0x63: {  	_ =	shalt  }
0x64: {  	_ =	shalt  }
0x65: {  	_ =	shalt  }
0x66: {  	_ =	shalt  }
0x67: {  	_ =	shalt  }
0x68: {  	_ =	shalt  }
0x69: {  	_ =	shalt  }
0x6a: {  	_ =	shalt  }
0x6b: {  	_ =	shalt  }
0x6c: {  	_ =	shalt  }
0x6d: {  	_ =	shalt  }
0x6e: {  	_ =	shalt  }
0x6f: {  	_ =	shalt  }
0x70: {  	_ =	shalt  }
0x71: {  	_ =	shalt  }
0x72: {  	_ =	shalt  }
0x73: {  	_ =	shalt  }
0x74: {  	_ =	shalt  }
0x75: {  	_ =	shalt  }
0x76: {  	_ =	shalt  }
0x77: {  	_ =	shalt  }
0x78: {  	_ =	shalt  }
0x79: {  	_ =	shalt  }
0x7a: {  	_ =	shalt  }
0x7b: {  	_ =	shalt  }
0x7c: {  	_ =	shalt  }
0x7d: {  	_ =	shalt  }
0x7e: {  	_ =	shalt  }
0x7f: {  	_ =	shalt  }
0x80: {  	_ =	shalt  }
0x81: {  	_ =	shalt  }
0x82: {  	_ =	shalt  }
0x83: {  	_ =	shalt  }
0x84: {  	_ =	shalt  }
0x85: {  	_ =	shalt  }
0x86: {  	_ =	shalt  }
0x87: {  	_ =	shalt  }
.Lfunc_end0:
.L_simem_size_0:
called_computation.2_lowered:
.L_overlay_start_0:
0x88: {  	s2 =	sld [smem:$0x3FD9]  }
0x89: {  	s3 =	sld [smem:$0x3FFE];
	_ =	sdelay $0x1  }
0x8a: {  	s1 =	srdreg.scid  }
0x8b: {  	s0 =	sand.u32 $0x1, s1  }
0x8c: {  	s17 =	sshll.u32 s0, $0xA;
	s2 =	sadd.s32 s3, s2  }
0x8d: {  	s2 =	sadd.s32 s2, s17  }
0x8e: {  	[smem:$0x3FC2] =	sst s2  }
0x8f: {  	_ = 	snop  }
0x90: {  	s2 =	sld [smem:$0x3FD0];
	(tm) =	ssettm $0x1  }
0x91: {  	s18 =	sld [smem:$0x3FFB];
	_ =	sdelay $0x3  }
0x92: {  	_ =	strace s18  }
0x93: {  	s3 =	sld [smem:$0x3FFC];
	_ =	sdelay $0x3  }
0x94: {  	_ =	strace s3  }
0x95: {  	s3 =	sld [smem:$0x3FFD];
	_ =	sdelay $0x3  }
0x96: {  	_ =	strace s3  }
0x97: {  	_ =	strace $0x8FFFFFFF  }
0x98: {  	s19 =	sld [smem:$0x3FDB];
	_ =	sdelay $0x1  }
0x99: {  	s4 =	simm.s32 $_scs_section_size  }
0x9a: {  	s5 =	simm.s32 $_size__tile_overlayer_lowered;
	s6 =	simm.s32 $_tile_overlayer_lowered  }
0x9b: {  	s22 =	simm.s32 $0x1BFF;
	s21 =	sshll.u32 s6, $0x1;
	s3 =	sadd.s32 s4, s19  }
0x9c: {  	s7 =	simm.s32 $0x0;
	s20 =	sshll.u32 s5, $0x1;
	s5 =	sadd.s32 s21, s3  }
0x9d: {  	[timem:s7], [sflag:s22] =	dma.local [hbm:s5], s20  }
0x9e: {  	_ =	swait.ge [sflag:s22], s20  }
0x9f: {  	s4 =	ssub.s32 $0x0, s20;
	[sflag:s22] =	ssyncset.done $0x0  }
0xa0: {  	[sflag:s22] =	ssyncadd.s32 s4;
	_ =	sdelay $0x1  }
0xa1: {  	s23 =	simm.s32 $0x1B8B  }
0xa2: {  	_ =	swait.ge [sflag:s23], $0x1  }
0xa3: {  	[sflag:s23] =	ssyncset.done $0x0  }
0xa4: {  	s25 =	simm.s32 $0x1B8E;
	s24 =	sld [smem:$0x3FFE];
	[sflag:s23] =	ssyncadd.s32 $0xFFFFFFFF  }
0xa5: {  	s26 =	simm.s32 $execute0_lowered;
	[smem:$0x3FD2] =	sst s25  }
0xa6: {  	s5 =	sshll.u32 s26, $0x1;
	_ =	strace $0x8000004C;
	[dreg:$0x1] =	wrdreg $0xFFFFFFFF  }
0xa7: {  	s28 =	simm.s32 $_size_execute0_lowered;
	s3 =	sadd.s32 s3, s5;
	[dreg:$0x0] =	wrdreg $0x0  }
0xa8: {  	s5 =	sshll.u32 s28, $0x1;
	[dreg:$0x2] =	wrdreg s3  }
0xa9: {  	[dreg:$0x3] =	wrdreg s5  }
0xaa: {  	[dreg:$0x4] =	wrdreg $0xC0  }
0xab: {  	_ =	task [dreg:s7], $0x5FFFF  }
0xac: {  	[dreg:$0x1] =	wrdreg $0xFFFFFFFF  }
0xad: {  	[dreg:$0x0] =	wrdreg $0x60  }
0xae: {  	[dreg:$0x2] =	wrdreg s2  }
0xaf: {  	[dreg:$0x3] =	wrdreg s24  }
0xb0: {  	[dreg:$0x4] =	wrdreg $0x0  }
0xb1: {  	[dreg:$0x5] =	wrdreg $0x62C00  }
0xb2: {  	[dreg:$0x6] =	wrdreg $0x9  }
0xb3: {  	_ =	task.clear_ibuf [dreg:s7], $0x7FFFF;
	_ =	strace $0x9000004C  }
0xb4: {  	s29 =	simm.s32 $0x9;
	_ =	strace $0x8000004E  }
0xb5: {  	_ =	swait.ge [sflag:s29], $0x1  }
0xb6: {  	[sflag:s29] =	ssyncadd.s32 $0xFFFFFFFF  }
0xb7: {  	_ =	strace $0x9000004E  }
0xb8: {  	_ =	sfence  }
0xb9: {  	s30 =	sld [smem:$0x0];
	_ =	sdelay $0x2  }
0xba: {  	s31 =	sshll.u32 s1, $0xD;
	s1 =	sshrl.u32 s1, $0x2  }
0xbb: {  	s3 =	sand.u32 $0x4000, s31;
	s1 =	sadd.s32 s1, s30  }
0xbc: {  	s0 =	sor.u32 s3, s0;
	s1 =	sshll.u32 s1, $0x11  }
0xbd: {  	s0 =	sor.u32 s1, s0  }
0xbe: {  	s0 =	sadd.s32 $0x8F2B, s0  }
0xbf: {  	[sflag:s0] =	ssyncadd.remote.s32 $0x1  }
0xc0: {  	_ =	sfence.sel $0xFFFF  }
0xc1: {  	[dreg:$0x0] =	wrdreg $0xFFFFFFFF;
	(pc) =	sbr.abs _section_cstart, $3  }
0xc2: {  	[dreg:$0x1] =	wrdreg $0xFFFFFFFF  }
0xc3: {  	_ =	task.clear_ibuf [dreg:s7], $0x2FFFF;
	_ =	strace $0x9FFFFFFF  }
0xc4: {  	(tm) =	ssettm $0x7FFFFFFF  }
0xc5: {  	_ =	shalt  }
tec
execute0_lowered:
.L_overlay_start_1:
0x0: {  	(tag) =	ssettag $0x1  }
0x1: {  	s5 =	rddreg [dreg:$0x0]  }
0x2: {  	s6 =	rddreg [dreg:$0x1]  }
0x3: {  	s1 =	srdreg.scid;
	s2 =	rddreg [dreg:$0x2]  }
0x4: {  	s0 =	stileid.u32;
	s3 =	rddreg [dreg:$0x3];
	s4 =	simm.s32 $0x0  }
0x5: {  	s14 =	simm.s32 $0xC580;
	s15 =	simm.s32 $0x4;
	s16 =	simm.s32 $0xED00  }
0x6: {  	s17 =	simm.s32 $0x2;
	s18 =	simm.s32 $0x3;
	s19 =	simm.s32 $0x80  }
0x7: {  	s20 =	simm.s32 $0x11480;
	s21 =	simm.s32 $0x1;
	s23 =	simm.s32 $0x0  }
0x8: {  	s7 =	sand.u32 $0x1, s1;
	s8 =	smul.u32 $0x62C0, s0;
	s1 =	rddreg [dreg:$0x4]  }
0x9: {  	[smem:$0x7FF] =	sst s4;
	s22 =	sshll.u32 s0, $0x6;
	s9 =	sshll.u32 s7, $0x4  }
0xa: {  	s10 =	smul.u32 $0x62C00, s7;
	_ =	strace $0x8000004D;
	s7 =	ssub.s32 $0x2, s7  }
0xb: {  	s9 =	sor.u32 s0, s9;
	s30 =	sshrl.u32 s7, $0x1;
	s31 =	sshrl.u32 s8, $0x3  }
0xc: {  	s12 =	sadd.s32 s8, s2;
	s13 =	sadd.s32 s8, s3;
	s9 =	smul.u32 $0x4F0, s9  }
0xd: {  	s10 =	sadd.s32 s8, s10;
	s11 =	ssub.s32 s7, s30;
	s5 =	sadd.s32 s5, s31  }
0xe: {  	s13 =	sshrl.u32 s13, $0x3;
	s10 =	sshrl.u32 s10, $0x3;
	s9 =	sadd.s32 s9, s6  }
0xf: {  	s10 =	sadd.s32 s10, s6;
	s6 =	sor.u32 $0x1C02, s22;
	s7 =	sadd.s32 $0x36800, s9  }
0x10: {  	s8 =	sadd.s32 $0x7800, s9;
	s9 =	sadd.s32 $0x11600, s10;
	s10 =	smax.u32 s11, $0x1  }
0x11: {  	s11 =	sshrl.u32 s12, $0x3;
	s12 =	sor.u32 $0x1C03, s22;
	s22 =	sor.u32 $0x1C04, s22  }
.LBB2_1:
0x12: {  	[spmem:s11], [sflag:s6] =	dma.local [hbm:s5], $0xC58  }
0x13: {  	[spmem:s13], [sflag:s12] =	dma.local [hbm:s5], $0xC58  }
0x14: {  	[tilespmem:s14], [sflag:$0x4] =	stream.linear.gather [hbm4b:s7+s4], $0x2780, $0x38;
	[tilespmem:$0x12880] =	vst v63  }
0x15: {  	_ =	swait.ge [sflag:s15], $0x2780  }
0x16: {  	[sflag:s15] =	ssyncset.done $0x0  }
0x17: {  	[sflag:s15] =	ssyncadd.s32 $0xFFFFD880  }
0x18: {  	[tilespmem:s16], [sflag:$0x4] =	stream.linear.gather [hbm4b:s8+s4], $0x2780, $0x38;
	[tilespmem:$0x12880] =	vst v63  }
0x19: {  	_ =	swait.ge [sflag:s15], $0x2780  }
0x1a: {  	[sflag:s15] =	ssyncset.done $0x0  }
0x1b: {  	[sflag:s15] =	ssyncadd.s32 $0xFFFFD880  }
0x1c: {  	_ =	swait.ge [sflag:s17], $0xC58  }
0x1d: {  	[sflag:s17] =	ssyncset.done $0x0  }
0x1e: {  	[sflag:s17] =	ssyncadd.s32 $0xFFFFF3A8  }
0x1f: {  	_ =	swait.ge [sflag:s18], $0xC58  }
0x20: {  	[sflag:s18] =	ssyncset.done $0x0  }
0x21: {  	[sflag:s18] =	ssyncadd.s32 $0xFFFFF3A8  }
0x22: {  	s24 =	simm.s32 $0xC580;
	[bflag:$0x0] =	sbarrier.arrive $0xFFFF  }
0x23: {  	[tilespmem:s20], [sflag:$0x1] =	stream.indirect.gather [spmem:s3], $0x28, s24, s19, $0xb8;
	[tilespmem:$0x12880] =	vst v63  }
0x24: {  	_ =	swait.ge [sflag:s21], $0x1400  }
0x25: {  	[sflag:s21] =	ssyncset.done $0x0  }
0x26: {  	s31 =	simm.s32 $0xED00;
	[sflag:s21] =	ssyncadd.s32 $0xFFFFEC00  }
0x27: {  	[spmem:s2] =	stream.indirect.scatter.add.f32 [tilespmem:s20], [sflag:$0x4], $0x28, s31, s19, $0xb8;
	[tilespmem:$0x12880] =	vst v63  }
0x28: {  	_ =	swait.ge [sflag:s15], $0x1400  }
0x29: {  	s25 =	simm.s32 $0x400;
	s24 =	simm.s32 $0x80;
	[sflag:s15] =	ssyncset.done $0x0  }
.LBB2_2:
0x2a: {  	s26 =	sadd.s32 $0xC580, s24  }
0x2b: {  	[sflag:s15] =	ssyncadd.s32 $0xFFFFEC00;
	s28 =	smov.u32 s25;
	s29 =	sadd.s32 $0x200, s25  }
0x2c: {  	[tilespmem:s20], [sflag:$0x1] =	stream.indirect.gather [spmem:s3], $0x28, s26, s19, $0xb8;
	[tilespmem:$0x12880] =	vst v63  }
0x2d: {  	p0 =	sne.s32 s25, $0x9C00;
	_ =	swait.ge [sflag:s21], $0x1400  }
.Ltmp0:
0x2e: {  	[sflag:s21] =	ssyncset.done $0x0;
	(pc) =	sbr.rel @p0 .LBB2_2-.Ltmp0, $4  }
0x2f: {  	s24 =	sadd.s32 $0xED00, s24;
	[sflag:s21] =	ssyncadd.s32 $0xFFFFEC00  }
0x30: {  	[spmem:s2] =	stream.indirect.scatter.add.f32 [tilespmem:s20], [sflag:$0x4], $0x28, s24, s19, $0xb8;
	[tilespmem:$0x12880] =	vst v63  }
0x31: {  	_ =	swait.ge [sflag:s15], $0x1400  }
0x32: {  	s25 =	smov.u32 s29;
	s24 =	sshra.s32 s28, $0x2;
	[sflag:s15] =	ssyncset.done $0x0  }
0x33: {  	s25 =	sadd.s32 $0xC580, s24;
	[sflag:s15] =	ssyncadd.s32 $0xFFFFEC00  }
0x34: {  	[tilespmem:s20], [sflag:$0x1] =	stream.indirect.gather [spmem:s3], $0x28, s25, s19, $0xb8;
	[tilespmem:$0x12880] =	vst v63  }
0x35: {  	_ =	swait.ge [sflag:s21], $0x1400  }
0x36: {  	[sflag:s21] =	ssyncset.done $0x0  }
0x37: {  	s31 =	sadd.s32 $0xED00, s24;
	[sflag:s21] =	ssyncadd.s32 $0xFFFFEC00  }
0x38: {  	[spmem:s2] =	stream.indirect.scatter.add.f32 [tilespmem:s20], [sflag:$0x4], $0x28, s31, s19, $0xb8;
	[tilespmem:$0x12880] =	vst v63  }
0x39: {  	_ =	swait.ge [sflag:s15], $0x1400  }
0x3a: {  	s23 =	sadd.s32 $0x1, s23;
	[sflag:s15] =	ssyncset.done $0x0  }
0x3b: {  	p0 =	sne.s32 s23, s10;
	[sflag:s15] =	ssyncadd.s32 $0xFFFFEC00  }
.Ltmp1:
0x3c: {  	[bflag:$0x0] =	sbarrier.arrive $0xFFFF;
	(pc) =	sbr.rel @p0 .LBB2_1-.Ltmp1, $4  }
0x3d: {  	[hbm:s9], [sflag:s22] =	dma.local [spmem:s11], $0xC58  }
0x3e: {  	_ =	swait.ge [sflag:s15], $0xC58  }
0x3f: {  	[sflag:s15] =	ssyncset.done $0x0  }
0x40: {  	[sflag:s15] =	ssyncadd.s32 $0xFFFFF3A8  }
0x41: {  	_ =	sfence.sel $0x180000  }
0x42: {  	[bflag:$0x0] =	sbarrier.arrive $0xFFFF  }
0x43: {  	p0 =	sne.s32 s0, $0x0;
	_ =	strace $0x9000004D  }
0x44: {  	s0 =	sadd.s32 @!p0 $0x100000, s1;
	[bflag:$0x2] =	sbarrier.arrive $0xFFFF  }
0x45: {  	[sflag:s0] =	ssyncadd.tile.s32 @!p0 $0x1;
	_ =	shalt  }
.Lfunc_end2:
_tile_overlayer_lowered:
.L_overlay_start_2:
0x46: {  	(tag) =	ssettag $0x2  }
0x47: {  	s0 =	rddreg [dreg:$0x0];
	s2 =	stileid.u32  }
0x48: {  	s1 =	rddreg [dreg:$0x1];
	p0 =	sne.s32 s2, $0x0  }
0x49: {  	s3 =	rddreg [dreg:$0x2];
	[bflag:$0x3] =	sbarrier.arrive $0xFFFF;
	s2 =	simm.s32 @!p0 $0x1C04  }
0x4a: {  	[timem:s3], [sflag:s2] =	dma.local @!p0 [hbm:s0], s1  }
0x4b: {  	s0 =	simm.s32 @!p0 $0x4  }
0x4c: {  	_ =	swait.ge @!p0 [sflag:s0], s1  }
0x4d: {  	s1 =	ssub.s32 @!p0 $0x0, s1;
	[sflag:s0] =	ssyncset.done @!p0 $0x0  }
0x4e: {  	[sflag:s0] =	ssyncadd.s32 @!p0 s1  }
0x4f: {  	[bflag:$0x3] =	sbarrier.arrive $0xFFFF  }
0x50: {  	_ =	shalt  }

// kernel: kernel.34.cloned.1.call-start
scs
__scs_entry_jumppad:
0x0: {  	(pc) =	sbr.rel $0x88, $3  }
0x1: {  	(tag) =	ssettag $0x0;
	lr =	simm.s32 $0x1  }
0x2: {  	[smem:$0x3F9B] =	sst lr;
	_ =	strace $0xD0000000  }
0x3: {  	_ = 	snop  }
0x4: {  	_ = 	snop  }
0x5: {  	_ = 	snop  }
0x6: {  	_ = 	snop  }
0x7: {  	_ = 	snop  }
__scs_overlays_trampoline_lowered:
0x8: {  	[smem:$0x3FAA] =	sst s0  }
0x9: {  	[smem:$0x3FAB] =	sst s1  }
0xa: {  	[smem:$0x3FAC] =	sst s2  }
0xb: {  	[smem:$0x3FAD] =	sst s3  }
0xc: {  	[smem:$0x3FAE] =	sst s4  }
0xd: {  	[smem:$0x3FAF] =	sst s5  }
0xe: {  	[smem:$0x3FB0] =	sst s6  }
0xf: {  	[smem:$0x3FB1] =	sst s7  }
0x10: {  	[smem:$0x3FB2] =	sst s8  }
0x11: {  	[smem:$0x3FB3] =	sst s9;
	s0 =	simm.s32 @!p0 $0x0  }
0x12: {  	s1 =	sld [smem:$0x3F99];
	s0 =	simm.s32 @p0 $0x1  }
0x13: {  	[smem:$0x3FB4] =	sst s0;
	s0 =	simm.s32 @!p1 $0x0  }
0x14: {  	s2 =	sld [smem:$0x3F98];
	s0 =	simm.s32 @p1 $0x1  }
0x15: {  	[smem:$0x3FB5] =	sst s0;
	s0 =	simm.s32 @!p2 $0x0  }
0x16: {  	s3 =	sld [smem:$0x3FDB];
	s0 =	simm.s32 @p2 $0x1  }
0x17: {  	s4 =	simm.s32 $0x1BF5;
	[smem:$0x3FB7] =	sst s0  }
0x18: {  	s0 =	sld [smem:$0x3F9A];
	_ =	swait.ge [sflag:s4], $0x0  }
0x19: {  	s7 =	sld [smem:$0x3F9B]  }
0x1a: {  	s8 =	sadd.s32 $0xFFFFE003, lr  }
0x1b: {  	s9 =	sadd.s32 $0xFFFFFEF7, lr;
	s5 =	simm.s32 $0xFFFFFFFF;
	p2 =	slt.u32 s8, $0xFFFFF086  }
0x1c: {  	p1 =	slt.u32 s9, $0xF7A;
	s5 =	simm.s32 @!p2 $0x0  }
0x1d: {  	s5 =	simm.s32 @p1 $0x1;
	p0 =	seq.s32 s7, s2  }
0x1e: {  	s7 =	smul.u32 @!p0 $0xF7A, s2;
	p2 =	seq.s32 @!p0 s5, $0x0  }
0x1f: {  	s9 =	smul.u32 $0xF7A, s1;
	s8 =	simm.s32 @!p0 $0x1BF5;
	p2 =	por !p2, p0  }
0x20: {  	[sflag:s8] =	ssyncset.s32 @!p0 $0xFFFFF086;
	s6 =	sadd.s32 @!p0 s3, s7;
	s7 =	simm.s32 @!p0 $0x108  }
0x21: {  	s3 =	sadd.s32 s3, s9;
	s6 =	sadd.s32 @!p0 $0x88, s6;
	s7 =	simm.s32 @p2 $0x1082  }
0x22: {  	[simem:s7], [sflag:s8] =	dma.local @!p0 [hbm:s6], $0xF7A  }
0x23: {  	s9 =	sor.u32 $0xD0000000, s2;
	s6 =	simm.s32 $0x108;
	_ =	swait.ge @!p0 [sflag:s8], $0x0  }
0x24: {  	s3 =	sadd.s32 $0x88, s3;
	s6 =	simm.s32 @!p1 $0x1082;
	[sflag:s4] =	ssyncset.s32 $0xFFFFF086  }
0x25: {  	[simem:s6], [sflag:s4] =	dma.local [hbm:s3], $0xF7A  }
0x26: {  	[smem:$0x3F9B] =	sst s1;
	(tag) =	ssettag s2;
	_ =	strace s9  }
0x27: {  	s1 =	sld [smem:$0x3FAB]  }
0x28: {  	s2 =	sld [smem:$0x3FAC]  }
0x29: {  	s4 =	sld [smem:$0x3FAE]  }
0x2a: {  	p0 =	seq.s32 s5, $0x0;
	s5 =	sld [smem:$0x3FAF]  }
0x2b: {  	s6 =	sld [smem:$0x3FB0]  }
0x2c: {  	s7 =	sld [smem:$0x3FB1]  }
0x2d: {  	s3 =	simm.s32 $0x108;
	s8 =	sld [smem:$0x3FB2]  }
0x2e: {  	s3 =	simm.s32 @!p0 $0x1082;
	s9 =	sld [smem:$0x3FB3]  }
0x2f: {  	lr =	sadd.s32 s0, s3;
	s0 =	sld [smem:$0x3FAA]  }
0x30: {  	s3 =	sld [smem:$0x3FAD]  }
0x31: {  	[smem:$0x3FB6] =	sst s10  }
0x32: {  	s10 =	sld [smem:$0x3FB4];
	_ =	sdelay $0x3  }
0x33: {  	p0 =	seq.s32 s10, $0x1;
	s10 =	sld [smem:$0x3FB6];
	_ =	sdelay $0x3  }
0x34: {  	[smem:$0x3FB6] =	sst s10  }
0x35: {  	s10 =	sld [smem:$0x3FB5];
	_ =	sdelay $0x3  }
0x36: {  	p1 =	seq.s32 s10, $0x1;
	s10 =	sld [smem:$0x3FB6];
	_ =	sdelay $0x3  }
0x37: {  	[smem:$0x3FB6] =	sst s10  }
0x38: {  	s10 =	sld [smem:$0x3FB7]  }
0x39: {  	_ = 	snop;
	(pc) =	sbr.ind lr, $3  }
0x3a: {  	_ = 	snop  }
0x3b: {  	_ = 	snop  }
0x3c: {  	p2 =	seq.s32 s10, $0x1;
	s10 =	sld [smem:$0x3FB6]  }
0x3d: {  	_ =	shalt  }
0x3e: {  	_ =	shalt  }
0x3f: {  	_ =	shalt  }
0x40: {  	_ =	shalt  }
0x41: {  	_ =	shalt  }
0x42: {  	_ =	shalt  }
0x43: {  	_ =	shalt  }
0x44: {  	_ =	shalt  }
0x45: {  	_ =	shalt  }
0x46: {  	_ =	shalt  }
0x47: {  	_ =	shalt  }
0x48: {  	_ =	shalt  }
0x49: {  	_ =	shalt  }
0x4a: {  	_ =	shalt  }
0x4b: {  	_ =	shalt  }
0x4c: {  	_ =	shalt  }
0x4d: {  	_ =	shalt  }
0x4e: {  	_ =	shalt  }
0x4f: {  	_ =	shalt  }
0x50: {  	_ =	shalt  }
0x51: {  	_ =	shalt  }
0x52: {  	_ =	shalt  }
0x53: {  	_ =	shalt  }
0x54: {  	_ =	shalt  }
0x55: {  	_ =	shalt  }
0x56: {  	_ =	shalt  }
0x57: {  	_ =	shalt  }
0x58: {  	_ =	shalt  }
0x59: {  	_ =	shalt  }
0x5a: {  	_ =	shalt  }
0x5b: {  	_ =	shalt  }
0x5c: {  	_ =	shalt  }
0x5d: {  	_ =	shalt  }
0x5e: {  	_ =	shalt  }
0x5f: {  	_ =	shalt  }
0x60: {  	_ =	shalt  }
0x61: {  	_ =	shalt  }
0x62: {  	_ =	shalt  }
0x63: {  	_ =	shalt  }
0x64: {  	_ =	shalt  }
0x65: {  	_ =	shalt  }
0x66: {  	_ =	shalt  }
0x67: {  	_ =	shalt  }
0x68: {  	_ =	shalt  }
0x69: {  	_ =	shalt  }
0x6a: {  	_ =	shalt  }
0x6b: {  	_ =	shalt  }
0x6c: {  	_ =	shalt  }
0x6d: {  	_ =	shalt  }
0x6e: {  	_ =	shalt  }
0x6f: {  	_ =	shalt  }
0x70: {  	_ =	shalt  }
0x71: {  	_ =	shalt  }
0x72: {  	_ =	shalt  }
0x73: {  	_ =	shalt  }
0x74: {  	_ =	shalt  }
0x75: {  	_ =	shalt  }
0x76: {  	_ =	shalt  }
0x77: {  	_ =	shalt  }
0x78: {  	_ =	shalt  }
0x79: {  	_ =	shalt  }
0x7a: {  	_ =	shalt  }
0x7b: {  	_ =	shalt  }
0x7c: {  	_ =	shalt  }
0x7d: {  	_ =	shalt  }
0x7e: {  	_ =	shalt  }
0x7f: {  	_ =	shalt  }
0x80: {  	_ =	shalt  }
0x81: {  	_ =	shalt  }
0x82: {  	_ =	shalt  }
0x83: {  	_ =	shalt  }
0x84: {  	_ =	shalt  }
0x85: {  	_ =	shalt  }
0x86: {  	_ =	shalt  }
0x87: {  	_ =	shalt  }
.Lfunc_end0:
.L_simem_size_0:
called_computation.3_lowered:
.L_overlay_start_0:
0x88: {  	s2 =	sld [smem:$0x3FD9]  }
0x89: {  	s3 =	sld [smem:$0x3FFE];
	_ =	sdelay $0x1  }
0x8a: {  	s1 =	srdreg.scid  }
0x8b: {  	s0 =	sand.u32 $0x1, s1  }
0x8c: {  	s17 =	sshll.u32 s0, $0xA;
	s2 =	sadd.s32 s3, s2  }
0x8d: {  	s2 =	sadd.s32 s2, s17  }
0x8e: {  	[smem:$0x3FC2] =	sst s2  }
0x8f: {  	_ = 	snop  }
0x90: {  	s2 =	sld [smem:$0x3FD0];
	(tm) =	ssettm $0x1  }
0x91: {  	s18 =	sld [smem:$0x3FFB];
	_ =	sdelay $0x3  }
0x92: {  	_ =	strace s18  }
0x93: {  	s3 =	sld [smem:$0x3FFC];
	_ =	sdelay $0x3  }
0x94: {  	_ =	strace s3  }
0x95: {  	s3 =	sld [smem:$0x3FFD];
	_ =	sdelay $0x3  }
0x96: {  	_ =	strace s3  }
0x97: {  	_ =	strace $0x8FFFFFFF  }
0x98: {  	s19 =	sld [smem:$0x3FDB];
	_ =	sdelay $0x1  }
0x99: {  	s4 =	simm.s32 $_scs_section_size  }
0x9a: {  	s5 =	simm.s32 $_size__tile_overlayer_lowered;
	s6 =	simm.s32 $_tile_overlayer_lowered  }
0x9b: {  	s22 =	simm.s32 $0x1BFF;
	s21 =	sshll.u32 s6, $0x1;
	s3 =	sadd.s32 s4, s19  }
0x9c: {  	s7 =	simm.s32 $0x0;
	s20 =	sshll.u32 s5, $0x1;
	s5 =	sadd.s32 s21, s3  }
0x9d: {  	[timem:s7], [sflag:s22] =	dma.local [hbm:s5], s20  }
0x9e: {  	_ =	swait.ge [sflag:s22], s20  }
0x9f: {  	s4 =	ssub.s32 $0x0, s20;
	[sflag:s22] =	ssyncset.done $0x0  }
0xa0: {  	[sflag:s22] =	ssyncadd.s32 s4;
	_ =	sdelay $0x1  }
0xa1: {  	s23 =	simm.s32 $0x1B8B  }
0xa2: {  	_ =	swait.ge [sflag:s23], $0x1  }
0xa3: {  	[sflag:s23] =	ssyncset.done $0x0  }
0xa4: {  	s25 =	simm.s32 $0x1B8E;
	s24 =	sld [smem:$0x3FFE];
	[sflag:s23] =	ssyncadd.s32 $0xFFFFFFFF  }
0xa5: {  	s26 =	simm.s32 $execute0_lowered;
	[smem:$0x3FD2] =	sst s25  }
0xa6: {  	s5 =	sshll.u32 s26, $0x1;
	_ =	strace $0x8000004F;
	[dreg:$0x1] =	wrdreg $0xFFFFFFFF  }
0xa7: {  	s28 =	simm.s32 $_size_execute0_lowered;
	s3 =	sadd.s32 s3, s5;
	[dreg:$0x0] =	wrdreg $0x0  }
0xa8: {  	s5 =	sshll.u32 s28, $0x1;
	[dreg:$0x2] =	wrdreg s3  }
0xa9: {  	[dreg:$0x3] =	wrdreg s5  }
0xaa: {  	[dreg:$0x4] =	wrdreg $0xC0  }
0xab: {  	_ =	task [dreg:s7], $0x5FFFF  }
0xac: {  	[dreg:$0x1] =	wrdreg $0xFFFFFFFF  }
0xad: {  	[dreg:$0x0] =	wrdreg $0x60  }
0xae: {  	[dreg:$0x2] =	wrdreg s2  }
0xaf: {  	[dreg:$0x3] =	wrdreg s24  }
0xb0: {  	[dreg:$0x4] =	wrdreg $0x0  }
0xb1: {  	[dreg:$0x5] =	wrdreg $0x62C00  }
0xb2: {  	[dreg:$0x6] =	wrdreg $0x9  }
0xb3: {  	_ =	task.clear_ibuf [dreg:s7], $0x7FFFF;
	_ =	strace $0x9000004F  }
0xb4: {  	s29 =	simm.s32 $0x9;
	_ =	strace $0x80000051  }
0xb5: {  	_ =	swait.ge [sflag:s29], $0x1  }
0xb6: {  	[sflag:s29] =	ssyncadd.s32 $0xFFFFFFFF  }
0xb7: {  	_ =	strace $0x90000051  }
0xb8: {  	_ =	sfence  }
0xb9: {  	s30 =	sld [smem:$0x0];
	_ =	sdelay $0x2  }
0xba: {  	s31 =	sshll.u32 s1, $0xD;
	s1 =	sshrl.u32 s1, $0x2  }
0xbb: {  	s3 =	sand.u32 $0x4000, s31;
	s1 =	sadd.s32 s1, s30  }
0xbc: {  	s0 =	sor.u32 s3, s0;
	s1 =	sshll.u32 s1, $0x11  }
0xbd: {  	s0 =	sor.u32 s1, s0  }
0xbe: {  	s0 =	sadd.s32 $0x8F2B, s0  }
0xbf: {  	[sflag:s0] =	ssyncadd.remote.s32 $0x1  }
0xc0: {  	_ =	sfence.sel $0xFFFF  }
0xc1: {  	[dreg:$0x0] =	wrdreg $0xFFFFFFFF;
	(pc) =	sbr.abs _section_cstart, $3  }
0xc2: {  	[dreg:$0x1] =	wrdreg $0xFFFFFFFF  }
0xc3: {  	_ =	task.clear_ibuf [dreg:s7], $0x2FFFF;
	_ =	strace $0x9FFFFFFF  }
0xc4: {  	(tm) =	ssettm $0x7FFFFFFF  }
0xc5: {  	_ =	shalt  }
tec
execute0_lowered:
.L_overlay_start_1:
0x0: {  	(tag) =	ssettag $0x1  }
0x1: {  	s5 =	rddreg [dreg:$0x0]  }
0x2: {  	s6 =	rddreg [dreg:$0x1]  }
0x3: {  	s1 =	srdreg.scid;
	s2 =	rddreg [dreg:$0x2]  }
0x4: {  	s0 =	stileid.u32;
	s3 =	rddreg [dreg:$0x3];
	s4 =	simm.s32 $0x0  }
0x5: {  	s14 =	simm.s32 $0xC580;
	s15 =	simm.s32 $0x4;
	s16 =	simm.s32 $0xED00  }
0x6: {  	s17 =	simm.s32 $0x2;
	s18 =	simm.s32 $0x3;
	s19 =	simm.s32 $0x80  }
0x7: {  	s20 =	simm.s32 $0x11480;
	s21 =	simm.s32 $0x1;
	s23 =	simm.s32 $0x0  }
0x8: {  	s7 =	sand.u32 $0x1, s1;
	s8 =	smul.u32 $0x62C0, s0;
	s1 =	rddreg [dreg:$0x4]  }
0x9: {  	[smem:$0x7FF] =	sst s4;
	s22 =	sshll.u32 s0, $0x6;
	s9 =	sshll.u32 s7, $0x4  }
0xa: {  	s10 =	smul.u32 $0x62C00, s7;
	_ =	strace $0x80000050;
	s7 =	ssub.s32 $0x2, s7  }
0xb: {  	s9 =	sor.u32 s0, s9;
	s30 =	sshrl.u32 s7, $0x1;
	s31 =	sshrl.u32 s8, $0x3  }
0xc: {  	s12 =	sadd.s32 s8, s2;
	s13 =	sadd.s32 s8, s3;
	s9 =	smul.u32 $0x4F0, s9  }
0xd: {  	s10 =	sadd.s32 s8, s10;
	s11 =	ssub.s32 s7, s30;
	s5 =	sadd.s32 s5, s31  }
0xe: {  	s13 =	sshrl.u32 s13, $0x3;
	s10 =	sshrl.u32 s10, $0x3;
	s9 =	sadd.s32 s9, s6  }
0xf: {  	s10 =	sadd.s32 s10, s6;
	s6 =	sor.u32 $0x1C02, s22;
	s7 =	sadd.s32 $0x36800, s9  }
0x10: {  	s8 =	sadd.s32 $0x7800, s9;
	s9 =	sadd.s32 $0x11600, s10;
	s10 =	smax.u32 s11, $0x1  }
0x11: {  	s11 =	sshrl.u32 s12, $0x3;
	s12 =	sor.u32 $0x1C03, s22;
	s22 =	sor.u32 $0x1C04, s22  }
.LBB2_1:
0x12: {  	[spmem:s11], [sflag:s6] =	dma.local [hbm:s5], $0xC58  }
0x13: {  	[spmem:s13], [sflag:s12] =	dma.local [hbm:s5], $0xC58  }
0x14: {  	[tilespmem:s14], [sflag:$0x4] =	stream.linear.gather [hbm4b:s7+s4], $0x2780, $0x38;
	[tilespmem:$0x12880] =	vst v63  }
0x15: {  	_ =	swait.ge [sflag:s15], $0x2780  }
0x16: {  	[sflag:s15] =	ssyncset.done $0x0  }
0x17: {  	[sflag:s15] =	ssyncadd.s32 $0xFFFFD880  }
0x18: {  	[tilespmem:s16], [sflag:$0x4] =	stream.linear.gather [hbm4b:s8+s4], $0x2780, $0x38;
	[tilespmem:$0x12880] =	vst v63  }
0x19: {  	_ =	swait.ge [sflag:s15], $0x2780  }
0x1a: {  	[sflag:s15] =	ssyncset.done $0x0  }
0x1b: {  	[sflag:s15] =	ssyncadd.s32 $0xFFFFD880  }
0x1c: {  	_ =	swait.ge [sflag:s17], $0xC58  }
0x1d: {  	[sflag:s17] =	ssyncset.done $0x0  }
0x1e: {  	[sflag:s17] =	ssyncadd.s32 $0xFFFFF3A8  }
0x1f: {  	_ =	swait.ge [sflag:s18], $0xC58  }
0x20: {  	[sflag:s18] =	ssyncset.done $0x0  }
0x21: {  	[sflag:s18] =	ssyncadd.s32 $0xFFFFF3A8  }
0x22: {  	s24 =	simm.s32 $0xC580;
	[bflag:$0x0] =	sbarrier.arrive $0xFFFF  }
0x23: {  	[tilespmem:s20], [sflag:$0x1] =	stream.indirect.gather [spmem:s3], $0x28, s24, s19, $0xb8;
	[tilespmem:$0x12880] =	vst v63  }
0x24: {  	_ =	swait.ge [sflag:s21], $0x1400  }
0x25: {  	[sflag:s21] =	ssyncset.done $0x0  }
0x26: {  	s31 =	simm.s32 $0xED00;
	[sflag:s21] =	ssyncadd.s32 $0xFFFFEC00  }
0x27: {  	[spmem:s2] =	stream.indirect.scatter.add.f32 [tilespmem:s20], [sflag:$0x4], $0x28, s31, s19, $0xb8;
	[tilespmem:$0x12880] =	vst v63  }
0x28: {  	_ =	swait.ge [sflag:s15], $0x1400  }
0x29: {  	s25 =	simm.s32 $0x400;
	s24 =	simm.s32 $0x80;
	[sflag:s15] =	ssyncset.done $0x0  }
.LBB2_2:
0x2a: {  	s26 =	sadd.s32 $0xC580, s24  }
0x2b: {  	[sflag:s15] =	ssyncadd.s32 $0xFFFFEC00;
	s28 =	smov.u32 s25;
	s29 =	sadd.s32 $0x200, s25  }
0x2c: {  	[tilespmem:s20], [sflag:$0x1] =	stream.indirect.gather [spmem:s3], $0x28, s26, s19, $0xb8;
	[tilespmem:$0x12880] =	vst v63  }
0x2d: {  	p0 =	sne.s32 s25, $0x9C00;
	_ =	swait.ge [sflag:s21], $0x1400  }
.Ltmp0:
0x2e: {  	[sflag:s21] =	ssyncset.done $0x0;
	(pc) =	sbr.rel @p0 .LBB2_2-.Ltmp0, $4  }
0x2f: {  	s24 =	sadd.s32 $0xED00, s24;
	[sflag:s21] =	ssyncadd.s32 $0xFFFFEC00  }
0x30: {  	[spmem:s2] =	stream.indirect.scatter.add.f32 [tilespmem:s20], [sflag:$0x4], $0x28, s24, s19, $0xb8;
	[tilespmem:$0x12880] =	vst v63  }
0x31: {  	_ =	swait.ge [sflag:s15], $0x1400  }
0x32: {  	s25 =	smov.u32 s29;
	s24 =	sshra.s32 s28, $0x2;
	[sflag:s15] =	ssyncset.done $0x0  }
0x33: {  	s25 =	sadd.s32 $0xC580, s24;
	[sflag:s15] =	ssyncadd.s32 $0xFFFFEC00  }
0x34: {  	[tilespmem:s20], [sflag:$0x1] =	stream.indirect.gather [spmem:s3], $0x28, s25, s19, $0xb8;
	[tilespmem:$0x12880] =	vst v63  }
0x35: {  	_ =	swait.ge [sflag:s21], $0x1400  }
0x36: {  	[sflag:s21] =	ssyncset.done $0x0  }
0x37: {  	s31 =	sadd.s32 $0xED00, s24;
	[sflag:s21] =	ssyncadd.s32 $0xFFFFEC00  }
0x38: {  	[spmem:s2] =	stream.indirect.scatter.add.f32 [tilespmem:s20], [sflag:$0x4], $0x28, s31, s19, $0xb8;
	[tilespmem:$0x12880] =	vst v63  }
0x39: {  	_ =	swait.ge [sflag:s15], $0x1400  }
0x3a: {  	s23 =	sadd.s32 $0x1, s23;
	[sflag:s15] =	ssyncset.done $0x0  }
0x3b: {  	p0 =	sne.s32 s23, s10;
	[sflag:s15] =	ssyncadd.s32 $0xFFFFEC00  }
.Ltmp1:
0x3c: {  	[bflag:$0x0] =	sbarrier.arrive $0xFFFF;
	(pc) =	sbr.rel @p0 .LBB2_1-.Ltmp1, $4  }
0x3d: {  	[hbm:s9], [sflag:s22] =	dma.local [spmem:s11], $0xC58  }
0x3e: {  	_ =	swait.ge [sflag:s15], $0xC58  }
0x3f: {  	[sflag:s15] =	ssyncset.done $0x0  }
0x40: {  	[sflag:s15] =	ssyncadd.s32 $0xFFFFF3A8  }
0x41: {  	_ =	sfence.sel $0x180000  }
0x42: {  	[bflag:$0x0] =	sbarrier.arrive $0xFFFF  }
0x43: {  	p0 =	sne.s32 s0, $0x0;
	_ =	strace $0x90000050  }
0x44: {  	s0 =	sadd.s32 @!p0 $0x100000, s1;
	[bflag:$0x2] =	sbarrier.arrive $0xFFFF  }
0x45: {  	[sflag:s0] =	ssyncadd.tile.s32 @!p0 $0x1;
	_ =	shalt  }
.Lfunc_end2:
_tile_overlayer_lowered:
.L_overlay_start_2:
0x46: {  	(tag) =	ssettag $0x2  }
0x47: {  	s0 =	rddreg [dreg:$0x0];
	s2 =	stileid.u32  }
0x48: {  	s1 =	rddreg [dreg:$0x1];
	p0 =	sne.s32 s2, $0x0  }
0x49: {  	s3 =	rddreg [dreg:$0x2];
	[bflag:$0x3] =	sbarrier.arrive $0xFFFF;
	s2 =	simm.s32 @!p0 $0x1C04  }
0x4a: {  	[timem:s3], [sflag:s2] =	dma.local @!p0 [hbm:s0], s1  }
0x4b: {  	s0 =	simm.s32 @!p0 $0x4  }
0x4c: {  	_ =	swait.ge @!p0 [sflag:s0], s1  }
0x4d: {  	s1 =	ssub.s32 @!p0 $0x0, s1;
	[sflag:s0] =	ssyncset.done @!p0 $0x0  }
0x4e: {  	[sflag:s0] =	ssyncadd.s32 @!p0 s1  }
0x4f: {  	[bflag:$0x3] =	sbarrier.arrive $0xFFFF  }
0x50: {  	_ =	shalt  }

// kernel: kernel.37.cloned.1.call-start
scs
__scs_entry_jumppad:
0x0: {  	(pc) =	sbr.rel $0x88, $3  }
0x1: {  	(tag) =	ssettag $0x0;
	lr =	simm.s32 $0x1  }
0x2: {  	[smem:$0x3F9B] =	sst lr;
	_ =	strace $0xD0000000  }
0x3: {  	_ = 	snop  }
0x4: {  	_ = 	snop  }
0x5: {  	_ = 	snop  }
0x6: {  	_ = 	snop  }
0x7: {  	_ = 	snop  }
__scs_overlays_trampoline_lowered:
0x8: {  	[smem:$0x3FAA] =	sst s0  }
0x9: {  	[smem:$0x3FAB] =	sst s1  }
0xa: {  	[smem:$0x3FAC] =	sst s2  }
0xb: {  	[smem:$0x3FAD] =	sst s3  }
0xc: {  	[smem:$0x3FAE] =	sst s4  }
0xd: {  	[smem:$0x3FAF] =	sst s5  }
0xe: {  	[smem:$0x3FB0] =	sst s6  }
0xf: {  	[smem:$0x3FB1] =	sst s7  }
0x10: {  	[smem:$0x3FB2] =	sst s8  }
0x11: {  	[smem:$0x3FB3] =	sst s9;
	s0 =	simm.s32 @!p0 $0x0  }
0x12: {  	s1 =	sld [smem:$0x3F99];
	s0 =	simm.s32 @p0 $0x1  }
0x13: {  	[smem:$0x3FB4] =	sst s0;
	s0 =	simm.s32 @!p1 $0x0  }
0x14: {  	s2 =	sld [smem:$0x3F98];
	s0 =	simm.s32 @p1 $0x1  }
0x15: {  	[smem:$0x3FB5] =	sst s0;
	s0 =	simm.s32 @!p2 $0x0  }
0x16: {  	s3 =	sld [smem:$0x3FDB];
	s0 =	simm.s32 @p2 $0x1  }
0x17: {  	s4 =	simm.s32 $0x1BF5;
	[smem:$0x3FB7] =	sst s0  }
0x18: {  	s0 =	sld [smem:$0x3F9A];
	_ =	swait.ge [sflag:s4], $0x0  }
0x19: {  	s7 =	sld [smem:$0x3F9B]  }
0x1a: {  	s8 =	sadd.s32 $0xFFFFE003, lr  }
0x1b: {  	s9 =	sadd.s32 $0xFFFFFEF7, lr;
	s5 =	simm.s32 $0xFFFFFFFF;
	p2 =	slt.u32 s8, $0xFFFFF086  }
0x1c: {  	p1 =	slt.u32 s9, $0xF7A;
	s5 =	simm.s32 @!p2 $0x0  }
0x1d: {  	s5 =	simm.s32 @p1 $0x1;
	p0 =	seq.s32 s7, s2  }
0x1e: {  	s7 =	smul.u32 @!p0 $0xF7A, s2;
	p2 =	seq.s32 @!p0 s5, $0x0  }
0x1f: {  	s9 =	smul.u32 $0xF7A, s1;
	s8 =	simm.s32 @!p0 $0x1BF5;
	p2 =	por !p2, p0  }
0x20: {  	[sflag:s8] =	ssyncset.s32 @!p0 $0xFFFFF086;
	s6 =	sadd.s32 @!p0 s3, s7;
	s7 =	simm.s32 @!p0 $0x108  }
0x21: {  	s3 =	sadd.s32 s3, s9;
	s6 =	sadd.s32 @!p0 $0x88, s6;
	s7 =	simm.s32 @p2 $0x1082  }
0x22: {  	[simem:s7], [sflag:s8] =	dma.local @!p0 [hbm:s6], $0xF7A  }
0x23: {  	s9 =	sor.u32 $0xD0000000, s2;
	s6 =	simm.s32 $0x108;
	_ =	swait.ge @!p0 [sflag:s8], $0x0  }
0x24: {  	s3 =	sadd.s32 $0x88, s3;
	s6 =	simm.s32 @!p1 $0x1082;
	[sflag:s4] =	ssyncset.s32 $0xFFFFF086  }
0x25: {  	[simem:s6], [sflag:s4] =	dma.local [hbm:s3], $0xF7A  }
0x26: {  	[smem:$0x3F9B] =	sst s1;
	(tag) =	ssettag s2;
	_ =	strace s9  }
0x27: {  	s1 =	sld [smem:$0x3FAB]  }
0x28: {  	s2 =	sld [smem:$0x3FAC]  }
0x29: {  	s4 =	sld [smem:$0x3FAE]  }
0x2a: {  	p0 =	seq.s32 s5, $0x0;
	s5 =	sld [smem:$0x3FAF]  }
0x2b: {  	s6 =	sld [smem:$0x3FB0]  }
0x2c: {  	s7 =	sld [smem:$0x3FB1]  }
0x2d: {  	s3 =	simm.s32 $0x108;
	s8 =	sld [smem:$0x3FB2]  }
0x2e: {  	s3 =	simm.s32 @!p0 $0x1082;
	s9 =	sld [smem:$0x3FB3]  }
0x2f: {  	lr =	sadd.s32 s0, s3;
	s0 =	sld [smem:$0x3FAA]  }
0x30: {  	s3 =	sld [smem:$0x3FAD]  }
0x31: {  	[smem:$0x3FB6] =	sst s10  }
0x32: {  	s10 =	sld [smem:$0x3FB4];
	_ =	sdelay $0x3  }
0x33: {  	p0 =	seq.s32 s10, $0x1;
	s10 =	sld [smem:$0x3FB6];
	_ =	sdelay $0x3  }
0x34: {  	[smem:$0x3FB6] =	sst s10  }
0x35: {  	s10 =	sld [smem:$0x3FB5];
	_ =	sdelay $0x3  }
0x36: {  	p1 =	seq.s32 s10, $0x1;
	s10 =	sld [smem:$0x3FB6];
	_ =	sdelay $0x3  }
0x37: {  	[smem:$0x3FB6] =	sst s10  }
0x38: {  	s10 =	sld [smem:$0x3FB7]  }
0x39: {  	_ = 	snop;
	(pc) =	sbr.ind lr, $3  }
0x3a: {  	_ = 	snop  }
0x3b: {  	_ = 	snop  }
0x3c: {  	p2 =	seq.s32 s10, $0x1;
	s10 =	sld [smem:$0x3FB6]  }
0x3d: {  	_ =	shalt  }
0x3e: {  	_ =	shalt  }
0x3f: {  	_ =	shalt  }
0x40: {  	_ =	shalt  }
0x41: {  	_ =	shalt  }
0x42: {  	_ =	shalt  }
0x43: {  	_ =	shalt  }
0x44: {  	_ =	shalt  }
0x45: {  	_ =	shalt  }
0x46: {  	_ =	shalt  }
0x47: {  	_ =	shalt  }
0x48: {  	_ =	shalt  }
0x49: {  	_ =	shalt  }
0x4a: {  	_ =	shalt  }
0x4b: {  	_ =	shalt  }
0x4c: {  	_ =	shalt  }
0x4d: {  	_ =	shalt  }
0x4e: {  	_ =	shalt  }
0x4f: {  	_ =	shalt  }
0x50: {  	_ =	shalt  }
0x51: {  	_ =	shalt  }
0x52: {  	_ =	shalt  }
0x53: {  	_ =	shalt  }
0x54: {  	_ =	shalt  }
0x55: {  	_ =	shalt  }
0x56: {  	_ =	shalt  }
0x57: {  	_ =	shalt  }
0x58: {  	_ =	shalt  }
0x59: {  	_ =	shalt  }
0x5a: {  	_ =	shalt  }
0x5b: {  	_ =	shalt  }
0x5c: {  	_ =	shalt  }
0x5d: {  	_ =	shalt  }
0x5e: {  	_ =	shalt  }
0x5f: {  	_ =	shalt  }
0x60: {  	_ =	shalt  }
0x61: {  	_ =	shalt  }
0x62: {  	_ =	shalt  }
0x63: {  	_ =	shalt  }
0x64: {  	_ =	shalt  }
0x65: {  	_ =	shalt  }
0x66: {  	_ =	shalt  }
0x67: {  	_ =	shalt  }
0x68: {  	_ =	shalt  }
0x69: {  	_ =	shalt  }
0x6a: {  	_ =	shalt  }
0x6b: {  	_ =	shalt  }
0x6c: {  	_ =	shalt  }
0x6d: {  	_ =	shalt  }
0x6e: {  	_ =	shalt  }
0x6f: {  	_ =	shalt  }
0x70: {  	_ =	shalt  }
0x71: {  	_ =	shalt  }
0x72: {  	_ =	shalt  }
0x73: {  	_ =	shalt  }
0x74: {  	_ =	shalt  }
0x75: {  	_ =	shalt  }
0x76: {  	_ =	shalt  }
0x77: {  	_ =	shalt  }
0x78: {  	_ =	shalt  }
0x79: {  	_ =	shalt  }
0x7a: {  	_ =	shalt  }
0x7b: {  	_ =	shalt  }
0x7c: {  	_ =	shalt  }
0x7d: {  	_ =	shalt  }
0x7e: {  	_ =	shalt  }
0x7f: {  	_ =	shalt  }
0x80: {  	_ =	shalt  }
0x81: {  	_ =	shalt  }
0x82: {  	_ =	shalt  }
0x83: {  	_ =	shalt  }
0x84: {  	_ =	shalt  }
0x85: {  	_ =	shalt  }
0x86: {  	_ =	shalt  }
0x87: {  	_ =	shalt  }
.Lfunc_end0:
.L_simem_size_0:
called_computation.4_lowered:
.L_overlay_start_0:
0x88: {  	s2 =	sld [smem:$0x3FD9]  }
0x89: {  	s3 =	sld [smem:$0x3FFE];
	_ =	sdelay $0x1  }
0x8a: {  	s1 =	srdreg.scid  }
0x8b: {  	s0 =	sand.u32 $0x1, s1  }
0x8c: {  	s17 =	sshll.u32 s0, $0xA;
	s2 =	sadd.s32 s3, s2  }
0x8d: {  	s2 =	sadd.s32 s2, s17  }
0x8e: {  	[smem:$0x3FC2] =	sst s2  }
0x8f: {  	_ = 	snop  }
0x90: {  	s2 =	sld [smem:$0x3FD0];
	(tm) =	ssettm $0x1  }
0x91: {  	s18 =	sld [smem:$0x3FFB];
	_ =	sdelay $0x3  }
0x92: {  	_ =	strace s18  }
0x93: {  	s3 =	sld [smem:$0x3FFC];
	_ =	sdelay $0x3  }
0x94: {  	_ =	strace s3  }
0x95: {  	s3 =	sld [smem:$0x3FFD];
	_ =	sdelay $0x3  }
0x96: {  	_ =	strace s3  }
0x97: {  	_ =	strace $0x8FFFFFFF  }
0x98: {  	s19 =	sld [smem:$0x3FDB];
	_ =	sdelay $0x1  }
0x99: {  	s4 =	simm.s32 $_scs_section_size  }
0x9a: {  	s5 =	simm.s32 $_size__tile_overlayer_lowered;
	s6 =	simm.s32 $_tile_overlayer_lowered  }
0x9b: {  	s22 =	simm.s32 $0x1BFF;
	s21 =	sshll.u32 s6, $0x1;
	s3 =	sadd.s32 s4, s19  }
0x9c: {  	s7 =	simm.s32 $0x0;
	s20 =	sshll.u32 s5, $0x1;
	s5 =	sadd.s32 s21, s3  }
0x9d: {  	[timem:s7], [sflag:s22] =	dma.local [hbm:s5], s20  }
0x9e: {  	_ =	swait.ge [sflag:s22], s20  }
0x9f: {  	s4 =	ssub.s32 $0x0, s20;
	[sflag:s22] =	ssyncset.done $0x0  }
0xa0: {  	[sflag:s22] =	ssyncadd.s32 s4;
	_ =	sdelay $0x1  }
0xa1: {  	s23 =	simm.s32 $0x1B8B  }
0xa2: {  	_ =	swait.ge [sflag:s23], $0x1  }
0xa3: {  	[sflag:s23] =	ssyncset.done $0x0  }
0xa4: {  	s25 =	simm.s32 $0x1B8E;
	s24 =	sld [smem:$0x3FFE];
	[sflag:s23] =	ssyncadd.s32 $0xFFFFFFFF  }
0xa5: {  	s26 =	simm.s32 $execute0_lowered;
	[smem:$0x3FD2] =	sst s25  }
0xa6: {  	s5 =	sshll.u32 s26, $0x1;
	_ =	strace $0x80000052;
	[dreg:$0x1] =	wrdreg $0xFFFFFFFF  }
0xa7: {  	s28 =	simm.s32 $_size_execute0_lowered;
	s3 =	sadd.s32 s3, s5;
	[dreg:$0x0] =	wrdreg $0x0  }
0xa8: {  	s5 =	sshll.u32 s28, $0x1;
	[dreg:$0x2] =	wrdreg s3  }
0xa9: {  	[dreg:$0x3] =	wrdreg s5  }
0xaa: {  	[dreg:$0x4] =	wrdreg $0xC0  }
0xab: {  	_ =	task [dreg:s7], $0x5FFFF  }
0xac: {  	[dreg:$0x1] =	wrdreg $0xFFFFFFFF  }
0xad: {  	[dreg:$0x0] =	wrdreg $0x60  }
0xae: {  	[dreg:$0x2] =	wrdreg s2  }
0xaf: {  	[dreg:$0x3] =	wrdreg s24  }
0xb0: {  	[dreg:$0x4] =	wrdreg $0x0  }
0xb1: {  	[dreg:$0x5] =	wrdreg $0x62C00  }
0xb2: {  	[dreg:$0x6] =	wrdreg $0x9  }
0xb3: {  	_ =	task.clear_ibuf [dreg:s7], $0x7FFFF;
	_ =	strace $0x90000052  }
0xb4: {  	s29 =	simm.s32 $0x9;
	_ =	strace $0x80000054  }
0xb5: {  	_ =	swait.ge [sflag:s29], $0x1  }
0xb6: {  	[sflag:s29] =	ssyncadd.s32 $0xFFFFFFFF  }
0xb7: {  	_ =	strace $0x90000054  }
0xb8: {  	_ =	sfence  }
0xb9: {  	s30 =	sld [smem:$0x0];
	_ =	sdelay $0x2  }
0xba: {  	s31 =	sshll.u32 s1, $0xD;
	s1 =	sshrl.u32 s1, $0x2  }
0xbb: {  	s3 =	sand.u32 $0x4000, s31;
	s1 =	sadd.s32 s1, s30  }
0xbc: {  	s0 =	sor.u32 s3, s0;
	s1 =	sshll.u32 s1, $0x11  }
0xbd: {  	s0 =	sor.u32 s1, s0  }
0xbe: {  	s0 =	sadd.s32 $0x8F2B, s0  }
0xbf: {  	[sflag:s0] =	ssyncadd.remote.s32 $0x1  }
0xc0: {  	_ =	sfence.sel $0xFFFF  }
0xc1: {  	[dreg:$0x0] =	wrdreg $0xFFFFFFFF;
	(pc) =	sbr.abs _section_cstart, $3  }
0xc2: {  	[dreg:$0x1] =	wrdreg $0xFFFFFFFF  }
0xc3: {  	_ =	task.clear_ibuf [dreg:s7], $0x2FFFF;
	_ =	strace $0x9FFFFFFF  }
0xc4: {  	(tm) =	ssettm $0x7FFFFFFF  }
0xc5: {  	_ =	shalt  }
tec
execute0_lowered:
.L_overlay_start_1:
0x0: {  	(tag) =	ssettag $0x1  }
0x1: {  	s5 =	rddreg [dreg:$0x0]  }
0x2: {  	s6 =	rddreg [dreg:$0x1]  }
0x3: {  	s1 =	srdreg.scid;
	s2 =	rddreg [dreg:$0x2]  }
0x4: {  	s0 =	stileid.u32;
	s3 =	rddreg [dreg:$0x3];
	s4 =	simm.s32 $0x0  }
0x5: {  	s14 =	simm.s32 $0xC580;
	s15 =	simm.s32 $0x4;
	s16 =	simm.s32 $0xED00  }
0x6: {  	s17 =	simm.s32 $0x2;
	s18 =	simm.s32 $0x3;
	s19 =	simm.s32 $0x80  }
0x7: {  	s20 =	simm.s32 $0x11480;
	s21 =	simm.s32 $0x1;
	s23 =	simm.s32 $0x0  }
0x8: {  	s7 =	sand.u32 $0x1, s1;
	s8 =	smul.u32 $0x62C0, s0;
	s1 =	rddreg [dreg:$0x4]  }
0x9: {  	[smem:$0x7FF] =	sst s4;
	s22 =	sshll.u32 s0, $0x6;
	s9 =	sshll.u32 s7, $0x4  }
0xa: {  	s10 =	smul.u32 $0x62C00, s7;
	_ =	strace $0x80000053;
	s7 =	ssub.s32 $0x2, s7  }
0xb: {  	s9 =	sor.u32 s0, s9;
	s30 =	sshrl.u32 s7, $0x1;
	s31 =	sshrl.u32 s8, $0x3  }
0xc: {  	s12 =	sadd.s32 s8, s2;
	s13 =	sadd.s32 s8, s3;
	s9 =	smul.u32 $0x4F0, s9  }
0xd: {  	s10 =	sadd.s32 s8, s10;
	s11 =	ssub.s32 s7, s30;
	s5 =	sadd.s32 s5, s31  }
0xe: {  	s13 =	sshrl.u32 s13, $0x3;
	s10 =	sshrl.u32 s10, $0x3;
	s9 =	sadd.s32 s9, s6  }
0xf: {  	s10 =	sadd.s32 s10, s6;
	s6 =	sor.u32 $0x1C02, s22;
	s7 =	sadd.s32 $0x36800, s9  }
0x10: {  	s8 =	sadd.s32 $0x7800, s9;
	s9 =	sadd.s32 $0x11600, s10;
	s10 =	smax.u32 s11, $0x1  }
0x11: {  	s11 =	sshrl.u32 s12, $0x3;
	s12 =	sor.u32 $0x1C03, s22;
	s22 =	sor.u32 $0x1C04, s22  }
.LBB2_1:
0x12: {  	[spmem:s11], [sflag:s6] =	dma.local [hbm:s5], $0xC58  }
0x13: {  	[spmem:s13], [sflag:s12] =	dma.local [hbm:s5], $0xC58  }
0x14: {  	[tilespmem:s14], [sflag:$0x4] =	stream.linear.gather [hbm4b:s7+s4], $0x2780, $0x38;
	[tilespmem:$0x12880] =	vst v63  }
0x15: {  	_ =	swait.ge [sflag:s15], $0x2780  }
0x16: {  	[sflag:s15] =	ssyncset.done $0x0  }
0x17: {  	[sflag:s15] =	ssyncadd.s32 $0xFFFFD880  }
0x18: {  	[tilespmem:s16], [sflag:$0x4] =	stream.linear.gather [hbm4b:s8+s4], $0x2780, $0x38;
	[tilespmem:$0x12880] =	vst v63  }
0x19: {  	_ =	swait.ge [sflag:s15], $0x2780  }
0x1a: {  	[sflag:s15] =	ssyncset.done $0x0  }
0x1b: {  	[sflag:s15] =	ssyncadd.s32 $0xFFFFD880  }
0x1c: {  	_ =	swait.ge [sflag:s17], $0xC58  }
0x1d: {  	[sflag:s17] =	ssyncset.done $0x0  }
0x1e: {  	[sflag:s17] =	ssyncadd.s32 $0xFFFFF3A8  }
0x1f: {  	_ =	swait.ge [sflag:s18], $0xC58  }
0x20: {  	[sflag:s18] =	ssyncset.done $0x0  }
0x21: {  	[sflag:s18] =	ssyncadd.s32 $0xFFFFF3A8  }
0x22: {  	s24 =	simm.s32 $0xC580;
	[bflag:$0x0] =	sbarrier.arrive $0xFFFF  }
0x23: {  	[tilespmem:s20], [sflag:$0x1] =	stream.indirect.gather [spmem:s3], $0x28, s24, s19, $0xb8;
	[tilespmem:$0x12880] =	vst v63  }
0x24: {  	_ =	swait.ge [sflag:s21], $0x1400  }
0x25: {  	[sflag:s21] =	ssyncset.done $0x0  }
0x26: {  	s31 =	simm.s32 $0xED00;
	[sflag:s21] =	ssyncadd.s32 $0xFFFFEC00  }
0x27: {  	[spmem:s2] =	stream.indirect.scatter.add.f32 [tilespmem:s20], [sflag:$0x4], $0x28, s31, s19, $0xb8;
	[tilespmem:$0x12880] =	vst v63  }
0x28: {  	_ =	swait.ge [sflag:s15], $0x1400  }
0x29: {  	s25 =	simm.s32 $0x400;
	s24 =	simm.s32 $0x80;
	[sflag:s15] =	ssyncset.done $0x0  }
.LBB2_2:
0x2a: {  	s26 =	sadd.s32 $0xC580, s24  }
0x2b: {  	[sflag:s15] =	ssyncadd.s32 $0xFFFFEC00;
	s28 =	smov.u32 s25;
	s29 =	sadd.s32 $0x200, s25  }
0x2c: {  	[tilespmem:s20], [sflag:$0x1] =	stream.indirect.gather [spmem:s3], $0x28, s26, s19, $0xb8;
	[tilespmem:$0x12880] =	vst v63  }
0x2d: {  	p0 =	sne.s32 s25, $0x9C00;
	_ =	swait.ge [sflag:s21], $0x1400  }
.Ltmp0:
0x2e: {  	[sflag:s21] =	ssyncset.done $0x0;
	(pc) =	sbr.rel @p0 .LBB2_2-.Ltmp0, $4  }
0x2f: {  	s24 =	sadd.s32 $0xED00, s24;
	[sflag:s21] =	ssyncadd.s32 $0xFFFFEC00  }
0x30: {  	[spmem:s2] =	stream.indirect.scatter.add.f32 [tilespmem:s20], [sflag:$0x4], $0x28, s24, s19, $0xb8;
	[tilespmem:$0x12880] =	vst v63  }
0x31: {  	_ =	swait.ge [sflag:s15], $0x1400  }
0x32: {  	s25 =	smov.u32 s29;
	s24 =	sshra.s32 s28, $0x2;
	[sflag:s15] =	ssyncset.done $0x0  }
0x33: {  	s25 =	sadd.s32 $0xC580, s24;
	[sflag:s15] =	ssyncadd.s32 $0xFFFFEC00  }
0x34: {  	[tilespmem:s20], [sflag:$0x1] =	stream.indirect.gather [spmem:s3], $0x28, s25, s19, $0xb8;
	[tilespmem:$0x12880] =	vst v63  }
0x35: {  	_ =	swait.ge [sflag:s21], $0x1400  }
0x36: {  	[sflag:s21] =	ssyncset.done $0x0  }
0x37: {  	s31 =	sadd.s32 $0xED00, s24;
	[sflag:s21] =	ssyncadd.s32 $0xFFFFEC00  }
0x38: {  	[spmem:s2] =	stream.indirect.scatter.add.f32 [tilespmem:s20], [sflag:$0x4], $0x28, s31, s19, $0xb8;
	[tilespmem:$0x12880] =	vst v63  }
0x39: {  	_ =	swait.ge [sflag:s15], $0x1400  }
0x3a: {  	s23 =	sadd.s32 $0x1, s23;
	[sflag:s15] =	ssyncset.done $0x0  }
0x3b: {  	p0 =	sne.s32 s23, s10;
	[sflag:s15] =	ssyncadd.s32 $0xFFFFEC00  }
.Ltmp1:
0x3c: {  	[bflag:$0x0] =	sbarrier.arrive $0xFFFF;
	(pc) =	sbr.rel @p0 .LBB2_1-.Ltmp1, $4  }
0x3d: {  	[hbm:s9], [sflag:s22] =	dma.local [spmem:s11], $0xC58  }
0x3e: {  	_ =	swait.ge [sflag:s15], $0xC58  }
0x3f: {  	[sflag:s15] =	ssyncset.done $0x0  }
0x40: {  	[sflag:s15] =	ssyncadd.s32 $0xFFFFF3A8  }
0x41: {  	_ =	sfence.sel $0x180000  }
0x42: {  	[bflag:$0x0] =	sbarrier.arrive $0xFFFF  }
0x43: {  	p0 =	sne.s32 s0, $0x0;
	_ =	strace $0x90000053  }
0x44: {  	s0 =	sadd.s32 @!p0 $0x100000, s1;
	[bflag:$0x2] =	sbarrier.arrive $0xFFFF  }
0x45: {  	[sflag:s0] =	ssyncadd.tile.s32 @!p0 $0x1;
	_ =	shalt  }
.Lfunc_end2:
_tile_overlayer_lowered:
.L_overlay_start_2:
0x46: {  	(tag) =	ssettag $0x2  }
0x47: {  	s0 =	rddreg [dreg:$0x0];
	s2 =	stileid.u32  }
0x48: {  	s1 =	rddreg [dreg:$0x1];
	p0 =	sne.s32 s2, $0x0  }
0x49: {  	s3 =	rddreg [dreg:$0x2];
	[bflag:$0x3] =	sbarrier.arrive $0xFFFF;
	s2 =	simm.s32 @!p0 $0x1C04  }
0x4a: {  	[timem:s3], [sflag:s2] =	dma.local @!p0 [hbm:s0], s1  }
0x4b: {  	s0 =	simm.s32 @!p0 $0x4  }
0x4c: {  	_ =	swait.ge @!p0 [sflag:s0], s1  }
0x4d: {  	s1 =	ssub.s32 @!p0 $0x0, s1;
	[sflag:s0] =	ssyncset.done @!p0 $0x0  }
0x4e: {  	[sflag:s0] =	ssyncadd.s32 @!p0 s1  }
0x4f: {  	[bflag:$0x3] =	sbarrier.arrive $0xFFFF  }
0x50: {  	_ =	shalt  }

// kernel: kernel.40.cloned.1.call-start
scs
__scs_entry_jumppad:
0x0: {  	(pc) =	sbr.rel $0x88, $3  }
0x1: {  	(tag) =	ssettag $0x0;
	lr =	simm.s32 $0x1  }
0x2: {  	[smem:$0x3F9B] =	sst lr;
	_ =	strace $0xD0000000  }
0x3: {  	_ = 	snop  }
0x4: {  	_ = 	snop  }
0x5: {  	_ = 	snop  }
0x6: {  	_ = 	snop  }
0x7: {  	_ = 	snop  }
__scs_overlays_trampoline_lowered:
0x8: {  	[smem:$0x3FAA] =	sst s0  }
0x9: {  	[smem:$0x3FAB] =	sst s1  }
0xa: {  	[smem:$0x3FAC] =	sst s2  }
0xb: {  	[smem:$0x3FAD] =	sst s3  }
0xc: {  	[smem:$0x3FAE] =	sst s4  }
0xd: {  	[smem:$0x3FAF] =	sst s5  }
0xe: {  	[smem:$0x3FB0] =	sst s6  }
0xf: {  	[smem:$0x3FB1] =	sst s7  }
0x10: {  	[smem:$0x3FB2] =	sst s8  }
0x11: {  	[smem:$0x3FB3] =	sst s9;
	s0 =	simm.s32 @!p0 $0x0  }
0x12: {  	s1 =	sld [smem:$0x3F99];
	s0 =	simm.s32 @p0 $0x1  }
0x13: {  	[smem:$0x3FB4] =	sst s0;
	s0 =	simm.s32 @!p1 $0x0  }
0x14: {  	s2 =	sld [smem:$0x3F98];
	s0 =	simm.s32 @p1 $0x1  }
0x15: {  	[smem:$0x3FB5] =	sst s0;
	s0 =	simm.s32 @!p2 $0x0  }
0x16: {  	s3 =	sld [smem:$0x3FDB];
	s0 =	simm.s32 @p2 $0x1  }
0x17: {  	s4 =	simm.s32 $0x1BF5;
	[smem:$0x3FB7] =	sst s0  }
0x18: {  	s0 =	sld [smem:$0x3F9A];
	_ =	swait.ge [sflag:s4], $0x0  }
0x19: {  	s7 =	sld [smem:$0x3F9B]  }
0x1a: {  	s8 =	sadd.s32 $0xFFFFE003, lr  }
0x1b: {  	s9 =	sadd.s32 $0xFFFFFEF7, lr;
	s5 =	simm.s32 $0xFFFFFFFF;
	p2 =	slt.u32 s8, $0xFFFFF086  }
0x1c: {  	p1 =	slt.u32 s9, $0xF7A;
	s5 =	simm.s32 @!p2 $0x0  }
0x1d: {  	s5 =	simm.s32 @p1 $0x1;
	p0 =	seq.s32 s7, s2  }
0x1e: {  	s7 =	smul.u32 @!p0 $0xF7A, s2;
	p2 =	seq.s32 @!p0 s5, $0x0  }
0x1f: {  	s9 =	smul.u32 $0xF7A, s1;
	s8 =	simm.s32 @!p0 $0x1BF5;
	p2 =	por !p2, p0  }
0x20: {  	[sflag:s8] =	ssyncset.s32 @!p0 $0xFFFFF086;
	s6 =	sadd.s32 @!p0 s3, s7;
	s7 =	simm.s32 @!p0 $0x108  }
0x21: {  	s3 =	sadd.s32 s3, s9;
	s6 =	sadd.s32 @!p0 $0x88, s6;
	s7 =	simm.s32 @p2 $0x1082  }
0x22: {  	[simem:s7], [sflag:s8] =	dma.local @!p0 [hbm:s6], $0xF7A  }
0x23: {  	s9 =	sor.u32 $0xD0000000, s2;
	s6 =	simm.s32 $0x108;
	_ =	swait.ge @!p0 [sflag:s8], $0x0  }
0x24: {  	s3 =	sadd.s32 $0x88, s3;
	s6 =	simm.s32 @!p1 $0x1082;
	[sflag:s4] =	ssyncset.s32 $0xFFFFF086  }
0x25: {  	[simem:s6], [sflag:s4] =	dma.local [hbm:s3], $0xF7A  }
0x26: {  	[smem:$0x3F9B] =	sst s1;
	(tag) =	ssettag s2;
	_ =	strace s9  }
0x27: {  	s1 =	sld [smem:$0x3FAB]  }
0x28: {  	s2 =	sld [smem:$0x3FAC]  }
0x29: {  	s4 =	sld [smem:$0x3FAE]  }
0x2a: {  	p0 =	seq.s32 s5, $0x0;
	s5 =	sld [smem:$0x3FAF]  }
0x2b: {  	s6 =	sld [smem:$0x3FB0]  }
0x2c: {  	s7 =	sld [smem:$0x3FB1]  }
0x2d: {  	s3 =	simm.s32 $0x108;
	s8 =	sld [smem:$0x3FB2]  }
0x2e: {  	s3 =	simm.s32 @!p0 $0x1082;
	s9 =	sld [smem:$0x3FB3]  }
0x2f: {  	lr =	sadd.s32 s0, s3;
	s0 =	sld [smem:$0x3FAA]  }
0x30: {  	s3 =	sld [smem:$0x3FAD]  }
0x31: {  	[smem:$0x3FB6] =	sst s10  }
0x32: {  	s10 =	sld [smem:$0x3FB4];
	_ =	sdelay $0x3  }
0x33: {  	p0 =	seq.s32 s10, $0x1;
	s10 =	sld [smem:$0x3FB6];
	_ =	sdelay $0x3  }
0x34: {  	[smem:$0x3FB6] =	sst s10  }
0x35: {  	s10 =	sld [smem:$0x3FB5];
	_ =	sdelay $0x3  }
0x36: {  	p1 =	seq.s32 s10, $0x1;
	s10 =	sld [smem:$0x3FB6];
	_ =	sdelay $0x3  }
0x37: {  	[smem:$0x3FB6] =	sst s10  }
0x38: {  	s10 =	sld [smem:$0x3FB7]  }
0x39: {  	_ = 	snop;
	(pc) =	sbr.ind lr, $3  }
0x3a: {  	_ = 	snop  }
0x3b: {  	_ = 	snop  }
0x3c: {  	p2 =	seq.s32 s10, $0x1;
	s10 =	sld [smem:$0x3FB6]  }
0x3d: {  	_ =	shalt  }
0x3e: {  	_ =	shalt  }
0x3f: {  	_ =	shalt  }
0x40: {  	_ =	shalt  }
0x41: {  	_ =	shalt  }
0x42: {  	_ =	shalt  }
0x43: {  	_ =	shalt  }
0x44: {  	_ =	shalt  }
0x45: {  	_ =	shalt  }
0x46: {  	_ =	shalt  }
0x47: {  	_ =	shalt  }
0x48: {  	_ =	shalt  }
0x49: {  	_ =	shalt  }
0x4a: {  	_ =	shalt  }
0x4b: {  	_ =	shalt  }
0x4c: {  	_ =	shalt  }
0x4d: {  	_ =	shalt  }
0x4e: {  	_ =	shalt  }
0x4f: {  	_ =	shalt  }
0x50: {  	_ =	shalt  }
0x51: {  	_ =	shalt  }
0x52: {  	_ =	shalt  }
0x53: {  	_ =	shalt  }
0x54: {  	_ =	shalt  }
0x55: {  	_ =	shalt  }
0x56: {  	_ =	shalt  }
0x57: {  	_ =	shalt  }
0x58: {  	_ =	shalt  }
0x59: {  	_ =	shalt  }
0x5a: {  	_ =	shalt  }
0x5b: {  	_ =	shalt  }
0x5c: {  	_ =	shalt  }
0x5d: {  	_ =	shalt  }
0x5e: {  	_ =	shalt  }
0x5f: {  	_ =	shalt  }
0x60: {  	_ =	shalt  }
0x61: {  	_ =	shalt  }
0x62: {  	_ =	shalt  }
0x63: {  	_ =	shalt  }
0x64: {  	_ =	shalt  }
0x65: {  	_ =	shalt  }
0x66: {  	_ =	shalt  }
0x67: {  	_ =	shalt  }
0x68: {  	_ =	shalt  }
0x69: {  	_ =	shalt  }
0x6a: {  	_ =	shalt  }
0x6b: {  	_ =	shalt  }
0x6c: {  	_ =	shalt  }
0x6d: {  	_ =	shalt  }
0x6e: {  	_ =	shalt  }
0x6f: {  	_ =	shalt  }
0x70: {  	_ =	shalt  }
0x71: {  	_ =	shalt  }
0x72: {  	_ =	shalt  }
0x73: {  	_ =	shalt  }
0x74: {  	_ =	shalt  }
0x75: {  	_ =	shalt  }
0x76: {  	_ =	shalt  }
0x77: {  	_ =	shalt  }
0x78: {  	_ =	shalt  }
0x79: {  	_ =	shalt  }
0x7a: {  	_ =	shalt  }
0x7b: {  	_ =	shalt  }
0x7c: {  	_ =	shalt  }
0x7d: {  	_ =	shalt  }
0x7e: {  	_ =	shalt  }
0x7f: {  	_ =	shalt  }
0x80: {  	_ =	shalt  }
0x81: {  	_ =	shalt  }
0x82: {  	_ =	shalt  }
0x83: {  	_ =	shalt  }
0x84: {  	_ =	shalt  }
0x85: {  	_ =	shalt  }
0x86: {  	_ =	shalt  }
0x87: {  	_ =	shalt  }
.Lfunc_end0:
.L_simem_size_0:
called_computation.5_lowered:
.L_overlay_start_0:
0x88: {  	s2 =	sld [smem:$0x3FD9]  }
0x89: {  	s3 =	sld [smem:$0x3FFE];
	_ =	sdelay $0x1  }
0x8a: {  	s1 =	srdreg.scid  }
0x8b: {  	s0 =	sand.u32 $0x1, s1  }
0x8c: {  	s17 =	sshll.u32 s0, $0xA;
	s2 =	sadd.s32 s3, s2  }
0x8d: {  	s2 =	sadd.s32 s2, s17  }
0x8e: {  	[smem:$0x3FC2] =	sst s2  }
0x8f: {  	_ = 	snop  }
0x90: {  	s2 =	sld [smem:$0x3FD0];
	(tm) =	ssettm $0x1  }
0x91: {  	s18 =	sld [smem:$0x3FFB];
	_ =	sdelay $0x3  }
0x92: {  	_ =	strace s18  }
0x93: {  	s3 =	sld [smem:$0x3FFC];
	_ =	sdelay $0x3  }
0x94: {  	_ =	strace s3  }
0x95: {  	s3 =	sld [smem:$0x3FFD];
	_ =	sdelay $0x3  }
0x96: {  	_ =	strace s3  }
0x97: {  	_ =	strace $0x8FFFFFFF  }
0x98: {  	s19 =	sld [smem:$0x3FDB];
	_ =	sdelay $0x1  }
0x99: {  	s4 =	simm.s32 $_scs_section_size  }
0x9a: {  	s5 =	simm.s32 $_size__tile_overlayer_lowered;
	s6 =	simm.s32 $_tile_overlayer_lowered  }
0x9b: {  	s22 =	simm.s32 $0x1BFF;
	s21 =	sshll.u32 s6, $0x1;
	s3 =	sadd.s32 s4, s19  }
0x9c: {  	s7 =	simm.s32 $0x0;
	s20 =	sshll.u32 s5, $0x1;
	s5 =	sadd.s32 s21, s3  }
0x9d: {  	[timem:s7], [sflag:s22] =	dma.local [hbm:s5], s20  }
0x9e: {  	_ =	swait.ge [sflag:s22], s20  }
0x9f: {  	s4 =	ssub.s32 $0x0, s20;
	[sflag:s22] =	ssyncset.done $0x0  }
0xa0: {  	[sflag:s22] =	ssyncadd.s32 s4;
	_ =	sdelay $0x1  }
0xa1: {  	s23 =	simm.s32 $0x1B8B  }
0xa2: {  	_ =	swait.ge [sflag:s23], $0x1  }
0xa3: {  	[sflag:s23] =	ssyncset.done $0x0  }
0xa4: {  	s25 =	simm.s32 $0x1B8E;
	s24 =	sld [smem:$0x3FFE];
	[sflag:s23] =	ssyncadd.s32 $0xFFFFFFFF  }
0xa5: {  	s26 =	simm.s32 $execute0_lowered;
	[smem:$0x3FD2] =	sst s25  }
0xa6: {  	s5 =	sshll.u32 s26, $0x1;
	_ =	strace $0x80000055;
	[dreg:$0x1] =	wrdreg $0xFFFFFFFF  }
0xa7: {  	s28 =	simm.s32 $_size_execute0_lowered;
	s3 =	sadd.s32 s3, s5;
	[dreg:$0x0] =	wrdreg $0x0  }
0xa8: {  	s5 =	sshll.u32 s28, $0x1;
	[dreg:$0x2] =	wrdreg s3  }
0xa9: {  	[dreg:$0x3] =	wrdreg s5  }
0xaa: {  	[dreg:$0x4] =	wrdreg $0xC0  }
0xab: {  	_ =	task [dreg:s7], $0x5FFFF  }
0xac: {  	[dreg:$0x1] =	wrdreg $0xFFFFFFFF  }
0xad: {  	[dreg:$0x0] =	wrdreg $0x60  }
0xae: {  	[dreg:$0x2] =	wrdreg s2  }
0xaf: {  	[dreg:$0x3] =	wrdreg s24  }
0xb0: {  	[dreg:$0x4] =	wrdreg $0x0  }
0xb1: {  	[dreg:$0x5] =	wrdreg $0x62C00  }
0xb2: {  	[dreg:$0x6] =	wrdreg $0x9  }
0xb3: {  	_ =	task.clear_ibuf [dreg:s7], $0x7FFFF;
	_ =	strace $0x90000055  }
0xb4: {  	s29 =	simm.s32 $0x9;
	_ =	strace $0x80000057  }
0xb5: {  	_ =	swait.ge [sflag:s29], $0x1  }
0xb6: {  	[sflag:s29] =	ssyncadd.s32 $0xFFFFFFFF  }
0xb7: {  	_ =	strace $0x90000057  }
0xb8: {  	_ =	sfence  }
0xb9: {  	s30 =	sld [smem:$0x0];
	_ =	sdelay $0x2  }
0xba: {  	s31 =	sshll.u32 s1, $0xD;
	s1 =	sshrl.u32 s1, $0x2  }
0xbb: {  	s3 =	sand.u32 $0x4000, s31;
	s1 =	sadd.s32 s1, s30  }
0xbc: {  	s0 =	sor.u32 s3, s0;
	s1 =	sshll.u32 s1, $0x11  }
0xbd: {  	s0 =	sor.u32 s1, s0  }
0xbe: {  	s0 =	sadd.s32 $0x8F2B, s0  }
0xbf: {  	[sflag:s0] =	ssyncadd.remote.s32 $0x1  }
0xc0: {  	_ =	sfence.sel $0xFFFF  }
0xc1: {  	[dreg:$0x0] =	wrdreg $0xFFFFFFFF;
	(pc) =	sbr.abs _section_cstart, $3  }
0xc2: {  	[dreg:$0x1] =	wrdreg $0xFFFFFFFF  }
0xc3: {  	_ =	task.clear_ibuf [dreg:s7], $0x2FFFF;
	_ =	strace $0x9FFFFFFF  }
0xc4: {  	(tm) =	ssettm $0x7FFFFFFF  }
0xc5: {  	_ =	shalt  }
tec
execute0_lowered:
.L_overlay_start_1:
0x0: {  	(tag) =	ssettag $0x1  }
0x1: {  	s5 =	rddreg [dreg:$0x0]  }
0x2: {  	s6 =	rddreg [dreg:$0x1]  }
0x3: {  	s1 =	srdreg.scid;
	s2 =	rddreg [dreg:$0x2]  }
0x4: {  	s0 =	stileid.u32;
	s3 =	rddreg [dreg:$0x3];
	s4 =	simm.s32 $0x0  }
0x5: {  	s14 =	simm.s32 $0xC580;
	s15 =	simm.s32 $0x4;
	s16 =	simm.s32 $0xED00  }
0x6: {  	s17 =	simm.s32 $0x2;
	s18 =	simm.s32 $0x3;
	s19 =	simm.s32 $0x80  }
0x7: {  	s20 =	simm.s32 $0x11480;
	s21 =	simm.s32 $0x1;
	s23 =	simm.s32 $0x0  }
0x8: {  	s7 =	sand.u32 $0x1, s1;
	s8 =	smul.u32 $0x62C0, s0;
	s1 =	rddreg [dreg:$0x4]  }
0x9: {  	[smem:$0x7FF] =	sst s4;
	s22 =	sshll.u32 s0, $0x6;
	s9 =	sshll.u32 s7, $0x4  }
0xa: {  	s10 =	smul.u32 $0x62C00, s7;
	_ =	strace $0x80000056;
	s7 =	ssub.s32 $0x2, s7  }
0xb: {  	s9 =	sor.u32 s0, s9;
	s30 =	sshrl.u32 s7, $0x1;
	s31 =	sshrl.u32 s8, $0x3  }
0xc: {  	s12 =	sadd.s32 s8, s2;
	s13 =	sadd.s32 s8, s3;
	s9 =	smul.u32 $0x4F0, s9  }
0xd: {  	s10 =	sadd.s32 s8, s10;
	s11 =	ssub.s32 s7, s30;
	s5 =	sadd.s32 s5, s31  }
0xe: {  	s13 =	sshrl.u32 s13, $0x3;
	s10 =	sshrl.u32 s10, $0x3;
	s9 =	sadd.s32 s9, s6  }
0xf: {  	s10 =	sadd.s32 s10, s6;
	s6 =	sor.u32 $0x1C02, s22;
	s7 =	sadd.s32 $0x36800, s9  }
0x10: {  	s8 =	sadd.s32 $0x7800, s9;
	s9 =	sadd.s32 $0x11600, s10;
	s10 =	smax.u32 s11, $0x1  }
0x11: {  	s11 =	sshrl.u32 s12, $0x3;
	s12 =	sor.u32 $0x1C03, s22;
	s22 =	sor.u32 $0x1C04, s22  }
.LBB2_1:
0x12: {  	[spmem:s11], [sflag:s6] =	dma.local [hbm:s5], $0xC58  }
0x13: {  	[spmem:s13], [sflag:s12] =	dma.local [hbm:s5], $0xC58  }
0x14: {  	[tilespmem:s14], [sflag:$0x4] =	stream.linear.gather [hbm4b:s7+s4], $0x2780, $0x38;
	[tilespmem:$0x12880] =	vst v63  }
0x15: {  	_ =	swait.ge [sflag:s15], $0x2780  }
0x16: {  	[sflag:s15] =	ssyncset.done $0x0  }
0x17: {  	[sflag:s15] =	ssyncadd.s32 $0xFFFFD880  }
0x18: {  	[tilespmem:s16], [sflag:$0x4] =	stream.linear.gather [hbm4b:s8+s4], $0x2780, $0x38;
	[tilespmem:$0x12880] =	vst v63  }
0x19: {  	_ =	swait.ge [sflag:s15], $0x2780  }
0x1a: {  	[sflag:s15] =	ssyncset.done $0x0  }
0x1b: {  	[sflag:s15] =	ssyncadd.s32 $0xFFFFD880  }
0x1c: {  	_ =	swait.ge [sflag:s17], $0xC58  }
0x1d: {  	[sflag:s17] =	ssyncset.done $0x0  }
0x1e: {  	[sflag:s17] =	ssyncadd.s32 $0xFFFFF3A8  }
0x1f: {  	_ =	swait.ge [sflag:s18], $0xC58  }
0x20: {  	[sflag:s18] =	ssyncset.done $0x0  }
0x21: {  	[sflag:s18] =	ssyncadd.s32 $0xFFFFF3A8  }
0x22: {  	s24 =	simm.s32 $0xC580;
	[bflag:$0x0] =	sbarrier.arrive $0xFFFF  }
0x23: {  	[tilespmem:s20], [sflag:$0x1] =	stream.indirect.gather [spmem:s3], $0x28, s24, s19, $0xb8;
	[tilespmem:$0x12880] =	vst v63  }
0x24: {  	_ =	swait.ge [sflag:s21], $0x1400  }
0x25: {  	[sflag:s21] =	ssyncset.done $0x0  }
0x26: {  	s31 =	simm.s32 $0xED00;
	[sflag:s21] =	ssyncadd.s32 $0xFFFFEC00  }
0x27: {  	[spmem:s2] =	stream.indirect.scatter.add.f32 [tilespmem:s20], [sflag:$0x4], $0x28, s31, s19, $0xb8;
	[tilespmem:$0x12880] =	vst v63  }
0x28: {  	_ =	swait.ge [sflag:s15], $0x1400  }
0x29: {  	s25 =	simm.s32 $0x400;
	s24 =	simm.s32 $0x80;
	[sflag:s15] =	ssyncset.done $0x0  }
.LBB2_2:
0x2a: {  	s26 =	sadd.s32 $0xC580, s24  }
0x2b: {  	[sflag:s15] =	ssyncadd.s32 $0xFFFFEC00;
	s28 =	smov.u32 s25;
	s29 =	sadd.s32 $0x200, s25  }
0x2c: {  	[tilespmem:s20], [sflag:$0x1] =	stream.indirect.gather [spmem:s3], $0x28, s26, s19, $0xb8;
	[tilespmem:$0x12880] =	vst v63  }
0x2d: {  	p0 =	sne.s32 s25, $0x9C00;
	_ =	swait.ge [sflag:s21], $0x1400  }
.Ltmp0:
0x2e: {  	[sflag:s21] =	ssyncset.done $0x0;
	(pc) =	sbr.rel @p0 .LBB2_2-.Ltmp0, $4  }
0x2f: {  	s24 =	sadd.s32 $0xED00, s24;
	[sflag:s21] =	ssyncadd.s32 $0xFFFFEC00  }
0x30: {  	[spmem:s2] =	stream.indirect.scatter.add.f32 [tilespmem:s20], [sflag:$0x4], $0x28, s24, s19, $0xb8;
	[tilespmem:$0x12880] =	vst v63  }
0x31: {  	_ =	swait.ge [sflag:s15], $0x1400  }
0x32: {  	s25 =	smov.u32 s29;
	s24 =	sshra.s32 s28, $0x2;
	[sflag:s15] =	ssyncset.done $0x0  }
0x33: {  	s25 =	sadd.s32 $0xC580, s24;
	[sflag:s15] =	ssyncadd.s32 $0xFFFFEC00  }
0x34: {  	[tilespmem:s20], [sflag:$0x1] =	stream.indirect.gather [spmem:s3], $0x28, s25, s19, $0xb8;
	[tilespmem:$0x12880] =	vst v63  }
0x35: {  	_ =	swait.ge [sflag:s21], $0x1400  }
0x36: {  	[sflag:s21] =	ssyncset.done $0x0  }
0x37: {  	s31 =	sadd.s32 $0xED00, s24;
	[sflag:s21] =	ssyncadd.s32 $0xFFFFEC00  }
0x38: {  	[spmem:s2] =	stream.indirect.scatter.add.f32 [tilespmem:s20], [sflag:$0x4], $0x28, s31, s19, $0xb8;
	[tilespmem:$0x12880] =	vst v63  }
0x39: {  	_ =	swait.ge [sflag:s15], $0x1400  }
0x3a: {  	s23 =	sadd.s32 $0x1, s23;
	[sflag:s15] =	ssyncset.done $0x0  }
0x3b: {  	p0 =	sne.s32 s23, s10;
	[sflag:s15] =	ssyncadd.s32 $0xFFFFEC00  }
.Ltmp1:
0x3c: {  	[bflag:$0x0] =	sbarrier.arrive $0xFFFF;
	(pc) =	sbr.rel @p0 .LBB2_1-.Ltmp1, $4  }
0x3d: {  	[hbm:s9], [sflag:s22] =	dma.local [spmem:s11], $0xC58  }
0x3e: {  	_ =	swait.ge [sflag:s15], $0xC58  }
0x3f: {  	[sflag:s15] =	ssyncset.done $0x0  }
0x40: {  	[sflag:s15] =	ssyncadd.s32 $0xFFFFF3A8  }
0x41: {  	_ =	sfence.sel $0x180000  }
0x42: {  	[bflag:$0x0] =	sbarrier.arrive $0xFFFF  }
0x43: {  	p0 =	sne.s32 s0, $0x0;
	_ =	strace $0x90000056  }
0x44: {  	s0 =	sadd.s32 @!p0 $0x100000, s1;
	[bflag:$0x2] =	sbarrier.arrive $0xFFFF  }
0x45: {  	[sflag:s0] =	ssyncadd.tile.s32 @!p0 $0x1;
	_ =	shalt  }
.Lfunc_end2:
_tile_overlayer_lowered:
.L_overlay_start_2:
0x46: {  	(tag) =	ssettag $0x2  }
0x47: {  	s0 =	rddreg [dreg:$0x0];
	s2 =	stileid.u32  }
0x48: {  	s1 =	rddreg [dreg:$0x1];
	p0 =	sne.s32 s2, $0x0  }
0x49: {  	s3 =	rddreg [dreg:$0x2];
	[bflag:$0x3] =	sbarrier.arrive $0xFFFF;
	s2 =	simm.s32 @!p0 $0x1C04  }
0x4a: {  	[timem:s3], [sflag:s2] =	dma.local @!p0 [hbm:s0], s1  }
0x4b: {  	s0 =	simm.s32 @!p0 $0x4  }
0x4c: {  	_ =	swait.ge @!p0 [sflag:s0], s1  }
0x4d: {  	s1 =	ssub.s32 @!p0 $0x0, s1;
	[sflag:s0] =	ssyncset.done @!p0 $0x0  }
0x4e: {  	[sflag:s0] =	ssyncadd.s32 @!p0 s1  }
0x4f: {  	[bflag:$0x3] =	sbarrier.arrive $0xFFFF  }
0x50: {  	_ =	shalt  }

// kernel: kernel.43.cloned.1.call-start
scs
__scs_entry_jumppad:
0x0: {  	(pc) =	sbr.rel $0x88, $3  }
0x1: {  	(tag) =	ssettag $0x0;
	lr =	simm.s32 $0x1  }
0x2: {  	[smem:$0x3F9B] =	sst lr;
	_ =	strace $0xD0000000  }
0x3: {  	_ = 	snop  }
0x4: {  	_ = 	snop  }
0x5: {  	_ = 	snop  }
0x6: {  	_ = 	snop  }
0x7: {  	_ = 	snop  }
__scs_overlays_trampoline_lowered:
0x8: {  	[smem:$0x3FAA] =	sst s0  }
0x9: {  	[smem:$0x3FAB] =	sst s1  }
0xa: {  	[smem:$0x3FAC] =	sst s2  }
0xb: {  	[smem:$0x3FAD] =	sst s3  }
0xc: {  	[smem:$0x3FAE] =	sst s4  }
0xd: {  	[smem:$0x3FAF] =	sst s5  }
0xe: {  	[smem:$0x3FB0] =	sst s6  }
0xf: {  	[smem:$0x3FB1] =	sst s7  }
0x10: {  	[smem:$0x3FB2] =	sst s8  }
0x11: {  	[smem:$0x3FB3] =	sst s9;
	s0 =	simm.s32 @!p0 $0x0  }
0x12: {  	s1 =	sld [smem:$0x3F99];
	s0 =	simm.s32 @p0 $0x1  }
0x13: {  	[smem:$0x3FB4] =	sst s0;
	s0 =	simm.s32 @!p1 $0x0  }
0x14: {  	s2 =	sld [smem:$0x3F98];
	s0 =	simm.s32 @p1 $0x1  }
0x15: {  	[smem:$0x3FB5] =	sst s0;
	s0 =	simm.s32 @!p2 $0x0  }
0x16: {  	s3 =	sld [smem:$0x3FDB];
	s0 =	simm.s32 @p2 $0x1  }
0x17: {  	s4 =	simm.s32 $0x1BF5;
	[smem:$0x3FB7] =	sst s0  }
0x18: {  	s0 =	sld [smem:$0x3F9A];
	_ =	swait.ge [sflag:s4], $0x0  }
0x19: {  	s7 =	sld [smem:$0x3F9B]  }
0x1a: {  	s8 =	sadd.s32 $0xFFFFE003, lr  }
0x1b: {  	s9 =	sadd.s32 $0xFFFFFEF7, lr;
	s5 =	simm.s32 $0xFFFFFFFF;
	p2 =	slt.u32 s8, $0xFFFFF086  }
0x1c: {  	p1 =	slt.u32 s9, $0xF7A;
	s5 =	simm.s32 @!p2 $0x0  }
0x1d: {  	s5 =	simm.s32 @p1 $0x1;
	p0 =	seq.s32 s7, s2  }
0x1e: {  	s7 =	smul.u32 @!p0 $0xF7A, s2;
	p2 =	seq.s32 @!p0 s5, $0x0  }
0x1f: {  	s9 =	smul.u32 $0xF7A, s1;
	s8 =	simm.s32 @!p0 $0x1BF5;
	p2 =	por !p2, p0  }
0x20: {  	[sflag:s8] =	ssyncset.s32 @!p0 $0xFFFFF086;
	s6 =	sadd.s32 @!p0 s3, s7;
	s7 =	simm.s32 @!p0 $0x108  }
0x21: {  	s3 =	sadd.s32 s3, s9;
	s6 =	sadd.s32 @!p0 $0x88, s6;
	s7 =	simm.s32 @p2 $0x1082  }
0x22: {  	[simem:s7], [sflag:s8] =	dma.local @!p0 [hbm:s6], $0xF7A  }
0x23: {  	s9 =	sor.u32 $0xD0000000, s2;
	s6 =	simm.s32 $0x108;
	_ =	swait.ge @!p0 [sflag:s8], $0x0  }
0x24: {  	s3 =	sadd.s32 $0x88, s3;
	s6 =	simm.s32 @!p1 $0x1082;
	[sflag:s4] =	ssyncset.s32 $0xFFFFF086  }
0x25: {  	[simem:s6], [sflag:s4] =	dma.local [hbm:s3], $0xF7A  }
0x26: {  	[smem:$0x3F9B] =	sst s1;
	(tag) =	ssettag s2;
	_ =	strace s9  }
0x27: {  	s1 =	sld [smem:$0x3FAB]  }
0x28: {  	s2 =	sld [smem:$0x3FAC]  }
0x29: {  	s4 =	sld [smem:$0x3FAE]  }
0x2a: {  	p0 =	seq.s32 s5, $0x0;
	s5 =	sld [smem:$0x3FAF]  }
0x2b: {  	s6 =	sld [smem:$0x3FB0]  }
0x2c: {  	s7 =	sld [smem:$0x3FB1]  }
0x2d: {  	s3 =	simm.s32 $0x108;
	s8 =	sld [smem:$0x3FB2]  }
0x2e: {  	s3 =	simm.s32 @!p0 $0x1082;
	s9 =	sld [smem:$0x3FB3]  }
0x2f: {  	lr =	sadd.s32 s0, s3;
	s0 =	sld [smem:$0x3FAA]  }
0x30: {  	s3 =	sld [smem:$0x3FAD]  }
0x31: {  	[smem:$0x3FB6] =	sst s10  }
0x32: {  	s10 =	sld [smem:$0x3FB4];
	_ =	sdelay $0x3  }
0x33: {  	p0 =	seq.s32 s10, $0x1;
	s10 =	sld [smem:$0x3FB6];
	_ =	sdelay $0x3  }
0x34: {  	[smem:$0x3FB6] =	sst s10  }
0x35: {  	s10 =	sld [smem:$0x3FB5];
	_ =	sdelay $0x3  }
0x36: {  	p1 =	seq.s32 s10, $0x1;
	s10 =	sld [smem:$0x3FB6];
	_ =	sdelay $0x3  }
0x37: {  	[smem:$0x3FB6] =	sst s10  }
0x38: {  	s10 =	sld [smem:$0x3FB7]  }
0x39: {  	_ = 	snop;
	(pc) =	sbr.ind lr, $3  }
0x3a: {  	_ = 	snop  }
0x3b: {  	_ = 	snop  }
0x3c: {  	p2 =	seq.s32 s10, $0x1;
	s10 =	sld [smem:$0x3FB6]  }
0x3d: {  	_ =	shalt  }
0x3e: {  	_ =	shalt  }
0x3f: {  	_ =	shalt  }
0x40: {  	_ =	shalt  }
0x41: {  	_ =	shalt  }
0x42: {  	_ =	shalt  }
0x43: {  	_ =	shalt  }
0x44: {  	_ =	shalt  }
0x45: {  	_ =	shalt  }
0x46: {  	_ =	shalt  }
0x47: {  	_ =	shalt  }
0x48: {  	_ =	shalt  }
0x49: {  	_ =	shalt  }
0x4a: {  	_ =	shalt  }
0x4b: {  	_ =	shalt  }
0x4c: {  	_ =	shalt  }
0x4d: {  	_ =	shalt  }
0x4e: {  	_ =	shalt  }
0x4f: {  	_ =	shalt  }
0x50: {  	_ =	shalt  }
0x51: {  	_ =	shalt  }
0x52: {  	_ =	shalt  }
0x53: {  	_ =	shalt  }
0x54: {  	_ =	shalt  }
0x55: {  	_ =	shalt  }
0x56: {  	_ =	shalt  }
0x57: {  	_ =	shalt  }
0x58: {  	_ =	shalt  }
0x59: {  	_ =	shalt  }
0x5a: {  	_ =	shalt  }
0x5b: {  	_ =	shalt  }
0x5c: {  	_ =	shalt  }
0x5d: {  	_ =	shalt  }
0x5e: {  	_ =	shalt  }
0x5f: {  	_ =	shalt  }
0x60: {  	_ =	shalt  }
0x61: {  	_ =	shalt  }
0x62: {  	_ =	shalt  }
0x63: {  	_ =	shalt  }
0x64: {  	_ =	shalt  }
0x65: {  	_ =	shalt  }
0x66: {  	_ =	shalt  }
0x67: {  	_ =	shalt  }
0x68: {  	_ =	shalt  }
0x69: {  	_ =	shalt  }
0x6a: {  	_ =	shalt  }
0x6b: {  	_ =	shalt  }
0x6c: {  	_ =	shalt  }
0x6d: {  	_ =	shalt  }
0x6e: {  	_ =	shalt  }
0x6f: {  	_ =	shalt  }
0x70: {  	_ =	shalt  }
0x71: {  	_ =	shalt  }
0x72: {  	_ =	shalt  }
0x73: {  	_ =	shalt  }
0x74: {  	_ =	shalt  }
0x75: {  	_ =	shalt  }
0x76: {  	_ =	shalt  }
0x77: {  	_ =	shalt  }
0x78: {  	_ =	shalt  }
0x79: {  	_ =	shalt  }
0x7a: {  	_ =	shalt  }
0x7b: {  	_ =	shalt  }
0x7c: {  	_ =	shalt  }
0x7d: {  	_ =	shalt  }
0x7e: {  	_ =	shalt  }
0x7f: {  	_ =	shalt  }
0x80: {  	_ =	shalt  }
0x81: {  	_ =	shalt  }
0x82: {  	_ =	shalt  }
0x83: {  	_ =	shalt  }
0x84: {  	_ =	shalt  }
0x85: {  	_ =	shalt  }
0x86: {  	_ =	shalt  }
0x87: {  	_ =	shalt  }
.Lfunc_end0:
.L_simem_size_0:
called_computation.6_lowered:
.L_overlay_start_0:
0x88: {  	s2 =	sld [smem:$0x3FD9]  }
0x89: {  	s3 =	sld [smem:$0x3FFE];
	_ =	sdelay $0x1  }
0x8a: {  	s1 =	srdreg.scid  }
0x8b: {  	s0 =	sand.u32 $0x1, s1  }
0x8c: {  	s17 =	sshll.u32 s0, $0xA;
	s2 =	sadd.s32 s3, s2  }
0x8d: {  	s2 =	sadd.s32 s2, s17  }
0x8e: {  	[smem:$0x3FC2] =	sst s2  }
0x8f: {  	_ = 	snop  }
0x90: {  	s2 =	sld [smem:$0x3FD0];
	(tm) =	ssettm $0x1  }
0x91: {  	s18 =	sld [smem:$0x3FFB];
	_ =	sdelay $0x3  }
0x92: {  	_ =	strace s18  }
0x93: {  	s3 =	sld [smem:$0x3FFC];
	_ =	sdelay $0x3  }
0x94: {  	_ =	strace s3  }
0x95: {  	s3 =	sld [smem:$0x3FFD];
	_ =	sdelay $0x3  }
0x96: {  	_ =	strace s3  }
0x97: {  	_ =	strace $0x8FFFFFFF  }
0x98: {  	s19 =	sld [smem:$0x3FDB];
	_ =	sdelay $0x1  }
0x99: {  	s4 =	simm.s32 $_scs_section_size  }
0x9a: {  	s5 =	simm.s32 $_size__tile_overlayer_lowered;
	s6 =	simm.s32 $_tile_overlayer_lowered  }
0x9b: {  	s22 =	simm.s32 $0x1BFF;
	s21 =	sshll.u32 s6, $0x1;
	s3 =	sadd.s32 s4, s19  }
0x9c: {  	s7 =	simm.s32 $0x0;
	s20 =	sshll.u32 s5, $0x1;
	s5 =	sadd.s32 s21, s3  }
0x9d: {  	[timem:s7], [sflag:s22] =	dma.local [hbm:s5], s20  }
0x9e: {  	_ =	swait.ge [sflag:s22], s20  }
0x9f: {  	s4 =	ssub.s32 $0x0, s20;
	[sflag:s22] =	ssyncset.done $0x0  }
0xa0: {  	[sflag:s22] =	ssyncadd.s32 s4;
	_ =	sdelay $0x1  }
0xa1: {  	s23 =	simm.s32 $0x1B8B  }
0xa2: {  	_ =	swait.ge [sflag:s23], $0x1  }
0xa3: {  	[sflag:s23] =	ssyncset.done $0x0  }
0xa4: {  	s25 =	simm.s32 $0x1B8E;
	s24 =	sld [smem:$0x3FFE];
	[sflag:s23] =	ssyncadd.s32 $0xFFFFFFFF  }
0xa5: {  	s26 =	simm.s32 $execute0_lowered;
	[smem:$0x3FD2] =	sst s25  }
0xa6: {  	s5 =	sshll.u32 s26, $0x1;
	_ =	strace $0x80000058;
	[dreg:$0x1] =	wrdreg $0xFFFFFFFF  }
0xa7: {  	s28 =	simm.s32 $_size_execute0_lowered;
	s3 =	sadd.s32 s3, s5;
	[dreg:$0x0] =	wrdreg $0x0  }
0xa8: {  	s5 =	sshll.u32 s28, $0x1;
	[dreg:$0x2] =	wrdreg s3  }
0xa9: {  	[dreg:$0x3] =	wrdreg s5  }
0xaa: {  	[dreg:$0x4] =	wrdreg $0xC0  }
0xab: {  	_ =	task [dreg:s7], $0x5FFFF  }
0xac: {  	[dreg:$0x1] =	wrdreg $0xFFFFFFFF  }
0xad: {  	[dreg:$0x0] =	wrdreg $0x60  }
0xae: {  	[dreg:$0x2] =	wrdreg s2  }
0xaf: {  	[dreg:$0x3] =	wrdreg s24  }
0xb0: {  	[dreg:$0x4] =	wrdreg $0x0  }
0xb1: {  	[dreg:$0x5] =	wrdreg $0x62C00  }
0xb2: {  	[dreg:$0x6] =	wrdreg $0x9  }
0xb3: {  	_ =	task.clear_ibuf [dreg:s7], $0x7FFFF;
	_ =	strace $0x90000058  }
0xb4: {  	s29 =	simm.s32 $0x9;
	_ =	strace $0x8000005A  }
0xb5: {  	_ =	swait.ge [sflag:s29], $0x1  }
0xb6: {  	[sflag:s29] =	ssyncadd.s32 $0xFFFFFFFF  }
0xb7: {  	_ =	strace $0x9000005A  }
0xb8: {  	_ =	sfence  }
0xb9: {  	s30 =	sld [smem:$0x0];
	_ =	sdelay $0x2  }
0xba: {  	s31 =	sshll.u32 s1, $0xD;
	s1 =	sshrl.u32 s1, $0x2  }
0xbb: {  	s3 =	sand.u32 $0x4000, s31;
	s1 =	sadd.s32 s1, s30  }
0xbc: {  	s0 =	sor.u32 s3, s0;
	s1 =	sshll.u32 s1, $0x11  }
0xbd: {  	s0 =	sor.u32 s1, s0  }
0xbe: {  	s0 =	sadd.s32 $0x8F2B, s0  }
0xbf: {  	[sflag:s0] =	ssyncadd.remote.s32 $0x1  }
0xc0: {  	_ =	sfence.sel $0xFFFF  }
0xc1: {  	[dreg:$0x0] =	wrdreg $0xFFFFFFFF;
	(pc) =	sbr.abs _section_cstart, $3  }
0xc2: {  	[dreg:$0x1] =	wrdreg $0xFFFFFFFF  }
0xc3: {  	_ =	task.clear_ibuf [dreg:s7], $0x2FFFF;
	_ =	strace $0x9FFFFFFF  }
0xc4: {  	(tm) =	ssettm $0x7FFFFFFF  }
0xc5: {  	_ =	shalt  }
tec
execute0_lowered:
.L_overlay_start_1:
0x0: {  	(tag) =	ssettag $0x1  }
0x1: {  	s5 =	rddreg [dreg:$0x0]  }
0x2: {  	s6 =	rddreg [dreg:$0x1]  }
0x3: {  	s1 =	srdreg.scid;
	s2 =	rddreg [dreg:$0x2]  }
0x4: {  	s0 =	stileid.u32;
	s3 =	rddreg [dreg:$0x3];
	s4 =	simm.s32 $0x0  }
0x5: {  	s14 =	simm.s32 $0xC580;
	s15 =	simm.s32 $0x4;
	s16 =	simm.s32 $0xED00  }
0x6: {  	s17 =	simm.s32 $0x2;
	s18 =	simm.s32 $0x3;
	s19 =	simm.s32 $0x80  }
0x7: {  	s20 =	simm.s32 $0x11480;
	s21 =	simm.s32 $0x1;
	s23 =	simm.s32 $0x0  }
0x8: {  	s7 =	sand.u32 $0x1, s1;
	s8 =	smul.u32 $0x62C0, s0;
	s1 =	rddreg [dreg:$0x4]  }
0x9: {  	[smem:$0x7FF] =	sst s4;
	s22 =	sshll.u32 s0, $0x6;
	s9 =	sshll.u32 s7, $0x4  }
0xa: {  	s10 =	smul.u32 $0x62C00, s7;
	_ =	strace $0x80000059;
	s7 =	ssub.s32 $0x2, s7  }
0xb: {  	s9 =	sor.u32 s0, s9;
	s30 =	sshrl.u32 s7, $0x1;
	s31 =	sshrl.u32 s8, $0x3  }
0xc: {  	s12 =	sadd.s32 s8, s2;
	s13 =	sadd.s32 s8, s3;
	s9 =	smul.u32 $0x4F0, s9  }
0xd: {  	s10 =	sadd.s32 s8, s10;
	s11 =	ssub.s32 s7, s30;
	s5 =	sadd.s32 s5, s31  }
0xe: {  	s13 =	sshrl.u32 s13, $0x3;
	s10 =	sshrl.u32 s10, $0x3;
	s9 =	sadd.s32 s9, s6  }
0xf: {  	s10 =	sadd.s32 s10, s6;
	s6 =	sor.u32 $0x1C02, s22;
	s7 =	sadd.s32 $0x36800, s9  }
0x10: {  	s8 =	sadd.s32 $0x7800, s9;
	s9 =	sadd.s32 $0x11600, s10;
	s10 =	smax.u32 s11, $0x1  }
0x11: {  	s11 =	sshrl.u32 s12, $0x3;
	s12 =	sor.u32 $0x1C03, s22;
	s22 =	sor.u32 $0x1C04, s22  }
.LBB2_1:
0x12: {  	[spmem:s11], [sflag:s6] =	dma.local [hbm:s5], $0xC58  }
0x13: {  	[spmem:s13], [sflag:s12] =	dma.local [hbm:s5], $0xC58  }
0x14: {  	[tilespmem:s14], [sflag:$0x4] =	stream.linear.gather [hbm4b:s7+s4], $0x2780, $0x38;
	[tilespmem:$0x12880] =	vst v63  }
0x15: {  	_ =	swait.ge [sflag:s15], $0x2780  }
0x16: {  	[sflag:s15] =	ssyncset.done $0x0  }
0x17: {  	[sflag:s15] =	ssyncadd.s32 $0xFFFFD880  }
0x18: {  	[tilespmem:s16], [sflag:$0x4] =	stream.linear.gather [hbm4b:s8+s4], $0x2780, $0x38;
	[tilespmem:$0x12880] =	vst v63  }
0x19: {  	_ =	swait.ge [sflag:s15], $0x2780  }
0x1a: {  	[sflag:s15] =	ssyncset.done $0x0  }
0x1b: {  	[sflag:s15] =	ssyncadd.s32 $0xFFFFD880  }
0x1c: {  	_ =	swait.ge [sflag:s17], $0xC58  }
0x1d: {  	[sflag:s17] =	ssyncset.done $0x0  }
0x1e: {  	[sflag:s17] =	ssyncadd.s32 $0xFFFFF3A8  }
0x1f: {  	_ =	swait.ge [sflag:s18], $0xC58  }
0x20: {  	[sflag:s18] =	ssyncset.done $0x0  }
0x21: {  	[sflag:s18] =	ssyncadd.s32 $0xFFFFF3A8  }
0x22: {  	s24 =	simm.s32 $0xC580;
	[bflag:$0x0] =	sbarrier.arrive $0xFFFF  }
0x23: {  	[tilespmem:s20], [sflag:$0x1] =	stream.indirect.gather [spmem:s3], $0x28, s24, s19, $0xb8;
	[tilespmem:$0x12880] =	vst v63  }
0x24: {  	_ =	swait.ge [sflag:s21], $0x1400  }
0x25: {  	[sflag:s21] =	ssyncset.done $0x0  }
0x26: {  	s31 =	simm.s32 $0xED00;
	[sflag:s21] =	ssyncadd.s32 $0xFFFFEC00  }
0x27: {  	[spmem:s2] =	stream.indirect.scatter.add.f32 [tilespmem:s20], [sflag:$0x4], $0x28, s31, s19, $0xb8;
	[tilespmem:$0x12880] =	vst v63  }
0x28: {  	_ =	swait.ge [sflag:s15], $0x1400  }
0x29: {  	s25 =	simm.s32 $0x400;
	s24 =	simm.s32 $0x80;
	[sflag:s15] =	ssyncset.done $0x0  }
.LBB2_2:
0x2a: {  	s26 =	sadd.s32 $0xC580, s24  }
0x2b: {  	[sflag:s15] =	ssyncadd.s32 $0xFFFFEC00;
	s28 =	smov.u32 s25;
	s29 =	sadd.s32 $0x200, s25  }
0x2c: {  	[tilespmem:s20], [sflag:$0x1] =	stream.indirect.gather [spmem:s3], $0x28, s26, s19, $0xb8;
	[tilespmem:$0x12880] =	vst v63  }
0x2d: {  	p0 =	sne.s32 s25, $0x9C00;
	_ =	swait.ge [sflag:s21], $0x1400  }
.Ltmp0:
0x2e: {  	[sflag:s21] =	ssyncset.done $0x0;
	(pc) =	sbr.rel @p0 .LBB2_2-.Ltmp0, $4  }
0x2f: {  	s24 =	sadd.s32 $0xED00, s24;
	[sflag:s21] =	ssyncadd.s32 $0xFFFFEC00  }
0x30: {  	[spmem:s2] =	stream.indirect.scatter.add.f32 [tilespmem:s20], [sflag:$0x4], $0x28, s24, s19, $0xb8;
	[tilespmem:$0x12880] =	vst v63  }
0x31: {  	_ =	swait.ge [sflag:s15], $0x1400  }
0x32: {  	s25 =	smov.u32 s29;
	s24 =	sshra.s32 s28, $0x2;
	[sflag:s15] =	ssyncset.done $0x0  }
0x33: {  	s25 =	sadd.s32 $0xC580, s24;
	[sflag:s15] =	ssyncadd.s32 $0xFFFFEC00  }
0x34: {  	[tilespmem:s20], [sflag:$0x1] =	stream.indirect.gather [spmem:s3], $0x28, s25, s19, $0xb8;
	[tilespmem:$0x12880] =	vst v63  }
0x35: {  	_ =	swait.ge [sflag:s21], $0x1400  }
0x36: {  	[sflag:s21] =	ssyncset.done $0x0  }
0x37: {  	s31 =	sadd.s32 $0xED00, s24;
	[sflag:s21] =	ssyncadd.s32 $0xFFFFEC00  }
0x38: {  	[spmem:s2] =	stream.indirect.scatter.add.f32 [tilespmem:s20], [sflag:$0x4], $0x28, s31, s19, $0xb8;
	[tilespmem:$0x12880] =	vst v63  }
0x39: {  	_ =	swait.ge [sflag:s15], $0x1400  }
0x3a: {  	s23 =	sadd.s32 $0x1, s23;
	[sflag:s15] =	ssyncset.done $0x0  }
0x3b: {  	p0 =	sne.s32 s23, s10;
	[sflag:s15] =	ssyncadd.s32 $0xFFFFEC00  }
.Ltmp1:
0x3c: {  	[bflag:$0x0] =	sbarrier.arrive $0xFFFF;
	(pc) =	sbr.rel @p0 .LBB2_1-.Ltmp1, $4  }
0x3d: {  	[hbm:s9], [sflag:s22] =	dma.local [spmem:s11], $0xC58  }
0x3e: {  	_ =	swait.ge [sflag:s15], $0xC58  }
0x3f: {  	[sflag:s15] =	ssyncset.done $0x0  }
0x40: {  	[sflag:s15] =	ssyncadd.s32 $0xFFFFF3A8  }
0x41: {  	_ =	sfence.sel $0x180000  }
0x42: {  	[bflag:$0x0] =	sbarrier.arrive $0xFFFF  }
0x43: {  	p0 =	sne.s32 s0, $0x0;
	_ =	strace $0x90000059  }
0x44: {  	s0 =	sadd.s32 @!p0 $0x100000, s1;
	[bflag:$0x2] =	sbarrier.arrive $0xFFFF  }
0x45: {  	[sflag:s0] =	ssyncadd.tile.s32 @!p0 $0x1;
	_ =	shalt  }
.Lfunc_end2:
_tile_overlayer_lowered:
.L_overlay_start_2:
0x46: {  	(tag) =	ssettag $0x2  }
0x47: {  	s0 =	rddreg [dreg:$0x0];
	s2 =	stileid.u32  }
0x48: {  	s1 =	rddreg [dreg:$0x1];
	p0 =	sne.s32 s2, $0x0  }
0x49: {  	s3 =	rddreg [dreg:$0x2];
	[bflag:$0x3] =	sbarrier.arrive $0xFFFF;
	s2 =	simm.s32 @!p0 $0x1C04  }
0x4a: {  	[timem:s3], [sflag:s2] =	dma.local @!p0 [hbm:s0], s1  }
0x4b: {  	s0 =	simm.s32 @!p0 $0x4  }
0x4c: {  	_ =	swait.ge @!p0 [sflag:s0], s1  }
0x4d: {  	s1 =	ssub.s32 @!p0 $0x0, s1;
	[sflag:s0] =	ssyncset.done @!p0 $0x0  }
0x4e: {  	[sflag:s0] =	ssyncadd.s32 @!p0 s1  }
0x4f: {  	[bflag:$0x3] =	sbarrier.arrive $0xFFFF  }
0x50: {  	_ =	shalt  }

// kernel: kernel.46.cloned.1.call-start
scs
__scs_entry_jumppad:
0x0: {  	(pc) =	sbr.rel $0x88, $3  }
0x1: {  	(tag) =	ssettag $0x0;
	lr =	simm.s32 $0x1  }
0x2: {  	[smem:$0x3F9B] =	sst lr;
	_ =	strace $0xD0000000  }
0x3: {  	_ = 	snop  }
0x4: {  	_ = 	snop  }
0x5: {  	_ = 	snop  }
0x6: {  	_ = 	snop  }
0x7: {  	_ = 	snop  }
__scs_overlays_trampoline_lowered:
0x8: {  	[smem:$0x3FAA] =	sst s0  }
0x9: {  	[smem:$0x3FAB] =	sst s1  }
0xa: {  	[smem:$0x3FAC] =	sst s2  }
0xb: {  	[smem:$0x3FAD] =	sst s3  }
0xc: {  	[smem:$0x3FAE] =	sst s4  }
0xd: {  	[smem:$0x3FAF] =	sst s5  }
0xe: {  	[smem:$0x3FB0] =	sst s6  }
0xf: {  	[smem:$0x3FB1] =	sst s7  }
0x10: {  	[smem:$0x3FB2] =	sst s8  }
0x11: {  	[smem:$0x3FB3] =	sst s9;
	s0 =	simm.s32 @!p0 $0x0  }
0x12: {  	s1 =	sld [smem:$0x3F99];
	s0 =	simm.s32 @p0 $0x1  }
0x13: {  	[smem:$0x3FB4] =	sst s0;
	s0 =	simm.s32 @!p1 $0x0  }
0x14: {  	s2 =	sld [smem:$0x3F98];
	s0 =	simm.s32 @p1 $0x1  }
0x15: {  	[smem:$0x3FB5] =	sst s0;
	s0 =	simm.s32 @!p2 $0x0  }
0x16: {  	s3 =	sld [smem:$0x3FDB];
	s0 =	simm.s32 @p2 $0x1  }
0x17: {  	s4 =	simm.s32 $0x1BF5;
	[smem:$0x3FB7] =	sst s0  }
0x18: {  	s0 =	sld [smem:$0x3F9A];
	_ =	swait.ge [sflag:s4], $0x0  }
0x19: {  	s7 =	sld [smem:$0x3F9B]  }
0x1a: {  	s8 =	sadd.s32 $0xFFFFE003, lr  }
0x1b: {  	s9 =	sadd.s32 $0xFFFFFEF7, lr;
	s5 =	simm.s32 $0xFFFFFFFF;
	p2 =	slt.u32 s8, $0xFFFFF086  }
0x1c: {  	p1 =	slt.u32 s9, $0xF7A;
	s5 =	simm.s32 @!p2 $0x0  }
0x1d: {  	s5 =	simm.s32 @p1 $0x1;
	p0 =	seq.s32 s7, s2  }
0x1e: {  	s7 =	smul.u32 @!p0 $0xF7A, s2;
	p2 =	seq.s32 @!p0 s5, $0x0  }
0x1f: {  	s9 =	smul.u32 $0xF7A, s1;
	s8 =	simm.s32 @!p0 $0x1BF5;
	p2 =	por !p2, p0  }
0x20: {  	[sflag:s8] =	ssyncset.s32 @!p0 $0xFFFFF086;
	s6 =	sadd.s32 @!p0 s3, s7;
	s7 =	simm.s32 @!p0 $0x108  }
0x21: {  	s3 =	sadd.s32 s3, s9;
	s6 =	sadd.s32 @!p0 $0x88, s6;
	s7 =	simm.s32 @p2 $0x1082  }
0x22: {  	[simem:s7], [sflag:s8] =	dma.local @!p0 [hbm:s6], $0xF7A  }
0x23: {  	s9 =	sor.u32 $0xD0000000, s2;
	s6 =	simm.s32 $0x108;
	_ =	swait.ge @!p0 [sflag:s8], $0x0  }
0x24: {  	s3 =	sadd.s32 $0x88, s3;
	s6 =	simm.s32 @!p1 $0x1082;
	[sflag:s4] =	ssyncset.s32 $0xFFFFF086  }
0x25: {  	[simem:s6], [sflag:s4] =	dma.local [hbm:s3], $0xF7A  }
0x26: {  	[smem:$0x3F9B] =	sst s1;
	(tag) =	ssettag s2;
	_ =	strace s9  }
0x27: {  	s1 =	sld [smem:$0x3FAB]  }
0x28: {  	s2 =	sld [smem:$0x3FAC]  }
0x29: {  	s4 =	sld [smem:$0x3FAE]  }
0x2a: {  	p0 =	seq.s32 s5, $0x0;
	s5 =	sld [smem:$0x3FAF]  }
0x2b: {  	s6 =	sld [smem:$0x3FB0]  }
0x2c: {  	s7 =	sld [smem:$0x3FB1]  }
0x2d: {  	s3 =	simm.s32 $0x108;
	s8 =	sld [smem:$0x3FB2]  }
0x2e: {  	s3 =	simm.s32 @!p0 $0x1082;
	s9 =	sld [smem:$0x3FB3]  }
0x2f: {  	lr =	sadd.s32 s0, s3;
	s0 =	sld [smem:$0x3FAA]  }
0x30: {  	s3 =	sld [smem:$0x3FAD]  }
0x31: {  	[smem:$0x3FB6] =	sst s10  }
0x32: {  	s10 =	sld [smem:$0x3FB4];
	_ =	sdelay $0x3  }
0x33: {  	p0 =	seq.s32 s10, $0x1;
	s10 =	sld [smem:$0x3FB6];
	_ =	sdelay $0x3  }
0x34: {  	[smem:$0x3FB6] =	sst s10  }
0x35: {  	s10 =	sld [smem:$0x3FB5];
	_ =	sdelay $0x3  }
0x36: {  	p1 =	seq.s32 s10, $0x1;
	s10 =	sld [smem:$0x3FB6];
	_ =	sdelay $0x3  }
0x37: {  	[smem:$0x3FB6] =	sst s10  }
0x38: {  	s10 =	sld [smem:$0x3FB7]  }
0x39: {  	_ = 	snop;
	(pc) =	sbr.ind lr, $3  }
0x3a: {  	_ = 	snop  }
0x3b: {  	_ = 	snop  }
0x3c: {  	p2 =	seq.s32 s10, $0x1;
	s10 =	sld [smem:$0x3FB6]  }
0x3d: {  	_ =	shalt  }
0x3e: {  	_ =	shalt  }
0x3f: {  	_ =	shalt  }
0x40: {  	_ =	shalt  }
0x41: {  	_ =	shalt  }
0x42: {  	_ =	shalt  }
0x43: {  	_ =	shalt  }
0x44: {  	_ =	shalt  }
0x45: {  	_ =	shalt  }
0x46: {  	_ =	shalt  }
0x47: {  	_ =	shalt  }
0x48: {  	_ =	shalt  }
0x49: {  	_ =	shalt  }
0x4a: {  	_ =	shalt  }
0x4b: {  	_ =	shalt  }
0x4c: {  	_ =	shalt  }
0x4d: {  	_ =	shalt  }
0x4e: {  	_ =	shalt  }
0x4f: {  	_ =	shalt  }
0x50: {  	_ =	shalt  }
0x51: {  	_ =	shalt  }
0x52: {  	_ =	shalt  }
0x53: {  	_ =	shalt  }
0x54: {  	_ =	shalt  }
0x55: {  	_ =	shalt  }
0x56: {  	_ =	shalt  }
0x57: {  	_ =	shalt  }
0x58: {  	_ =	shalt  }
0x59: {  	_ =	shalt  }
0x5a: {  	_ =	shalt  }
0x5b: {  	_ =	shalt  }
0x5c: {  	_ =	shalt  }
0x5d: {  	_ =	shalt  }
0x5e: {  	_ =	shalt  }
0x5f: {  	_ =	shalt  }
0x60: {  	_ =	shalt  }
0x61: {  	_ =	shalt  }
0x62: {  	_ =	shalt  }
0x63: {  	_ =	shalt  }
0x64: {  	_ =	shalt  }
0x65: {  	_ =	shalt  }
0x66: {  	_ =	shalt  }
0x67: {  	_ =	shalt  }
0x68: {  	_ =	shalt  }
0x69: {  	_ =	shalt  }
0x6a: {  	_ =	shalt  }
0x6b: {  	_ =	shalt  }
0x6c: {  	_ =	shalt  }
0x6d: {  	_ =	shalt  }
0x6e: {  	_ =	shalt  }
0x6f: {  	_ =	shalt  }
0x70: {  	_ =	shalt  }
0x71: {  	_ =	shalt  }
0x72: {  	_ =	shalt  }
0x73: {  	_ =	shalt  }
0x74: {  	_ =	shalt  }
0x75: {  	_ =	shalt  }
0x76: {  	_ =	shalt  }
0x77: {  	_ =	shalt  }
0x78: {  	_ =	shalt  }
0x79: {  	_ =	shalt  }
0x7a: {  	_ =	shalt  }
0x7b: {  	_ =	shalt  }
0x7c: {  	_ =	shalt  }
0x7d: {  	_ =	shalt  }
0x7e: {  	_ =	shalt  }
0x7f: {  	_ =	shalt  }
0x80: {  	_ =	shalt  }
0x81: {  	_ =	shalt  }
0x82: {  	_ =	shalt  }
0x83: {  	_ =	shalt  }
0x84: {  	_ =	shalt  }
0x85: {  	_ =	shalt  }
0x86: {  	_ =	shalt  }
0x87: {  	_ =	shalt  }
.Lfunc_end0:
.L_simem_size_0:
called_computation.7_lowered:
.L_overlay_start_0:
0x88: {  	s2 =	sld [smem:$0x3FD9]  }
0x89: {  	s3 =	sld [smem:$0x3FFE];
	_ =	sdelay $0x1  }
0x8a: {  	s1 =	srdreg.scid  }
0x8b: {  	s0 =	sand.u32 $0x1, s1  }
0x8c: {  	s17 =	sshll.u32 s0, $0xA;
	s2 =	sadd.s32 s3, s2  }
0x8d: {  	s2 =	sadd.s32 s2, s17  }
0x8e: {  	[smem:$0x3FC2] =	sst s2  }
0x8f: {  	_ = 	snop  }
0x90: {  	s2 =	sld [smem:$0x3FD0];
	(tm) =	ssettm $0x1  }
0x91: {  	s18 =	sld [smem:$0x3FFB];
	_ =	sdelay $0x3  }
0x92: {  	_ =	strace s18  }
0x93: {  	s3 =	sld [smem:$0x3FFC];
	_ =	sdelay $0x3  }
0x94: {  	_ =	strace s3  }
0x95: {  	s3 =	sld [smem:$0x3FFD];
	_ =	sdelay $0x3  }
0x96: {  	_ =	strace s3  }
0x97: {  	_ =	strace $0x8FFFFFFF  }
0x98: {  	s19 =	sld [smem:$0x3FDB];
	_ =	sdelay $0x1  }
0x99: {  	s4 =	simm.s32 $_scs_section_size  }
0x9a: {  	s5 =	simm.s32 $_size__tile_overlayer_lowered;
	s6 =	simm.s32 $_tile_overlayer_lowered  }
0x9b: {  	s22 =	simm.s32 $0x1BFF;
	s21 =	sshll.u32 s6, $0x1;
	s3 =	sadd.s32 s4, s19  }
0x9c: {  	s7 =	simm.s32 $0x0;
	s20 =	sshll.u32 s5, $0x1;
	s5 =	sadd.s32 s21, s3  }
0x9d: {  	[timem:s7], [sflag:s22] =	dma.local [hbm:s5], s20  }
0x9e: {  	_ =	swait.ge [sflag:s22], s20  }
0x9f: {  	s4 =	ssub.s32 $0x0, s20;
	[sflag:s22] =	ssyncset.done $0x0  }
0xa0: {  	[sflag:s22] =	ssyncadd.s32 s4;
	_ =	sdelay $0x1  }
0xa1: {  	s23 =	simm.s32 $0x1B8B  }
0xa2: {  	_ =	swait.ge [sflag:s23], $0x1  }
0xa3: {  	[sflag:s23] =	ssyncset.done $0x0  }
0xa4: {  	s25 =	simm.s32 $0x1B8E;
	s24 =	sld [smem:$0x3FFE];
	[sflag:s23] =	ssyncadd.s32 $0xFFFFFFFF  }
0xa5: {  	s26 =	simm.s32 $execute0_lowered;
	[smem:$0x3FD2] =	sst s25  }
0xa6: {  	s5 =	sshll.u32 s26, $0x1;
	_ =	strace $0x8000005B;
	[dreg:$0x1] =	wrdreg $0xFFFFFFFF  }
0xa7: {  	s28 =	simm.s32 $_size_execute0_lowered;
	s3 =	sadd.s32 s3, s5;
	[dreg:$0x0] =	wrdreg $0x0  }
0xa8: {  	s5 =	sshll.u32 s28, $0x1;
	[dreg:$0x2] =	wrdreg s3  }
0xa9: {  	[dreg:$0x3] =	wrdreg s5  }
0xaa: {  	[dreg:$0x4] =	wrdreg $0xC0  }
0xab: {  	_ =	task [dreg:s7], $0x5FFFF  }
0xac: {  	[dreg:$0x1] =	wrdreg $0xFFFFFFFF  }
0xad: {  	[dreg:$0x0] =	wrdreg $0x60  }
0xae: {  	[dreg:$0x2] =	wrdreg s2  }
0xaf: {  	[dreg:$0x3] =	wrdreg s24  }
0xb0: {  	[dreg:$0x4] =	wrdreg $0x0  }
0xb1: {  	[dreg:$0x5] =	wrdreg $0x62C00  }
0xb2: {  	[dreg:$0x6] =	wrdreg $0x9  }
0xb3: {  	_ =	task.clear_ibuf [dreg:s7], $0x7FFFF;
	_ =	strace $0x9000005B  }
0xb4: {  	s29 =	simm.s32 $0x9;
	_ =	strace $0x8000005D  }
0xb5: {  	_ =	swait.ge [sflag:s29], $0x1  }
0xb6: {  	[sflag:s29] =	ssyncadd.s32 $0xFFFFFFFF  }
0xb7: {  	_ =	strace $0x9000005D  }
0xb8: {  	_ =	sfence  }
0xb9: {  	s30 =	sld [smem:$0x0];
	_ =	sdelay $0x2  }
0xba: {  	s31 =	sshll.u32 s1, $0xD;
	s1 =	sshrl.u32 s1, $0x2  }
0xbb: {  	s3 =	sand.u32 $0x4000, s31;
	s1 =	sadd.s32 s1, s30  }
0xbc: {  	s0 =	sor.u32 s3, s0;
	s1 =	sshll.u32 s1, $0x11  }
0xbd: {  	s0 =	sor.u32 s1, s0  }
0xbe: {  	s0 =	sadd.s32 $0x8F2B, s0  }
0xbf: {  	[sflag:s0] =	ssyncadd.remote.s32 $0x1  }
0xc0: {  	_ =	sfence.sel $0xFFFF  }
0xc1: {  	[dreg:$0x0] =	wrdreg $0xFFFFFFFF;
	(pc) =	sbr.abs _section_cstart, $3  }
0xc2: {  	[dreg:$0x1] =	wrdreg $0xFFFFFFFF  }
0xc3: {  	_ =	task.clear_ibuf [dreg:s7], $0x2FFFF;
	_ =	strace $0x9FFFFFFF  }
0xc4: {  	(tm) =	ssettm $0x7FFFFFFF  }
0xc5: {  	_ =	shalt  }
tec
execute0_lowered:
.L_overlay_start_1:
0x0: {  	(tag) =	ssettag $0x1  }
0x1: {  	s5 =	rddreg [dreg:$0x0]  }
0x2: {  	s6 =	rddreg [dreg:$0x1]  }
0x3: {  	s1 =	srdreg.scid;
	s2 =	rddreg [dreg:$0x2]  }
0x4: {  	s0 =	stileid.u32;
	s3 =	rddreg [dreg:$0x3];
	s4 =	simm.s32 $0x0  }
0x5: {  	s14 =	simm.s32 $0xC580;
	s15 =	simm.s32 $0x4;
	s16 =	simm.s32 $0xED00  }
0x6: {  	s17 =	simm.s32 $0x2;
	s18 =	simm.s32 $0x3;
	s19 =	simm.s32 $0x80  }
0x7: {  	s20 =	simm.s32 $0x11480;
	s21 =	simm.s32 $0x1;
	s23 =	simm.s32 $0x0  }
0x8: {  	s7 =	sand.u32 $0x1, s1;
	s8 =	smul.u32 $0x62C0, s0;
	s1 =	rddreg [dreg:$0x4]  }
0x9: {  	[smem:$0x7FF] =	sst s4;
	s22 =	sshll.u32 s0, $0x6;
	s9 =	sshll.u32 s7, $0x4  }
0xa: {  	s10 =	smul.u32 $0x62C00, s7;
	_ =	strace $0x8000005C;
	s7 =	ssub.s32 $0x2, s7  }
0xb: {  	s9 =	sor.u32 s0, s9;
	s30 =	sshrl.u32 s7, $0x1;
	s31 =	sshrl.u32 s8, $0x3  }
0xc: {  	s12 =	sadd.s32 s8, s2;
	s13 =	sadd.s32 s8, s3;
	s9 =	smul.u32 $0x4F0, s9  }
0xd: {  	s10 =	sadd.s32 s8, s10;
	s11 =	ssub.s32 s7, s30;
	s5 =	sadd.s32 s5, s31  }
0xe: {  	s13 =	sshrl.u32 s13, $0x3;
	s10 =	sshrl.u32 s10, $0x3;
	s9 =	sadd.s32 s9, s6  }
0xf: {  	s10 =	sadd.s32 s10, s6;
	s6 =	sor.u32 $0x1C02, s22;
	s7 =	sadd.s32 $0x36800, s9  }
0x10: {  	s8 =	sadd.s32 $0x7800, s9;
	s9 =	sadd.s32 $0x11600, s10;
	s10 =	smax.u32 s11, $0x1  }
0x11: {  	s11 =	sshrl.u32 s12, $0x3;
	s12 =	sor.u32 $0x1C03, s22;
	s22 =	sor.u32 $0x1C04, s22  }
.LBB2_1:
0x12: {  	[spmem:s11], [sflag:s6] =	dma.local [hbm:s5], $0xC58  }
0x13: {  	[spmem:s13], [sflag:s12] =	dma.local [hbm:s5], $0xC58  }
0x14: {  	[tilespmem:s14], [sflag:$0x4] =	stream.linear.gather [hbm4b:s7+s4], $0x2780, $0x38;
	[tilespmem:$0x12880] =	vst v63  }
0x15: {  	_ =	swait.ge [sflag:s15], $0x2780  }
0x16: {  	[sflag:s15] =	ssyncset.done $0x0  }
0x17: {  	[sflag:s15] =	ssyncadd.s32 $0xFFFFD880  }
0x18: {  	[tilespmem:s16], [sflag:$0x4] =	stream.linear.gather [hbm4b:s8+s4], $0x2780, $0x38;
	[tilespmem:$0x12880] =	vst v63  }
0x19: {  	_ =	swait.ge [sflag:s15], $0x2780  }
0x1a: {  	[sflag:s15] =	ssyncset.done $0x0  }
0x1b: {  	[sflag:s15] =	ssyncadd.s32 $0xFFFFD880  }
0x1c: {  	_ =	swait.ge [sflag:s17], $0xC58  }
0x1d: {  	[sflag:s17] =	ssyncset.done $0x0  }
0x1e: {  	[sflag:s17] =	ssyncadd.s32 $0xFFFFF3A8  }
0x1f: {  	_ =	swait.ge [sflag:s18], $0xC58  }
0x20: {  	[sflag:s18] =	ssyncset.done $0x0  }
0x21: {  	[sflag:s18] =	ssyncadd.s32 $0xFFFFF3A8  }
0x22: {  	s24 =	simm.s32 $0xC580;
	[bflag:$0x0] =	sbarrier.arrive $0xFFFF  }
0x23: {  	[tilespmem:s20], [sflag:$0x1] =	stream.indirect.gather [spmem:s3], $0x28, s24, s19, $0xb8;
	[tilespmem:$0x12880] =	vst v63  }
0x24: {  	_ =	swait.ge [sflag:s21], $0x1400  }
0x25: {  	[sflag:s21] =	ssyncset.done $0x0  }
0x26: {  	s31 =	simm.s32 $0xED00;
	[sflag:s21] =	ssyncadd.s32 $0xFFFFEC00  }
0x27: {  	[spmem:s2] =	stream.indirect.scatter.add.f32 [tilespmem:s20], [sflag:$0x4], $0x28, s31, s19, $0xb8;
	[tilespmem:$0x12880] =	vst v63  }
0x28: {  	_ =	swait.ge [sflag:s15], $0x1400  }
0x29: {  	s25 =	simm.s32 $0x400;
	s24 =	simm.s32 $0x80;
	[sflag:s15] =	ssyncset.done $0x0  }
.LBB2_2:
0x2a: {  	s26 =	sadd.s32 $0xC580, s24  }
0x2b: {  	[sflag:s15] =	ssyncadd.s32 $0xFFFFEC00;
	s28 =	smov.u32 s25;
	s29 =	sadd.s32 $0x200, s25  }
0x2c: {  	[tilespmem:s20], [sflag:$0x1] =	stream.indirect.gather [spmem:s3], $0x28, s26, s19, $0xb8;
	[tilespmem:$0x12880] =	vst v63  }
0x2d: {  	p0 =	sne.s32 s25, $0x9C00;
	_ =	swait.ge [sflag:s21], $0x1400  }
.Ltmp0:
0x2e: {  	[sflag:s21] =	ssyncset.done $0x0;
	(pc) =	sbr.rel @p0 .LBB2_2-.Ltmp0, $4  }
0x2f: {  	s24 =	sadd.s32 $0xED00, s24;
	[sflag:s21] =	ssyncadd.s32 $0xFFFFEC00  }
0x30: {  	[spmem:s2] =	stream.indirect.scatter.add.f32 [tilespmem:s20], [sflag:$0x4], $0x28, s24, s19, $0xb8;
	[tilespmem:$0x12880] =	vst v63  }
0x31: {  	_ =	swait.ge [sflag:s15], $0x1400  }
0x32: {  	s25 =	smov.u32 s29;
	s24 =	sshra.s32 s28, $0x2;
	[sflag:s15] =	ssyncset.done $0x0  }
0x33: {  	s25 =	sadd.s32 $0xC580, s24;
	[sflag:s15] =	ssyncadd.s32 $0xFFFFEC00  }
0x34: {  	[tilespmem:s20], [sflag:$0x1] =	stream.indirect.gather [spmem:s3], $0x28, s25, s19, $0xb8;
	[tilespmem:$0x12880] =	vst v63  }
0x35: {  	_ =	swait.ge [sflag:s21], $0x1400  }
0x36: {  	[sflag:s21] =	ssyncset.done $0x0  }
0x37: {  	s31 =	sadd.s32 $0xED00, s24;
	[sflag:s21] =	ssyncadd.s32 $0xFFFFEC00  }
0x38: {  	[spmem:s2] =	stream.indirect.scatter.add.f32 [tilespmem:s20], [sflag:$0x4], $0x28, s31, s19, $0xb8;
	[tilespmem:$0x12880] =	vst v63  }
0x39: {  	_ =	swait.ge [sflag:s15], $0x1400  }
0x3a: {  	s23 =	sadd.s32 $0x1, s23;
	[sflag:s15] =	ssyncset.done $0x0  }
0x3b: {  	p0 =	sne.s32 s23, s10;
	[sflag:s15] =	ssyncadd.s32 $0xFFFFEC00  }
.Ltmp1:
0x3c: {  	[bflag:$0x0] =	sbarrier.arrive $0xFFFF;
	(pc) =	sbr.rel @p0 .LBB2_1-.Ltmp1, $4  }
0x3d: {  	[hbm:s9], [sflag:s22] =	dma.local [spmem:s11], $0xC58  }
0x3e: {  	_ =	swait.ge [sflag:s15], $0xC58  }
0x3f: {  	[sflag:s15] =	ssyncset.done $0x0  }
0x40: {  	[sflag:s15] =	ssyncadd.s32 $0xFFFFF3A8  }
0x41: {  	_ =	sfence.sel $0x180000  }
0x42: {  	[bflag:$0x0] =	sbarrier.arrive $0xFFFF  }
0x43: {  	p0 =	sne.s32 s0, $0x0;
	_ =	strace $0x9000005C  }
0x44: {  	s0 =	sadd.s32 @!p0 $0x100000, s1;
	[bflag:$0x2] =	sbarrier.arrive $0xFFFF  }
0x45: {  	[sflag:s0] =	ssyncadd.tile.s32 @!p0 $0x1;
	_ =	shalt  }
.Lfunc_end2:
_tile_overlayer_lowered:
.L_overlay_start_2:
0x46: {  	(tag) =	ssettag $0x2  }
0x47: {  	s0 =	rddreg [dreg:$0x0];
	s2 =	stileid.u32  }
0x48: {  	s1 =	rddreg [dreg:$0x1];
	p0 =	sne.s32 s2, $0x0  }
0x49: {  	s3 =	rddreg [dreg:$0x2];
	[bflag:$0x3] =	sbarrier.arrive $0xFFFF;
	s2 =	simm.s32 @!p0 $0x1C04  }
0x4a: {  	[timem:s3], [sflag:s2] =	dma.local @!p0 [hbm:s0], s1  }
0x4b: {  	s0 =	simm.s32 @!p0 $0x4  }
0x4c: {  	_ =	swait.ge @!p0 [sflag:s0], s1  }
0x4d: {  	s1 =	ssub.s32 @!p0 $0x0, s1;
	[sflag:s0] =	ssyncset.done @!p0 $0x0  }
0x4e: {  	[sflag:s0] =	ssyncadd.s32 @!p0 s1  }
0x4f: {  	[bflag:$0x3] =	sbarrier.arrive $0xFFFF  }
0x50: {  	_ =	shalt  }

// kernel: kernel.49.cloned.1.call-start
scs
__scs_entry_jumppad:
0x0: {  	(pc) =	sbr.rel $0x88, $3  }
0x1: {  	(tag) =	ssettag $0x0;
	lr =	simm.s32 $0x1  }
0x2: {  	[smem:$0x3F9B] =	sst lr;
	_ =	strace $0xD0000000  }
0x3: {  	_ = 	snop  }
0x4: {  	_ = 	snop  }
0x5: {  	_ = 	snop  }
0x6: {  	_ = 	snop  }
0x7: {  	_ = 	snop  }
__scs_overlays_trampoline_lowered:
0x8: {  	[smem:$0x3FAA] =	sst s0  }
0x9: {  	[smem:$0x3FAB] =	sst s1  }
0xa: {  	[smem:$0x3FAC] =	sst s2  }
0xb: {  	[smem:$0x3FAD] =	sst s3  }
0xc: {  	[smem:$0x3FAE] =	sst s4  }
0xd: {  	[smem:$0x3FAF] =	sst s5  }
0xe: {  	[smem:$0x3FB0] =	sst s6  }
0xf: {  	[smem:$0x3FB1] =	sst s7  }
0x10: {  	[smem:$0x3FB2] =	sst s8  }
0x11: {  	[smem:$0x3FB3] =	sst s9;
	s0 =	simm.s32 @!p0 $0x0  }
0x12: {  	s1 =	sld [smem:$0x3F99];
	s0 =	simm.s32 @p0 $0x1  }
0x13: {  	[smem:$0x3FB4] =	sst s0;
	s0 =	simm.s32 @!p1 $0x0  }
0x14: {  	s2 =	sld [smem:$0x3F98];
	s0 =	simm.s32 @p1 $0x1  }
0x15: {  	[smem:$0x3FB5] =	sst s0;
	s0 =	simm.s32 @!p2 $0x0  }
0x16: {  	s3 =	sld [smem:$0x3FDB];
	s0 =	simm.s32 @p2 $0x1  }
0x17: {  	s4 =	simm.s32 $0x1BF5;
	[smem:$0x3FB7] =	sst s0  }
0x18: {  	s0 =	sld [smem:$0x3F9A];
	_ =	swait.ge [sflag:s4], $0x0  }
0x19: {  	s7 =	sld [smem:$0x3F9B]  }
0x1a: {  	s8 =	sadd.s32 $0xFFFFE003, lr  }
0x1b: {  	s9 =	sadd.s32 $0xFFFFFEF7, lr;
	s5 =	simm.s32 $0xFFFFFFFF;
	p2 =	slt.u32 s8, $0xFFFFF086  }
0x1c: {  	p1 =	slt.u32 s9, $0xF7A;
	s5 =	simm.s32 @!p2 $0x0  }
0x1d: {  	s5 =	simm.s32 @p1 $0x1;
	p0 =	seq.s32 s7, s2  }
0x1e: {  	s7 =	smul.u32 @!p0 $0xF7A, s2;
	p2 =	seq.s32 @!p0 s5, $0x0  }
0x1f: {  	s9 =	smul.u32 $0xF7A, s1;
	s8 =	simm.s32 @!p0 $0x1BF5;
	p2 =	por !p2, p0  }
0x20: {  	[sflag:s8] =	ssyncset.s32 @!p0 $0xFFFFF086;
	s6 =	sadd.s32 @!p0 s3, s7;
	s7 =	simm.s32 @!p0 $0x108  }
0x21: {  	s3 =	sadd.s32 s3, s9;
	s6 =	sadd.s32 @!p0 $0x88, s6;
	s7 =	simm.s32 @p2 $0x1082  }
0x22: {  	[simem:s7], [sflag:s8] =	dma.local @!p0 [hbm:s6], $0xF7A  }
0x23: {  	s9 =	sor.u32 $0xD0000000, s2;
	s6 =	simm.s32 $0x108;
	_ =	swait.ge @!p0 [sflag:s8], $0x0  }
0x24: {  	s3 =	sadd.s32 $0x88, s3;
	s6 =	simm.s32 @!p1 $0x1082;
	[sflag:s4] =	ssyncset.s32 $0xFFFFF086  }
0x25: {  	[simem:s6], [sflag:s4] =	dma.local [hbm:s3], $0xF7A  }
0x26: {  	[smem:$0x3F9B] =	sst s1;
	(tag) =	ssettag s2;
	_ =	strace s9  }
0x27: {  	s1 =	sld [smem:$0x3FAB]  }
0x28: {  	s2 =	sld [smem:$0x3FAC]  }
0x29: {  	s4 =	sld [smem:$0x3FAE]  }
0x2a: {  	p0 =	seq.s32 s5, $0x0;
	s5 =	sld [smem:$0x3FAF]  }
0x2b: {  	s6 =	sld [smem:$0x3FB0]  }
0x2c: {  	s7 =	sld [smem:$0x3FB1]  }
0x2d: {  	s3 =	simm.s32 $0x108;
	s8 =	sld [smem:$0x3FB2]  }
0x2e: {  	s3 =	simm.s32 @!p0 $0x1082;
	s9 =	sld [smem:$0x3FB3]  }
0x2f: {  	lr =	sadd.s32 s0, s3;
	s0 =	sld [smem:$0x3FAA]  }
0x30: {  	s3 =	sld [smem:$0x3FAD]  }
0x31: {  	[smem:$0x3FB6] =	sst s10  }
0x32: {  	s10 =	sld [smem:$0x3FB4];
	_ =	sdelay $0x3  }
0x33: {  	p0 =	seq.s32 s10, $0x1;
	s10 =	sld [smem:$0x3FB6];
	_ =	sdelay $0x3  }
0x34: {  	[smem:$0x3FB6] =	sst s10  }
0x35: {  	s10 =	sld [smem:$0x3FB5];
	_ =	sdelay $0x3  }
0x36: {  	p1 =	seq.s32 s10, $0x1;
	s10 =	sld [smem:$0x3FB6];
	_ =	sdelay $0x3  }
0x37: {  	[smem:$0x3FB6] =	sst s10  }
0x38: {  	s10 =	sld [smem:$0x3FB7]  }
0x39: {  	_ = 	snop;
	(pc) =	sbr.ind lr, $3  }
0x3a: {  	_ = 	snop  }
0x3b: {  	_ = 	snop  }
0x3c: {  	p2 =	seq.s32 s10, $0x1;
	s10 =	sld [smem:$0x3FB6]  }
0x3d: {  	_ =	shalt  }
0x3e: {  	_ =	shalt  }
0x3f: {  	_ =	shalt  }
0x40: {  	_ =	shalt  }
0x41: {  	_ =	shalt  }
0x42: {  	_ =	shalt  }
0x43: {  	_ =	shalt  }
0x44: {  	_ =	shalt  }
0x45: {  	_ =	shalt  }
0x46: {  	_ =	shalt  }
0x47: {  	_ =	shalt  }
0x48: {  	_ =	shalt  }
0x49: {  	_ =	shalt  }
0x4a: {  	_ =	shalt  }
0x4b: {  	_ =	shalt  }
0x4c: {  	_ =	shalt  }
0x4d: {  	_ =	shalt  }
0x4e: {  	_ =	shalt  }
0x4f: {  	_ =	shalt  }
0x50: {  	_ =	shalt  }
0x51: {  	_ =	shalt  }
0x52: {  	_ =	shalt  }
0x53: {  	_ =	shalt  }
0x54: {  	_ =	shalt  }
0x55: {  	_ =	shalt  }
0x56: {  	_ =	shalt  }
0x57: {  	_ =	shalt  }
0x58: {  	_ =	shalt  }
0x59: {  	_ =	shalt  }
0x5a: {  	_ =	shalt  }
0x5b: {  	_ =	shalt  }
0x5c: {  	_ =	shalt  }
0x5d: {  	_ =	shalt  }
0x5e: {  	_ =	shalt  }
0x5f: {  	_ =	shalt  }
0x60: {  	_ =	shalt  }
0x61: {  	_ =	shalt  }
0x62: {  	_ =	shalt  }
0x63: {  	_ =	shalt  }
0x64: {  	_ =	shalt  }
0x65: {  	_ =	shalt  }
0x66: {  	_ =	shalt  }
0x67: {  	_ =	shalt  }
0x68: {  	_ =	shalt  }
0x69: {  	_ =	shalt  }
0x6a: {  	_ =	shalt  }
0x6b: {  	_ =	shalt  }
0x6c: {  	_ =	shalt  }
0x6d: {  	_ =	shalt  }
0x6e: {  	_ =	shalt  }
0x6f: {  	_ =	shalt  }
0x70: {  	_ =	shalt  }
0x71: {  	_ =	shalt  }
0x72: {  	_ =	shalt  }
0x73: {  	_ =	shalt  }
0x74: {  	_ =	shalt  }
0x75: {  	_ =	shalt  }
0x76: {  	_ =	shalt  }
0x77: {  	_ =	shalt  }
0x78: {  	_ =	shalt  }
0x79: {  	_ =	shalt  }
0x7a: {  	_ =	shalt  }
0x7b: {  	_ =	shalt  }
0x7c: {  	_ =	shalt  }
0x7d: {  	_ =	shalt  }
0x7e: {  	_ =	shalt  }
0x7f: {  	_ =	shalt  }
0x80: {  	_ =	shalt  }
0x81: {  	_ =	shalt  }
0x82: {  	_ =	shalt  }
0x83: {  	_ =	shalt  }
0x84: {  	_ =	shalt  }
0x85: {  	_ =	shalt  }
0x86: {  	_ =	shalt  }
0x87: {  	_ =	shalt  }
.Lfunc_end0:
.L_simem_size_0:
called_computation.8_lowered:
.L_overlay_start_0:
0x88: {  	s2 =	sld [smem:$0x3FD9]  }
0x89: {  	s3 =	sld [smem:$0x3FFE];
	_ =	sdelay $0x1  }
0x8a: {  	s1 =	srdreg.scid  }
0x8b: {  	s0 =	sand.u32 $0x1, s1  }
0x8c: {  	s17 =	sshll.u32 s0, $0xA;
	s2 =	sadd.s32 s3, s2  }
0x8d: {  	s2 =	sadd.s32 s2, s17  }
0x8e: {  	[smem:$0x3FC2] =	sst s2  }
0x8f: {  	_ = 	snop  }
0x90: {  	s2 =	sld [smem:$0x3FD0];
	(tm) =	ssettm $0x1  }
0x91: {  	s18 =	sld [smem:$0x3FFB];
	_ =	sdelay $0x3  }
0x92: {  	_ =	strace s18  }
0x93: {  	s3 =	sld [smem:$0x3FFC];
	_ =	sdelay $0x3  }
0x94: {  	_ =	strace s3  }
0x95: {  	s3 =	sld [smem:$0x3FFD];
	_ =	sdelay $0x3  }
0x96: {  	_ =	strace s3  }
0x97: {  	_ =	strace $0x8FFFFFFF  }
0x98: {  	s19 =	sld [smem:$0x3FDB];
	_ =	sdelay $0x1  }
0x99: {  	s4 =	simm.s32 $_scs_section_size  }
0x9a: {  	s5 =	simm.s32 $_size__tile_overlayer_lowered;
	s6 =	simm.s32 $_tile_overlayer_lowered  }
0x9b: {  	s22 =	simm.s32 $0x1BFF;
	s21 =	sshll.u32 s6, $0x1;
	s3 =	sadd.s32 s4, s19  }
0x9c: {  	s7 =	simm.s32 $0x0;
	s20 =	sshll.u32 s5, $0x1;
	s5 =	sadd.s32 s21, s3  }
0x9d: {  	[timem:s7], [sflag:s22] =	dma.local [hbm:s5], s20  }
0x9e: {  	_ =	swait.ge [sflag:s22], s20  }
0x9f: {  	s4 =	ssub.s32 $0x0, s20;
	[sflag:s22] =	ssyncset.done $0x0  }
0xa0: {  	[sflag:s22] =	ssyncadd.s32 s4;
	_ =	sdelay $0x1  }
0xa1: {  	s23 =	simm.s32 $0x1B8B  }
0xa2: {  	_ =	swait.ge [sflag:s23], $0x1  }
0xa3: {  	[sflag:s23] =	ssyncset.done $0x0  }
0xa4: {  	s25 =	simm.s32 $0x1B8E;
	s24 =	sld [smem:$0x3FFE];
	[sflag:s23] =	ssyncadd.s32 $0xFFFFFFFF  }
0xa5: {  	s26 =	simm.s32 $execute0_lowered;
	[smem:$0x3FD2] =	sst s25  }
0xa6: {  	s5 =	sshll.u32 s26, $0x1;
	_ =	strace $0x8000005E;
	[dreg:$0x1] =	wrdreg $0xFFFFFFFF  }
0xa7: {  	s28 =	simm.s32 $_size_execute0_lowered;
	s3 =	sadd.s32 s3, s5;
	[dreg:$0x0] =	wrdreg $0x0  }
0xa8: {  	s5 =	sshll.u32 s28, $0x1;
	[dreg:$0x2] =	wrdreg s3  }
0xa9: {  	[dreg:$0x3] =	wrdreg s5  }
0xaa: {  	[dreg:$0x4] =	wrdreg $0xC0  }
0xab: {  	_ =	task [dreg:s7], $0x5FFFF  }
0xac: {  	[dreg:$0x1] =	wrdreg $0xFFFFFFFF  }
0xad: {  	[dreg:$0x0] =	wrdreg $0x60  }
0xae: {  	[dreg:$0x2] =	wrdreg s2  }
0xaf: {  	[dreg:$0x3] =	wrdreg s24  }
0xb0: {  	[dreg:$0x4] =	wrdreg $0x0  }
0xb1: {  	[dreg:$0x5] =	wrdreg $0x62C00  }
0xb2: {  	[dreg:$0x6] =	wrdreg $0x9  }
0xb3: {  	_ =	task.clear_ibuf [dreg:s7], $0x7FFFF;
	_ =	strace $0x9000005E  }
0xb4: {  	s29 =	simm.s32 $0x9;
	_ =	strace $0x80000060  }
0xb5: {  	_ =	swait.ge [sflag:s29], $0x1  }
0xb6: {  	[sflag:s29] =	ssyncadd.s32 $0xFFFFFFFF  }
0xb7: {  	_ =	strace $0x90000060  }
0xb8: {  	_ =	sfence  }
0xb9: {  	s30 =	sld [smem:$0x0];
	_ =	sdelay $0x2  }
0xba: {  	s31 =	sshll.u32 s1, $0xD;
	s1 =	sshrl.u32 s1, $0x2  }
0xbb: {  	s3 =	sand.u32 $0x4000, s31;
	s1 =	sadd.s32 s1, s30  }
0xbc: {  	s0 =	sor.u32 s3, s0;
	s1 =	sshll.u32 s1, $0x11  }
0xbd: {  	s0 =	sor.u32 s1, s0  }
0xbe: {  	s0 =	sadd.s32 $0x8F2B, s0  }
0xbf: {  	[sflag:s0] =	ssyncadd.remote.s32 $0x1  }
0xc0: {  	_ =	sfence.sel $0xFFFF  }
0xc1: {  	[dreg:$0x0] =	wrdreg $0xFFFFFFFF;
	(pc) =	sbr.abs _section_cstart, $3  }
0xc2: {  	[dreg:$0x1] =	wrdreg $0xFFFFFFFF  }
0xc3: {  	_ =	task.clear_ibuf [dreg:s7], $0x2FFFF;
	_ =	strace $0x9FFFFFFF  }
0xc4: {  	(tm) =	ssettm $0x7FFFFFFF  }
0xc5: {  	_ =	shalt  }
tec
execute0_lowered:
.L_overlay_start_1:
0x0: {  	(tag) =	ssettag $0x1  }
0x1: {  	s5 =	rddreg [dreg:$0x0]  }
0x2: {  	s6 =	rddreg [dreg:$0x1]  }
0x3: {  	s1 =	srdreg.scid;
	s2 =	rddreg [dreg:$0x2]  }
0x4: {  	s0 =	stileid.u32;
	s3 =	rddreg [dreg:$0x3];
	s4 =	simm.s32 $0x0  }
0x5: {  	s14 =	simm.s32 $0xC580;
	s15 =	simm.s32 $0x4;
	s16 =	simm.s32 $0xED00  }
0x6: {  	s17 =	simm.s32 $0x2;
	s18 =	simm.s32 $0x3;
	s19 =	simm.s32 $0x80  }
0x7: {  	s20 =	simm.s32 $0x11480;
	s21 =	simm.s32 $0x1;
	s23 =	simm.s32 $0x0  }
0x8: {  	s7 =	sand.u32 $0x1, s1;
	s8 =	smul.u32 $0x62C0, s0;
	s1 =	rddreg [dreg:$0x4]  }
0x9: {  	[smem:$0x7FF] =	sst s4;
	s22 =	sshll.u32 s0, $0x6;
	s9 =	sshll.u32 s7, $0x4  }
0xa: {  	s10 =	smul.u32 $0x62C00, s7;
	_ =	strace $0x8000005F;
	s7 =	ssub.s32 $0x2, s7  }
0xb: {  	s9 =	sor.u32 s0, s9;
	s30 =	sshrl.u32 s7, $0x1;
	s31 =	sshrl.u32 s8, $0x3  }
0xc: {  	s12 =	sadd.s32 s8, s2;
	s13 =	sadd.s32 s8, s3;
	s9 =	smul.u32 $0x4F0, s9  }
0xd: {  	s10 =	sadd.s32 s8, s10;
	s11 =	ssub.s32 s7, s30;
	s5 =	sadd.s32 s5, s31  }
0xe: {  	s13 =	sshrl.u32 s13, $0x3;
	s10 =	sshrl.u32 s10, $0x3;
	s9 =	sadd.s32 s9, s6  }
0xf: {  	s10 =	sadd.s32 s10, s6;
	s6 =	sor.u32 $0x1C02, s22;
	s7 =	sadd.s32 $0x36800, s9  }
0x10: {  	s8 =	sadd.s32 $0x7800, s9;
	s9 =	sadd.s32 $0x11600, s10;
	s10 =	smax.u32 s11, $0x1  }
0x11: {  	s11 =	sshrl.u32 s12, $0x3;
	s12 =	sor.u32 $0x1C03, s22;
	s22 =	sor.u32 $0x1C04, s22  }
.LBB2_1:
0x12: {  	[spmem:s11], [sflag:s6] =	dma.local [hbm:s5], $0xC58  }
0x13: {  	[spmem:s13], [sflag:s12] =	dma.local [hbm:s5], $0xC58  }
0x14: {  	[tilespmem:s14], [sflag:$0x4] =	stream.linear.gather [hbm4b:s7+s4], $0x2780, $0x38;
	[tilespmem:$0x12880] =	vst v63  }
0x15: {  	_ =	swait.ge [sflag:s15], $0x2780  }
0x16: {  	[sflag:s15] =	ssyncset.done $0x0  }
0x17: {  	[sflag:s15] =	ssyncadd.s32 $0xFFFFD880  }
0x18: {  	[tilespmem:s16], [sflag:$0x4] =	stream.linear.gather [hbm4b:s8+s4], $0x2780, $0x38;
	[tilespmem:$0x12880] =	vst v63  }
0x19: {  	_ =	swait.ge [sflag:s15], $0x2780  }
0x1a: {  	[sflag:s15] =	ssyncset.done $0x0  }
0x1b: {  	[sflag:s15] =	ssyncadd.s32 $0xFFFFD880  }
0x1c: {  	_ =	swait.ge [sflag:s17], $0xC58  }
0x1d: {  	[sflag:s17] =	ssyncset.done $0x0  }
0x1e: {  	[sflag:s17] =	ssyncadd.s32 $0xFFFFF3A8  }
0x1f: {  	_ =	swait.ge [sflag:s18], $0xC58  }
0x20: {  	[sflag:s18] =	ssyncset.done $0x0  }
0x21: {  	[sflag:s18] =	ssyncadd.s32 $0xFFFFF3A8  }
0x22: {  	s24 =	simm.s32 $0xC580;
	[bflag:$0x0] =	sbarrier.arrive $0xFFFF  }
0x23: {  	[tilespmem:s20], [sflag:$0x1] =	stream.indirect.gather [spmem:s3], $0x28, s24, s19, $0xb8;
	[tilespmem:$0x12880] =	vst v63  }
0x24: {  	_ =	swait.ge [sflag:s21], $0x1400  }
0x25: {  	[sflag:s21] =	ssyncset.done $0x0  }
0x26: {  	s31 =	simm.s32 $0xED00;
	[sflag:s21] =	ssyncadd.s32 $0xFFFFEC00  }
0x27: {  	[spmem:s2] =	stream.indirect.scatter.add.f32 [tilespmem:s20], [sflag:$0x4], $0x28, s31, s19, $0xb8;
	[tilespmem:$0x12880] =	vst v63  }
0x28: {  	_ =	swait.ge [sflag:s15], $0x1400  }
0x29: {  	s25 =	simm.s32 $0x400;
	s24 =	simm.s32 $0x80;
	[sflag:s15] =	ssyncset.done $0x0  }
.LBB2_2:
0x2a: {  	s26 =	sadd.s32 $0xC580, s24  }
0x2b: {  	[sflag:s15] =	ssyncadd.s32 $0xFFFFEC00;
	s28 =	smov.u32 s25;
	s29 =	sadd.s32 $0x200, s25  }
0x2c: {  	[tilespmem:s20], [sflag:$0x1] =	stream.indirect.gather [spmem:s3], $0x28, s26, s19, $0xb8;
	[tilespmem:$0x12880] =	vst v63  }
0x2d: {  	p0 =	sne.s32 s25, $0x9C00;
	_ =	swait.ge [sflag:s21], $0x1400  }
.Ltmp0:
0x2e: {  	[sflag:s21] =	ssyncset.done $0x0;
	(pc) =	sbr.rel @p0 .LBB2_2-.Ltmp0, $4  }
0x2f: {  	s24 =	sadd.s32 $0xED00, s24;
	[sflag:s21] =	ssyncadd.s32 $0xFFFFEC00  }
0x30: {  	[spmem:s2] =	stream.indirect.scatter.add.f32 [tilespmem:s20], [sflag:$0x4], $0x28, s24, s19, $0xb8;
	[tilespmem:$0x12880] =	vst v63  }
0x31: {  	_ =	swait.ge [sflag:s15], $0x1400  }
0x32: {  	s25 =	smov.u32 s29;
	s24 =	sshra.s32 s28, $0x2;
	[sflag:s15] =	ssyncset.done $0x0  }
0x33: {  	s25 =	sadd.s32 $0xC580, s24;
	[sflag:s15] =	ssyncadd.s32 $0xFFFFEC00  }
0x34: {  	[tilespmem:s20], [sflag:$0x1] =	stream.indirect.gather [spmem:s3], $0x28, s25, s19, $0xb8;
	[tilespmem:$0x12880] =	vst v63  }
0x35: {  	_ =	swait.ge [sflag:s21], $0x1400  }
0x36: {  	[sflag:s21] =	ssyncset.done $0x0  }
0x37: {  	s31 =	sadd.s32 $0xED00, s24;
	[sflag:s21] =	ssyncadd.s32 $0xFFFFEC00  }
0x38: {  	[spmem:s2] =	stream.indirect.scatter.add.f32 [tilespmem:s20], [sflag:$0x4], $0x28, s31, s19, $0xb8;
	[tilespmem:$0x12880] =	vst v63  }
0x39: {  	_ =	swait.ge [sflag:s15], $0x1400  }
0x3a: {  	s23 =	sadd.s32 $0x1, s23;
	[sflag:s15] =	ssyncset.done $0x0  }
0x3b: {  	p0 =	sne.s32 s23, s10;
	[sflag:s15] =	ssyncadd.s32 $0xFFFFEC00  }
.Ltmp1:
0x3c: {  	[bflag:$0x0] =	sbarrier.arrive $0xFFFF;
	(pc) =	sbr.rel @p0 .LBB2_1-.Ltmp1, $4  }
0x3d: {  	[hbm:s9], [sflag:s22] =	dma.local [spmem:s11], $0xC58  }
0x3e: {  	_ =	swait.ge [sflag:s15], $0xC58  }
0x3f: {  	[sflag:s15] =	ssyncset.done $0x0  }
0x40: {  	[sflag:s15] =	ssyncadd.s32 $0xFFFFF3A8  }
0x41: {  	_ =	sfence.sel $0x180000  }
0x42: {  	[bflag:$0x0] =	sbarrier.arrive $0xFFFF  }
0x43: {  	p0 =	sne.s32 s0, $0x0;
	_ =	strace $0x9000005F  }
0x44: {  	s0 =	sadd.s32 @!p0 $0x100000, s1;
	[bflag:$0x2] =	sbarrier.arrive $0xFFFF  }
0x45: {  	[sflag:s0] =	ssyncadd.tile.s32 @!p0 $0x1;
	_ =	shalt  }
.Lfunc_end2:
_tile_overlayer_lowered:
.L_overlay_start_2:
0x46: {  	(tag) =	ssettag $0x2  }
0x47: {  	s0 =	rddreg [dreg:$0x0];
	s2 =	stileid.u32  }
0x48: {  	s1 =	rddreg [dreg:$0x1];
	p0 =	sne.s32 s2, $0x0  }
0x49: {  	s3 =	rddreg [dreg:$0x2];
	[bflag:$0x3] =	sbarrier.arrive $0xFFFF;
	s2 =	simm.s32 @!p0 $0x1C04  }
0x4a: {  	[timem:s3], [sflag:s2] =	dma.local @!p0 [hbm:s0], s1  }
0x4b: {  	s0 =	simm.s32 @!p0 $0x4  }
0x4c: {  	_ =	swait.ge @!p0 [sflag:s0], s1  }
0x4d: {  	s1 =	ssub.s32 @!p0 $0x0, s1;
	[sflag:s0] =	ssyncset.done @!p0 $0x0  }
0x4e: {  	[sflag:s0] =	ssyncadd.s32 @!p0 s1  }
0x4f: {  	[bflag:$0x3] =	sbarrier.arrive $0xFFFF  }
0x50: {  	_ =	shalt  }

// kernel: kernel.52.cloned.1.call-start
scs
__scs_entry_jumppad:
0x0: {  	(pc) =	sbr.rel $0x88, $3  }
0x1: {  	(tag) =	ssettag $0x0;
	lr =	simm.s32 $0x1  }
0x2: {  	[smem:$0x3F9B] =	sst lr;
	_ =	strace $0xD0000000  }
0x3: {  	_ = 	snop  }
0x4: {  	_ = 	snop  }
0x5: {  	_ = 	snop  }
0x6: {  	_ = 	snop  }
0x7: {  	_ = 	snop  }
__scs_overlays_trampoline_lowered:
0x8: {  	[smem:$0x3FAA] =	sst s0  }
0x9: {  	[smem:$0x3FAB] =	sst s1  }
0xa: {  	[smem:$0x3FAC] =	sst s2  }
0xb: {  	[smem:$0x3FAD] =	sst s3  }
0xc: {  	[smem:$0x3FAE] =	sst s4  }
0xd: {  	[smem:$0x3FAF] =	sst s5  }
0xe: {  	[smem:$0x3FB0] =	sst s6  }
0xf: {  	[smem:$0x3FB1] =	sst s7  }
0x10: {  	[smem:$0x3FB2] =	sst s8  }
0x11: {  	[smem:$0x3FB3] =	sst s9;
	s0 =	simm.s32 @!p0 $0x0  }
0x12: {  	s1 =	sld [smem:$0x3F99];
	s0 =	simm.s32 @p0 $0x1  }
0x13: {  	[smem:$0x3FB4] =	sst s0;
	s0 =	simm.s32 @!p1 $0x0  }
0x14: {  	s2 =	sld [smem:$0x3F98];
	s0 =	simm.s32 @p1 $0x1  }
0x15: {  	[smem:$0x3FB5] =	sst s0;
	s0 =	simm.s32 @!p2 $0x0  }
0x16: {  	s3 =	sld [smem:$0x3FDB];
	s0 =	simm.s32 @p2 $0x1  }
0x17: {  	s4 =	simm.s32 $0x1BF5;
	[smem:$0x3FB7] =	sst s0  }
0x18: {  	s0 =	sld [smem:$0x3F9A];
	_ =	swait.ge [sflag:s4], $0x0  }
0x19: {  	s7 =	sld [smem:$0x3F9B]  }
0x1a: {  	s8 =	sadd.s32 $0xFFFFE003, lr  }
0x1b: {  	s9 =	sadd.s32 $0xFFFFFEF7, lr;
	s5 =	simm.s32 $0xFFFFFFFF;
	p2 =	slt.u32 s8, $0xFFFFF086  }
0x1c: {  	p1 =	slt.u32 s9, $0xF7A;
	s5 =	simm.s32 @!p2 $0x0  }
0x1d: {  	s5 =	simm.s32 @p1 $0x1;
	p0 =	seq.s32 s7, s2  }
0x1e: {  	s7 =	smul.u32 @!p0 $0xF7A, s2;
	p2 =	seq.s32 @!p0 s5, $0x0  }
0x1f: {  	s9 =	smul.u32 $0xF7A, s1;
	s8 =	simm.s32 @!p0 $0x1BF5;
	p2 =	por !p2, p0  }
0x20: {  	[sflag:s8] =	ssyncset.s32 @!p0 $0xFFFFF086;
	s6 =	sadd.s32 @!p0 s3, s7;
	s7 =	simm.s32 @!p0 $0x108  }
0x21: {  	s3 =	sadd.s32 s3, s9;
	s6 =	sadd.s32 @!p0 $0x88, s6;
	s7 =	simm.s32 @p2 $0x1082  }
0x22: {  	[simem:s7], [sflag:s8] =	dma.local @!p0 [hbm:s6], $0xF7A  }
0x23: {  	s9 =	sor.u32 $0xD0000000, s2;
	s6 =	simm.s32 $0x108;
	_ =	swait.ge @!p0 [sflag:s8], $0x0  }
0x24: {  	s3 =	sadd.s32 $0x88, s3;
	s6 =	simm.s32 @!p1 $0x1082;
	[sflag:s4] =	ssyncset.s32 $0xFFFFF086  }
0x25: {  	[simem:s6], [sflag:s4] =	dma.local [hbm:s3], $0xF7A  }
0x26: {  	[smem:$0x3F9B] =	sst s1;
	(tag) =	ssettag s2;
	_ =	strace s9  }
0x27: {  	s1 =	sld [smem:$0x3FAB]  }
0x28: {  	s2 =	sld [smem:$0x3FAC]  }
0x29: {  	s4 =	sld [smem:$0x3FAE]  }
0x2a: {  	p0 =	seq.s32 s5, $0x0;
	s5 =	sld [smem:$0x3FAF]  }
0x2b: {  	s6 =	sld [smem:$0x3FB0]  }
0x2c: {  	s7 =	sld [smem:$0x3FB1]  }
0x2d: {  	s3 =	simm.s32 $0x108;
	s8 =	sld [smem:$0x3FB2]  }
0x2e: {  	s3 =	simm.s32 @!p0 $0x1082;
	s9 =	sld [smem:$0x3FB3]  }
0x2f: {  	lr =	sadd.s32 s0, s3;
	s0 =	sld [smem:$0x3FAA]  }
0x30: {  	s3 =	sld [smem:$0x3FAD]  }
0x31: {  	[smem:$0x3FB6] =	sst s10  }
0x32: {  	s10 =	sld [smem:$0x3FB4];
	_ =	sdelay $0x3  }
0x33: {  	p0 =	seq.s32 s10, $0x1;
	s10 =	sld [smem:$0x3FB6];
	_ =	sdelay $0x3  }
0x34: {  	[smem:$0x3FB6] =	sst s10  }
0x35: {  	s10 =	sld [smem:$0x3FB5];
	_ =	sdelay $0x3  }
0x36: {  	p1 =	seq.s32 s10, $0x1;
	s10 =	sld [smem:$0x3FB6];
	_ =	sdelay $0x3  }
0x37: {  	[smem:$0x3FB6] =	sst s10  }
0x38: {  	s10 =	sld [smem:$0x3FB7]  }
0x39: {  	_ = 	snop;
	(pc) =	sbr.ind lr, $3  }
0x3a: {  	_ = 	snop  }
0x3b: {  	_ = 	snop  }
0x3c: {  	p2 =	seq.s32 s10, $0x1;
	s10 =	sld [smem:$0x3FB6]  }
0x3d: {  	_ =	shalt  }
0x3e: {  	_ =	shalt  }
0x3f: {  	_ =	shalt  }
0x40: {  	_ =	shalt  }
0x41: {  	_ =	shalt  }
0x42: {  	_ =	shalt  }
0x43: {  	_ =	shalt  }
0x44: {  	_ =	shalt  }
0x45: {  	_ =	shalt  }
0x46: {  	_ =	shalt  }
0x47: {  	_ =	shalt  }
0x48: {  	_ =	shalt  }
0x49: {  	_ =	shalt  }
0x4a: {  	_ =	shalt  }
0x4b: {  	_ =	shalt  }
0x4c: {  	_ =	shalt  }
0x4d: {  	_ =	shalt  }
0x4e: {  	_ =	shalt  }
0x4f: {  	_ =	shalt  }
0x50: {  	_ =	shalt  }
0x51: {  	_ =	shalt  }
0x52: {  	_ =	shalt  }
0x53: {  	_ =	shalt  }
0x54: {  	_ =	shalt  }
0x55: {  	_ =	shalt  }
0x56: {  	_ =	shalt  }
0x57: {  	_ =	shalt  }
0x58: {  	_ =	shalt  }
0x59: {  	_ =	shalt  }
0x5a: {  	_ =	shalt  }
0x5b: {  	_ =	shalt  }
0x5c: {  	_ =	shalt  }
0x5d: {  	_ =	shalt  }
0x5e: {  	_ =	shalt  }
0x5f: {  	_ =	shalt  }
0x60: {  	_ =	shalt  }
0x61: {  	_ =	shalt  }
0x62: {  	_ =	shalt  }
0x63: {  	_ =	shalt  }
0x64: {  	_ =	shalt  }
0x65: {  	_ =	shalt  }
0x66: {  	_ =	shalt  }
0x67: {  	_ =	shalt  }
0x68: {  	_ =	shalt  }
0x69: {  	_ =	shalt  }
0x6a: {  	_ =	shalt  }
0x6b: {  	_ =	shalt  }
0x6c: {  	_ =	shalt  }
0x6d: {  	_ =	shalt  }
0x6e: {  	_ =	shalt  }
0x6f: {  	_ =	shalt  }
0x70: {  	_ =	shalt  }
0x71: {  	_ =	shalt  }
0x72: {  	_ =	shalt  }
0x73: {  	_ =	shalt  }
0x74: {  	_ =	shalt  }
0x75: {  	_ =	shalt  }
0x76: {  	_ =	shalt  }
0x77: {  	_ =	shalt  }
0x78: {  	_ =	shalt  }
0x79: {  	_ =	shalt  }
0x7a: {  	_ =	shalt  }
0x7b: {  	_ =	shalt  }
0x7c: {  	_ =	shalt  }
0x7d: {  	_ =	shalt  }
0x7e: {  	_ =	shalt  }
0x7f: {  	_ =	shalt  }
0x80: {  	_ =	shalt  }
0x81: {  	_ =	shalt  }
0x82: {  	_ =	shalt  }
0x83: {  	_ =	shalt  }
0x84: {  	_ =	shalt  }
0x85: {  	_ =	shalt  }
0x86: {  	_ =	shalt  }
0x87: {  	_ =	shalt  }
.Lfunc_end0:
.L_simem_size_0:
called_computation.9_lowered:
.L_overlay_start_0:
0x88: {  	s2 =	sld [smem:$0x3FD9]  }
0x89: {  	s3 =	sld [smem:$0x3FFE];
	_ =	sdelay $0x1  }
0x8a: {  	s1 =	srdreg.scid  }
0x8b: {  	s0 =	sand.u32 $0x1, s1  }
0x8c: {  	s17 =	sshll.u32 s0, $0xA;
	s2 =	sadd.s32 s3, s2  }
0x8d: {  	s2 =	sadd.s32 s2, s17  }
0x8e: {  	[smem:$0x3FC2] =	sst s2  }
0x8f: {  	_ = 	snop  }
0x90: {  	s2 =	sld [smem:$0x3FD0];
	(tm) =	ssettm $0x1  }
0x91: {  	s18 =	sld [smem:$0x3FFB];
	_ =	sdelay $0x3  }
0x92: {  	_ =	strace s18  }
0x93: {  	s3 =	sld [smem:$0x3FFC];
	_ =	sdelay $0x3  }
0x94: {  	_ =	strace s3  }
0x95: {  	s3 =	sld [smem:$0x3FFD];
	_ =	sdelay $0x3  }
0x96: {  	_ =	strace s3  }
0x97: {  	_ =	strace $0x8FFFFFFF  }
0x98: {  	s19 =	sld [smem:$0x3FDB];
	_ =	sdelay $0x1  }
0x99: {  	s4 =	simm.s32 $_scs_section_size  }
0x9a: {  	s5 =	simm.s32 $_size__tile_overlayer_lowered;
	s6 =	simm.s32 $_tile_overlayer_lowered  }
0x9b: {  	s22 =	simm.s32 $0x1BFF;
	s21 =	sshll.u32 s6, $0x1;
	s3 =	sadd.s32 s4, s19  }
0x9c: {  	s7 =	simm.s32 $0x0;
	s20 =	sshll.u32 s5, $0x1;
	s5 =	sadd.s32 s21, s3  }
0x9d: {  	[timem:s7], [sflag:s22] =	dma.local [hbm:s5], s20  }
0x9e: {  	_ =	swait.ge [sflag:s22], s20  }
0x9f: {  	s4 =	ssub.s32 $0x0, s20;
	[sflag:s22] =	ssyncset.done $0x0  }
0xa0: {  	[sflag:s22] =	ssyncadd.s32 s4;
	_ =	sdelay $0x1  }
0xa1: {  	s23 =	simm.s32 $0x1B8B  }
0xa2: {  	_ =	swait.ge [sflag:s23], $0x1  }
0xa3: {  	[sflag:s23] =	ssyncset.done $0x0  }
0xa4: {  	s25 =	simm.s32 $0x1B8E;
	s24 =	sld [smem:$0x3FFE];
	[sflag:s23] =	ssyncadd.s32 $0xFFFFFFFF  }
0xa5: {  	s26 =	simm.s32 $execute0_lowered;
	[smem:$0x3FD2] =	sst s25  }
0xa6: {  	s5 =	sshll.u32 s26, $0x1;
	_ =	strace $0x80000061;
	[dreg:$0x1] =	wrdreg $0xFFFFFFFF  }
0xa7: {  	s28 =	simm.s32 $_size_execute0_lowered;
	s3 =	sadd.s32 s3, s5;
	[dreg:$0x0] =	wrdreg $0x0  }
0xa8: {  	s5 =	sshll.u32 s28, $0x1;
	[dreg:$0x2] =	wrdreg s3  }
0xa9: {  	[dreg:$0x3] =	wrdreg s5  }
0xaa: {  	[dreg:$0x4] =	wrdreg $0xC0  }
0xab: {  	_ =	task [dreg:s7], $0x5FFFF  }
0xac: {  	[dreg:$0x1] =	wrdreg $0xFFFFFFFF  }
0xad: {  	[dreg:$0x0] =	wrdreg $0x60  }
0xae: {  	[dreg:$0x2] =	wrdreg s2  }
0xaf: {  	[dreg:$0x3] =	wrdreg s24  }
0xb0: {  	[dreg:$0x4] =	wrdreg $0x0  }
0xb1: {  	[dreg:$0x5] =	wrdreg $0x62C00  }
0xb2: {  	[dreg:$0x6] =	wrdreg $0x9  }
0xb3: {  	_ =	task.clear_ibuf [dreg:s7], $0x7FFFF;
	_ =	strace $0x90000061  }
0xb4: {  	s29 =	simm.s32 $0x9;
	_ =	strace $0x80000063  }
0xb5: {  	_ =	swait.ge [sflag:s29], $0x1  }
0xb6: {  	[sflag:s29] =	ssyncadd.s32 $0xFFFFFFFF  }
0xb7: {  	_ =	strace $0x90000063  }
0xb8: {  	_ =	sfence  }
0xb9: {  	s30 =	sld [smem:$0x0];
	_ =	sdelay $0x2  }
0xba: {  	s31 =	sshll.u32 s1, $0xD;
	s1 =	sshrl.u32 s1, $0x2  }
0xbb: {  	s3 =	sand.u32 $0x4000, s31;
	s1 =	sadd.s32 s1, s30  }
0xbc: {  	s0 =	sor.u32 s3, s0;
	s1 =	sshll.u32 s1, $0x11  }
0xbd: {  	s0 =	sor.u32 s1, s0  }
0xbe: {  	s0 =	sadd.s32 $0x8F2B, s0  }
0xbf: {  	[sflag:s0] =	ssyncadd.remote.s32 $0x1  }
0xc0: {  	_ =	sfence.sel $0xFFFF  }
0xc1: {  	[dreg:$0x0] =	wrdreg $0xFFFFFFFF;
	(pc) =	sbr.abs _section_cstart, $3  }
0xc2: {  	[dreg:$0x1] =	wrdreg $0xFFFFFFFF  }
0xc3: {  	_ =	task.clear_ibuf [dreg:s7], $0x2FFFF;
	_ =	strace $0x9FFFFFFF  }
0xc4: {  	(tm) =	ssettm $0x7FFFFFFF  }
0xc5: {  	_ =	shalt  }
tec
execute0_lowered:
.L_overlay_start_1:
0x0: {  	(tag) =	ssettag $0x1  }
0x1: {  	s5 =	rddreg [dreg:$0x0]  }
0x2: {  	s6 =	rddreg [dreg:$0x1]  }
0x3: {  	s1 =	srdreg.scid;
	s2 =	rddreg [dreg:$0x2]  }
0x4: {  	s0 =	stileid.u32;
	s3 =	rddreg [dreg:$0x3];
	s4 =	simm.s32 $0x0  }
0x5: {  	s14 =	simm.s32 $0xC580;
	s15 =	simm.s32 $0x4;
	s16 =	simm.s32 $0xED00  }
0x6: {  	s17 =	simm.s32 $0x2;
	s18 =	simm.s32 $0x3;
	s19 =	simm.s32 $0x80  }
0x7: {  	s20 =	simm.s32 $0x11480;
	s21 =	simm.s32 $0x1;
	s23 =	simm.s32 $0x0  }
0x8: {  	s7 =	sand.u32 $0x1, s1;
	s8 =	smul.u32 $0x62C0, s0;
	s1 =	rddreg [dreg:$0x4]  }
0x9: {  	[smem:$0x7FF] =	sst s4;
	s22 =	sshll.u32 s0, $0x6;
	s9 =	sshll.u32 s7, $0x4  }
0xa: {  	s10 =	smul.u32 $0x62C00, s7;
	_ =	strace $0x80000062;
	s7 =	ssub.s32 $0x2, s7  }
0xb: {  	s9 =	sor.u32 s0, s9;
	s30 =	sshrl.u32 s7, $0x1;
	s31 =	sshrl.u32 s8, $0x3  }
0xc: {  	s12 =	sadd.s32 s8, s2;
	s13 =	sadd.s32 s8, s3;
	s9 =	smul.u32 $0x4F0, s9  }
0xd: {  	s10 =	sadd.s32 s8, s10;
	s11 =	ssub.s32 s7, s30;
	s5 =	sadd.s32 s5, s31  }
0xe: {  	s13 =	sshrl.u32 s13, $0x3;
	s10 =	sshrl.u32 s10, $0x3;
	s9 =	sadd.s32 s9, s6  }
0xf: {  	s10 =	sadd.s32 s10, s6;
	s6 =	sor.u32 $0x1C02, s22;
	s7 =	sadd.s32 $0x36800, s9  }
0x10: {  	s8 =	sadd.s32 $0x7800, s9;
	s9 =	sadd.s32 $0x11600, s10;
	s10 =	smax.u32 s11, $0x1  }
0x11: {  	s11 =	sshrl.u32 s12, $0x3;
	s12 =	sor.u32 $0x1C03, s22;
	s22 =	sor.u32 $0x1C04, s22  }
.LBB2_1:
0x12: {  	[spmem:s11], [sflag:s6] =	dma.local [hbm:s5], $0xC58  }
0x13: {  	[spmem:s13], [sflag:s12] =	dma.local [hbm:s5], $0xC58  }
0x14: {  	[tilespmem:s14], [sflag:$0x4] =	stream.linear.gather [hbm4b:s7+s4], $0x2780, $0x38;
	[tilespmem:$0x12880] =	vst v63  }
0x15: {  	_ =	swait.ge [sflag:s15], $0x2780  }
0x16: {  	[sflag:s15] =	ssyncset.done $0x0  }
0x17: {  	[sflag:s15] =	ssyncadd.s32 $0xFFFFD880  }
0x18: {  	[tilespmem:s16], [sflag:$0x4] =	stream.linear.gather [hbm4b:s8+s4], $0x2780, $0x38;
	[tilespmem:$0x12880] =	vst v63  }
0x19: {  	_ =	swait.ge [sflag:s15], $0x2780  }
0x1a: {  	[sflag:s15] =	ssyncset.done $0x0  }
0x1b: {  	[sflag:s15] =	ssyncadd.s32 $0xFFFFD880  }
0x1c: {  	_ =	swait.ge [sflag:s17], $0xC58  }
0x1d: {  	[sflag:s17] =	ssyncset.done $0x0  }
0x1e: {  	[sflag:s17] =	ssyncadd.s32 $0xFFFFF3A8  }
0x1f: {  	_ =	swait.ge [sflag:s18], $0xC58  }
0x20: {  	[sflag:s18] =	ssyncset.done $0x0  }
0x21: {  	[sflag:s18] =	ssyncadd.s32 $0xFFFFF3A8  }
0x22: {  	s24 =	simm.s32 $0xC580;
	[bflag:$0x0] =	sbarrier.arrive $0xFFFF  }
0x23: {  	[tilespmem:s20], [sflag:$0x1] =	stream.indirect.gather [spmem:s3], $0x28, s24, s19, $0xb8;
	[tilespmem:$0x12880] =	vst v63  }
0x24: {  	_ =	swait.ge [sflag:s21], $0x1400  }
0x25: {  	[sflag:s21] =	ssyncset.done $0x0  }
0x26: {  	s31 =	simm.s32 $0xED00;
	[sflag:s21] =	ssyncadd.s32 $0xFFFFEC00  }
0x27: {  	[spmem:s2] =	stream.indirect.scatter.add.f32 [tilespmem:s20], [sflag:$0x4], $0x28, s31, s19, $0xb8;
	[tilespmem:$0x12880] =	vst v63  }
0x28: {  	_ =	swait.ge [sflag:s15], $0x1400  }
0x29: {  	s25 =	simm.s32 $0x400;
	s24 =	simm.s32 $0x80;
	[sflag:s15] =	ssyncset.done $0x0  }
.LBB2_2:
0x2a: {  	s26 =	sadd.s32 $0xC580, s24  }
0x2b: {  	[sflag:s15] =	ssyncadd.s32 $0xFFFFEC00;
	s28 =	smov.u32 s25;
	s29 =	sadd.s32 $0x200, s25  }
0x2c: {  	[tilespmem:s20], [sflag:$0x1] =	stream.indirect.gather [spmem:s3], $0x28, s26, s19, $0xb8;
	[tilespmem:$0x12880] =	vst v63  }
0x2d: {  	p0 =	sne.s32 s25, $0x9C00;
	_ =	swait.ge [sflag:s21], $0x1400  }
.Ltmp0:
0x2e: {  	[sflag:s21] =	ssyncset.done $0x0;
	(pc) =	sbr.rel @p0 .LBB2_2-.Ltmp0, $4  }
0x2f: {  	s24 =	sadd.s32 $0xED00, s24;
	[sflag:s21] =	ssyncadd.s32 $0xFFFFEC00  }
0x30: {  	[spmem:s2] =	stream.indirect.scatter.add.f32 [tilespmem:s20], [sflag:$0x4], $0x28, s24, s19, $0xb8;
	[tilespmem:$0x12880] =	vst v63  }
0x31: {  	_ =	swait.ge [sflag:s15], $0x1400  }
0x32: {  	s25 =	smov.u32 s29;
	s24 =	sshra.s32 s28, $0x2;
	[sflag:s15] =	ssyncset.done $0x0  }
0x33: {  	s25 =	sadd.s32 $0xC580, s24;
	[sflag:s15] =	ssyncadd.s32 $0xFFFFEC00  }
0x34: {  	[tilespmem:s20], [sflag:$0x1] =	stream.indirect.gather [spmem:s3], $0x28, s25, s19, $0xb8;
	[tilespmem:$0x12880] =	vst v63  }
0x35: {  	_ =	swait.ge [sflag:s21], $0x1400  }
0x36: {  	[sflag:s21] =	ssyncset.done $0x0  }
0x37: {  	s31 =	sadd.s32 $0xED00, s24;
	[sflag:s21] =	ssyncadd.s32 $0xFFFFEC00  }
0x38: {  	[spmem:s2] =	stream.indirect.scatter.add.f32 [tilespmem:s20], [sflag:$0x4], $0x28, s31, s19, $0xb8;
	[tilespmem:$0x12880] =	vst v63  }
0x39: {  	_ =	swait.ge [sflag:s15], $0x1400  }
0x3a: {  	s23 =	sadd.s32 $0x1, s23;
	[sflag:s15] =	ssyncset.done $0x0  }
0x3b: {  	p0 =	sne.s32 s23, s10;
	[sflag:s15] =	ssyncadd.s32 $0xFFFFEC00  }
.Ltmp1:
0x3c: {  	[bflag:$0x0] =	sbarrier.arrive $0xFFFF;
	(pc) =	sbr.rel @p0 .LBB2_1-.Ltmp1, $4  }
0x3d: {  	[hbm:s9], [sflag:s22] =	dma.local [spmem:s11], $0xC58  }
0x3e: {  	_ =	swait.ge [sflag:s15], $0xC58  }
0x3f: {  	[sflag:s15] =	ssyncset.done $0x0  }
0x40: {  	[sflag:s15] =	ssyncadd.s32 $0xFFFFF3A8  }
0x41: {  	_ =	sfence.sel $0x180000  }
0x42: {  	[bflag:$0x0] =	sbarrier.arrive $0xFFFF  }
0x43: {  	p0 =	sne.s32 s0, $0x0;
	_ =	strace $0x90000062  }
0x44: {  	s0 =	sadd.s32 @!p0 $0x100000, s1;
	[bflag:$0x2] =	sbarrier.arrive $0xFFFF  }
0x45: {  	[sflag:s0] =	ssyncadd.tile.s32 @!p0 $0x1;
	_ =	shalt  }
.Lfunc_end2:
_tile_overlayer_lowered:
.L_overlay_start_2:
0x46: {  	(tag) =	ssettag $0x2  }
0x47: {  	s0 =	rddreg [dreg:$0x0];
	s2 =	stileid.u32  }
0x48: {  	s1 =	rddreg [dreg:$0x1];
	p0 =	sne.s32 s2, $0x0  }
0x49: {  	s3 =	rddreg [dreg:$0x2];
	[bflag:$0x3] =	sbarrier.arrive $0xFFFF;
	s2 =	simm.s32 @!p0 $0x1C04  }
0x4a: {  	[timem:s3], [sflag:s2] =	dma.local @!p0 [hbm:s0], s1  }
0x4b: {  	s0 =	simm.s32 @!p0 $0x4  }
0x4c: {  	_ =	swait.ge @!p0 [sflag:s0], s1  }
0x4d: {  	s1 =	ssub.s32 @!p0 $0x0, s1;
	[sflag:s0] =	ssyncset.done @!p0 $0x0  }
0x4e: {  	[sflag:s0] =	ssyncadd.s32 @!p0 s1  }
0x4f: {  	[bflag:$0x3] =	sbarrier.arrive $0xFFFF  }
0x50: {  	_ =	shalt  }

// kernel: kernel.55.cloned.1.call-start
scs
__scs_entry_jumppad:
0x0: {  	(pc) =	sbr.rel $0x88, $3  }
0x1: {  	(tag) =	ssettag $0x0;
	lr =	simm.s32 $0x1  }
0x2: {  	[smem:$0x3F9B] =	sst lr;
	_ =	strace $0xD0000000  }
0x3: {  	_ = 	snop  }
0x4: {  	_ = 	snop  }
0x5: {  	_ = 	snop  }
0x6: {  	_ = 	snop  }
0x7: {  	_ = 	snop  }
__scs_overlays_trampoline_lowered:
0x8: {  	[smem:$0x3FAA] =	sst s0  }
0x9: {  	[smem:$0x3FAB] =	sst s1  }
0xa: {  	[smem:$0x3FAC] =	sst s2  }
0xb: {  	[smem:$0x3FAD] =	sst s3  }
0xc: {  	[smem:$0x3FAE] =	sst s4  }
0xd: {  	[smem:$0x3FAF] =	sst s5  }
0xe: {  	[smem:$0x3FB0] =	sst s6  }
0xf: {  	[smem:$0x3FB1] =	sst s7  }
0x10: {  	[smem:$0x3FB2] =	sst s8  }
0x11: {  	[smem:$0x3FB3] =	sst s9;
	s0 =	simm.s32 @!p0 $0x0  }
0x12: {  	s1 =	sld [smem:$0x3F99];
	s0 =	simm.s32 @p0 $0x1  }
0x13: {  	[smem:$0x3FB4] =	sst s0;
	s0 =	simm.s32 @!p1 $0x0  }
0x14: {  	s2 =	sld [smem:$0x3F98];
	s0 =	simm.s32 @p1 $0x1  }
0x15: {  	[smem:$0x3FB5] =	sst s0;
	s0 =	simm.s32 @!p2 $0x0  }
0x16: {  	s3 =	sld [smem:$0x3FDB];
	s0 =	simm.s32 @p2 $0x1  }
0x17: {  	s4 =	simm.s32 $0x1BF5;
	[smem:$0x3FB7] =	sst s0  }
0x18: {  	s0 =	sld [smem:$0x3F9A];
	_ =	swait.ge [sflag:s4], $0x0  }
0x19: {  	s7 =	sld [smem:$0x3F9B]  }
0x1a: {  	s8 =	sadd.s32 $0xFFFFE003, lr  }
0x1b: {  	s9 =	sadd.s32 $0xFFFFFEF7, lr;
	s5 =	simm.s32 $0xFFFFFFFF;
	p2 =	slt.u32 s8, $0xFFFFF086  }
0x1c: {  	p1 =	slt.u32 s9, $0xF7A;
	s5 =	simm.s32 @!p2 $0x0  }
0x1d: {  	s5 =	simm.s32 @p1 $0x1;
	p0 =	seq.s32 s7, s2  }
0x1e: {  	s7 =	smul.u32 @!p0 $0xF7A, s2;
	p2 =	seq.s32 @!p0 s5, $0x0  }
0x1f: {  	s9 =	smul.u32 $0xF7A, s1;
	s8 =	simm.s32 @!p0 $0x1BF5;
	p2 =	por !p2, p0  }
0x20: {  	[sflag:s8] =	ssyncset.s32 @!p0 $0xFFFFF086;
	s6 =	sadd.s32 @!p0 s3, s7;
	s7 =	simm.s32 @!p0 $0x108  }
0x21: {  	s3 =	sadd.s32 s3, s9;
	s6 =	sadd.s32 @!p0 $0x88, s6;
	s7 =	simm.s32 @p2 $0x1082  }
0x22: {  	[simem:s7], [sflag:s8] =	dma.local @!p0 [hbm:s6], $0xF7A  }
0x23: {  	s9 =	sor.u32 $0xD0000000, s2;
	s6 =	simm.s32 $0x108;
	_ =	swait.ge @!p0 [sflag:s8], $0x0  }
0x24: {  	s3 =	sadd.s32 $0x88, s3;
	s6 =	simm.s32 @!p1 $0x1082;
	[sflag:s4] =	ssyncset.s32 $0xFFFFF086  }
0x25: {  	[simem:s6], [sflag:s4] =	dma.local [hbm:s3], $0xF7A  }
0x26: {  	[smem:$0x3F9B] =	sst s1;
	(tag) =	ssettag s2;
	_ =	strace s9  }
0x27: {  	s1 =	sld [smem:$0x3FAB]  }
0x28: {  	s2 =	sld [smem:$0x3FAC]  }
0x29: {  	s4 =	sld [smem:$0x3FAE]  }
0x2a: {  	p0 =	seq.s32 s5, $0x0;
	s5 =	sld [smem:$0x3FAF]  }
0x2b: {  	s6 =	sld [smem:$0x3FB0]  }
0x2c: {  	s7 =	sld [smem:$0x3FB1]  }
0x2d: {  	s3 =	simm.s32 $0x108;
	s8 =	sld [smem:$0x3FB2]  }
0x2e: {  	s3 =	simm.s32 @!p0 $0x1082;
	s9 =	sld [smem:$0x3FB3]  }
0x2f: {  	lr =	sadd.s32 s0, s3;
	s0 =	sld [smem:$0x3FAA]  }
0x30: {  	s3 =	sld [smem:$0x3FAD]  }
0x31: {  	[smem:$0x3FB6] =	sst s10  }
0x32: {  	s10 =	sld [smem:$0x3FB4];
	_ =	sdelay $0x3  }
0x33: {  	p0 =	seq.s32 s10, $0x1;
	s10 =	sld [smem:$0x3FB6];
	_ =	sdelay $0x3  }
0x34: {  	[smem:$0x3FB6] =	sst s10  }
0x35: {  	s10 =	sld [smem:$0x3FB5];
	_ =	sdelay $0x3  }
0x36: {  	p1 =	seq.s32 s10, $0x1;
	s10 =	sld [smem:$0x3FB6];
	_ =	sdelay $0x3  }
0x37: {  	[smem:$0x3FB6] =	sst s10  }
0x38: {  	s10 =	sld [smem:$0x3FB7]  }
0x39: {  	_ = 	snop;
	(pc) =	sbr.ind lr, $3  }
0x3a: {  	_ = 	snop  }
0x3b: {  	_ = 	snop  }
0x3c: {  	p2 =	seq.s32 s10, $0x1;
	s10 =	sld [smem:$0x3FB6]  }
0x3d: {  	_ =	shalt  }
0x3e: {  	_ =	shalt  }
0x3f: {  	_ =	shalt  }
0x40: {  	_ =	shalt  }
0x41: {  	_ =	shalt  }
0x42: {  	_ =	shalt  }
0x43: {  	_ =	shalt  }
0x44: {  	_ =	shalt  }
0x45: {  	_ =	shalt  }
0x46: {  	_ =	shalt  }
0x47: {  	_ =	shalt  }
0x48: {  	_ =	shalt  }
0x49: {  	_ =	shalt  }
0x4a: {  	_ =	shalt  }
0x4b: {  	_ =	shalt  }
0x4c: {  	_ =	shalt  }
0x4d: {  	_ =	shalt  }
0x4e: {  	_ =	shalt  }
0x4f: {  	_ =	shalt  }
0x50: {  	_ =	shalt  }
0x51: {  	_ =	shalt  }
0x52: {  	_ =	shalt  }
0x53: {  	_ =	shalt  }
0x54: {  	_ =	shalt  }
0x55: {  	_ =	shalt  }
0x56: {  	_ =	shalt  }
0x57: {  	_ =	shalt  }
0x58: {  	_ =	shalt  }
0x59: {  	_ =	shalt  }
0x5a: {  	_ =	shalt  }
0x5b: {  	_ =	shalt  }
0x5c: {  	_ =	shalt  }
0x5d: {  	_ =	shalt  }
0x5e: {  	_ =	shalt  }
0x5f: {  	_ =	shalt  }
0x60: {  	_ =	shalt  }
0x61: {  	_ =	shalt  }
0x62: {  	_ =	shalt  }
0x63: {  	_ =	shalt  }
0x64: {  	_ =	shalt  }
0x65: {  	_ =	shalt  }
0x66: {  	_ =	shalt  }
0x67: {  	_ =	shalt  }
0x68: {  	_ =	shalt  }
0x69: {  	_ =	shalt  }
0x6a: {  	_ =	shalt  }
0x6b: {  	_ =	shalt  }
0x6c: {  	_ =	shalt  }
0x6d: {  	_ =	shalt  }
0x6e: {  	_ =	shalt  }
0x6f: {  	_ =	shalt  }
0x70: {  	_ =	shalt  }
0x71: {  	_ =	shalt  }
0x72: {  	_ =	shalt  }
0x73: {  	_ =	shalt  }
0x74: {  	_ =	shalt  }
0x75: {  	_ =	shalt  }
0x76: {  	_ =	shalt  }
0x77: {  	_ =	shalt  }
0x78: {  	_ =	shalt  }
0x79: {  	_ =	shalt  }
0x7a: {  	_ =	shalt  }
0x7b: {  	_ =	shalt  }
0x7c: {  	_ =	shalt  }
0x7d: {  	_ =	shalt  }
0x7e: {  	_ =	shalt  }
0x7f: {  	_ =	shalt  }
0x80: {  	_ =	shalt  }
0x81: {  	_ =	shalt  }
0x82: {  	_ =	shalt  }
0x83: {  	_ =	shalt  }
0x84: {  	_ =	shalt  }
0x85: {  	_ =	shalt  }
0x86: {  	_ =	shalt  }
0x87: {  	_ =	shalt  }
.Lfunc_end0:
.L_simem_size_0:
called_computation.10_lowered:
.L_overlay_start_0:
0x88: {  	s2 =	sld [smem:$0x3FD9]  }
0x89: {  	s3 =	sld [smem:$0x3FFE];
	_ =	sdelay $0x1  }
0x8a: {  	s1 =	srdreg.scid  }
0x8b: {  	s0 =	sand.u32 $0x1, s1  }
0x8c: {  	s17 =	sshll.u32 s0, $0xA;
	s2 =	sadd.s32 s3, s2  }
0x8d: {  	s2 =	sadd.s32 s2, s17  }
0x8e: {  	[smem:$0x3FC2] =	sst s2  }
0x8f: {  	_ = 	snop  }
0x90: {  	s2 =	sld [smem:$0x3FD0];
	(tm) =	ssettm $0x1  }
0x91: {  	s18 =	sld [smem:$0x3FFB];
	_ =	sdelay $0x3  }
0x92: {  	_ =	strace s18  }
0x93: {  	s3 =	sld [smem:$0x3FFC];
	_ =	sdelay $0x3  }
0x94: {  	_ =	strace s3  }
0x95: {  	s3 =	sld [smem:$0x3FFD];
	_ =	sdelay $0x3  }
0x96: {  	_ =	strace s3  }
0x97: {  	_ =	strace $0x8FFFFFFF  }
0x98: {  	s19 =	sld [smem:$0x3FDB];
	_ =	sdelay $0x1  }
0x99: {  	s4 =	simm.s32 $_scs_section_size  }
0x9a: {  	s5 =	simm.s32 $_size__tile_overlayer_lowered;
	s6 =	simm.s32 $_tile_overlayer_lowered  }
0x9b: {  	s22 =	simm.s32 $0x1BFF;
	s21 =	sshll.u32 s6, $0x1;
	s3 =	sadd.s32 s4, s19  }
0x9c: {  	s7 =	simm.s32 $0x0;
	s20 =	sshll.u32 s5, $0x1;
	s5 =	sadd.s32 s21, s3  }
0x9d: {  	[timem:s7], [sflag:s22] =	dma.local [hbm:s5], s20  }
0x9e: {  	_ =	swait.ge [sflag:s22], s20  }
0x9f: {  	s4 =	ssub.s32 $0x0, s20;
	[sflag:s22] =	ssyncset.done $0x0  }
0xa0: {  	[sflag:s22] =	ssyncadd.s32 s4;
	_ =	sdelay $0x1  }
0xa1: {  	s23 =	simm.s32 $0x1B8B  }
0xa2: {  	_ =	swait.ge [sflag:s23], $0x1  }
0xa3: {  	[sflag:s23] =	ssyncset.done $0x0  }
0xa4: {  	s25 =	simm.s32 $0x1B8E;
	s24 =	sld [smem:$0x3FFE];
	[sflag:s23] =	ssyncadd.s32 $0xFFFFFFFF  }
0xa5: {  	s26 =	simm.s32 $execute0_lowered;
	[smem:$0x3FD2] =	sst s25  }
0xa6: {  	s5 =	sshll.u32 s26, $0x1;
	_ =	strace $0x80000064;
	[dreg:$0x1] =	wrdreg $0xFFFFFFFF  }
0xa7: {  	s28 =	simm.s32 $_size_execute0_lowered;
	s3 =	sadd.s32 s3, s5;
	[dreg:$0x0] =	wrdreg $0x0  }
0xa8: {  	s5 =	sshll.u32 s28, $0x1;
	[dreg:$0x2] =	wrdreg s3  }
0xa9: {  	[dreg:$0x3] =	wrdreg s5  }
0xaa: {  	[dreg:$0x4] =	wrdreg $0xC0  }
0xab: {  	_ =	task [dreg:s7], $0x5FFFF  }
0xac: {  	[dreg:$0x1] =	wrdreg $0xFFFFFFFF  }
0xad: {  	[dreg:$0x0] =	wrdreg $0x60  }
0xae: {  	[dreg:$0x2] =	wrdreg s2  }
0xaf: {  	[dreg:$0x3] =	wrdreg s24  }
0xb0: {  	[dreg:$0x4] =	wrdreg $0x0  }
0xb1: {  	[dreg:$0x5] =	wrdreg $0x62C00  }
0xb2: {  	[dreg:$0x6] =	wrdreg $0x9  }
0xb3: {  	_ =	task.clear_ibuf [dreg:s7], $0x7FFFF;
	_ =	strace $0x90000064  }
0xb4: {  	s29 =	simm.s32 $0x9;
	_ =	strace $0x80000066  }
0xb5: {  	_ =	swait.ge [sflag:s29], $0x1  }
0xb6: {  	[sflag:s29] =	ssyncadd.s32 $0xFFFFFFFF  }
0xb7: {  	_ =	strace $0x90000066  }
0xb8: {  	_ =	sfence  }
0xb9: {  	s30 =	sld [smem:$0x0];
	_ =	sdelay $0x2  }
0xba: {  	s31 =	sshll.u32 s1, $0xD;
	s1 =	sshrl.u32 s1, $0x2  }
0xbb: {  	s3 =	sand.u32 $0x4000, s31;
	s1 =	sadd.s32 s1, s30  }
0xbc: {  	s0 =	sor.u32 s3, s0;
	s1 =	sshll.u32 s1, $0x11  }
0xbd: {  	s0 =	sor.u32 s1, s0  }
0xbe: {  	s0 =	sadd.s32 $0x8F2B, s0  }
0xbf: {  	[sflag:s0] =	ssyncadd.remote.s32 $0x1  }
0xc0: {  	_ =	sfence.sel $0xFFFF  }
0xc1: {  	[dreg:$0x0] =	wrdreg $0xFFFFFFFF;
	(pc) =	sbr.abs _section_cstart, $3  }
0xc2: {  	[dreg:$0x1] =	wrdreg $0xFFFFFFFF  }
0xc3: {  	_ =	task.clear_ibuf [dreg:s7], $0x2FFFF;
	_ =	strace $0x9FFFFFFF  }
0xc4: {  	(tm) =	ssettm $0x7FFFFFFF  }
0xc5: {  	_ =	shalt  }
tec
execute0_lowered:
.L_overlay_start_1:
0x0: {  	(tag) =	ssettag $0x1  }
0x1: {  	s5 =	rddreg [dreg:$0x0]  }
0x2: {  	s6 =	rddreg [dreg:$0x1]  }
0x3: {  	s1 =	srdreg.scid;
	s2 =	rddreg [dreg:$0x2]  }
0x4: {  	s0 =	stileid.u32;
	s3 =	rddreg [dreg:$0x3];
	s4 =	simm.s32 $0x0  }
0x5: {  	s14 =	simm.s32 $0xC580;
	s15 =	simm.s32 $0x4;
	s16 =	simm.s32 $0xED00  }
0x6: {  	s17 =	simm.s32 $0x2;
	s18 =	simm.s32 $0x3;
	s19 =	simm.s32 $0x80  }
0x7: {  	s20 =	simm.s32 $0x11480;
	s21 =	simm.s32 $0x1;
	s23 =	simm.s32 $0x0  }
0x8: {  	s7 =	sand.u32 $0x1, s1;
	s8 =	smul.u32 $0x62C0, s0;
	s1 =	rddreg [dreg:$0x4]  }
0x9: {  	[smem:$0x7FF] =	sst s4;
	s22 =	sshll.u32 s0, $0x6;
	s9 =	sshll.u32 s7, $0x4  }
0xa: {  	s10 =	smul.u32 $0x62C00, s7;
	_ =	strace $0x80000065;
	s7 =	ssub.s32 $0x2, s7  }
0xb: {  	s9 =	sor.u32 s0, s9;
	s30 =	sshrl.u32 s7, $0x1;
	s31 =	sshrl.u32 s8, $0x3  }
0xc: {  	s12 =	sadd.s32 s8, s2;
	s13 =	sadd.s32 s8, s3;
	s9 =	smul.u32 $0x4F0, s9  }
0xd: {  	s10 =	sadd.s32 s8, s10;
	s11 =	ssub.s32 s7, s30;
	s5 =	sadd.s32 s5, s31  }
0xe: {  	s13 =	sshrl.u32 s13, $0x3;
	s10 =	sshrl.u32 s10, $0x3;
	s9 =	sadd.s32 s9, s6  }
0xf: {  	s10 =	sadd.s32 s10, s6;
	s6 =	sor.u32 $0x1C02, s22;
	s7 =	sadd.s32 $0x36800, s9  }
0x10: {  	s8 =	sadd.s32 $0x7800, s9;
	s9 =	sadd.s32 $0x11600, s10;
	s10 =	smax.u32 s11, $0x1  }
0x11: {  	s11 =	sshrl.u32 s12, $0x3;
	s12 =	sor.u32 $0x1C03, s22;
	s22 =	sor.u32 $0x1C04, s22  }
.LBB2_1:
0x12: {  	[spmem:s11], [sflag:s6] =	dma.local [hbm:s5], $0xC58  }
0x13: {  	[spmem:s13], [sflag:s12] =	dma.local [hbm:s5], $0xC58  }
0x14: {  	[tilespmem:s14], [sflag:$0x4] =	stream.linear.gather [hbm4b:s7+s4], $0x2780, $0x38;
	[tilespmem:$0x12880] =	vst v63  }
0x15: {  	_ =	swait.ge [sflag:s15], $0x2780  }
0x16: {  	[sflag:s15] =	ssyncset.done $0x0  }
0x17: {  	[sflag:s15] =	ssyncadd.s32 $0xFFFFD880  }
0x18: {  	[tilespmem:s16], [sflag:$0x4] =	stream.linear.gather [hbm4b:s8+s4], $0x2780, $0x38;
	[tilespmem:$0x12880] =	vst v63  }
0x19: {  	_ =	swait.ge [sflag:s15], $0x2780  }
0x1a: {  	[sflag:s15] =	ssyncset.done $0x0  }
0x1b: {  	[sflag:s15] =	ssyncadd.s32 $0xFFFFD880  }
0x1c: {  	_ =	swait.ge [sflag:s17], $0xC58  }
0x1d: {  	[sflag:s17] =	ssyncset.done $0x0  }
0x1e: {  	[sflag:s17] =	ssyncadd.s32 $0xFFFFF3A8  }
0x1f: {  	_ =	swait.ge [sflag:s18], $0xC58  }
0x20: {  	[sflag:s18] =	ssyncset.done $0x0  }
0x21: {  	[sflag:s18] =	ssyncadd.s32 $0xFFFFF3A8  }
0x22: {  	s24 =	simm.s32 $0xC580;
	[bflag:$0x0] =	sbarrier.arrive $0xFFFF  }
0x23: {  	[tilespmem:s20], [sflag:$0x1] =	stream.indirect.gather [spmem:s3], $0x28, s24, s19, $0xb8;
	[tilespmem:$0x12880] =	vst v63  }
0x24: {  	_ =	swait.ge [sflag:s21], $0x1400  }
0x25: {  	[sflag:s21] =	ssyncset.done $0x0  }
0x26: {  	s31 =	simm.s32 $0xED00;
	[sflag:s21] =	ssyncadd.s32 $0xFFFFEC00  }
0x27: {  	[spmem:s2] =	stream.indirect.scatter.add.f32 [tilespmem:s20], [sflag:$0x4], $0x28, s31, s19, $0xb8;
	[tilespmem:$0x12880] =	vst v63  }
0x28: {  	_ =	swait.ge [sflag:s15], $0x1400  }
0x29: {  	s25 =	simm.s32 $0x400;
	s24 =	simm.s32 $0x80;
	[sflag:s15] =	ssyncset.done $0x0  }
.LBB2_2:
0x2a: {  	s26 =	sadd.s32 $0xC580, s24  }
0x2b: {  	[sflag:s15] =	ssyncadd.s32 $0xFFFFEC00;
	s28 =	smov.u32 s25;
	s29 =	sadd.s32 $0x200, s25  }
0x2c: {  	[tilespmem:s20], [sflag:$0x1] =	stream.indirect.gather [spmem:s3], $0x28, s26, s19, $0xb8;
	[tilespmem:$0x12880] =	vst v63  }
0x2d: {  	p0 =	sne.s32 s25, $0x9C00;
	_ =	swait.ge [sflag:s21], $0x1400  }
.Ltmp0:
0x2e: {  	[sflag:s21] =	ssyncset.done $0x0;
	(pc) =	sbr.rel @p0 .LBB2_2-.Ltmp0, $4  }
0x2f: {  	s24 =	sadd.s32 $0xED00, s24;
	[sflag:s21] =	ssyncadd.s32 $0xFFFFEC00  }
0x30: {  	[spmem:s2] =	stream.indirect.scatter.add.f32 [tilespmem:s20], [sflag:$0x4], $0x28, s24, s19, $0xb8;
	[tilespmem:$0x12880] =	vst v63  }
0x31: {  	_ =	swait.ge [sflag:s15], $0x1400  }
0x32: {  	s25 =	smov.u32 s29;
	s24 =	sshra.s32 s28, $0x2;
	[sflag:s15] =	ssyncset.done $0x0  }
0x33: {  	s25 =	sadd.s32 $0xC580, s24;
	[sflag:s15] =	ssyncadd.s32 $0xFFFFEC00  }
0x34: {  	[tilespmem:s20], [sflag:$0x1] =	stream.indirect.gather [spmem:s3], $0x28, s25, s19, $0xb8;
	[tilespmem:$0x12880] =	vst v63  }
0x35: {  	_ =	swait.ge [sflag:s21], $0x1400  }
0x36: {  	[sflag:s21] =	ssyncset.done $0x0  }
0x37: {  	s31 =	sadd.s32 $0xED00, s24;
	[sflag:s21] =	ssyncadd.s32 $0xFFFFEC00  }
0x38: {  	[spmem:s2] =	stream.indirect.scatter.add.f32 [tilespmem:s20], [sflag:$0x4], $0x28, s31, s19, $0xb8;
	[tilespmem:$0x12880] =	vst v63  }
0x39: {  	_ =	swait.ge [sflag:s15], $0x1400  }
0x3a: {  	s23 =	sadd.s32 $0x1, s23;
	[sflag:s15] =	ssyncset.done $0x0  }
0x3b: {  	p0 =	sne.s32 s23, s10;
	[sflag:s15] =	ssyncadd.s32 $0xFFFFEC00  }
.Ltmp1:
0x3c: {  	[bflag:$0x0] =	sbarrier.arrive $0xFFFF;
	(pc) =	sbr.rel @p0 .LBB2_1-.Ltmp1, $4  }
0x3d: {  	[hbm:s9], [sflag:s22] =	dma.local [spmem:s11], $0xC58  }
0x3e: {  	_ =	swait.ge [sflag:s15], $0xC58  }
0x3f: {  	[sflag:s15] =	ssyncset.done $0x0  }
0x40: {  	[sflag:s15] =	ssyncadd.s32 $0xFFFFF3A8  }
0x41: {  	_ =	sfence.sel $0x180000  }
0x42: {  	[bflag:$0x0] =	sbarrier.arrive $0xFFFF  }
0x43: {  	p0 =	sne.s32 s0, $0x0;
	_ =	strace $0x90000065  }
0x44: {  	s0 =	sadd.s32 @!p0 $0x100000, s1;
	[bflag:$0x2] =	sbarrier.arrive $0xFFFF  }
0x45: {  	[sflag:s0] =	ssyncadd.tile.s32 @!p0 $0x1;
	_ =	shalt  }
.Lfunc_end2:
_tile_overlayer_lowered:
.L_overlay_start_2:
0x46: {  	(tag) =	ssettag $0x2  }
0x47: {  	s0 =	rddreg [dreg:$0x0];
	s2 =	stileid.u32  }
0x48: {  	s1 =	rddreg [dreg:$0x1];
	p0 =	sne.s32 s2, $0x0  }
0x49: {  	s3 =	rddreg [dreg:$0x2];
	[bflag:$0x3] =	sbarrier.arrive $0xFFFF;
	s2 =	simm.s32 @!p0 $0x1C04  }
0x4a: {  	[timem:s3], [sflag:s2] =	dma.local @!p0 [hbm:s0], s1  }
0x4b: {  	s0 =	simm.s32 @!p0 $0x4  }
0x4c: {  	_ =	swait.ge @!p0 [sflag:s0], s1  }
0x4d: {  	s1 =	ssub.s32 @!p0 $0x0, s1;
	[sflag:s0] =	ssyncset.done @!p0 $0x0  }
0x4e: {  	[sflag:s0] =	ssyncadd.s32 @!p0 s1  }
0x4f: {  	[bflag:$0x3] =	sbarrier.arrive $0xFFFF  }
0x50: {  	_ =	shalt  }

</sc_bundles>
